<compile_context>
chip_gen: v7x
topology: tpu7x:2x2x1
jax: 0.10.2.dev20260603
libtpu: 0.0.44.dev20260713+nightly
codegen_flags: <defaults>
</compile_context>

<pallas_src>
import functools

import jax
import jax.numpy as jnp
from jax import lax
from jax.experimental import pallas as pl
from jax.experimental.pallas import tpu as pltpu
from jax.experimental.pallas import tpu_sc as plsc

T, D, I, E, K = 2048, 1024, 512, 8, 2
BM = 256
S = 6144
NBLK = S // BM
NC, NS = 2, 16
NW = NC * NS
CH = 64
NCHUNK = T // (NW * CH)


def _dot_t(a, b):
    return lax.dot_general(a, b, (((1,), (1,)), ((), ())))


def _dot_t_bf16(a, b):
    return lax.dot_general(a.astype(jnp.bfloat16), b.astype(jnp.bfloat16),
                           (((1,), (1,)), ((), ())),
                           preferred_element_type=jnp.float32)


def _silu(x):
    return x / (1.0 + jnp.exp(-x))


def _router_body(x_ref, gate_w_ref,
                 logits_ref, ids_ref, pos0_ref, pos1_ref,
                 w0_ref, w1_ref, be_ref, par_ref, bidx_ref, xbf_ref):
    x = x_ref[...]
    lo = x[:, :D // 2].astype(jnp.bfloat16).astype(jnp.float32)
    hi = x[:, D // 2:].astype(jnp.bfloat16).astype(jnp.float32)
    xbf_ref[...] = (((lax.bitcast_convert_type(lo, jnp.int32) >> 16)
                     & jnp.int32(0xFFFF))
                    | (lax.bitcast_convert_type(hi, jnp.int32)
                       & jnp.int32(-65536)))
    logits = _dot_t(x, gate_w_ref[...])
    logits_ref[...] = logits
    m = jnp.max(logits, axis=1, keepdims=True)
    p = jnp.exp(logits - m)
    probs = p / jnp.sum(p, axis=1, keepdims=True)
    iota_e = lax.broadcasted_iota(jnp.int32, (T, E), 1)
    m1 = jnp.max(probs, axis=1, keepdims=True)
    a1 = jnp.min(jnp.where(probs == m1, iota_e, E), axis=1, keepdims=True)
    probs2 = jnp.where(iota_e == a1, -1.0, probs)
    m2 = jnp.max(probs2, axis=1, keepdims=True)
    a2 = jnp.min(jnp.where(probs2 == m2, iota_e, E), axis=1, keepdims=True)
    s = m1 + m2 + 1e-9
    ids_ref[...] = jnp.concatenate([a1, a2], axis=1)
    w0_ref[...] = jnp.broadcast_to(m1 / s, (T, 128))
    w1_ref[...] = jnp.broadcast_to(m2 / s, (T, 128))

    h1 = (iota_e == a1).astype(jnp.int32)
    h2 = (iota_e == a2).astype(jnp.int32)
    h = h1 + h2
    c = h
    sh = 1
    while sh < T:
        c = c + jnp.concatenate(
            [jnp.zeros((sh, E), jnp.int32), c[:T - sh]], axis=0)
        sh *= 2
    cexcl = c - h
    counts = c[T - 1:T, :]
    pc = ((counts + (BM - 1)) // BM) * BM
    cp = pc
    sh = 1
    while sh < E:
        cp = cp + jnp.concatenate(
            [jnp.zeros((1, sh), jnp.int32), cp[:, :E - sh]], axis=1)
        sh *= 2
    offs = cp - pc
    dest = offs + cexcl
    pos0_ref[...] = jnp.sum(jnp.where(iota_e == a1, dest, 0), axis=1,
                            keepdims=True)
    pos1_ref[...] = jnp.sum(jnp.where(iota_e == a2, dest, 0), axis=1,
                            keepdims=True)
    iota_b = lax.broadcasted_iota(jnp.int32, (NBLK, E), 0) * BM
    be = jnp.sum((iota_b >= jnp.broadcast_to(cp, (NBLK, E)))
                 .astype(jnp.int32), axis=1, keepdims=True)
    be_ref[...] = be
    trans = (be != jnp.concatenate([be[:1], be[:NBLK - 1]], axis=0)
             ).astype(jnp.int32)
    ct = trans
    sh2 = 1
    while sh2 < NBLK:
        ct = ct + jnp.concatenate(
            [jnp.zeros((sh2, 1), jnp.int32), ct[:NBLK - sh2]], axis=0)
        sh2 *= 2
    par_ref[...] = lax.rem(ct, 2)
    lastr = cp[:, E - 1:E] // BM - 1
    iota_r = lax.broadcasted_iota(jnp.int32, (NBLK, 1), 0)
    bidx_ref[...] = jnp.minimum(iota_r, jnp.broadcast_to(lastr, (NBLK, 1)))


def _shared_body(x_ref, sg_ref, su_ref, sd_ref, sh_ref):
    x = x_ref[...]
    hg = _dot_t_bf16(x, sg_ref[...])
    hu = _dot_t_bf16(x, su_ref[...])
    sh_ref[...] = _dot_t_bf16(_silu(hg) * hu, sd_ref[...])


def _shared(x, sg, su, sd):
    return pl.pallas_call(
        _shared_body,
        grid=(T // 256,),
        in_specs=[
            pl.BlockSpec((256, D), lambda i: (i, 0)),
            pl.BlockSpec((I, D), lambda i: (0, 0)),
            pl.BlockSpec((I, D), lambda i: (0, 0)),
            pl.BlockSpec((D, I), lambda i: (0, 0)),
        ],
        out_specs=pl.BlockSpec((256, D), lambda i: (i, 0)),
        out_shape=jax.ShapeDtypeStruct((T, D), jnp.float32),
    )(x, sg, su, sd)


def _router(x, gate_w):
    return pl.pallas_call(
        _router_body,
        out_shape=[
            jax.ShapeDtypeStruct((T, E), jnp.float32),
            jax.ShapeDtypeStruct((T, K), jnp.int32),
            jax.ShapeDtypeStruct((T, 1), jnp.int32),
            jax.ShapeDtypeStruct((T, 1), jnp.int32),
            jax.ShapeDtypeStruct((T, 128), jnp.float32),
            jax.ShapeDtypeStruct((T, 128), jnp.float32),
            jax.ShapeDtypeStruct((NBLK, 1), jnp.int32),
            jax.ShapeDtypeStruct((NBLK, 1), jnp.int32),
            jax.ShapeDtypeStruct((NBLK, 1), jnp.int32),
            jax.ShapeDtypeStruct((T, D // 2), jnp.int32),
        ],
    )(x, gate_w)


def _dispatch(x, pos0r, pos1r, w0m, w1m):
    mesh = plsc.VectorSubcoreMesh(core_axis_name="c", subcore_axis_name="s")

    @functools.partial(
        pl.kernel, mesh=mesh,
        out_type=[jax.ShapeDtypeStruct((S, D // 2), jnp.int32),
                  jax.ShapeDtypeStruct((S, 128), jnp.float32)],
        scratch_types=[
            pltpu.VMEM((NCHUNK, CH), jnp.int32),
            pltpu.VMEM((NCHUNK, CH), jnp.int32),
            pltpu.VMEM((NCHUNK, CH, D // 2), jnp.int32),
            pltpu.VMEM((NCHUNK, CH, 128), jnp.float32),
            pltpu.VMEM((NCHUNK, CH, 128), jnp.float32),
            pltpu.SemaphoreType.DMA,
        ],
    )
    def k(x_hbm, pos0_hbm, pos1_hbm, w0_hbm, w1_hbm, xs_hbm, ws_hbm,
          i0_v, i1_v, xr_v, w0_v, w1_v, sem):
        wid = lax.axis_index("s") * NC + lax.axis_index("c")
        handles = []
        for c in range(NCHUNK):
            row = wid * NCHUNK + c
            base = row * CH
            pltpu.sync_copy(pos0_hbm.at[row], i0_v.at[c])
            pltpu.sync_copy(pos1_hbm.at[row], i1_v.at[c])
            pltpu.sync_copy(x_hbm.at[pl.ds(base, CH)], xr_v.at[c])
            pltpu.sync_copy(w0_hbm.at[pl.ds(base, CH)], w0_v.at[c])
            pltpu.sync_copy(w1_hbm.at[pl.ds(base, CH)], w1_v.at[c])
            handles.append(
                pltpu.async_copy(xr_v.at[c], xs_hbm.at[i0_v.at[c]], sem))
            handles.append(
                pltpu.async_copy(xr_v.at[c], xs_hbm.at[i1_v.at[c]], sem))
            handles.append(
                pltpu.async_copy(w0_v.at[c], ws_hbm.at[i0_v.at[c]], sem))
            handles.append(
                pltpu.async_copy(w1_v.at[c], ws_hbm.at[i1_v.at[c]], sem))
        for h in handles:
            h.wait()

    return k(x, pos0r, pos1r, w0m, w1m)


def _gmlp_body(be_ref, par_ref, bidx_ref, xs_ref, ws_ref, gp_hbm, up_hbm,
               dp_hbm, po_ref, gp_v, up_v, dp_v, sems):
    b = pl.program_id(0)
    e = be_ref[b]
    ec = jnp.minimum(e, E - 1)
    par = par_ref[b]

    def _start(exp, p):
        pltpu.make_async_copy(gp_hbm.at[exp], gp_v.at[p], sems.at[p]).start()
        pltpu.make_async_copy(up_hbm.at[exp], up_v.at[p], sems.at[p]).start()
        pltpu.make_async_copy(dp_hbm.at[exp], dp_v.at[p], sems.at[p]).start()

    def _wait(p):
        pltpu.make_async_copy(gp_hbm.at[0], gp_v.at[p], sems.at[p]).wait()
        pltpu.make_async_copy(up_hbm.at[0], up_v.at[p], sems.at[p]).wait()
        pltpu.make_async_copy(dp_hbm.at[0], dp_v.at[p], sems.at[p]).wait()

    @pl.when(b == 0)
    def _():
        _start(ec, par)

    first = jnp.logical_or(b == 0, e != be_ref[jnp.maximum(b - 1, 0)])

    @pl.when(jnp.logical_and(first, e < E))
    def _():
        _wait(par)

    nxt = be_ref[jnp.minimum(b + 1, NBLK - 1)]

    @pl.when(jnp.logical_and(b + 1 < NBLK,
                             jnp.logical_and(nxt != e, nxt < E)))
    def _():
        _start(nxt, 1 - par)

    @pl.when(e < E)
    def _():
        w = xs_ref[...]
        xlo = lax.bitcast_convert_type(w << 16, jnp.float32)
        xhi = lax.bitcast_convert_type(w & jnp.int32(-65536), jnp.float32)
        xb = jnp.concatenate([xlo, xhi], axis=1)
        hg = _dot_t_bf16(xb, gp_v.at[par][...])
        hu = _dot_t_bf16(xb, up_v.at[par][...])
        h = _silu(hg) * hu
        eo = ws_ref[:, 0:1] * _dot_t_bf16(h, dp_v.at[par][...])
        elo = eo[:, :D // 2].astype(jnp.bfloat16).astype(jnp.float32)
        ehi = eo[:, D // 2:].astype(jnp.bfloat16).astype(jnp.float32)
        po_ref[...] = (((lax.bitcast_convert_type(elo, jnp.int32) >> 16)
                        & jnp.int32(0xFFFF))
                       | (lax.bitcast_convert_type(ehi, jnp.int32)
                          & jnp.int32(-65536)))


def _gmlp(blk_exp, blk_par, blk_idx, xs, ws, gp, up, dp):
    def _bmap(b, be, par, bidx):
        return (bidx[b], 0)

    grid_spec = pltpu.PrefetchScalarGridSpec(
        num_scalar_prefetch=3,
        grid=(NBLK,),
        in_specs=[
            pl.BlockSpec((BM, D // 2), _bmap),
            pl.BlockSpec((BM, 128), _bmap),
            pl.BlockSpec(memory_space=pl.ANY),
            pl.BlockSpec(memory_space=pl.ANY),
            pl.BlockSpec(memory_space=pl.ANY),
        ],
        out_specs=pl.BlockSpec((BM, D // 2), _bmap),
        scratch_shapes=[
            pltpu.VMEM((2, I, D), jnp.float32),
            pltpu.VMEM((2, I, D), jnp.float32),
            pltpu.VMEM((2, D, I), jnp.float32),
            pltpu.SemaphoreType.DMA((2,)),
        ],
    )
    return pl.pallas_call(
        _gmlp_body, grid_spec=grid_spec,
        out_shape=jax.ShapeDtypeStruct((S, D // 2), jnp.int32),
    )(blk_exp, blk_par, blk_idx, xs, ws, gp, up, dp)


CCH = 32
CNCH = T // (NW * CCH)


def _combine(po, pos0r, pos1r, sh):
    mesh = plsc.VectorSubcoreMesh(core_axis_name="c", subcore_axis_name="s")

    @functools.partial(
        pl.kernel, mesh=mesh,
        out_type=jax.ShapeDtypeStruct((T, D), jnp.float32),
        scratch_types=[
            pltpu.VMEM((2, CCH), jnp.int32),
            pltpu.VMEM((2, CCH), jnp.int32),
            pltpu.VMEM((CCH, D), jnp.float32),
            pltpu.VMEM((2, CCH, D // 2), jnp.int32),
            pltpu.VMEM((2, CCH, D // 2), jnp.int32),
            pltpu.SemaphoreType.DMA,
            pltpu.SemaphoreType.DMA,
        ],
    )
    def k(po_hbm, pos0_hbm, pos1_hbm, sh_hbm, out_hbm,
          i0_v, i1_v, acc_v, g0_v, g1_v, sem_a, sem_b):
        wid = lax.axis_index("s") * NC + lax.axis_index("c")
        nv = D // 16
        sems = (sem_a, sem_b)

        def fire(c):
            pr = c % 2
            row = wid * CNCH + c
            pltpu.sync_copy(pos0_hbm.at[row], i0_v.at[pr])
            pltpu.sync_copy(pos1_hbm.at[row], i1_v.at[pr])
            return (pltpu.async_copy(po_hbm.at[i0_v.at[pr]], g0_v.at[pr],
                                     sems[pr]),
                    pltpu.async_copy(po_hbm.at[i1_v.at[pr]], g1_v.at[pr],
                                     sems[pr]))

        pending = fire(0)
        for c in range(CNCH):
            pr = c % 2
            base = (wid * CNCH + c) * CCH
            pltpu.sync_copy(sh_hbm.at[pl.ds(base, CCH)], acc_v)
            h0, h1 = pending
            h0.wait()
            h1.wait()
            if c + 1 < CNCH:
                pending = fire(c + 1)

            def addrow(r, carry):
                for v in range(D // 32):
                    sl = pl.ds(v * 16, 16)
                    w0 = g0_v[pr, r, sl]
                    w1 = g1_v[pr, r, sl]
                    lo = (lax.bitcast_convert_type(w0 << 16, jnp.float32)
                          + lax.bitcast_convert_type(w1 << 16, jnp.float32))
                    hi = (lax.bitcast_convert_type(w0 & jnp.int32(-65536),
                                                   jnp.float32)
                          + lax.bitcast_convert_type(w1 & jnp.int32(-65536),
                                                     jnp.float32))
                    plsc.addupdate(acc_v.at[r, sl], lo)
                    plsc.addupdate(acc_v.at[r, pl.ds(D // 2 + v * 16, 16)],
                                   hi)
                return carry

            lax.fori_loop(0, CCH, addrow, 0)
            pltpu.sync_copy(acc_v, out_hbm.at[pl.ds(base, CCH)])

    return k(po, pos0r, pos1r, sh)


def kernel(hidden_state, gate_w, gate_proj, up_proj, down_proj, shared_gate,
           shared_up, shared_down):
    Bv, Nv, Dv = hidden_state.shape
    x = hidden_state.reshape(Bv * Nv, Dv)
    logits, ids, pos0, pos1, w0m, w1m, be, bpar, bidx, xbf = _router(
        x, gate_w)
    xs, ws = _dispatch(xbf, pos0.reshape(T // CH, CH),
                       pos1.reshape(T // CH, CH), w0m, w1m)
    sh = _shared(x, shared_gate, shared_up, shared_down)
    po = _gmlp(be.reshape(NBLK), bpar.reshape(NBLK), bidx.reshape(NBLK),
               xs, ws, gate_proj, up_proj, down_proj)
    out = _combine(po, pos0.reshape(T // CCH, CCH),
                   pos1.reshape(T // CCH, CCH), sh)
    return out.reshape(Bv, Nv, Dv), logits, ids

# --- scband reference (transcript-rebuilt; emitter-appended) ---
"""Pipeline reference for scband-olmoe-moe-44564580663483 (READ-ONLY COPY).

The authoritative reference and input builder live on the scoring server;
editing this copy changes nothing except your own understanding.
"""

import jax, jax.numpy as jnp
import numpy as np

B, N, D = 1, 2048, 1024
I = 512
E = 8
TOP_K = 2
NORM_TOPK_PROB = True
N_SHARED = 1


def silu(x):
    return x * jax.nn.sigmoid(x)


def setup_inputs(seed: int = 0) -> dict:
    key = jax.random.key(seed)
    ks = jax.random.split(key, 8)
    hidden_state = jax.random.normal(ks[0], (B, N, D), dtype=jnp.float32)
    gate_w = jax.random.normal(ks[1], (E, D), dtype=jnp.float32) * 0.02
    gate_proj = jax.random.normal(ks[2], (E, I, D), dtype=jnp.float32) * 0.02
    up_proj = jax.random.normal(ks[3], (E, I, D), dtype=jnp.float32) * 0.02
    down_proj = jax.random.normal(ks[4], (E, D, I), dtype=jnp.float32) * 0.02
    shared_gate = jax.random.normal(ks[5], (I, D), dtype=jnp.float32) * 0.02
    shared_up = jax.random.normal(ks[6], (I, D), dtype=jnp.float32) * 0.02
    shared_down = jax.random.normal(ks[7], (D, I), dtype=jnp.float32) * 0.02
    return {
        'hidden_state': hidden_state,
        'gate_w': gate_w,
        'gate_proj': gate_proj,
        'up_proj': up_proj,
        'down_proj': down_proj,
        'shared_gate': shared_gate,
        'shared_up': shared_up,
        'shared_down': shared_down,
    }


def reference(hidden_state, gate_w, gate_proj, up_proj, down_proj, shared_gate, shared_up, shared_down):
    Bv, Nv, Dv = hidden_state.shape
    x = hidden_state.reshape(Bv * Nv, Dv)
    # router (gate) -- nn.Linear(D, n_experts, bias=False)
    router_logits = x @ gate_w.T
    routing_weights = jax.nn.softmax(router_logits.astype(jnp.float32), axis=1)
    # use_lflb=False path: topk over softmax probs
    topk_weights, topk_expert_ids = jax.lax.top_k(routing_weights, TOP_K)
    topk_weights = topk_weights.astype(x.dtype)
    if NORM_TOPK_PROB:
        topk_weights = topk_weights / (jnp.sum(topk_weights, axis=-1, keepdims=True) + 1e-09)
    # build dense combine weights [T, E]; zero for unselected experts so the
    # dense all-experts compute yields exactly the routed (gather/scatter-add) result
    onehot = jax.nn.one_hot(topk_expert_ids, E, dtype=x.dtype)  # [T, K, E]
    combine = jnp.sum(onehot * topk_weights[..., None], axis=1)  # [T, E]
    # per-expert OlmoeMLP: down(silu(gate(x)) * up(x))
    h_gate = jnp.einsum('td,eid->eti', x, gate_proj)
    h_up = jnp.einsum('td,eid->eti', x, up_proj)
    h = silu(h_gate) * h_up
    expert_out = jnp.einsum('eti,edi->etd', h, down_proj)
    moe_output = jnp.einsum('etd,te->td', expert_out, combine)
    # shared experts (n_shared_experts = 1)
    shared_total = (silu(x @ shared_gate.T) * (x @ shared_up.T)) @ shared_down.T
    mlp_output = (moe_output + shared_total).reshape(Bv, Nv, Dv)
    return mlp_output, router_logits, topk_expert_ids

if __name__ == "__main__":
    import jax
    _d = setup_inputs()
    print(jax.jit(kernel)(*tuple(_d.values())))

</pallas_src>

<mosaic_0001>
#map = affine_map<(d0, d1) -> (0, 0)>
module attributes {stable_mosaic.version = 14 : i64} {
  func.func @k(%arg0: i32, %arg1: i32, %arg2: memref<6144x512xi32, #tpu.memory_space<hbm>>, %arg3: memref<64x32xi32, #tpu.memory_space<hbm>>, %arg4: memref<64x32xi32, #tpu.memory_space<hbm>>, %arg5: memref<2048x1024xf32, #tpu.memory_space<hbm>>, %arg6: memref<2048x1024xf32, #tpu.memory_space<hbm>>, %arg7: memref<2x32xi32, #tpu.memory_space<vmem>>, %arg8: memref<2x32xi32, #tpu.memory_space<vmem>>, %arg9: memref<32x1024xf32, #tpu.memory_space<vmem>>, %arg10: memref<2x32x512xi32, #tpu.memory_space<vmem>>, %arg11: memref<2x32x512xi32, #tpu.memory_space<vmem>>, %arg12: memref<!tpu.dma_semaphore, #tpu.memory_space<semaphore_mem>>, %arg13: memref<!tpu.dma_semaphore, #tpu.memory_space<semaphore_mem>>) attributes {dimension_semantics = [#tpu.dimension_semantics<core_parallel>, #tpu.dimension_semantics<subcore_parallel>], iteration_bounds = array<i64: 2, 16>, scalar_prefetch = 0 : i64, scratch_operands = 7 : i64, tpu.core_type = #tpu.core_type<sc_vector_subcore>, window_params = [{transform_indices = #map}, {transform_indices = #map}, {transform_indices = #map}, {transform_indices = #map}, {transform_indices = #map}]} {
    %mul3A = arith.constant 2 : i32
    %mul3A_0 = arith.muli %arg1, %mul3A : i32
    %add3A = arith.addi %mul3A_0, %arg0 : i32
    %mul3A_1 = arith.constant 2 : i32
    %mul3A_2 = arith.muli %add3A, %mul3A_1 : i32
    %add3A_3 = arith.constant 0 : i32
    %add3A_4 = arith.addi %mul3A_2, %add3A_3 : i32
    %run_scoped3A = arith.constant 0 : i32
    "tpu.region"() ({
      %run_scoped3A_129 = tpu.sem_alloc : memref<!tpu.dma_semaphore, #tpu.memory_space<semaphore_mem>>
      %dma_start3A_130 = arith.constant 0 : i32
      %dma_start3A_131 = tpu.memref_slice %arg7[%run_scoped3A, %dma_start3A_130] : memref<2x32xi32, #tpu.memory_space<vmem>> -> memref<1x32xi32, #tpu.memory_space<vmem>>
      %dma_start3A_132 = tpu.memref_squeeze %dma_start3A_131 : memref<1x32xi32, #tpu.memory_space<vmem>> -> memref<32xi32, #tpu.memory_space<vmem>>
      %dma_start3A_133 = arith.constant 0 : i32
      %dma_start3A_134 = tpu.memref_slice %arg3[%add3A_4, %dma_start3A_133] : memref<64x32xi32, #tpu.memory_space<hbm>> -> memref<1x32xi32, #tpu.memory_space<hbm>>
      %dma_start3A_135 = tpu.memref_squeeze %dma_start3A_134 : memref<1x32xi32, #tpu.memory_space<hbm>> -> memref<32xi32, #tpu.memory_space<hbm>>
      %dma_start3A_136 = arith.constant 0 : i32
      %dma_start3A_137 = tpu.memref_slice %arg7[%run_scoped3A, %dma_start3A_136] : memref<2x32xi32, #tpu.memory_space<vmem>> -> memref<1x32xi32, #tpu.memory_space<vmem>>
      %dma_start3A_138 = tpu.memref_squeeze %dma_start3A_137 : memref<1x32xi32, #tpu.memory_space<vmem>> -> memref<32xi32, #tpu.memory_space<vmem>>
      %dma_start3A_139 = arith.constant 0 : i32
      %dma_start3A_140 = tpu.memref_slice %arg3[%add3A_4, %dma_start3A_139] : memref<64x32xi32, #tpu.memory_space<hbm>> -> memref<1x32xi32, #tpu.memory_space<hbm>>
      %dma_start3A_141 = tpu.memref_squeeze %dma_start3A_140 : memref<1x32xi32, #tpu.memory_space<hbm>> -> memref<32xi32, #tpu.memory_space<hbm>>
      tpu.enqueue_dma source(%dma_start3A_141 : memref<32xi32, #tpu.memory_space<hbm>>) target(%dma_start3A_138 : memref<32xi32, #tpu.memory_space<vmem>>) target_semaphore(%run_scoped3A_129 : memref<!tpu.dma_semaphore, #tpu.memory_space<semaphore_mem>>)
      %dma_wait3A_142 = arith.constant 0 : i32
      %dma_wait3A_143 = tpu.memref_slice %arg7[%run_scoped3A, %dma_wait3A_142] : memref<2x32xi32, #tpu.memory_space<vmem>> -> memref<1x32xi32, #tpu.memory_space<vmem>>
      %dma_wait3A_144 = tpu.memref_squeeze %dma_wait3A_143 : memref<1x32xi32, #tpu.memory_space<vmem>> -> memref<32xi32, #tpu.memory_space<vmem>>
      %dma_wait3A_145 = arith.constant 0 : i32
      %dma_wait3A_146 = tpu.memref_slice %arg3[%add3A_4, %dma_wait3A_145] : memref<64x32xi32, #tpu.memory_space<hbm>> -> memref<1x32xi32, #tpu.memory_space<hbm>>
      %dma_wait3A_147 = tpu.memref_squeeze %dma_wait3A_146 : memref<1x32xi32, #tpu.memory_space<hbm>> -> memref<32xi32, #tpu.memory_space<hbm>>
      %dma_wait3A_148 = arith.constant 0 : i32
      %dma_wait3A_149 = tpu.memref_slice %arg7[%run_scoped3A, %dma_wait3A_148] : memref<2x32xi32, #tpu.memory_space<vmem>> -> memref<1x32xi32, #tpu.memory_space<vmem>>
      %dma_wait3A_150 = tpu.memref_squeeze %dma_wait3A_149 : memref<1x32xi32, #tpu.memory_space<vmem>> -> memref<32xi32, #tpu.memory_space<vmem>>
      %dma_wait3A_151 = arith.constant 0 : i32
      %dma_wait3A_152 = tpu.memref_slice %arg3[%add3A_4, %dma_wait3A_151] : memref<64x32xi32, #tpu.memory_space<hbm>> -> memref<1x32xi32, #tpu.memory_space<hbm>>
      %dma_wait3A_153 = tpu.memref_squeeze %dma_wait3A_152 : memref<1x32xi32, #tpu.memory_space<hbm>> -> memref<32xi32, #tpu.memory_space<hbm>>
      tpu.wait_dma2 semaphore(%run_scoped3A_129 : memref<!tpu.dma_semaphore, #tpu.memory_space<semaphore_mem>>) src(%dma_wait3A_153 : memref<32xi32, #tpu.memory_space<hbm>>) dst(%dma_wait3A_150 : memref<32xi32, #tpu.memory_space<vmem>>)
      tpu.yield
    }) : () -> ()
    %run_scoped3A_5 = arith.constant 0 : i32
    "tpu.region"() ({
      %run_scoped3A_129 = tpu.sem_alloc : memref<!tpu.dma_semaphore, #tpu.memory_space<semaphore_mem>>
      %dma_start3A_130 = arith.constant 0 : i32
      %dma_start3A_131 = tpu.memref_slice %arg8[%run_scoped3A_5, %dma_start3A_130] : memref<2x32xi32, #tpu.memory_space<vmem>> -> memref<1x32xi32, #tpu.memory_space<vmem>>
      %dma_start3A_132 = tpu.memref_squeeze %dma_start3A_131 : memref<1x32xi32, #tpu.memory_space<vmem>> -> memref<32xi32, #tpu.memory_space<vmem>>
      %dma_start3A_133 = arith.constant 0 : i32
      %dma_start3A_134 = tpu.memref_slice %arg4[%add3A_4, %dma_start3A_133] : memref<64x32xi32, #tpu.memory_space<hbm>> -> memref<1x32xi32, #tpu.memory_space<hbm>>
      %dma_start3A_135 = tpu.memref_squeeze %dma_start3A_134 : memref<1x32xi32, #tpu.memory_space<hbm>> -> memref<32xi32, #tpu.memory_space<hbm>>
      %dma_start3A_136 = arith.constant 0 : i32
      %dma_start3A_137 = tpu.memref_slice %arg8[%run_scoped3A_5, %dma_start3A_136] : memref<2x32xi32, #tpu.memory_space<vmem>> -> memref<1x32xi32, #tpu.memory_space<vmem>>
      %dma_start3A_138 = tpu.memref_squeeze %dma_start3A_137 : memref<1x32xi32, #tpu.memory_space<vmem>> -> memref<32xi32, #tpu.memory_space<vmem>>
      %dma_start3A_139 = arith.constant 0 : i32
      %dma_start3A_140 = tpu.memref_slice %arg4[%add3A_4, %dma_start3A_139] : memref<64x32xi32, #tpu.memory_space<hbm>> -> memref<1x32xi32, #tpu.memory_space<hbm>>
      %dma_start3A_141 = tpu.memref_squeeze %dma_start3A_140 : memref<1x32xi32, #tpu.memory_space<hbm>> -> memref<32xi32, #tpu.memory_space<hbm>>
      tpu.enqueue_dma source(%dma_start3A_141 : memref<32xi32, #tpu.memory_space<hbm>>) target(%dma_start3A_138 : memref<32xi32, #tpu.memory_space<vmem>>) target_semaphore(%run_scoped3A_129 : memref<!tpu.dma_semaphore, #tpu.memory_space<semaphore_mem>>)
      %dma_wait3A_142 = arith.constant 0 : i32
      %dma_wait3A_143 = tpu.memref_slice %arg8[%run_scoped3A_5, %dma_wait3A_142] : memref<2x32xi32, #tpu.memory_space<vmem>> -> memref<1x32xi32, #tpu.memory_space<vmem>>
      %dma_wait3A_144 = tpu.memref_squeeze %dma_wait3A_143 : memref<1x32xi32, #tpu.memory_space<vmem>> -> memref<32xi32, #tpu.memory_space<vmem>>
      %dma_wait3A_145 = arith.constant 0 : i32
      %dma_wait3A_146 = tpu.memref_slice %arg4[%add3A_4, %dma_wait3A_145] : memref<64x32xi32, #tpu.memory_space<hbm>> -> memref<1x32xi32, #tpu.memory_space<hbm>>
      %dma_wait3A_147 = tpu.memref_squeeze %dma_wait3A_146 : memref<1x32xi32, #tpu.memory_space<hbm>> -> memref<32xi32, #tpu.memory_space<hbm>>
      %dma_wait3A_148 = arith.constant 0 : i32
      %dma_wait3A_149 = tpu.memref_slice %arg8[%run_scoped3A_5, %dma_wait3A_148] : memref<2x32xi32, #tpu.memory_space<vmem>> -> memref<1x32xi32, #tpu.memory_space<vmem>>
      %dma_wait3A_150 = tpu.memref_squeeze %dma_wait3A_149 : memref<1x32xi32, #tpu.memory_space<vmem>> -> memref<32xi32, #tpu.memory_space<vmem>>
      %dma_wait3A_151 = arith.constant 0 : i32
      %dma_wait3A_152 = tpu.memref_slice %arg4[%add3A_4, %dma_wait3A_151] : memref<64x32xi32, #tpu.memory_space<hbm>> -> memref<1x32xi32, #tpu.memory_space<hbm>>
      %dma_wait3A_153 = tpu.memref_squeeze %dma_wait3A_152 : memref<1x32xi32, #tpu.memory_space<hbm>> -> memref<32xi32, #tpu.memory_space<hbm>>
      tpu.wait_dma2 semaphore(%run_scoped3A_129 : memref<!tpu.dma_semaphore, #tpu.memory_space<semaphore_mem>>) src(%dma_wait3A_153 : memref<32xi32, #tpu.memory_space<hbm>>) dst(%dma_wait3A_150 : memref<32xi32, #tpu.memory_space<vmem>>)
      tpu.yield
    }) : () -> ()
    %dma_start3A = arith.constant 0 : i32
    %dma_start3A_6 = arith.constant 0 : i32
    %dma_start3A_7 = arith.constant 0 : i32
    %dma_start3A_8 = arith.constant 0 : i32
    %dma_start3A_9 = tpu.memref_slice %arg10[%dma_start3A_6, %dma_start3A_7, %dma_start3A_8] : memref<2x32x512xi32, #tpu.memory_space<vmem>> -> memref<1x32x512xi32, #tpu.memory_space<vmem>>
    %dma_start3A_10 = tpu.memref_squeeze %dma_start3A_9 : memref<1x32x512xi32, #tpu.memory_space<vmem>> -> memref<32x512xi32, #tpu.memory_space<vmem>>
    %dma_start3A_11 = arith.constant 0 : i32
    %dma_start3A_12 = tpu.memref_slice %arg7[%dma_start3A, %dma_start3A_11] : memref<2x32xi32, #tpu.memory_space<vmem>> -> memref<1x32xi32, #tpu.memory_space<vmem>>
    %dma_start3A_13 = tpu.memref_squeeze %dma_start3A_12 : memref<1x32xi32, #tpu.memory_space<vmem>> -> memref<32xi32, #tpu.memory_space<vmem>>
    %dma_start3A_14 = arith.constant 0 : i32
    %dma_start3A_15 = arith.constant 0 : i32
    %dma_start3A_16 = tpu.memref_slice %arg2[%dma_start3A_14, %dma_start3A_15] : memref<6144x512xi32, #tpu.memory_space<hbm>> -> memref<6144x512xi32, #tpu.memory_space<hbm>>
    tpu.enqueue_indirect_dma source(%dma_start3A_16 : memref<6144x512xi32, #tpu.memory_space<hbm>>) target(%dma_start3A_10 : memref<32x512xi32, #tpu.memory_space<vmem>>) offsets(%dma_start3A_13 : memref<32xi32, #tpu.memory_space<vmem>>) semaphore(%arg12 : memref<!tpu.dma_semaphore, #tpu.memory_space<semaphore_mem>>)
    %dma_start3A_17 = arith.constant 0 : i32
    %dma_start3A_18 = arith.constant 0 : i32
    %dma_start3A_19 = arith.constant 0 : i32
    %dma_start3A_20 = arith.constant 0 : i32
    %dma_start3A_21 = tpu.memref_slice %arg11[%dma_start3A_18, %dma_start3A_19, %dma_start3A_20] : memref<2x32x512xi32, #tpu.memory_space<vmem>> -> memref<1x32x512xi32, #tpu.memory_space<vmem>>
    %dma_start3A_22 = tpu.memref_squeeze %dma_start3A_21 : memref<1x32x512xi32, #tpu.memory_space<vmem>> -> memref<32x512xi32, #tpu.memory_space<vmem>>
    %dma_start3A_23 = arith.constant 0 : i32
    %dma_start3A_24 = tpu.memref_slice %arg8[%dma_start3A_17, %dma_start3A_23] : memref<2x32xi32, #tpu.memory_space<vmem>> -> memref<1x32xi32, #tpu.memory_space<vmem>>
    %dma_start3A_25 = tpu.memref_squeeze %dma_start3A_24 : memref<1x32xi32, #tpu.memory_space<vmem>> -> memref<32xi32, #tpu.memory_space<vmem>>
    %dma_start3A_26 = arith.constant 0 : i32
    %dma_start3A_27 = arith.constant 0 : i32
    %dma_start3A_28 = tpu.memref_slice %arg2[%dma_start3A_26, %dma_start3A_27] : memref<6144x512xi32, #tpu.memory_space<hbm>> -> memref<6144x512xi32, #tpu.memory_space<hbm>>
    tpu.enqueue_indirect_dma source(%dma_start3A_28 : memref<6144x512xi32, #tpu.memory_space<hbm>>) target(%dma_start3A_22 : memref<32x512xi32, #tpu.memory_space<vmem>>) offsets(%dma_start3A_25 : memref<32xi32, #tpu.memory_space<vmem>>) semaphore(%arg12 : memref<!tpu.dma_semaphore, #tpu.memory_space<semaphore_mem>>)
    %mul3A_29 = arith.constant 2 : i32
    %mul3A_30 = arith.muli %add3A, %mul3A_29 : i32
    %add3A_31 = arith.constant 0 : i32
    %add3A_32 = arith.addi %mul3A_30, %add3A_31 : i32
    %mul3A_33 = arith.constant 32 : i32
    %mul3A_34 = arith.muli %add3A_32, %mul3A_33 : i32
    "tpu.region"() ({
      %run_scoped3A_129 = tpu.sem_alloc : memref<!tpu.dma_semaphore, #tpu.memory_space<semaphore_mem>>
      %dma_start3A_130 = arith.constant 0 : i32
      %dma_start3A_131 = tpu.memref_slice %arg5[%mul3A_34, %dma_start3A_130] : memref<2048x1024xf32, #tpu.memory_space<hbm>> -> memref<32x1024xf32, #tpu.memory_space<hbm>>
      %dma_start3A_132 = arith.constant 0 : i32
      %dma_start3A_133 = tpu.memref_slice %arg5[%mul3A_34, %dma_start3A_132] : memref<2048x1024xf32, #tpu.memory_space<hbm>> -> memref<32x1024xf32, #tpu.memory_space<hbm>>
      tpu.enqueue_dma source(%dma_start3A_133 : memref<32x1024xf32, #tpu.memory_space<hbm>>) target(%arg9 : memref<32x1024xf32, #tpu.memory_space<vmem>>) target_semaphore(%run_scoped3A_129 : memref<!tpu.dma_semaphore, #tpu.memory_space<semaphore_mem>>)
      %dma_wait3A_134 = arith.constant 0 : i32
      %dma_wait3A_135 = tpu.memref_slice %arg5[%mul3A_34, %dma_wait3A_134] : memref<2048x1024xf32, #tpu.memory_space<hbm>> -> memref<32x1024xf32, #tpu.memory_space<hbm>>
      %dma_wait3A_136 = arith.constant 0 : i32
      %dma_wait3A_137 = tpu.memref_slice %arg5[%mul3A_34, %dma_wait3A_136] : memref<2048x1024xf32, #tpu.memory_space<hbm>> -> memref<32x1024xf32, #tpu.memory_space<hbm>>
      tpu.wait_dma2 semaphore(%run_scoped3A_129 : memref<!tpu.dma_semaphore, #tpu.memory_space<semaphore_mem>>) src(%dma_wait3A_137 : memref<32x1024xf32, #tpu.memory_space<hbm>>) dst(%arg9 : memref<32x1024xf32, #tpu.memory_space<vmem>>)
      tpu.yield
    }) : () -> ()
    %dma_wait3A = arith.constant 0 : i32
    %dma_wait3A_35 = arith.constant 0 : i32
    %dma_wait3A_36 = arith.constant 0 : i32
    %dma_wait3A_37 = arith.constant 0 : i32
    %dma_wait3A_38 = tpu.memref_slice %arg10[%dma_wait3A_35, %dma_wait3A_36, %dma_wait3A_37] : memref<2x32x512xi32, #tpu.memory_space<vmem>> -> memref<1x32x512xi32, #tpu.memory_space<vmem>>
    %dma_wait3A_39 = tpu.memref_squeeze %dma_wait3A_38 : memref<1x32x512xi32, #tpu.memory_space<vmem>> -> memref<32x512xi32, #tpu.memory_space<vmem>>
    %dma_wait3A_40 = arith.constant 0 : i32
    %dma_wait3A_41 = tpu.memref_slice %arg7[%dma_wait3A, %dma_wait3A_40] : memref<2x32xi32, #tpu.memory_space<vmem>> -> memref<1x32xi32, #tpu.memory_space<vmem>>
    %dma_wait3A_42 = tpu.memref_squeeze %dma_wait3A_41 : memref<1x32xi32, #tpu.memory_space<vmem>> -> memref<32xi32, #tpu.memory_space<vmem>>
    %dma_wait3A_43 = arith.constant 0 : i32
    %dma_wait3A_44 = arith.constant 0 : i32
    %dma_wait3A_45 = tpu.memref_slice %arg2[%dma_wait3A_43, %dma_wait3A_44] : memref<6144x512xi32, #tpu.memory_space<hbm>> -> memref<6144x512xi32, #tpu.memory_space<hbm>>
    tpu.wait_indirect_dma semaphore(%arg12 : memref<!tpu.dma_semaphore, #tpu.memory_space<semaphore_mem>>) src(%dma_wait3A_45 : memref<6144x512xi32, #tpu.memory_space<hbm>>) dst(%dma_wait3A_39 : memref<32x512xi32, #tpu.memory_space<vmem>>)
    %dma_wait3A_46 = arith.constant 0 : i32
    %dma_wait3A_47 = arith.constant 0 : i32
    %dma_wait3A_48 = arith.constant 0 : i32
    %dma_wait3A_49 = arith.constant 0 : i32
    %dma_wait3A_50 = tpu.memref_slice %arg11[%dma_wait3A_47, %dma_wait3A_48, %dma_wait3A_49] : memref<2x32x512xi32, #tpu.memory_space<vmem>> -> memref<1x32x512xi32, #tpu.memory_space<vmem>>
    %dma_wait3A_51 = tpu.memref_squeeze %dma_wait3A_50 : memref<1x32x512xi32, #tpu.memory_space<vmem>> -> memref<32x512xi32, #tpu.memory_space<vmem>>
    %dma_wait3A_52 = arith.constant 0 : i32
    %dma_wait3A_53 = tpu.memref_slice %arg8[%dma_wait3A_46, %dma_wait3A_52] : memref<2x32xi32, #tpu.memory_space<vmem>> -> memref<1x32xi32, #tpu.memory_space<vmem>>
    %dma_wait3A_54 = tpu.memref_squeeze %dma_wait3A_53 : memref<1x32xi32, #tpu.memory_space<vmem>> -> memref<32xi32, #tpu.memory_space<vmem>>
    %dma_wait3A_55 = arith.constant 0 : i32
    %dma_wait3A_56 = arith.constant 0 : i32
    %dma_wait3A_57 = tpu.memref_slice %arg2[%dma_wait3A_55, %dma_wait3A_56] : memref<6144x512xi32, #tpu.memory_space<hbm>> -> memref<6144x512xi32, #tpu.memory_space<hbm>>
    tpu.wait_indirect_dma semaphore(%arg12 : memref<!tpu.dma_semaphore, #tpu.memory_space<semaphore_mem>>) src(%dma_wait3A_57 : memref<6144x512xi32, #tpu.memory_space<hbm>>) dst(%dma_wait3A_51 : memref<32x512xi32, #tpu.memory_space<vmem>>)
    %mul3A_58 = arith.constant 2 : i32
    %mul3A_59 = arith.muli %add3A, %mul3A_58 : i32
    %add3A_60 = arith.constant 1 : i32
    %add3A_61 = arith.addi %mul3A_59, %add3A_60 : i32
    %run_scoped3A_62 = arith.constant 1 : i32
    "tpu.region"() ({
      %run_scoped3A_129 = tpu.sem_alloc : memref<!tpu.dma_semaphore, #tpu.memory_space<semaphore_mem>>
      %dma_start3A_130 = arith.constant 0 : i32
      %dma_start3A_131 = tpu.memref_slice %arg7[%run_scoped3A_62, %dma_start3A_130] : memref<2x32xi32, #tpu.memory_space<vmem>> -> memref<1x32xi32, #tpu.memory_space<vmem>>
      %dma_start3A_132 = tpu.memref_squeeze %dma_start3A_131 : memref<1x32xi32, #tpu.memory_space<vmem>> -> memref<32xi32, #tpu.memory_space<vmem>>
      %dma_start3A_133 = arith.constant 0 : i32
      %dma_start3A_134 = tpu.memref_slice %arg3[%add3A_61, %dma_start3A_133] : memref<64x32xi32, #tpu.memory_space<hbm>> -> memref<1x32xi32, #tpu.memory_space<hbm>>
      %dma_start3A_135 = tpu.memref_squeeze %dma_start3A_134 : memref<1x32xi32, #tpu.memory_space<hbm>> -> memref<32xi32, #tpu.memory_space<hbm>>
      %dma_start3A_136 = arith.constant 0 : i32
      %dma_start3A_137 = tpu.memref_slice %arg7[%run_scoped3A_62, %dma_start3A_136] : memref<2x32xi32, #tpu.memory_space<vmem>> -> memref<1x32xi32, #tpu.memory_space<vmem>>
      %dma_start3A_138 = tpu.memref_squeeze %dma_start3A_137 : memref<1x32xi32, #tpu.memory_space<vmem>> -> memref<32xi32, #tpu.memory_space<vmem>>
      %dma_start3A_139 = arith.constant 0 : i32
      %dma_start3A_140 = tpu.memref_slice %arg3[%add3A_61, %dma_start3A_139] : memref<64x32xi32, #tpu.memory_space<hbm>> -> memref<1x32xi32, #tpu.memory_space<hbm>>
      %dma_start3A_141 = tpu.memref_squeeze %dma_start3A_140 : memref<1x32xi32, #tpu.memory_space<hbm>> -> memref<32xi32, #tpu.memory_space<hbm>>
      tpu.enqueue_dma source(%dma_start3A_141 : memref<32xi32, #tpu.memory_space<hbm>>) target(%dma_start3A_138 : memref<32xi32, #tpu.memory_space<vmem>>) target_semaphore(%run_scoped3A_129 : memref<!tpu.dma_semaphore, #tpu.memory_space<semaphore_mem>>)
      %dma_wait3A_142 = arith.constant 0 : i32
      %dma_wait3A_143 = tpu.memref_slice %arg7[%run_scoped3A_62, %dma_wait3A_142] : memref<2x32xi32, #tpu.memory_space<vmem>> -> memref<1x32xi32, #tpu.memory_space<vmem>>
      %dma_wait3A_144 = tpu.memref_squeeze %dma_wait3A_143 : memref<1x32xi32, #tpu.memory_space<vmem>> -> memref<32xi32, #tpu.memory_space<vmem>>
      %dma_wait3A_145 = arith.constant 0 : i32
      %dma_wait3A_146 = tpu.memref_slice %arg3[%add3A_61, %dma_wait3A_145] : memref<64x32xi32, #tpu.memory_space<hbm>> -> memref<1x32xi32, #tpu.memory_space<hbm>>
      %dma_wait3A_147 = tpu.memref_squeeze %dma_wait3A_146 : memref<1x32xi32, #tpu.memory_space<hbm>> -> memref<32xi32, #tpu.memory_space<hbm>>
      %dma_wait3A_148 = arith.constant 0 : i32
      %dma_wait3A_149 = tpu.memref_slice %arg7[%run_scoped3A_62, %dma_wait3A_148] : memref<2x32xi32, #tpu.memory_space<vmem>> -> memref<1x32xi32, #tpu.memory_space<vmem>>
      %dma_wait3A_150 = tpu.memref_squeeze %dma_wait3A_149 : memref<1x32xi32, #tpu.memory_space<vmem>> -> memref<32xi32, #tpu.memory_space<vmem>>
      %dma_wait3A_151 = arith.constant 0 : i32
      %dma_wait3A_152 = tpu.memref_slice %arg3[%add3A_61, %dma_wait3A_151] : memref<64x32xi32, #tpu.memory_space<hbm>> -> memref<1x32xi32, #tpu.memory_space<hbm>>
      %dma_wait3A_153 = tpu.memref_squeeze %dma_wait3A_152 : memref<1x32xi32, #tpu.memory_space<hbm>> -> memref<32xi32, #tpu.memory_space<hbm>>
      tpu.wait_dma2 semaphore(%run_scoped3A_129 : memref<!tpu.dma_semaphore, #tpu.memory_space<semaphore_mem>>) src(%dma_wait3A_153 : memref<32xi32, #tpu.memory_space<hbm>>) dst(%dma_wait3A_150 : memref<32xi32, #tpu.memory_space<vmem>>)
      tpu.yield
    }) : () -> ()
    %run_scoped3A_63 = arith.constant 1 : i32
    "tpu.region"() ({
      %run_scoped3A_129 = tpu.sem_alloc : memref<!tpu.dma_semaphore, #tpu.memory_space<semaphore_mem>>
      %dma_start3A_130 = arith.constant 0 : i32
      %dma_start3A_131 = tpu.memref_slice %arg8[%run_scoped3A_63, %dma_start3A_130] : memref<2x32xi32, #tpu.memory_space<vmem>> -> memref<1x32xi32, #tpu.memory_space<vmem>>
      %dma_start3A_132 = tpu.memref_squeeze %dma_start3A_131 : memref<1x32xi32, #tpu.memory_space<vmem>> -> memref<32xi32, #tpu.memory_space<vmem>>
      %dma_start3A_133 = arith.constant 0 : i32
      %dma_start3A_134 = tpu.memref_slice %arg4[%add3A_61, %dma_start3A_133] : memref<64x32xi32, #tpu.memory_space<hbm>> -> memref<1x32xi32, #tpu.memory_space<hbm>>
      %dma_start3A_135 = tpu.memref_squeeze %dma_start3A_134 : memref<1x32xi32, #tpu.memory_space<hbm>> -> memref<32xi32, #tpu.memory_space<hbm>>
      %dma_start3A_136 = arith.constant 0 : i32
      %dma_start3A_137 = tpu.memref_slice %arg8[%run_scoped3A_63, %dma_start3A_136] : memref<2x32xi32, #tpu.memory_space<vmem>> -> memref<1x32xi32, #tpu.memory_space<vmem>>
      %dma_start3A_138 = tpu.memref_squeeze %dma_start3A_137 : memref<1x32xi32, #tpu.memory_space<vmem>> -> memref<32xi32, #tpu.memory_space<vmem>>
      %dma_start3A_139 = arith.constant 0 : i32
      %dma_start3A_140 = tpu.memref_slice %arg4[%add3A_61, %dma_start3A_139] : memref<64x32xi32, #tpu.memory_space<hbm>> -> memref<1x32xi32, #tpu.memory_space<hbm>>
      %dma_start3A_141 = tpu.memref_squeeze %dma_start3A_140 : memref<1x32xi32, #tpu.memory_space<hbm>> -> memref<32xi32, #tpu.memory_space<hbm>>
      tpu.enqueue_dma source(%dma_start3A_141 : memref<32xi32, #tpu.memory_space<hbm>>) target(%dma_start3A_138 : memref<32xi32, #tpu.memory_space<vmem>>) target_semaphore(%run_scoped3A_129 : memref<!tpu.dma_semaphore, #tpu.memory_space<semaphore_mem>>)
      %dma_wait3A_142 = arith.constant 0 : i32
      %dma_wait3A_143 = tpu.memref_slice %arg8[%run_scoped3A_63, %dma_wait3A_142] : memref<2x32xi32, #tpu.memory_space<vmem>> -> memref<1x32xi32, #tpu.memory_space<vmem>>
      %dma_wait3A_144 = tpu.memref_squeeze %dma_wait3A_143 : memref<1x32xi32, #tpu.memory_space<vmem>> -> memref<32xi32, #tpu.memory_space<vmem>>
      %dma_wait3A_145 = arith.constant 0 : i32
      %dma_wait3A_146 = tpu.memref_slice %arg4[%add3A_61, %dma_wait3A_145] : memref<64x32xi32, #tpu.memory_space<hbm>> -> memref<1x32xi32, #tpu.memory_space<hbm>>
      %dma_wait3A_147 = tpu.memref_squeeze %dma_wait3A_146 : memref<1x32xi32, #tpu.memory_space<hbm>> -> memref<32xi32, #tpu.memory_space<hbm>>
      %dma_wait3A_148 = arith.constant 0 : i32
      %dma_wait3A_149 = tpu.memref_slice %arg8[%run_scoped3A_63, %dma_wait3A_148] : memref<2x32xi32, #tpu.memory_space<vmem>> -> memref<1x32xi32, #tpu.memory_space<vmem>>
      %dma_wait3A_150 = tpu.memref_squeeze %dma_wait3A_149 : memref<1x32xi32, #tpu.memory_space<vmem>> -> memref<32xi32, #tpu.memory_space<vmem>>
      %dma_wait3A_151 = arith.constant 0 : i32
      %dma_wait3A_152 = tpu.memref_slice %arg4[%add3A_61, %dma_wait3A_151] : memref<64x32xi32, #tpu.memory_space<hbm>> -> memref<1x32xi32, #tpu.memory_space<hbm>>
      %dma_wait3A_153 = tpu.memref_squeeze %dma_wait3A_152 : memref<1x32xi32, #tpu.memory_space<hbm>> -> memref<32xi32, #tpu.memory_space<hbm>>
      tpu.wait_dma2 semaphore(%run_scoped3A_129 : memref<!tpu.dma_semaphore, #tpu.memory_space<semaphore_mem>>) src(%dma_wait3A_153 : memref<32xi32, #tpu.memory_space<hbm>>) dst(%dma_wait3A_150 : memref<32xi32, #tpu.memory_space<vmem>>)
      tpu.yield
    }) : () -> ()
    %dma_start3A_64 = arith.constant 1 : i32
    %dma_start3A_65 = arith.constant 1 : i32
    %dma_start3A_66 = arith.constant 0 : i32
    %dma_start3A_67 = arith.constant 0 : i32
    %dma_start3A_68 = tpu.memref_slice %arg10[%dma_start3A_65, %dma_start3A_66, %dma_start3A_67] : memref<2x32x512xi32, #tpu.memory_space<vmem>> -> memref<1x32x512xi32, #tpu.memory_space<vmem>>
    %dma_start3A_69 = tpu.memref_squeeze %dma_start3A_68 : memref<1x32x512xi32, #tpu.memory_space<vmem>> -> memref<32x512xi32, #tpu.memory_space<vmem>>
    %dma_start3A_70 = arith.constant 0 : i32
    %dma_start3A_71 = tpu.memref_slice %arg7[%dma_start3A_64, %dma_start3A_70] : memref<2x32xi32, #tpu.memory_space<vmem>> -> memref<1x32xi32, #tpu.memory_space<vmem>>
    %dma_start3A_72 = tpu.memref_squeeze %dma_start3A_71 : memref<1x32xi32, #tpu.memory_space<vmem>> -> memref<32xi32, #tpu.memory_space<vmem>>
    %dma_start3A_73 = arith.constant 0 : i32
    %dma_start3A_74 = arith.constant 0 : i32
    %dma_start3A_75 = tpu.memref_slice %arg2[%dma_start3A_73, %dma_start3A_74] : memref<6144x512xi32, #tpu.memory_space<hbm>> -> memref<6144x512xi32, #tpu.memory_space<hbm>>
    tpu.enqueue_indirect_dma source(%dma_start3A_75 : memref<6144x512xi32, #tpu.memory_space<hbm>>) target(%dma_start3A_69 : memref<32x512xi32, #tpu.memory_space<vmem>>) offsets(%dma_start3A_72 : memref<32xi32, #tpu.memory_space<vmem>>) semaphore(%arg13 : memref<!tpu.dma_semaphore, #tpu.memory_space<semaphore_mem>>)
    %dma_start3A_76 = arith.constant 1 : i32
    %dma_start3A_77 = arith.constant 1 : i32
    %dma_start3A_78 = arith.constant 0 : i32
    %dma_start3A_79 = arith.constant 0 : i32
    %dma_start3A_80 = tpu.memref_slice %arg11[%dma_start3A_77, %dma_start3A_78, %dma_start3A_79] : memref<2x32x512xi32, #tpu.memory_space<vmem>> -> memref<1x32x512xi32, #tpu.memory_space<vmem>>
    %dma_start3A_81 = tpu.memref_squeeze %dma_start3A_80 : memref<1x32x512xi32, #tpu.memory_space<vmem>> -> memref<32x512xi32, #tpu.memory_space<vmem>>
    %dma_start3A_82 = arith.constant 0 : i32
    %dma_start3A_83 = tpu.memref_slice %arg8[%dma_start3A_76, %dma_start3A_82] : memref<2x32xi32, #tpu.memory_space<vmem>> -> memref<1x32xi32, #tpu.memory_space<vmem>>
    %dma_start3A_84 = tpu.memref_squeeze %dma_start3A_83 : memref<1x32xi32, #tpu.memory_space<vmem>> -> memref<32xi32, #tpu.memory_space<vmem>>
    %dma_start3A_85 = arith.constant 0 : i32
    %dma_start3A_86 = arith.constant 0 : i32
    %dma_start3A_87 = tpu.memref_slice %arg2[%dma_start3A_85, %dma_start3A_86] : memref<6144x512xi32, #tpu.memory_space<hbm>> -> memref<6144x512xi32, #tpu.memory_space<hbm>>
    tpu.enqueue_indirect_dma source(%dma_start3A_87 : memref<6144x512xi32, #tpu.memory_space<hbm>>) target(%dma_start3A_81 : memref<32x512xi32, #tpu.memory_space<vmem>>) offsets(%dma_start3A_84 : memref<32xi32, #tpu.memory_space<vmem>>) semaphore(%arg13 : memref<!tpu.dma_semaphore, #tpu.memory_space<semaphore_mem>>)
    %scan3A = arith.constant 0 : i32
    %scan3A_88 = arith.constant 0 : i32
    %scan3A_89 = arith.constant 32 : i32
    %scan3A_90 = arith.addi %scan3A_88, %scan3A_89 : i32
    %scan3A_91 = arith.constant 1 : i32
    scf.for %scan3A_129 = %scan3A_88 to %scan3A_90 step %scan3A_91  : i32 {
      %get3A = arith.constant 0 : i32
      %get3A_130 = arith.index_cast %get3A : i32 to index
      %get3A_131 = arith.index_cast %scan3A_129 : i32 to index
      %get3A_132 = arith.constant 0 : index
      %get3A_133 = tpu.vector_load %arg10[%get3A_130, %get3A_131, %get3A_132] {strides = array<i32>} : memref<2x32x512xi32, #tpu.memory_space<vmem>>, vector<1x1x16xi32>,
      %get3A_134 = vector.shape_cast %get3A_133 : vector<1x1x16xi32> to vector<16xi32>
      %get3A_135 = arith.constant 0 : i32
      %get3A_136 = arith.index_cast %get3A_135 : i32 to index
      %get3A_137 = arith.index_cast %scan3A_129 : i32 to index
      %get3A_138 = arith.constant 0 : index
      %get3A_139 = tpu.vector_load %arg11[%get3A_136, %get3A_137, %get3A_138] {strides = array<i32>} : memref<2x32x512xi32, #tpu.memory_space<vmem>>, vector<1x1x16xi32>,
      %get3A_140 = vector.shape_cast %get3A_139 : vector<1x1x16xi32> to vector<16xi32>
      %shift_left3A = arith.constant 16 : i32
      %shift_left3A_141 = vector.broadcast %shift_left3A : i32 to vector<16xi32>
      %shift_left3A_142 = arith.shli %get3A_134, %shift_left3A_141 : vector<16xi32>
      %bitcast_convert_type3A = tpu.bitcast %shift_left3A_142 : vector<16xi32> -> vector<16xf32>
      %shift_left3A_143 = arith.constant 16 : i32
      %shift_left3A_144 = vector.broadcast %shift_left3A_143 : i32 to vector<16xi32>
      %shift_left3A_145 = arith.shli %get3A_140, %shift_left3A_144 : vector<16xi32>
      %bitcast_convert_type3A_146 = tpu.bitcast %shift_left3A_145 : vector<16xi32> -> vector<16xf32>
      %add3A_147 = arith.addf %bitcast_convert_type3A, %bitcast_convert_type3A_146 : vector<16xf32>
      %and3A = arith.constant -65536 : i32
      %and3A_148 = vector.broadcast %and3A : i32 to vector<16xi32>
      %and3A_149 = arith.andi %get3A_134, %and3A_148 : vector<16xi32>
      %bitcast_convert_type3A_150 = tpu.bitcast %and3A_149 : vector<16xi32> -> vector<16xf32>
      %and3A_151 = arith.constant -65536 : i32
      %and3A_152 = vector.broadcast %and3A_151 : i32 to vector<16xi32>
      %and3A_153 = arith.andi %get3A_140, %and3A_152 : vector<16xi32>
      %bitcast_convert_type3A_154 = tpu.bitcast %and3A_153 : vector<16xi32> -> vector<16xf32>
      %add3A_155 = arith.addf %bitcast_convert_type3A_150, %bitcast_convert_type3A_154 : vector<16xf32>
      %swap3A = arith.index_cast %scan3A_129 : i32 to index
      %swap3A_156 = arith.constant 0 : index
      %swap3A_157 = tpu.vector_load %arg9[%swap3A, %swap3A_156] {strides = array<i32>} : memref<32x1024xf32, #tpu.memory_space<vmem>>, vector<1x16xf32>,
      %swap3A_158 = vector.shape_cast %swap3A_157 : vector<1x16xf32> to vector<16xf32>
      %swap3A_159 = vector.shape_cast %add3A_147 : vector<16xf32> to vector<1x16xf32>
      tpu.vector_store %arg9[%swap3A, %swap3A_156], %swap3A_159 {add = true, strides = array<i32>} : memref<32x1024xf32, #tpu.memory_space<vmem>>, vector<1x16xf32>,
      %swap3A_160 = arith.index_cast %scan3A_129 : i32 to index
      %swap3A_161 = arith.constant 512 : index
      %swap3A_162 = tpu.vector_load %arg9[%swap3A_160, %swap3A_161] {strides = array<i32>} : memref<32x1024xf32, #tpu.memory_space<vmem>>, vector<1x16xf32>,
      %swap3A_163 = vector.shape_cast %swap3A_162 : vector<1x16xf32> to vector<16xf32>
      %swap3A_164 = vector.shape_cast %add3A_155 : vector<16xf32> to vector<1x16xf32>
      tpu.vector_store %arg9[%swap3A_160, %swap3A_161], %swap3A_164 {add = true, strides = array<i32>} : memref<32x1024xf32, #tpu.memory_space<vmem>>, vector<1x16xf32>,
      %get3A_165 = arith.constant 0 : i32
      %get3A_166 = arith.index_cast %get3A_165 : i32 to index
      %get3A_167 = arith.index_cast %scan3A_129 : i32 to index
      %get3A_168 = arith.constant 16 : index
      %get3A_169 = tpu.vector_load %arg10[%get3A_166, %get3A_167, %get3A_168] {strides = array<i32>} : memref<2x32x512xi32, #tpu.memory_space<vmem>>, vector<1x1x16xi32>,
      %get3A_170 = vector.shape_cast %get3A_169 : vector<1x1x16xi32> to vector<16xi32>
      %get3A_171 = arith.constant 0 : i32
      %get3A_172 = arith.index_cast %get3A_171 : i32 to index
      %get3A_173 = arith.index_cast %scan3A_129 : i32 to index
      %get3A_174 = arith.constant 16 : index
      %get3A_175 = tpu.vector_load %arg11[%get3A_172, %get3A_173, %get3A_174] {strides = array<i32>} : memref<2x32x512xi32, #tpu.memory_space<vmem>>, vector<1x1x16xi32>,
      %get3A_176 = vector.shape_cast %get3A_175 : vector<1x1x16xi32> to vector<16xi32>
      %shift_left3A_177 = arith.constant 16 : i32
      %shift_left3A_178 = vector.broadcast %shift_left3A_177 : i32 to vector<16xi32>
      %shift_left3A_179 = arith.shli %get3A_170, %shift_left3A_178 : vector<16xi32>
      %bitcast_convert_type3A_180 = tpu.bitcast %shift_left3A_179 : vector<16xi32> -> vector<16xf32>
      %shift_left3A_181 = arith.constant 16 : i32
      %shift_left3A_182 = vector.broadcast %shift_left3A_181 : i32 to vector<16xi32>
      %shift_left3A_183 = arith.shli %get3A_176, %shift_left3A_182 : vector<16xi32>
      %bitcast_convert_type3A_184 = tpu.bitcast %shift_left3A_183 : vector<16xi32> -> vector<16xf32>
      %add3A_185 = arith.addf %bitcast_convert_type3A_180, %bitcast_convert_type3A_184 : vector<16xf32>
      %and3A_186 = arith.constant -65536 : i32
      %and3A_187 = vector.broadcast %and3A_186 : i32 to vector<16xi32>
      %and3A_188 = arith.andi %get3A_170, %and3A_187 : vector<16xi32>
      %bitcast_convert_type3A_189 = tpu.bitcast %and3A_188 : vector<16xi32> -> vector<16xf32>
      %and3A_190 = arith.constant -65536 : i32
      %and3A_191 = vector.broadcast %and3A_190 : i32 to vector<16xi32>
      %and3A_192 = arith.andi %get3A_176, %and3A_191 : vector<16xi32>
      %bitcast_convert_type3A_193 = tpu.bitcast %and3A_192 : vector<16xi32> -> vector<16xf32>
      %add3A_194 = arith.addf %bitcast_convert_type3A_189, %bitcast_convert_type3A_193 : vector<16xf32>
      %swap3A_195 = arith.index_cast %scan3A_129 : i32 to index
      %swap3A_196 = arith.constant 16 : index
      %swap3A_197 = tpu.vector_load %arg9[%swap3A_195, %swap3A_196] {strides = array<i32>} : memref<32x1024xf32, #tpu.memory_space<vmem>>, vector<1x16xf32>,
      %swap3A_198 = vector.shape_cast %swap3A_197 : vector<1x16xf32> to vector<16xf32>
      %swap3A_199 = vector.shape_cast %add3A_185 : vector<16xf32> to vector<1x16xf32>
      tpu.vector_store %arg9[%swap3A_195, %swap3A_196], %swap3A_199 {add = true, strides = array<i32>} : memref<32x1024xf32, #tpu.memory_space<vmem>>, vector<1x16xf32>,
      %swap3A_200 = arith.index_cast %scan3A_129 : i32 to index
      %swap3A_201 = arith.constant 528 : index
      %swap3A_202 = tpu.vector_load %arg9[%swap3A_200, %swap3A_201] {strides = array<i32>} : memref<32x1024xf32, #tpu.memory_space<vmem>>, vector<1x16xf32>,
      %swap3A_203 = vector.shape_cast %swap3A_202 : vector<1x16xf32> to vector<16xf32>
      %swap3A_204 = vector.shape_cast %add3A_194 : vector<16xf32> to vector<1x16xf32>
      tpu.vector_store %arg9[%swap3A_200, %swap3A_201], %swap3A_204 {add = true, strides = array<i32>} : memref<32x1024xf32, #tpu.memory_space<vmem>>, vector<1x16xf32>,
      %get3A_205 = arith.constant 0 : i32
      %get3A_206 = arith.index_cast %get3A_205 : i32 to index
      %get3A_207 = arith.index_cast %scan3A_129 : i32 to index
      %get3A_208 = arith.constant 32 : index
      %get3A_209 = tpu.vector_load %arg10[%get3A_206, %get3A_207, %get3A_208] {strides = array<i32>} : memref<2x32x512xi32, #tpu.memory_space<vmem>>, vector<1x1x16xi32>,
      %get3A_210 = vector.shape_cast %get3A_209 : vector<1x1x16xi32> to vector<16xi32>
      %get3A_211 = arith.constant 0 : i32
      %get3A_212 = arith.index_cast %get3A_211 : i32 to index
      %get3A_213 = arith.index_cast %scan3A_129 : i32 to index
      %get3A_214 = arith.constant 32 : index
      %get3A_215 = tpu.vector_load %arg11[%get3A_212, %get3A_213, %get3A_214] {strides = array<i32>} : memref<2x32x512xi32, #tpu.memory_space<vmem>>, vector<1x1x16xi32>,
      %get3A_216 = vector.shape_cast %get3A_215 : vector<1x1x16xi32> to vector<16xi32>
      %shift_left3A_217 = arith.constant 16 : i32
      %shift_left3A_218 = vector.broadcast %shift_left3A_217 : i32 to vector<16xi32>
      %shift_left3A_219 = arith.shli %get3A_210, %shift_left3A_218 : vector<16xi32>
      %bitcast_convert_type3A_220 = tpu.bitcast %shift_left3A_219 : vector<16xi32> -> vector<16xf32>
      %shift_left3A_221 = arith.constant 16 : i32
      %shift_left3A_222 = vector.broadcast %shift_left3A_221 : i32 to vector<16xi32>
      %shift_left3A_223 = arith.shli %get3A_216, %shift_left3A_222 : vector<16xi32>
      %bitcast_convert_type3A_224 = tpu.bitcast %shift_left3A_223 : vector<16xi32> -> vector<16xf32>
      %add3A_225 = arith.addf %bitcast_convert_type3A_220, %bitcast_convert_type3A_224 : vector<16xf32>
      %and3A_226 = arith.constant -65536 : i32
      %and3A_227 = vector.broadcast %and3A_226 : i32 to vector<16xi32>
      %and3A_228 = arith.andi %get3A_210, %and3A_227 : vector<16xi32>
      %bitcast_convert_type3A_229 = tpu.bitcast %and3A_228 : vector<16xi32> -> vector<16xf32>
      %and3A_230 = arith.constant -65536 : i32
      %and3A_231 = vector.broadcast %and3A_230 : i32 to vector<16xi32>
      %and3A_232 = arith.andi %get3A_216, %and3A_231 : vector<16xi32>
      %bitcast_convert_type3A_233 = tpu.bitcast %and3A_232 : vector<16xi32> -> vector<16xf32>
      %add3A_234 = arith.addf %bitcast_convert_type3A_229, %bitcast_convert_type3A_233 : vector<16xf32>
      %swap3A_235 = arith.index_cast %scan3A_129 : i32 to index
      %swap3A_236 = arith.constant 32 : index
      %swap3A_237 = tpu.vector_load %arg9[%swap3A_235, %swap3A_236] {strides = array<i32>} : memref<32x1024xf32, #tpu.memory_space<vmem>>, vector<1x16xf32>,
      %swap3A_238 = vector.shape_cast %swap3A_237 : vector<1x16xf32> to vector<16xf32>
      %swap3A_239 = vector.shape_cast %add3A_225 : vector<16xf32> to vector<1x16xf32>
      tpu.vector_store %arg9[%swap3A_235, %swap3A_236], %swap3A_239 {add = true, strides = array<i32>} : memref<32x1024xf32, #tpu.memory_space<vmem>>, vector<1x16xf32>,
      %swap3A_240 = arith.index_cast %scan3A_129 : i32 to index
      %swap3A_241 = arith.constant 544 : index
      %swap3A_242 = tpu.vector_load %arg9[%swap3A_240, %swap3A_241] {strides = array<i32>} : memref<32x1024xf32, #tpu.memory_space<vmem>>, vector<1x16xf32>,
      %swap3A_243 = vector.shape_cast %swap3A_242 : vector<1x16xf32> to vector<16xf32>
      %swap3A_244 = vector.shape_cast %add3A_234 : vector<16xf32> to vector<1x16xf32>
      tpu.vector_store %arg9[%swap3A_240, %swap3A_241], %swap3A_244 {add = true, strides = array<i32>} : memref<32x1024xf32, #tpu.memory_space<vmem>>, vector<1x16xf32>,
      %get3A_245 = arith.constant 0 : i32
      %get3A_246 = arith.index_cast %get3A_245 : i32 to index
      %get3A_247 = arith.index_cast %scan3A_129 : i32 to index
      %get3A_248 = arith.constant 48 : index
      %get3A_249 = tpu.vector_load %arg10[%get3A_246, %get3A_247, %get3A_248] {strides = array<i32>} : memref<2x32x512xi32, #tpu.memory_space<vmem>>, vector<1x1x16xi32>,
      %get3A_250 = vector.shape_cast %get3A_249 : vector<1x1x16xi32> to vector<16xi32>
      %get3A_251 = arith.constant 0 : i32
      %get3A_252 = arith.index_cast %get3A_251 : i32 to index
      %get3A_253 = arith.index_cast %scan3A_129 : i32 to index
      %get3A_254 = arith.constant 48 : index
      %get3A_255 = tpu.vector_load %arg11[%get3A_252, %get3A_253, %get3A_254] {strides = array<i32>} : memref<2x32x512xi32, #tpu.memory_space<vmem>>, vector<1x1x16xi32>,
      %get3A_256 = vector.shape_cast %get3A_255 : vector<1x1x16xi32> to vector<16xi32>
      %shift_left3A_257 = arith.constant 16 : i32
      %shift_left3A_258 = vector.broadcast %shift_left3A_257 : i32 to vector<16xi32>
      %shift_left3A_259 = arith.shli %get3A_250, %shift_left3A_258 : vector<16xi32>
      %bitcast_convert_type3A_260 = tpu.bitcast %shift_left3A_259 : vector<16xi32> -> vector<16xf32>
      %shift_left3A_261 = arith.constant 16 : i32
      %shift_left3A_262 = vector.broadcast %shift_left3A_261 : i32 to vector<16xi32>
      %shift_left3A_263 = arith.shli %get3A_256, %shift_left3A_262 : vector<16xi32>
      %bitcast_convert_type3A_264 = tpu.bitcast %shift_left3A_263 : vector<16xi32> -> vector<16xf32>
      %add3A_265 = arith.addf %bitcast_convert_type3A_260, %bitcast_convert_type3A_264 : vector<16xf32>
      %and3A_266 = arith.constant -65536 : i32
      %and3A_267 = vector.broadcast %and3A_266 : i32 to vector<16xi32>
      %and3A_268 = arith.andi %get3A_250, %and3A_267 : vector<16xi32>
      %bitcast_convert_type3A_269 = tpu.bitcast %and3A_268 : vector<16xi32> -> vector<16xf32>
      %and3A_270 = arith.constant -65536 : i32
      %and3A_271 = vector.broadcast %and3A_270 : i32 to vector<16xi32>
      %and3A_272 = arith.andi %get3A_256, %and3A_271 : vector<16xi32>
      %bitcast_convert_type3A_273 = tpu.bitcast %and3A_272 : vector<16xi32> -> vector<16xf32>
      %add3A_274 = arith.addf %bitcast_convert_type3A_269, %bitcast_convert_type3A_273 : vector<16xf32>
      %swap3A_275 = arith.index_cast %scan3A_129 : i32 to index
      %swap3A_276 = arith.constant 48 : index
      %swap3A_277 = tpu.vector_load %arg9[%swap3A_275, %swap3A_276] {strides = array<i32>} : memref<32x1024xf32, #tpu.memory_space<vmem>>, vector<1x16xf32>,
      %swap3A_278 = vector.shape_cast %swap3A_277 : vector<1x16xf32> to vector<16xf32>
      %swap3A_279 = vector.shape_cast %add3A_265 : vector<16xf32> to vector<1x16xf32>
      tpu.vector_store %arg9[%swap3A_275, %swap3A_276], %swap3A_279 {add = true, strides = array<i32>} : memref<32x1024xf32, #tpu.memory_space<vmem>>, vector<1x16xf32>,
      %swap3A_280 = arith.index_cast %scan3A_129 : i32 to index
      %swap3A_281 = arith.constant 560 : index
      %swap3A_282 = tpu.vector_load %arg9[%swap3A_280, %swap3A_281] {strides = array<i32>} : memref<32x1024xf32, #tpu.memory_space<vmem>>, vector<1x16xf32>,
      %swap3A_283 = vector.shape_cast %swap3A_282 : vector<1x16xf32> to vector<16xf32>
      %swap3A_284 = vector.shape_cast %add3A_274 : vector<16xf32> to vector<1x16xf32>
      tpu.vector_store %arg9[%swap3A_280, %swap3A_281], %swap3A_284 {add = true, strides = array<i32>} : memref<32x1024xf32, #tpu.memory_space<vmem>>, vector<1x16xf32>,
      %get3A_285 = arith.constant 0 : i32
      %get3A_286 = arith.index_cast %get3A_285 : i32 to index
      %get3A_287 = arith.index_cast %scan3A_129 : i32 to index
      %get3A_288 = arith.constant 64 : index
      %get3A_289 = tpu.vector_load %arg10[%get3A_286, %get3A_287, %get3A_288] {strides = array<i32>} : memref<2x32x512xi32, #tpu.memory_space<vmem>>, vector<1x1x16xi32>,
      %get3A_290 = vector.shape_cast %get3A_289 : vector<1x1x16xi32> to vector<16xi32>
      %get3A_291 = arith.constant 0 : i32
      %get3A_292 = arith.index_cast %get3A_291 : i32 to index
      %get3A_293 = arith.index_cast %scan3A_129 : i32 to index
      %get3A_294 = arith.constant 64 : index
      %get3A_295 = tpu.vector_load %arg11[%get3A_292, %get3A_293, %get3A_294] {strides = array<i32>} : memref<2x32x512xi32, #tpu.memory_space<vmem>>, vector<1x1x16xi32>,
      %get3A_296 = vector.shape_cast %get3A_295 : vector<1x1x16xi32> to vector<16xi32>
      %shift_left3A_297 = arith.constant 16 : i32
      %shift_left3A_298 = vector.broadcast %shift_left3A_297 : i32 to vector<16xi32>
      %shift_left3A_299 = arith.shli %get3A_290, %shift_left3A_298 : vector<16xi32>
      %bitcast_convert_type3A_300 = tpu.bitcast %shift_left3A_299 : vector<16xi32> -> vector<16xf32>
      %shift_left3A_301 = arith.constant 16 : i32
      %shift_left3A_302 = vector.broadcast %shift_left3A_301 : i32 to vector<16xi32>
      %shift_left3A_303 = arith.shli %get3A_296, %shift_left3A_302 : vector<16xi32>
      %bitcast_convert_type3A_304 = tpu.bitcast %shift_left3A_303 : vector<16xi32> -> vector<16xf32>
      %add3A_305 = arith.addf %bitcast_convert_type3A_300, %bitcast_convert_type3A_304 : vector<16xf32>
      %and3A_306 = arith.constant -65536 : i32
      %and3A_307 = vector.broadcast %and3A_306 : i32 to vector<16xi32>
      %and3A_308 = arith.andi %get3A_290, %and3A_307 : vector<16xi32>
      %bitcast_convert_type3A_309 = tpu.bitcast %and3A_308 : vector<16xi32> -> vector<16xf32>
      %and3A_310 = arith.constant -65536 : i32
      %and3A_311 = vector.broadcast %and3A_310 : i32 to vector<16xi32>
      %and3A_312 = arith.andi %get3A_296, %and3A_311 : vector<16xi32>
      %bitcast_convert_type3A_313 = tpu.bitcast %and3A_312 : vector<16xi32> -> vector<16xf32>
      %add3A_314 = arith.addf %bitcast_convert_type3A_309, %bitcast_convert_type3A_313 : vector<16xf32>
      %swap3A_315 = arith.index_cast %scan3A_129 : i32 to index
      %swap3A_316 = arith.constant 64 : index
      %swap3A_317 = tpu.vector_load %arg9[%swap3A_315, %swap3A_316] {strides = array<i32>} : memref<32x1024xf32, #tpu.memory_space<vmem>>, vector<1x16xf32>,
      %swap3A_318 = vector.shape_cast %swap3A_317 : vector<1x16xf32> to vector<16xf32>
      %swap3A_319 = vector.shape_cast %add3A_305 : vector<16xf32> to vector<1x16xf32>
      tpu.vector_store %arg9[%swap3A_315, %swap3A_316], %swap3A_319 {add = true, strides = array<i32>} : memref<32x1024xf32, #tpu.memory_space<vmem>>, vector<1x16xf32>,
      %swap3A_320 = arith.index_cast %scan3A_129 : i32 to index
      %swap3A_321 = arith.constant 576 : index
      %swap3A_322 = tpu.vector_load %arg9[%swap3A_320, %swap3A_321] {strides = array<i32>} : memref<32x1024xf32, #tpu.memory_space<vmem>>, vector<1x16xf32>,
      %swap3A_323 = vector.shape_cast %swap3A_322 : vector<1x16xf32> to vector<16xf32>
      %swap3A_324 = vector.shape_cast %add3A_314 : vector<16xf32> to vector<1x16xf32>
      tpu.vector_store %arg9[%swap3A_320, %swap3A_321], %swap3A_324 {add = true, strides = array<i32>} : memref<32x1024xf32, #tpu.memory_space<vmem>>, vector<1x16xf32>,
      %get3A_325 = arith.constant 0 : i32
      %get3A_326 = arith.index_cast %get3A_325 : i32 to index
      %get3A_327 = arith.index_cast %scan3A_129 : i32 to index
      %get3A_328 = arith.constant 80 : index
      %get3A_329 = tpu.vector_load %arg10[%get3A_326, %get3A_327, %get3A_328] {strides = array<i32>} : memref<2x32x512xi32, #tpu.memory_space<vmem>>, vector<1x1x16xi32>,
      %get3A_330 = vector.shape_cast %get3A_329 : vector<1x1x16xi32> to vector<16xi32>
      %get3A_331 = arith.constant 0 : i32
      %get3A_332 = arith.index_cast %get3A_331 : i32 to index
      %get3A_333 = arith.index_cast %scan3A_129 : i32 to index
      %get3A_334 = arith.constant 80 : index
      %get3A_335 = tpu.vector_load %arg11[%get3A_332, %get3A_333, %get3A_334] {strides = array<i32>} : memref<2x32x512xi32, #tpu.memory_space<vmem>>, vector<1x1x16xi32>,
      %get3A_336 = vector.shape_cast %get3A_335 : vector<1x1x16xi32> to vector<16xi32>
      %shift_left3A_337 = arith.constant 16 : i32
      %shift_left3A_338 = vector.broadcast %shift_left3A_337 : i32 to vector<16xi32>
      %shift_left3A_339 = arith.shli %get3A_330, %shift_left3A_338 : vector<16xi32>
      %bitcast_convert_type3A_340 = tpu.bitcast %shift_left3A_339 : vector<16xi32> -> vector<16xf32>
      %shift_left3A_341 = arith.constant 16 : i32
      %shift_left3A_342 = vector.broadcast %shift_left3A_341 : i32 to vector<16xi32>
      %shift_left3A_343 = arith.shli %get3A_336, %shift_left3A_342 : vector<16xi32>
      %bitcast_convert_type3A_344 = tpu.bitcast %shift_left3A_343 : vector<16xi32> -> vector<16xf32>
      %add3A_345 = arith.addf %bitcast_convert_type3A_340, %bitcast_convert_type3A_344 : vector<16xf32>
      %and3A_346 = arith.constant -65536 : i32
      %and3A_347 = vector.broadcast %and3A_346 : i32 to vector<16xi32>
      %and3A_348 = arith.andi %get3A_330, %and3A_347 : vector<16xi32>
      %bitcast_convert_type3A_349 = tpu.bitcast %and3A_348 : vector<16xi32> -> vector<16xf32>
      %and3A_350 = arith.constant -65536 : i32
      %and3A_351 = vector.broadcast %and3A_350 : i32 to vector<16xi32>
      %and3A_352 = arith.andi %get3A_336, %and3A_351 : vector<16xi32>
      %bitcast_convert_type3A_353 = tpu.bitcast %and3A_352 : vector<16xi32> -> vector<16xf32>
      %add3A_354 = arith.addf %bitcast_convert_type3A_349, %bitcast_convert_type3A_353 : vector<16xf32>
      %swap3A_355 = arith.index_cast %scan3A_129 : i32 to index
      %swap3A_356 = arith.constant 80 : index
      %swap3A_357 = tpu.vector_load %arg9[%swap3A_355, %swap3A_356] {strides = array<i32>} : memref<32x1024xf32, #tpu.memory_space<vmem>>, vector<1x16xf32>,
      %swap3A_358 = vector.shape_cast %swap3A_357 : vector<1x16xf32> to vector<16xf32>
      %swap3A_359 = vector.shape_cast %add3A_345 : vector<16xf32> to vector<1x16xf32>
      tpu.vector_store %arg9[%swap3A_355, %swap3A_356], %swap3A_359 {add = true, strides = array<i32>} : memref<32x1024xf32, #tpu.memory_space<vmem>>, vector<1x16xf32>,
      %swap3A_360 = arith.index_cast %scan3A_129 : i32 to index
      %swap3A_361 = arith.constant 592 : index
      %swap3A_362 = tpu.vector_load %arg9[%swap3A_360, %swap3A_361] {strides = array<i32>} : memref<32x1024xf32, #tpu.memory_space<vmem>>, vector<1x16xf32>,
      %swap3A_363 = vector.shape_cast %swap3A_362 : vector<1x16xf32> to vector<16xf32>
      %swap3A_364 = vector.shape_cast %add3A_354 : vector<16xf32> to vector<1x16xf32>
      tpu.vector_store %arg9[%swap3A_360, %swap3A_361], %swap3A_364 {add = true, strides = array<i32>} : memref<32x1024xf32, #tpu.memory_space<vmem>>, vector<1x16xf32>,
      %get3A_365 = arith.constant 0 : i32
      %get3A_366 = arith.index_cast %get3A_365 : i32 to index
      %get3A_367 = arith.index_cast %scan3A_129 : i32 to index
      %get3A_368 = arith.constant 96 : index
      %get3A_369 = tpu.vector_load %arg10[%get3A_366, %get3A_367, %get3A_368] {strides = array<i32>} : memref<2x32x512xi32, #tpu.memory_space<vmem>>, vector<1x1x16xi32>,
      %get3A_370 = vector.shape_cast %get3A_369 : vector<1x1x16xi32> to vector<16xi32>
      %get3A_371 = arith.constant 0 : i32
      %get3A_372 = arith.index_cast %get3A_371 : i32 to index
      %get3A_373 = arith.index_cast %scan3A_129 : i32 to index
      %get3A_374 = arith.constant 96 : index
      %get3A_375 = tpu.vector_load %arg11[%get3A_372, %get3A_373, %get3A_374] {strides = array<i32>} : memref<2x32x512xi32, #tpu.memory_space<vmem>>, vector<1x1x16xi32>,
      %get3A_376 = vector.shape_cast %get3A_375 : vector<1x1x16xi32> to vector<16xi32>
      %shift_left3A_377 = arith.constant 16 : i32
      %shift_left3A_378 = vector.broadcast %shift_left3A_377 : i32 to vector<16xi32>
      %shift_left3A_379 = arith.shli %get3A_370, %shift_left3A_378 : vector<16xi32>
      %bitcast_convert_type3A_380 = tpu.bitcast %shift_left3A_379 : vector<16xi32> -> vector<16xf32>
      %shift_left3A_381 = arith.constant 16 : i32
      %shift_left3A_382 = vector.broadcast %shift_left3A_381 : i32 to vector<16xi32>
      %shift_left3A_383 = arith.shli %get3A_376, %shift_left3A_382 : vector<16xi32>
      %bitcast_convert_type3A_384 = tpu.bitcast %shift_left3A_383 : vector<16xi32> -> vector<16xf32>
      %add3A_385 = arith.addf %bitcast_convert_type3A_380, %bitcast_convert_type3A_384 : vector<16xf32>
      %and3A_386 = arith.constant -65536 : i32
      %and3A_387 = vector.broadcast %and3A_386 : i32 to vector<16xi32>
      %and3A_388 = arith.andi %get3A_370, %and3A_387 : vector<16xi32>
      %bitcast_convert_type3A_389 = tpu.bitcast %and3A_388 : vector<16xi32> -> vector<16xf32>
      %and3A_390 = arith.constant -65536 : i32
      %and3A_391 = vector.broadcast %and3A_390 : i32 to vector<16xi32>
      %and3A_392 = arith.andi %get3A_376, %and3A_391 : vector<16xi32>
      %bitcast_convert_type3A_393 = tpu.bitcast %and3A_392 : vector<16xi32> -> vector<16xf32>
      %add3A_394 = arith.addf %bitcast_convert_type3A_389, %bitcast_convert_type3A_393 : vector<16xf32>
      %swap3A_395 = arith.index_cast %scan3A_129 : i32 to index
      %swap3A_396 = arith.constant 96 : index
      %swap3A_397 = tpu.vector_load %arg9[%swap3A_395, %swap3A_396] {strides = array<i32>} : memref<32x1024xf32, #tpu.memory_space<vmem>>, vector<1x16xf32>,
      %swap3A_398 = vector.shape_cast %swap3A_397 : vector<1x16xf32> to vector<16xf32>
      %swap3A_399 = vector.shape_cast %add3A_385 : vector<16xf32> to vector<1x16xf32>
      tpu.vector_store %arg9[%swap3A_395, %swap3A_396], %swap3A_399 {add = true, strides = array<i32>} : memref<32x1024xf32, #tpu.memory_space<vmem>>, vector<1x16xf32>,
      %swap3A_400 = arith.index_cast %scan3A_129 : i32 to index
      %swap3A_401 = arith.constant 608 : index
      %swap3A_402 = tpu.vector_load %arg9[%swap3A_400, %swap3A_401] {strides = array<i32>} : memref<32x1024xf32, #tpu.memory_space<vmem>>, vector<1x16xf32>,
      %swap3A_403 = vector.shape_cast %swap3A_402 : vector<1x16xf32> to vector<16xf32>
      %swap3A_404 = vector.shape_cast %add3A_394 : vector<16xf32> to vector<1x16xf32>
      tpu.vector_store %arg9[%swap3A_400, %swap3A_401], %swap3A_404 {add = true, strides = array<i32>} : memref<32x1024xf32, #tpu.memory_space<vmem>>, vector<1x16xf32>,
      %get3A_405 = arith.constant 0 : i32
      %get3A_406 = arith.index_cast %get3A_405 : i32 to index
      %get3A_407 = arith.index_cast %scan3A_129 : i32 to index
      %get3A_408 = arith.constant 112 : index
      %get3A_409 = tpu.vector_load %arg10[%get3A_406, %get3A_407, %get3A_408] {strides = array<i32>} : memref<2x32x512xi32, #tpu.memory_space<vmem>>, vector<1x1x16xi32>,
      %get3A_410 = vector.shape_cast %get3A_409 : vector<1x1x16xi32> to vector<16xi32>
      %get3A_411 = arith.constant 0 : i32
      %get3A_412 = arith.index_cast %get3A_411 : i32 to index
      %get3A_413 = arith.index_cast %scan3A_129 : i32 to index
      %get3A_414 = arith.constant 112 : index
      %get3A_415 = tpu.vector_load %arg11[%get3A_412, %get3A_413, %get3A_414] {strides = array<i32>} : memref<2x32x512xi32, #tpu.memory_space<vmem>>, vector<1x1x16xi32>,
      %get3A_416 = vector.shape_cast %get3A_415 : vector<1x1x16xi32> to vector<16xi32>
      %shift_left3A_417 = arith.constant 16 : i32
      %shift_left3A_418 = vector.broadcast %shift_left3A_417 : i32 to vector<16xi32>
      %shift_left3A_419 = arith.shli %get3A_410, %shift_left3A_418 : vector<16xi32>
      %bitcast_convert_type3A_420 = tpu.bitcast %shift_left3A_419 : vector<16xi32> -> vector<16xf32>
      %shift_left3A_421 = arith.constant 16 : i32
      %shift_left3A_422 = vector.broadcast %shift_left3A_421 : i32 to vector<16xi32>
      %shift_left3A_423 = arith.shli %get3A_416, %shift_left3A_422 : vector<16xi32>
      %bitcast_convert_type3A_424 = tpu.bitcast %shift_left3A_423 : vector<16xi32> -> vector<16xf32>
      %add3A_425 = arith.addf %bitcast_convert_type3A_420, %bitcast_convert_type3A_424 : vector<16xf32>
      %and3A_426 = arith.constant -65536 : i32
      %and3A_427 = vector.broadcast %and3A_426 : i32 to vector<16xi32>
      %and3A_428 = arith.andi %get3A_410, %and3A_427 : vector<16xi32>
      %bitcast_convert_type3A_429 = tpu.bitcast %and3A_428 : vector<16xi32> -> vector<16xf32>
      %and3A_430 = arith.constant -65536 : i32
      %and3A_431 = vector.broadcast %and3A_430 : i32 to vector<16xi32>
      %and3A_432 = arith.andi %get3A_416, %and3A_431 : vector<16xi32>
      %bitcast_convert_type3A_433 = tpu.bitcast %and3A_432 : vector<16xi32> -> vector<16xf32>
      %add3A_434 = arith.addf %bitcast_convert_type3A_429, %bitcast_convert_type3A_433 : vector<16xf32>
      %swap3A_435 = arith.index_cast %scan3A_129 : i32 to index
      %swap3A_436 = arith.constant 112 : index
      %swap3A_437 = tpu.vector_load %arg9[%swap3A_435, %swap3A_436] {strides = array<i32>} : memref<32x1024xf32, #tpu.memory_space<vmem>>, vector<1x16xf32>,
      %swap3A_438 = vector.shape_cast %swap3A_437 : vector<1x16xf32> to vector<16xf32>
      %swap3A_439 = vector.shape_cast %add3A_425 : vector<16xf32> to vector<1x16xf32>
      tpu.vector_store %arg9[%swap3A_435, %swap3A_436], %swap3A_439 {add = true, strides = array<i32>} : memref<32x1024xf32, #tpu.memory_space<vmem>>, vector<1x16xf32>,
      %swap3A_440 = arith.index_cast %scan3A_129 : i32 to index
      %swap3A_441 = arith.constant 624 : index
      %swap3A_442 = tpu.vector_load %arg9[%swap3A_440, %swap3A_441] {strides = array<i32>} : memref<32x1024xf32, #tpu.memory_space<vmem>>, vector<1x16xf32>,
      %swap3A_443 = vector.shape_cast %swap3A_442 : vector<1x16xf32> to vector<16xf32>
      %swap3A_444 = vector.shape_cast %add3A_434 : vector<16xf32> to vector<1x16xf32>
      tpu.vector_store %arg9[%swap3A_440, %swap3A_441], %swap3A_444 {add = true, strides = array<i32>} : memref<32x1024xf32, #tpu.memory_space<vmem>>, vector<1x16xf32>,
      %get3A_445 = arith.constant 0 : i32
      %get3A_446 = arith.index_cast %get3A_445 : i32 to index
      %get3A_447 = arith.index_cast %scan3A_129 : i32 to index
      %get3A_448 = arith.constant 128 : index
      %get3A_449 = tpu.vector_load %arg10[%get3A_446, %get3A_447, %get3A_448] {strides = array<i32>} : memref<2x32x512xi32, #tpu.memory_space<vmem>>, vector<1x1x16xi32>,
      %get3A_450 = vector.shape_cast %get3A_449 : vector<1x1x16xi32> to vector<16xi32>
      %get3A_451 = arith.constant 0 : i32
      %get3A_452 = arith.index_cast %get3A_451 : i32 to index
      %get3A_453 = arith.index_cast %scan3A_129 : i32 to index
      %get3A_454 = arith.constant 128 : index
      %get3A_455 = tpu.vector_load %arg11[%get3A_452, %get3A_453, %get3A_454] {strides = array<i32>} : memref<2x32x512xi32, #tpu.memory_space<vmem>>, vector<1x1x16xi32>,
      %get3A_456 = vector.shape_cast %get3A_455 : vector<1x1x16xi32> to vector<16xi32>
      %shift_left3A_457 = arith.constant 16 : i32
      %shift_left3A_458 = vector.broadcast %shift_left3A_457 : i32 to vector<16xi32>
      %shift_left3A_459 = arith.shli %get3A_450, %shift_left3A_458 : vector<16xi32>
      %bitcast_convert_type3A_460 = tpu.bitcast %shift_left3A_459 : vector<16xi32> -> vector<16xf32>
      %shift_left3A_461 = arith.constant 16 : i32
      %shift_left3A_462 = vector.broadcast %shift_left3A_461 : i32 to vector<16xi32>
      %shift_left3A_463 = arith.shli %get3A_456, %shift_left3A_462 : vector<16xi32>
      %bitcast_convert_type3A_464 = tpu.bitcast %shift_left3A_463 : vector<16xi32> -> vector<16xf32>
      %add3A_465 = arith.addf %bitcast_convert_type3A_460, %bitcast_convert_type3A_464 : vector<16xf32>
      %and3A_466 = arith.constant -65536 : i32
      %and3A_467 = vector.broadcast %and3A_466 : i32 to vector<16xi32>
      %and3A_468 = arith.andi %get3A_450, %and3A_467 : vector<16xi32>
      %bitcast_convert_type3A_469 = tpu.bitcast %and3A_468 : vector<16xi32> -> vector<16xf32>
      %and3A_470 = arith.constant -65536 : i32
      %and3A_471 = vector.broadcast %and3A_470 : i32 to vector<16xi32>
      %and3A_472 = arith.andi %get3A_456, %and3A_471 : vector<16xi32>
      %bitcast_convert_type3A_473 = tpu.bitcast %and3A_472 : vector<16xi32> -> vector<16xf32>
      %add3A_474 = arith.addf %bitcast_convert_type3A_469, %bitcast_convert_type3A_473 : vector<16xf32>
      %swap3A_475 = arith.index_cast %scan3A_129 : i32 to index
      %swap3A_476 = arith.constant 128 : index
      %swap3A_477 = tpu.vector_load %arg9[%swap3A_475, %swap3A_476] {strides = array<i32>} : memref<32x1024xf32, #tpu.memory_space<vmem>>, vector<1x16xf32>,
      %swap3A_478 = vector.shape_cast %swap3A_477 : vector<1x16xf32> to vector<16xf32>
      %swap3A_479 = vector.shape_cast %add3A_465 : vector<16xf32> to vector<1x16xf32>
      tpu.vector_store %arg9[%swap3A_475, %swap3A_476], %swap3A_479 {add = true, strides = array<i32>} : memref<32x1024xf32, #tpu.memory_space<vmem>>, vector<1x16xf32>,
      %swap3A_480 = arith.index_cast %scan3A_129 : i32 to index
      %swap3A_481 = arith.constant 640 : index
      %swap3A_482 = tpu.vector_load %arg9[%swap3A_480, %swap3A_481] {strides = array<i32>} : memref<32x1024xf32, #tpu.memory_space<vmem>>, vector<1x16xf32>,
      %swap3A_483 = vector.shape_cast %swap3A_482 : vector<1x16xf32> to vector<16xf32>
      %swap3A_484 = vector.shape_cast %add3A_474 : vector<16xf32> to vector<1x16xf32>
      tpu.vector_store %arg9[%swap3A_480, %swap3A_481], %swap3A_484 {add = true, strides = array<i32>} : memref<32x1024xf32, #tpu.memory_space<vmem>>, vector<1x16xf32>,
      %get3A_485 = arith.constant 0 : i32
      %get3A_486 = arith.index_cast %get3A_485 : i32 to index
      %get3A_487 = arith.index_cast %scan3A_129 : i32 to index
      %get3A_488 = arith.constant 144 : index
      %get3A_489 = tpu.vector_load %arg10[%get3A_486, %get3A_487, %get3A_488] {strides = array<i32>} : memref<2x32x512xi32, #tpu.memory_space<vmem>>, vector<1x1x16xi32>,
      %get3A_490 = vector.shape_cast %get3A_489 : vector<1x1x16xi32> to vector<16xi32>
      %get3A_491 = arith.constant 0 : i32
      %get3A_492 = arith.index_cast %get3A_491 : i32 to index
      %get3A_493 = arith.index_cast %scan3A_129 : i32 to index
      %get3A_494 = arith.constant 144 : index
      %get3A_495 = tpu.vector_load %arg11[%get3A_492, %get3A_493, %get3A_494] {strides = array<i32>} : memref<2x32x512xi32, #tpu.memory_space<vmem>>, vector<1x1x16xi32>,
      %get3A_496 = vector.shape_cast %get3A_495 : vector<1x1x16xi32> to vector<16xi32>
      %shift_left3A_497 = arith.constant 16 : i32
      %shift_left3A_498 = vector.broadcast %shift_left3A_497 : i32 to vector<16xi32>
      %shift_left3A_499 = arith.shli %get3A_490, %shift_left3A_498 : vector<16xi32>
      %bitcast_convert_type3A_500 = tpu.bitcast %shift_left3A_499 : vector<16xi32> -> vector<16xf32>
      %shift_left3A_501 = arith.constant 16 : i32
      %shift_left3A_502 = vector.broadcast %shift_left3A_501 : i32 to vector<16xi32>
      %shift_left3A_503 = arith.shli %get3A_496, %shift_left3A_502 : vector<16xi32>
      %bitcast_convert_type3A_504 = tpu.bitcast %shift_left3A_503 : vector<16xi32> -> vector<16xf32>
      %add3A_505 = arith.addf %bitcast_convert_type3A_500, %bitcast_convert_type3A_504 : vector<16xf32>
      %and3A_506 = arith.constant -65536 : i32
      %and3A_507 = vector.broadcast %and3A_506 : i32 to vector<16xi32>
      %and3A_508 = arith.andi %get3A_490, %and3A_507 : vector<16xi32>
      %bitcast_convert_type3A_509 = tpu.bitcast %and3A_508 : vector<16xi32> -> vector<16xf32>
      %and3A_510 = arith.constant -65536 : i32
      %and3A_511 = vector.broadcast %and3A_510 : i32 to vector<16xi32>
      %and3A_512 = arith.andi %get3A_496, %and3A_511 : vector<16xi32>
      %bitcast_convert_type3A_513 = tpu.bitcast %and3A_512 : vector<16xi32> -> vector<16xf32>
      %add3A_514 = arith.addf %bitcast_convert_type3A_509, %bitcast_convert_type3A_513 : vector<16xf32>
      %swap3A_515 = arith.index_cast %scan3A_129 : i32 to index
      %swap3A_516 = arith.constant 144 : index
      %swap3A_517 = tpu.vector_load %arg9[%swap3A_515, %swap3A_516] {strides = array<i32>} : memref<32x1024xf32, #tpu.memory_space<vmem>>, vector<1x16xf32>,
      %swap3A_518 = vector.shape_cast %swap3A_517 : vector<1x16xf32> to vector<16xf32>
      %swap3A_519 = vector.shape_cast %add3A_505 : vector<16xf32> to vector<1x16xf32>
      tpu.vector_store %arg9[%swap3A_515, %swap3A_516], %swap3A_519 {add = true, strides = array<i32>} : memref<32x1024xf32, #tpu.memory_space<vmem>>, vector<1x16xf32>,
      %swap3A_520 = arith.index_cast %scan3A_129 : i32 to index
      %swap3A_521 = arith.constant 656 : index
      %swap3A_522 = tpu.vector_load %arg9[%swap3A_520, %swap3A_521] {strides = array<i32>} : memref<32x1024xf32, #tpu.memory_space<vmem>>, vector<1x16xf32>,
      %swap3A_523 = vector.shape_cast %swap3A_522 : vector<1x16xf32> to vector<16xf32>
      %swap3A_524 = vector.shape_cast %add3A_514 : vector<16xf32> to vector<1x16xf32>
      tpu.vector_store %arg9[%swap3A_520, %swap3A_521], %swap3A_524 {add = true, strides = array<i32>} : memref<32x1024xf32, #tpu.memory_space<vmem>>, vector<1x16xf32>,
      %get3A_525 = arith.constant 0 : i32
      %get3A_526 = arith.index_cast %get3A_525 : i32 to index
      %get3A_527 = arith.index_cast %scan3A_129 : i32 to index
      %get3A_528 = arith.constant 160 : index
      %get3A_529 = tpu.vector_load %arg10[%get3A_526, %get3A_527, %get3A_528] {strides = array<i32>} : memref<2x32x512xi32, #tpu.memory_space<vmem>>, vector<1x1x16xi32>,
      %get3A_530 = vector.shape_cast %get3A_529 : vector<1x1x16xi32> to vector<16xi32>
      %get3A_531 = arith.constant 0 : i32
      %get3A_532 = arith.index_cast %get3A_531 : i32 to index
      %get3A_533 = arith.index_cast %scan3A_129 : i32 to index
      %get3A_534 = arith.constant 160 : index
      %get3A_535 = tpu.vector_load %arg11[%get3A_532, %get3A_533, %get3A_534] {strides = array<i32>} : memref<2x32x512xi32, #tpu.memory_space<vmem>>, vector<1x1x16xi32>,
      %get3A_536 = vector.shape_cast %get3A_535 : vector<1x1x16xi32> to vector<16xi32>
      %shift_left3A_537 = arith.constant 16 : i32
      %shift_left3A_538 = vector.broadcast %shift_left3A_537 : i32 to vector<16xi32>
      %shift_left3A_539 = arith.shli %get3A_530, %shift_left3A_538 : vector<16xi32>
      %bitcast_convert_type3A_540 = tpu.bitcast %shift_left3A_539 : vector<16xi32> -> vector<16xf32>
      %shift_left3A_541 = arith.constant 16 : i32
      %shift_left3A_542 = vector.broadcast %shift_left3A_541 : i32 to vector<16xi32>
      %shift_left3A_543 = arith.shli %get3A_536, %shift_left3A_542 : vector<16xi32>
      %bitcast_convert_type3A_544 = tpu.bitcast %shift_left3A_543 : vector<16xi32> -> vector<16xf32>
      %add3A_545 = arith.addf %bitcast_convert_type3A_540, %bitcast_convert_type3A_544 : vector<16xf32>
      %and3A_546 = arith.constant -65536 : i32
      %and3A_547 = vector.broadcast %and3A_546 : i32 to vector<16xi32>
      %and3A_548 = arith.andi %get3A_530, %and3A_547 : vector<16xi32>
      %bitcast_convert_type3A_549 = tpu.bitcast %and3A_548 : vector<16xi32> -> vector<16xf32>
      %and3A_550 = arith.constant -65536 : i32
      %and3A_551 = vector.broadcast %and3A_550 : i32 to vector<16xi32>
      %and3A_552 = arith.andi %get3A_536, %and3A_551 : vector<16xi32>
      %bitcast_convert_type3A_553 = tpu.bitcast %and3A_552 : vector<16xi32> -> vector<16xf32>
      %add3A_554 = arith.addf %bitcast_convert_type3A_549, %bitcast_convert_type3A_553 : vector<16xf32>
      %swap3A_555 = arith.index_cast %scan3A_129 : i32 to index
      %swap3A_556 = arith.constant 160 : index
      %swap3A_557 = tpu.vector_load %arg9[%swap3A_555, %swap3A_556] {strides = array<i32>} : memref<32x1024xf32, #tpu.memory_space<vmem>>, vector<1x16xf32>,
      %swap3A_558 = vector.shape_cast %swap3A_557 : vector<1x16xf32> to vector<16xf32>
      %swap3A_559 = vector.shape_cast %add3A_545 : vector<16xf32> to vector<1x16xf32>
      tpu.vector_store %arg9[%swap3A_555, %swap3A_556], %swap3A_559 {add = true, strides = array<i32>} : memref<32x1024xf32, #tpu.memory_space<vmem>>, vector<1x16xf32>,
      %swap3A_560 = arith.index_cast %scan3A_129 : i32 to index
      %swap3A_561 = arith.constant 672 : index
      %swap3A_562 = tpu.vector_load %arg9[%swap3A_560, %swap3A_561] {strides = array<i32>} : memref<32x1024xf32, #tpu.memory_space<vmem>>, vector<1x16xf32>,
      %swap3A_563 = vector.shape_cast %swap3A_562 : vector<1x16xf32> to vector<16xf32>
      %swap3A_564 = vector.shape_cast %add3A_554 : vector<16xf32> to vector<1x16xf32>
      tpu.vector_store %arg9[%swap3A_560, %swap3A_561], %swap3A_564 {add = true, strides = array<i32>} : memref<32x1024xf32, #tpu.memory_space<vmem>>, vector<1x16xf32>,
      %get3A_565 = arith.constant 0 : i32
      %get3A_566 = arith.index_cast %get3A_565 : i32 to index
      %get3A_567 = arith.index_cast %scan3A_129 : i32 to index
      %get3A_568 = arith.constant 176 : index
      %get3A_569 = tpu.vector_load %arg10[%get3A_566, %get3A_567, %get3A_568] {strides = array<i32>} : memref<2x32x512xi32, #tpu.memory_space<vmem>>, vector<1x1x16xi32>,
      %get3A_570 = vector.shape_cast %get3A_569 : vector<1x1x16xi32> to vector<16xi32>
      %get3A_571 = arith.constant 0 : i32
      %get3A_572 = arith.index_cast %get3A_571 : i32 to index
      %get3A_573 = arith.index_cast %scan3A_129 : i32 to index
      %get3A_574 = arith.constant 176 : index
      %get3A_575 = tpu.vector_load %arg11[%get3A_572, %get3A_573, %get3A_574] {strides = array<i32>} : memref<2x32x512xi32, #tpu.memory_space<vmem>>, vector<1x1x16xi32>,
      %get3A_576 = vector.shape_cast %get3A_575 : vector<1x1x16xi32> to vector<16xi32>
      %shift_left3A_577 = arith.constant 16 : i32
      %shift_left3A_578 = vector.broadcast %shift_left3A_577 : i32 to vector<16xi32>
      %shift_left3A_579 = arith.shli %get3A_570, %shift_left3A_578 : vector<16xi32>
      %bitcast_convert_type3A_580 = tpu.bitcast %shift_left3A_579 : vector<16xi32> -> vector<16xf32>
      %shift_left3A_581 = arith.constant 16 : i32
      %shift_left3A_582 = vector.broadcast %shift_left3A_581 : i32 to vector<16xi32>
      %shift_left3A_583 = arith.shli %get3A_576, %shift_left3A_582 : vector<16xi32>
      %bitcast_convert_type3A_584 = tpu.bitcast %shift_left3A_583 : vector<16xi32> -> vector<16xf32>
      %add3A_585 = arith.addf %bitcast_convert_type3A_580, %bitcast_convert_type3A_584 : vector<16xf32>
      %and3A_586 = arith.constant -65536 : i32
      %and3A_587 = vector.broadcast %and3A_586 : i32 to vector<16xi32>
      %and3A_588 = arith.andi %get3A_570, %and3A_587 : vector<16xi32>
      %bitcast_convert_type3A_589 = tpu.bitcast %and3A_588 : vector<16xi32> -> vector<16xf32>
      %and3A_590 = arith.constant -65536 : i32
      %and3A_591 = vector.broadcast %and3A_590 : i32 to vector<16xi32>
      %and3A_592 = arith.andi %get3A_576, %and3A_591 : vector<16xi32>
      %bitcast_convert_type3A_593 = tpu.bitcast %and3A_592 : vector<16xi32> -> vector<16xf32>
      %add3A_594 = arith.addf %bitcast_convert_type3A_589, %bitcast_convert_type3A_593 : vector<16xf32>
      %swap3A_595 = arith.index_cast %scan3A_129 : i32 to index
      %swap3A_596 = arith.constant 176 : index
      %swap3A_597 = tpu.vector_load %arg9[%swap3A_595, %swap3A_596] {strides = array<i32>} : memref<32x1024xf32, #tpu.memory_space<vmem>>, vector<1x16xf32>,
      %swap3A_598 = vector.shape_cast %swap3A_597 : vector<1x16xf32> to vector<16xf32>
      %swap3A_599 = vector.shape_cast %add3A_585 : vector<16xf32> to vector<1x16xf32>
      tpu.vector_store %arg9[%swap3A_595, %swap3A_596], %swap3A_599 {add = true, strides = array<i32>} : memref<32x1024xf32, #tpu.memory_space<vmem>>, vector<1x16xf32>,
      %swap3A_600 = arith.index_cast %scan3A_129 : i32 to index
      %swap3A_601 = arith.constant 688 : index
      %swap3A_602 = tpu.vector_load %arg9[%swap3A_600, %swap3A_601] {strides = array<i32>} : memref<32x1024xf32, #tpu.memory_space<vmem>>, vector<1x16xf32>,
      %swap3A_603 = vector.shape_cast %swap3A_602 : vector<1x16xf32> to vector<16xf32>
      %swap3A_604 = vector.shape_cast %add3A_594 : vector<16xf32> to vector<1x16xf32>
      tpu.vector_store %arg9[%swap3A_600, %swap3A_601], %swap3A_604 {add = true, strides = array<i32>} : memref<32x1024xf32, #tpu.memory_space<vmem>>, vector<1x16xf32>,
      %get3A_605 = arith.constant 0 : i32
      %get3A_606 = arith.index_cast %get3A_605 : i32 to index
      %get3A_607 = arith.index_cast %scan3A_129 : i32 to index
      %get3A_608 = arith.constant 192 : index
      %get3A_609 = tpu.vector_load %arg10[%get3A_606, %get3A_607, %get3A_608] {strides = array<i32>} : memref<2x32x512xi32, #tpu.memory_space<vmem>>, vector<1x1x16xi32>,
      %get3A_610 = vector.shape_cast %get3A_609 : vector<1x1x16xi32> to vector<16xi32>
      %get3A_611 = arith.constant 0 : i32
      %get3A_612 = arith.index_cast %get3A_611 : i32 to index
      %get3A_613 = arith.index_cast %scan3A_129 : i32 to index
      %get3A_614 = arith.constant 192 : index
      %get3A_615 = tpu.vector_load %arg11[%get3A_612, %get3A_613, %get3A_614] {strides = array<i32>} : memref<2x32x512xi32, #tpu.memory_space<vmem>>, vector<1x1x16xi32>,
      %get3A_616 = vector.shape_cast %get3A_615 : vector<1x1x16xi32> to vector<16xi32>
      %shift_left3A_617 = arith.constant 16 : i32
      %shift_left3A_618 = vector.broadcast %shift_left3A_617 : i32 to vector<16xi32>
      %shift_left3A_619 = arith.shli %get3A_610, %shift_left3A_618 : vector<16xi32>
      %bitcast_convert_type3A_620 = tpu.bitcast %shift_left3A_619 : vector<16xi32> -> vector<16xf32>
      %shift_left3A_621 = arith.constant 16 : i32
      %shift_left3A_622 = vector.broadcast %shift_left3A_621 : i32 to vector<16xi32>
      %shift_left3A_623 = arith.shli %get3A_616, %shift_left3A_622 : vector<16xi32>
      %bitcast_convert_type3A_624 = tpu.bitcast %shift_left3A_623 : vector<16xi32> -> vector<16xf32>
      %add3A_625 = arith.addf %bitcast_convert_type3A_620, %bitcast_convert_type3A_624 : vector<16xf32>
      %and3A_626 = arith.constant -65536 : i32
      %and3A_627 = vector.broadcast %and3A_626 : i32 to vector<16xi32>
      %and3A_628 = arith.andi %get3A_610, %and3A_627 : vector<16xi32>
      %bitcast_convert_type3A_629 = tpu.bitcast %and3A_628 : vector<16xi32> -> vector<16xf32>
      %and3A_630 = arith.constant -65536 : i32
      %and3A_631 = vector.broadcast %and3A_630 : i32 to vector<16xi32>
      %and3A_632 = arith.andi %get3A_616, %and3A_631 : vector<16xi32>
      %bitcast_convert_type3A_633 = tpu.bitcast %and3A_632 : vector<16xi32> -> vector<16xf32>
      %add3A_634 = arith.addf %bitcast_convert_type3A_629, %bitcast_convert_type3A_633 : vector<16xf32>
      %swap3A_635 = arith.index_cast %scan3A_129 : i32 to index
      %swap3A_636 = arith.constant 192 : index
      %swap3A_637 = tpu.vector_load %arg9[%swap3A_635, %swap3A_636] {strides = array<i32>} : memref<32x1024xf32, #tpu.memory_space<vmem>>, vector<1x16xf32>,
      %swap3A_638 = vector.shape_cast %swap3A_637 : vector<1x16xf32> to vector<16xf32>
      %swap3A_639 = vector.shape_cast %add3A_625 : vector<16xf32> to vector<1x16xf32>
      tpu.vector_store %arg9[%swap3A_635, %swap3A_636], %swap3A_639 {add = true, strides = array<i32>} : memref<32x1024xf32, #tpu.memory_space<vmem>>, vector<1x16xf32>,
      %swap3A_640 = arith.index_cast %scan3A_129 : i32 to index
      %swap3A_641 = arith.constant 704 : index
      %swap3A_642 = tpu.vector_load %arg9[%swap3A_640, %swap3A_641] {strides = array<i32>} : memref<32x1024xf32, #tpu.memory_space<vmem>>, vector<1x16xf32>,
      %swap3A_643 = vector.shape_cast %swap3A_642 : vector<1x16xf32> to vector<16xf32>
      %swap3A_644 = vector.shape_cast %add3A_634 : vector<16xf32> to vector<1x16xf32>
      tpu.vector_store %arg9[%swap3A_640, %swap3A_641], %swap3A_644 {add = true, strides = array<i32>} : memref<32x1024xf32, #tpu.memory_space<vmem>>, vector<1x16xf32>,
      %get3A_645 = arith.constant 0 : i32
      %get3A_646 = arith.index_cast %get3A_645 : i32 to index
      %get3A_647 = arith.index_cast %scan3A_129 : i32 to index
      %get3A_648 = arith.constant 208 : index
      %get3A_649 = tpu.vector_load %arg10[%get3A_646, %get3A_647, %get3A_648] {strides = array<i32>} : memref<2x32x512xi32, #tpu.memory_space<vmem>>, vector<1x1x16xi32>,
      %get3A_650 = vector.shape_cast %get3A_649 : vector<1x1x16xi32> to vector<16xi32>
      %get3A_651 = arith.constant 0 : i32
      %get3A_652 = arith.index_cast %get3A_651 : i32 to index
      %get3A_653 = arith.index_cast %scan3A_129 : i32 to index
      %get3A_654 = arith.constant 208 : index
      %get3A_655 = tpu.vector_load %arg11[%get3A_652, %get3A_653, %get3A_654] {strides = array<i32>} : memref<2x32x512xi32, #tpu.memory_space<vmem>>, vector<1x1x16xi32>,
      %get3A_656 = vector.shape_cast %get3A_655 : vector<1x1x16xi32> to vector<16xi32>
      %shift_left3A_657 = arith.constant 16 : i32
      %shift_left3A_658 = vector.broadcast %shift_left3A_657 : i32 to vector<16xi32>
      %shift_left3A_659 = arith.shli %get3A_650, %shift_left3A_658 : vector<16xi32>
      %bitcast_convert_type3A_660 = tpu.bitcast %shift_left3A_659 : vector<16xi32> -> vector<16xf32>
      %shift_left3A_661 = arith.constant 16 : i32
      %shift_left3A_662 = vector.broadcast %shift_left3A_661 : i32 to vector<16xi32>
      %shift_left3A_663 = arith.shli %get3A_656, %shift_left3A_662 : vector<16xi32>
      %bitcast_convert_type3A_664 = tpu.bitcast %shift_left3A_663 : vector<16xi32> -> vector<16xf32>
      %add3A_665 = arith.addf %bitcast_convert_type3A_660, %bitcast_convert_type3A_664 : vector<16xf32>
      %and3A_666 = arith.constant -65536 : i32
      %and3A_667 = vector.broadcast %and3A_666 : i32 to vector<16xi32>
      %and3A_668 = arith.andi %get3A_650, %and3A_667 : vector<16xi32>
      %bitcast_convert_type3A_669 = tpu.bitcast %and3A_668 : vector<16xi32> -> vector<16xf32>
      %and3A_670 = arith.constant -65536 : i32
      %and3A_671 = vector.broadcast %and3A_670 : i32 to vector<16xi32>
      %and3A_672 = arith.andi %get3A_656, %and3A_671 : vector<16xi32>
      %bitcast_convert_type3A_673 = tpu.bitcast %and3A_672 : vector<16xi32> -> vector<16xf32>
      %add3A_674 = arith.addf %bitcast_convert_type3A_669, %bitcast_convert_type3A_673 : vector<16xf32>
      %swap3A_675 = arith.index_cast %scan3A_129 : i32 to index
      %swap3A_676 = arith.constant 208 : index
      %swap3A_677 = tpu.vector_load %arg9[%swap3A_675, %swap3A_676] {strides = array<i32>} : memref<32x1024xf32, #tpu.memory_space<vmem>>, vector<1x16xf32>,
      %swap3A_678 = vector.shape_cast %swap3A_677 : vector<1x16xf32> to vector<16xf32>
      %swap3A_679 = vector.shape_cast %add3A_665 : vector<16xf32> to vector<1x16xf32>
      tpu.vector_store %arg9[%swap3A_675, %swap3A_676], %swap3A_679 {add = true, strides = array<i32>} : memref<32x1024xf32, #tpu.memory_space<vmem>>, vector<1x16xf32>,
      %swap3A_680 = arith.index_cast %scan3A_129 : i32 to index
      %swap3A_681 = arith.constant 720 : index
      %swap3A_682 = tpu.vector_load %arg9[%swap3A_680, %swap3A_681] {strides = array<i32>} : memref<32x1024xf32, #tpu.memory_space<vmem>>, vector<1x16xf32>,
      %swap3A_683 = vector.shape_cast %swap3A_682 : vector<1x16xf32> to vector<16xf32>
      %swap3A_684 = vector.shape_cast %add3A_674 : vector<16xf32> to vector<1x16xf32>
      tpu.vector_store %arg9[%swap3A_680, %swap3A_681], %swap3A_684 {add = true, strides = array<i32>} : memref<32x1024xf32, #tpu.memory_space<vmem>>, vector<1x16xf32>,
      %get3A_685 = arith.constant 0 : i32
      %get3A_686 = arith.index_cast %get3A_685 : i32 to index
      %get3A_687 = arith.index_cast %scan3A_129 : i32 to index
      %get3A_688 = arith.constant 224 : index
      %get3A_689 = tpu.vector_load %arg10[%get3A_686, %get3A_687, %get3A_688] {strides = array<i32>} : memref<2x32x512xi32, #tpu.memory_space<vmem>>, vector<1x1x16xi32>,
      %get3A_690 = vector.shape_cast %get3A_689 : vector<1x1x16xi32> to vector<16xi32>
      %get3A_691 = arith.constant 0 : i32
      %get3A_692 = arith.index_cast %get3A_691 : i32 to index
      %get3A_693 = arith.index_cast %scan3A_129 : i32 to index
      %get3A_694 = arith.constant 224 : index
      %get3A_695 = tpu.vector_load %arg11[%get3A_692, %get3A_693, %get3A_694] {strides = array<i32>} : memref<2x32x512xi32, #tpu.memory_space<vmem>>, vector<1x1x16xi32>,
      %get3A_696 = vector.shape_cast %get3A_695 : vector<1x1x16xi32> to vector<16xi32>
      %shift_left3A_697 = arith.constant 16 : i32
      %shift_left3A_698 = vector.broadcast %shift_left3A_697 : i32 to vector<16xi32>
      %shift_left3A_699 = arith.shli %get3A_690, %shift_left3A_698 : vector<16xi32>
      %bitcast_convert_type3A_700 = tpu.bitcast %shift_left3A_699 : vector<16xi32> -> vector<16xf32>
      %shift_left3A_701 = arith.constant 16 : i32
      %shift_left3A_702 = vector.broadcast %shift_left3A_701 : i32 to vector<16xi32>
      %shift_left3A_703 = arith.shli %get3A_696, %shift_left3A_702 : vector<16xi32>
      %bitcast_convert_type3A_704 = tpu.bitcast %shift_left3A_703 : vector<16xi32> -> vector<16xf32>
      %add3A_705 = arith.addf %bitcast_convert_type3A_700, %bitcast_convert_type3A_704 : vector<16xf32>
      %and3A_706 = arith.constant -65536 : i32
      %and3A_707 = vector.broadcast %and3A_706 : i32 to vector<16xi32>
      %and3A_708 = arith.andi %get3A_690, %and3A_707 : vector<16xi32>
      %bitcast_convert_type3A_709 = tpu.bitcast %and3A_708 : vector<16xi32> -> vector<16xf32>
      %and3A_710 = arith.constant -65536 : i32
      %and3A_711 = vector.broadcast %and3A_710 : i32 to vector<16xi32>
      %and3A_712 = arith.andi %get3A_696, %and3A_711 : vector<16xi32>
      %bitcast_convert_type3A_713 = tpu.bitcast %and3A_712 : vector<16xi32> -> vector<16xf32>
      %add3A_714 = arith.addf %bitcast_convert_type3A_709, %bitcast_convert_type3A_713 : vector<16xf32>
      %swap3A_715 = arith.index_cast %scan3A_129 : i32 to index
      %swap3A_716 = arith.constant 224 : index
      %swap3A_717 = tpu.vector_load %arg9[%swap3A_715, %swap3A_716] {strides = array<i32>} : memref<32x1024xf32, #tpu.memory_space<vmem>>, vector<1x16xf32>,
      %swap3A_718 = vector.shape_cast %swap3A_717 : vector<1x16xf32> to vector<16xf32>
      %swap3A_719 = vector.shape_cast %add3A_705 : vector<16xf32> to vector<1x16xf32>
      tpu.vector_store %arg9[%swap3A_715, %swap3A_716], %swap3A_719 {add = true, strides = array<i32>} : memref<32x1024xf32, #tpu.memory_space<vmem>>, vector<1x16xf32>,
      %swap3A_720 = arith.index_cast %scan3A_129 : i32 to index
      %swap3A_721 = arith.constant 736 : index
      %swap3A_722 = tpu.vector_load %arg9[%swap3A_720, %swap3A_721] {strides = array<i32>} : memref<32x1024xf32, #tpu.memory_space<vmem>>, vector<1x16xf32>,
      %swap3A_723 = vector.shape_cast %swap3A_722 : vector<1x16xf32> to vector<16xf32>
      %swap3A_724 = vector.shape_cast %add3A_714 : vector<16xf32> to vector<1x16xf32>
      tpu.vector_store %arg9[%swap3A_720, %swap3A_721], %swap3A_724 {add = true, strides = array<i32>} : memref<32x1024xf32, #tpu.memory_space<vmem>>, vector<1x16xf32>,
      %get3A_725 = arith.constant 0 : i32
      %get3A_726 = arith.index_cast %get3A_725 : i32 to index
      %get3A_727 = arith.index_cast %scan3A_129 : i32 to index
      %get3A_728 = arith.constant 240 : index
      %get3A_729 = tpu.vector_load %arg10[%get3A_726, %get3A_727, %get3A_728] {strides = array<i32>} : memref<2x32x512xi32, #tpu.memory_space<vmem>>, vector<1x1x16xi32>,
      %get3A_730 = vector.shape_cast %get3A_729 : vector<1x1x16xi32> to vector<16xi32>
      %get3A_731 = arith.constant 0 : i32
      %get3A_732 = arith.index_cast %get3A_731 : i32 to index
      %get3A_733 = arith.index_cast %scan3A_129 : i32 to index
      %get3A_734 = arith.constant 240 : index
      %get3A_735 = tpu.vector_load %arg11[%get3A_732, %get3A_733, %get3A_734] {strides = array<i32>} : memref<2x32x512xi32, #tpu.memory_space<vmem>>, vector<1x1x16xi32>,
      %get3A_736 = vector.shape_cast %get3A_735 : vector<1x1x16xi32> to vector<16xi32>
      %shift_left3A_737 = arith.constant 16 : i32
      %shift_left3A_738 = vector.broadcast %shift_left3A_737 : i32 to vector<16xi32>
      %shift_left3A_739 = arith.shli %get3A_730, %shift_left3A_738 : vector<16xi32>
      %bitcast_convert_type3A_740 = tpu.bitcast %shift_left3A_739 : vector<16xi32> -> vector<16xf32>
      %shift_left3A_741 = arith.constant 16 : i32
      %shift_left3A_742 = vector.broadcast %shift_left3A_741 : i32 to vector<16xi32>
      %shift_left3A_743 = arith.shli %get3A_736, %shift_left3A_742 : vector<16xi32>
      %bitcast_convert_type3A_744 = tpu.bitcast %shift_left3A_743 : vector<16xi32> -> vector<16xf32>
      %add3A_745 = arith.addf %bitcast_convert_type3A_740, %bitcast_convert_type3A_744 : vector<16xf32>
      %and3A_746 = arith.constant -65536 : i32
      %and3A_747 = vector.broadcast %and3A_746 : i32 to vector<16xi32>
      %and3A_748 = arith.andi %get3A_730, %and3A_747 : vector<16xi32>
      %bitcast_convert_type3A_749 = tpu.bitcast %and3A_748 : vector<16xi32> -> vector<16xf32>
      %and3A_750 = arith.constant -65536 : i32
      %and3A_751 = vector.broadcast %and3A_750 : i32 to vector<16xi32>
      %and3A_752 = arith.andi %get3A_736, %and3A_751 : vector<16xi32>
      %bitcast_convert_type3A_753 = tpu.bitcast %and3A_752 : vector<16xi32> -> vector<16xf32>
      %add3A_754 = arith.addf %bitcast_convert_type3A_749, %bitcast_convert_type3A_753 : vector<16xf32>
      %swap3A_755 = arith.index_cast %scan3A_129 : i32 to index
      %swap3A_756 = arith.constant 240 : index
      %swap3A_757 = tpu.vector_load %arg9[%swap3A_755, %swap3A_756] {strides = array<i32>} : memref<32x1024xf32, #tpu.memory_space<vmem>>, vector<1x16xf32>,
      %swap3A_758 = vector.shape_cast %swap3A_757 : vector<1x16xf32> to vector<16xf32>
      %swap3A_759 = vector.shape_cast %add3A_745 : vector<16xf32> to vector<1x16xf32>
      tpu.vector_store %arg9[%swap3A_755, %swap3A_756], %swap3A_759 {add = true, strides = array<i32>} : memref<32x1024xf32, #tpu.memory_space<vmem>>, vector<1x16xf32>,
      %swap3A_760 = arith.index_cast %scan3A_129 : i32 to index
      %swap3A_761 = arith.constant 752 : index
      %swap3A_762 = tpu.vector_load %arg9[%swap3A_760, %swap3A_761] {strides = array<i32>} : memref<32x1024xf32, #tpu.memory_space<vmem>>, vector<1x16xf32>,
      %swap3A_763 = vector.shape_cast %swap3A_762 : vector<1x16xf32> to vector<16xf32>
      %swap3A_764 = vector.shape_cast %add3A_754 : vector<16xf32> to vector<1x16xf32>
      tpu.vector_store %arg9[%swap3A_760, %swap3A_761], %swap3A_764 {add = true, strides = array<i32>} : memref<32x1024xf32, #tpu.memory_space<vmem>>, vector<1x16xf32>,
      %get3A_765 = arith.constant 0 : i32
      %get3A_766 = arith.index_cast %get3A_765 : i32 to index
      %get3A_767 = arith.index_cast %scan3A_129 : i32 to index
      %get3A_768 = arith.constant 256 : index
      %get3A_769 = tpu.vector_load %arg10[%get3A_766, %get3A_767, %get3A_768] {strides = array<i32>} : memref<2x32x512xi32, #tpu.memory_space<vmem>>, vector<1x1x16xi32>,
      %get3A_770 = vector.shape_cast %get3A_769 : vector<1x1x16xi32> to vector<16xi32>
      %get3A_771 = arith.constant 0 : i32
      %get3A_772 = arith.index_cast %get3A_771 : i32 to index
      %get3A_773 = arith.index_cast %scan3A_129 : i32 to index
      %get3A_774 = arith.constant 256 : index
      %get3A_775 = tpu.vector_load %arg11[%get3A_772, %get3A_773, %get3A_774] {strides = array<i32>} : memref<2x32x512xi32, #tpu.memory_space<vmem>>, vector<1x1x16xi32>,
      %get3A_776 = vector.shape_cast %get3A_775 : vector<1x1x16xi32> to vector<16xi32>
      %shift_left3A_777 = arith.constant 16 : i32
      %shift_left3A_778 = vector.broadcast %shift_left3A_777 : i32 to vector<16xi32>
      %shift_left3A_779 = arith.shli %get3A_770, %shift_left3A_778 : vector<16xi32>
      %bitcast_convert_type3A_780 = tpu.bitcast %shift_left3A_779 : vector<16xi32> -> vector<16xf32>
      %shift_left3A_781 = arith.constant 16 : i32
      %shift_left3A_782 = vector.broadcast %shift_left3A_781 : i32 to vector<16xi32>
      %shift_left3A_783 = arith.shli %get3A_776, %shift_left3A_782 : vector<16xi32>
      %bitcast_convert_type3A_784 = tpu.bitcast %shift_left3A_783 : vector<16xi32> -> vector<16xf32>
      %add3A_785 = arith.addf %bitcast_convert_type3A_780, %bitcast_convert_type3A_784 : vector<16xf32>
      %and3A_786 = arith.constant -65536 : i32
      %and3A_787 = vector.broadcast %and3A_786 : i32 to vector<16xi32>
      %and3A_788 = arith.andi %get3A_770, %and3A_787 : vector<16xi32>
      %bitcast_convert_type3A_789 = tpu.bitcast %and3A_788 : vector<16xi32> -> vector<16xf32>
      %and3A_790 = arith.constant -65536 : i32
      %and3A_791 = vector.broadcast %and3A_790 : i32 to vector<16xi32>
      %and3A_792 = arith.andi %get3A_776, %and3A_791 : vector<16xi32>
      %bitcast_convert_type3A_793 = tpu.bitcast %and3A_792 : vector<16xi32> -> vector<16xf32>
      %add3A_794 = arith.addf %bitcast_convert_type3A_789, %bitcast_convert_type3A_793 : vector<16xf32>
      %swap3A_795 = arith.index_cast %scan3A_129 : i32 to index
      %swap3A_796 = arith.constant 256 : index
      %swap3A_797 = tpu.vector_load %arg9[%swap3A_795, %swap3A_796] {strides = array<i32>} : memref<32x1024xf32, #tpu.memory_space<vmem>>, vector<1x16xf32>,
      %swap3A_798 = vector.shape_cast %swap3A_797 : vector<1x16xf32> to vector<16xf32>
      %swap3A_799 = vector.shape_cast %add3A_785 : vector<16xf32> to vector<1x16xf32>
      tpu.vector_store %arg9[%swap3A_795, %swap3A_796], %swap3A_799 {add = true, strides = array<i32>} : memref<32x1024xf32, #tpu.memory_space<vmem>>, vector<1x16xf32>,
      %swap3A_800 = arith.index_cast %scan3A_129 : i32 to index
      %swap3A_801 = arith.constant 768 : index
      %swap3A_802 = tpu.vector_load %arg9[%swap3A_800, %swap3A_801] {strides = array<i32>} : memref<32x1024xf32, #tpu.memory_space<vmem>>, vector<1x16xf32>,
      %swap3A_803 = vector.shape_cast %swap3A_802 : vector<1x16xf32> to vector<16xf32>
      %swap3A_804 = vector.shape_cast %add3A_794 : vector<16xf32> to vector<1x16xf32>
      tpu.vector_store %arg9[%swap3A_800, %swap3A_801], %swap3A_804 {add = true, strides = array<i32>} : memref<32x1024xf32, #tpu.memory_space<vmem>>, vector<1x16xf32>,
      %get3A_805 = arith.constant 0 : i32
      %get3A_806 = arith.index_cast %get3A_805 : i32 to index
      %get3A_807 = arith.index_cast %scan3A_129 : i32 to index
      %get3A_808 = arith.constant 272 : index
      %get3A_809 = tpu.vector_load %arg10[%get3A_806, %get3A_807, %get3A_808] {strides = array<i32>} : memref<2x32x512xi32, #tpu.memory_space<vmem>>, vector<1x1x16xi32>,
      %get3A_810 = vector.shape_cast %get3A_809 : vector<1x1x16xi32> to vector<16xi32>
      %get3A_811 = arith.constant 0 : i32
      %get3A_812 = arith.index_cast %get3A_811 : i32 to index
      %get3A_813 = arith.index_cast %scan3A_129 : i32 to index
      %get3A_814 = arith.constant 272 : index
      %get3A_815 = tpu.vector_load %arg11[%get3A_812, %get3A_813, %get3A_814] {strides = array<i32>} : memref<2x32x512xi32, #tpu.memory_space<vmem>>, vector<1x1x16xi32>,
      %get3A_816 = vector.shape_cast %get3A_815 : vector<1x1x16xi32> to vector<16xi32>
      %shift_left3A_817 = arith.constant 16 : i32
      %shift_left3A_818 = vector.broadcast %shift_left3A_817 : i32 to vector<16xi32>
      %shift_left3A_819 = arith.shli %get3A_810, %shift_left3A_818 : vector<16xi32>
      %bitcast_convert_type3A_820 = tpu.bitcast %shift_left3A_819 : vector<16xi32> -> vector<16xf32>
      %shift_left3A_821 = arith.constant 16 : i32
      %shift_left3A_822 = vector.broadcast %shift_left3A_821 : i32 to vector<16xi32>
      %shift_left3A_823 = arith.shli %get3A_816, %shift_left3A_822 : vector<16xi32>
      %bitcast_convert_type3A_824 = tpu.bitcast %shift_left3A_823 : vector<16xi32> -> vector<16xf32>
      %add3A_825 = arith.addf %bitcast_convert_type3A_820, %bitcast_convert_type3A_824 : vector<16xf32>
      %and3A_826 = arith.constant -65536 : i32
      %and3A_827 = vector.broadcast %and3A_826 : i32 to vector<16xi32>
      %and3A_828 = arith.andi %get3A_810, %and3A_827 : vector<16xi32>
      %bitcast_convert_type3A_829 = tpu.bitcast %and3A_828 : vector<16xi32> -> vector<16xf32>
      %and3A_830 = arith.constant -65536 : i32
      %and3A_831 = vector.broadcast %and3A_830 : i32 to vector<16xi32>
      %and3A_832 = arith.andi %get3A_816, %and3A_831 : vector<16xi32>
      %bitcast_convert_type3A_833 = tpu.bitcast %and3A_832 : vector<16xi32> -> vector<16xf32>
      %add3A_834 = arith.addf %bitcast_convert_type3A_829, %bitcast_convert_type3A_833 : vector<16xf32>
      %swap3A_835 = arith.index_cast %scan3A_129 : i32 to index
      %swap3A_836 = arith.constant 272 : index
      %swap3A_837 = tpu.vector_load %arg9[%swap3A_835, %swap3A_836] {strides = array<i32>} : memref<32x1024xf32, #tpu.memory_space<vmem>>, vector<1x16xf32>,
      %swap3A_838 = vector.shape_cast %swap3A_837 : vector<1x16xf32> to vector<16xf32>
      %swap3A_839 = vector.shape_cast %add3A_825 : vector<16xf32> to vector<1x16xf32>
      tpu.vector_store %arg9[%swap3A_835, %swap3A_836], %swap3A_839 {add = true, strides = array<i32>} : memref<32x1024xf32, #tpu.memory_space<vmem>>, vector<1x16xf32>,
      %swap3A_840 = arith.index_cast %scan3A_129 : i32 to index
      %swap3A_841 = arith.constant 784 : index
      %swap3A_842 = tpu.vector_load %arg9[%swap3A_840, %swap3A_841] {strides = array<i32>} : memref<32x1024xf32, #tpu.memory_space<vmem>>, vector<1x16xf32>,
      %swap3A_843 = vector.shape_cast %swap3A_842 : vector<1x16xf32> to vector<16xf32>
      %swap3A_844 = vector.shape_cast %add3A_834 : vector<16xf32> to vector<1x16xf32>
      tpu.vector_store %arg9[%swap3A_840, %swap3A_841], %swap3A_844 {add = true, strides = array<i32>} : memref<32x1024xf32, #tpu.memory_space<vmem>>, vector<1x16xf32>,
      %get3A_845 = arith.constant 0 : i32
      %get3A_846 = arith.index_cast %get3A_845 : i32 to index
      %get3A_847 = arith.index_cast %scan3A_129 : i32 to index
      %get3A_848 = arith.constant 288 : index
      %get3A_849 = tpu.vector_load %arg10[%get3A_846, %get3A_847, %get3A_848] {strides = array<i32>} : memref<2x32x512xi32, #tpu.memory_space<vmem>>, vector<1x1x16xi32>,
      %get3A_850 = vector.shape_cast %get3A_849 : vector<1x1x16xi32> to vector<16xi32>
      %get3A_851 = arith.constant 0 : i32
      %get3A_852 = arith.index_cast %get3A_851 : i32 to index
      %get3A_853 = arith.index_cast %scan3A_129 : i32 to index
      %get3A_854 = arith.constant 288 : index
      %get3A_855 = tpu.vector_load %arg11[%get3A_852, %get3A_853, %get3A_854] {strides = array<i32>} : memref<2x32x512xi32, #tpu.memory_space<vmem>>, vector<1x1x16xi32>,
      %get3A_856 = vector.shape_cast %get3A_855 : vector<1x1x16xi32> to vector<16xi32>
      %shift_left3A_857 = arith.constant 16 : i32
      %shift_left3A_858 = vector.broadcast %shift_left3A_857 : i32 to vector<16xi32>
      %shift_left3A_859 = arith.shli %get3A_850, %shift_left3A_858 : vector<16xi32>
      %bitcast_convert_type3A_860 = tpu.bitcast %shift_left3A_859 : vector<16xi32> -> vector<16xf32>
      %shift_left3A_861 = arith.constant 16 : i32
      %shift_left3A_862 = vector.broadcast %shift_left3A_861 : i32 to vector<16xi32>
      %shift_left3A_863 = arith.shli %get3A_856, %shift_left3A_862 : vector<16xi32>
      %bitcast_convert_type3A_864 = tpu.bitcast %shift_left3A_863 : vector<16xi32> -> vector<16xf32>
      %add3A_865 = arith.addf %bitcast_convert_type3A_860, %bitcast_convert_type3A_864 : vector<16xf32>
      %and3A_866 = arith.constant -65536 : i32
      %and3A_867 = vector.broadcast %and3A_866 : i32 to vector<16xi32>
      %and3A_868 = arith.andi %get3A_850, %and3A_867 : vector<16xi32>
      %bitcast_convert_type3A_869 = tpu.bitcast %and3A_868 : vector<16xi32> -> vector<16xf32>
      %and3A_870 = arith.constant -65536 : i32
      %and3A_871 = vector.broadcast %and3A_870 : i32 to vector<16xi32>
      %and3A_872 = arith.andi %get3A_856, %and3A_871 : vector<16xi32>
      %bitcast_convert_type3A_873 = tpu.bitcast %and3A_872 : vector<16xi32> -> vector<16xf32>
      %add3A_874 = arith.addf %bitcast_convert_type3A_869, %bitcast_convert_type3A_873 : vector<16xf32>
      %swap3A_875 = arith.index_cast %scan3A_129 : i32 to index
      %swap3A_876 = arith.constant 288 : index
      %swap3A_877 = tpu.vector_load %arg9[%swap3A_875, %swap3A_876] {strides = array<i32>} : memref<32x1024xf32, #tpu.memory_space<vmem>>, vector<1x16xf32>,
      %swap3A_878 = vector.shape_cast %swap3A_877 : vector<1x16xf32> to vector<16xf32>
      %swap3A_879 = vector.shape_cast %add3A_865 : vector<16xf32> to vector<1x16xf32>
      tpu.vector_store %arg9[%swap3A_875, %swap3A_876], %swap3A_879 {add = true, strides = array<i32>} : memref<32x1024xf32, #tpu.memory_space<vmem>>, vector<1x16xf32>,
      %swap3A_880 = arith.index_cast %scan3A_129 : i32 to index
      %swap3A_881 = arith.constant 800 : index
      %swap3A_882 = tpu.vector_load %arg9[%swap3A_880, %swap3A_881] {strides = array<i32>} : memref<32x1024xf32, #tpu.memory_space<vmem>>, vector<1x16xf32>,
      %swap3A_883 = vector.shape_cast %swap3A_882 : vector<1x16xf32> to vector<16xf32>
      %swap3A_884 = vector.shape_cast %add3A_874 : vector<16xf32> to vector<1x16xf32>
      tpu.vector_store %arg9[%swap3A_880, %swap3A_881], %swap3A_884 {add = true, strides = array<i32>} : memref<32x1024xf32, #tpu.memory_space<vmem>>, vector<1x16xf32>,
      %get3A_885 = arith.constant 0 : i32
      %get3A_886 = arith.index_cast %get3A_885 : i32 to index
      %get3A_887 = arith.index_cast %scan3A_129 : i32 to index
      %get3A_888 = arith.constant 304 : index
      %get3A_889 = tpu.vector_load %arg10[%get3A_886, %get3A_887, %get3A_888] {strides = array<i32>} : memref<2x32x512xi32, #tpu.memory_space<vmem>>, vector<1x1x16xi32>,
      %get3A_890 = vector.shape_cast %get3A_889 : vector<1x1x16xi32> to vector<16xi32>
      %get3A_891 = arith.constant 0 : i32
      %get3A_892 = arith.index_cast %get3A_891 : i32 to index
      %get3A_893 = arith.index_cast %scan3A_129 : i32 to index
      %get3A_894 = arith.constant 304 : index
      %get3A_895 = tpu.vector_load %arg11[%get3A_892, %get3A_893, %get3A_894] {strides = array<i32>} : memref<2x32x512xi32, #tpu.memory_space<vmem>>, vector<1x1x16xi32>,
      %get3A_896 = vector.shape_cast %get3A_895 : vector<1x1x16xi32> to vector<16xi32>
      %shift_left3A_897 = arith.constant 16 : i32
      %shift_left3A_898 = vector.broadcast %shift_left3A_897 : i32 to vector<16xi32>
      %shift_left3A_899 = arith.shli %get3A_890, %shift_left3A_898 : vector<16xi32>
      %bitcast_convert_type3A_900 = tpu.bitcast %shift_left3A_899 : vector<16xi32> -> vector<16xf32>
      %shift_left3A_901 = arith.constant 16 : i32
      %shift_left3A_902 = vector.broadcast %shift_left3A_901 : i32 to vector<16xi32>
      %shift_left3A_903 = arith.shli %get3A_896, %shift_left3A_902 : vector<16xi32>
      %bitcast_convert_type3A_904 = tpu.bitcast %shift_left3A_903 : vector<16xi32> -> vector<16xf32>
      %add3A_905 = arith.addf %bitcast_convert_type3A_900, %bitcast_convert_type3A_904 : vector<16xf32>
      %and3A_906 = arith.constant -65536 : i32
      %and3A_907 = vector.broadcast %and3A_906 : i32 to vector<16xi32>
      %and3A_908 = arith.andi %get3A_890, %and3A_907 : vector<16xi32>
      %bitcast_convert_type3A_909 = tpu.bitcast %and3A_908 : vector<16xi32> -> vector<16xf32>
      %and3A_910 = arith.constant -65536 : i32
      %and3A_911 = vector.broadcast %and3A_910 : i32 to vector<16xi32>
      %and3A_912 = arith.andi %get3A_896, %and3A_911 : vector<16xi32>
      %bitcast_convert_type3A_913 = tpu.bitcast %and3A_912 : vector<16xi32> -> vector<16xf32>
      %add3A_914 = arith.addf %bitcast_convert_type3A_909, %bitcast_convert_type3A_913 : vector<16xf32>
      %swap3A_915 = arith.index_cast %scan3A_129 : i32 to index
      %swap3A_916 = arith.constant 304 : index
      %swap3A_917 = tpu.vector_load %arg9[%swap3A_915, %swap3A_916] {strides = array<i32>} : memref<32x1024xf32, #tpu.memory_space<vmem>>, vector<1x16xf32>,
      %swap3A_918 = vector.shape_cast %swap3A_917 : vector<1x16xf32> to vector<16xf32>
      %swap3A_919 = vector.shape_cast %add3A_905 : vector<16xf32> to vector<1x16xf32>
      tpu.vector_store %arg9[%swap3A_915, %swap3A_916], %swap3A_919 {add = true, strides = array<i32>} : memref<32x1024xf32, #tpu.memory_space<vmem>>, vector<1x16xf32>,
      %swap3A_920 = arith.index_cast %scan3A_129 : i32 to index
      %swap3A_921 = arith.constant 816 : index
      %swap3A_922 = tpu.vector_load %arg9[%swap3A_920, %swap3A_921] {strides = array<i32>} : memref<32x1024xf32, #tpu.memory_space<vmem>>, vector<1x16xf32>,
      %swap3A_923 = vector.shape_cast %swap3A_922 : vector<1x16xf32> to vector<16xf32>
      %swap3A_924 = vector.shape_cast %add3A_914 : vector<16xf32> to vector<1x16xf32>
      tpu.vector_store %arg9[%swap3A_920, %swap3A_921], %swap3A_924 {add = true, strides = array<i32>} : memref<32x1024xf32, #tpu.memory_space<vmem>>, vector<1x16xf32>,
      %get3A_925 = arith.constant 0 : i32
      %get3A_926 = arith.index_cast %get3A_925 : i32 to index
      %get3A_927 = arith.index_cast %scan3A_129 : i32 to index
      %get3A_928 = arith.constant 320 : index
      %get3A_929 = tpu.vector_load %arg10[%get3A_926, %get3A_927, %get3A_928] {strides = array<i32>} : memref<2x32x512xi32, #tpu.memory_space<vmem>>, vector<1x1x16xi32>,
      %get3A_930 = vector.shape_cast %get3A_929 : vector<1x1x16xi32> to vector<16xi32>
      %get3A_931 = arith.constant 0 : i32
      %get3A_932 = arith.index_cast %get3A_931 : i32 to index
      %get3A_933 = arith.index_cast %scan3A_129 : i32 to index
      %get3A_934 = arith.constant 320 : index
      %get3A_935 = tpu.vector_load %arg11[%get3A_932, %get3A_933, %get3A_934] {strides = array<i32>} : memref<2x32x512xi32, #tpu.memory_space<vmem>>, vector<1x1x16xi32>,
      %get3A_936 = vector.shape_cast %get3A_935 : vector<1x1x16xi32> to vector<16xi32>
      %shift_left3A_937 = arith.constant 16 : i32
      %shift_left3A_938 = vector.broadcast %shift_left3A_937 : i32 to vector<16xi32>
      %shift_left3A_939 = arith.shli %get3A_930, %shift_left3A_938 : vector<16xi32>
      %bitcast_convert_type3A_940 = tpu.bitcast %shift_left3A_939 : vector<16xi32> -> vector<16xf32>
      %shift_left3A_941 = arith.constant 16 : i32
      %shift_left3A_942 = vector.broadcast %shift_left3A_941 : i32 to vector<16xi32>
      %shift_left3A_943 = arith.shli %get3A_936, %shift_left3A_942 : vector<16xi32>
      %bitcast_convert_type3A_944 = tpu.bitcast %shift_left3A_943 : vector<16xi32> -> vector<16xf32>
      %add3A_945 = arith.addf %bitcast_convert_type3A_940, %bitcast_convert_type3A_944 : vector<16xf32>
      %and3A_946 = arith.constant -65536 : i32
      %and3A_947 = vector.broadcast %and3A_946 : i32 to vector<16xi32>
      %and3A_948 = arith.andi %get3A_930, %and3A_947 : vector<16xi32>
      %bitcast_convert_type3A_949 = tpu.bitcast %and3A_948 : vector<16xi32> -> vector<16xf32>
      %and3A_950 = arith.constant -65536 : i32
      %and3A_951 = vector.broadcast %and3A_950 : i32 to vector<16xi32>
      %and3A_952 = arith.andi %get3A_936, %and3A_951 : vector<16xi32>
      %bitcast_convert_type3A_953 = tpu.bitcast %and3A_952 : vector<16xi32> -> vector<16xf32>
      %add3A_954 = arith.addf %bitcast_convert_type3A_949, %bitcast_convert_type3A_953 : vector<16xf32>
      %swap3A_955 = arith.index_cast %scan3A_129 : i32 to index
      %swap3A_956 = arith.constant 320 : index
      %swap3A_957 = tpu.vector_load %arg9[%swap3A_955, %swap3A_956] {strides = array<i32>} : memref<32x1024xf32, #tpu.memory_space<vmem>>, vector<1x16xf32>,
      %swap3A_958 = vector.shape_cast %swap3A_957 : vector<1x16xf32> to vector<16xf32>
      %swap3A_959 = vector.shape_cast %add3A_945 : vector<16xf32> to vector<1x16xf32>
      tpu.vector_store %arg9[%swap3A_955, %swap3A_956], %swap3A_959 {add = true, strides = array<i32>} : memref<32x1024xf32, #tpu.memory_space<vmem>>, vector<1x16xf32>,
      %swap3A_960 = arith.index_cast %scan3A_129 : i32 to index
      %swap3A_961 = arith.constant 832 : index
      %swap3A_962 = tpu.vector_load %arg9[%swap3A_960, %swap3A_961] {strides = array<i32>} : memref<32x1024xf32, #tpu.memory_space<vmem>>, vector<1x16xf32>,
      %swap3A_963 = vector.shape_cast %swap3A_962 : vector<1x16xf32> to vector<16xf32>
      %swap3A_964 = vector.shape_cast %add3A_954 : vector<16xf32> to vector<1x16xf32>
      tpu.vector_store %arg9[%swap3A_960, %swap3A_961], %swap3A_964 {add = true, strides = array<i32>} : memref<32x1024xf32, #tpu.memory_space<vmem>>, vector<1x16xf32>,
      %get3A_965 = arith.constant 0 : i32
      %get3A_966 = arith.index_cast %get3A_965 : i32 to index
      %get3A_967 = arith.index_cast %scan3A_129 : i32 to index
      %get3A_968 = arith.constant 336 : index
      %get3A_969 = tpu.vector_load %arg10[%get3A_966, %get3A_967, %get3A_968] {strides = array<i32>} : memref<2x32x512xi32, #tpu.memory_space<vmem>>, vector<1x1x16xi32>,
      %get3A_970 = vector.shape_cast %get3A_969 : vector<1x1x16xi32> to vector<16xi32>
      %get3A_971 = arith.constant 0 : i32
      %get3A_972 = arith.index_cast %get3A_971 : i32 to index
      %get3A_973 = arith.index_cast %scan3A_129 : i32 to index
      %get3A_974 = arith.constant 336 : index
      %get3A_975 = tpu.vector_load %arg11[%get3A_972, %get3A_973, %get3A_974] {strides = array<i32>} : memref<2x32x512xi32, #tpu.memory_space<vmem>>, vector<1x1x16xi32>,
      %get3A_976 = vector.shape_cast %get3A_975 : vector<1x1x16xi32> to vector<16xi32>
      %shift_left3A_977 = arith.constant 16 : i32
      %shift_left3A_978 = vector.broadcast %shift_left3A_977 : i32 to vector<16xi32>
      %shift_left3A_979 = arith.shli %get3A_970, %shift_left3A_978 : vector<16xi32>
      %bitcast_convert_type3A_980 = tpu.bitcast %shift_left3A_979 : vector<16xi32> -> vector<16xf32>
      %shift_left3A_981 = arith.constant 16 : i32
      %shift_left3A_982 = vector.broadcast %shift_left3A_981 : i32 to vector<16xi32>
      %shift_left3A_983 = arith.shli %get3A_976, %shift_left3A_982 : vector<16xi32>
      %bitcast_convert_type3A_984 = tpu.bitcast %shift_left3A_983 : vector<16xi32> -> vector<16xf32>
      %add3A_985 = arith.addf %bitcast_convert_type3A_980, %bitcast_convert_type3A_984 : vector<16xf32>
      %and3A_986 = arith.constant -65536 : i32
      %and3A_987 = vector.broadcast %and3A_986 : i32 to vector<16xi32>
      %and3A_988 = arith.andi %get3A_970, %and3A_987 : vector<16xi32>
      %bitcast_convert_type3A_989 = tpu.bitcast %and3A_988 : vector<16xi32> -> vector<16xf32>
      %and3A_990 = arith.constant -65536 : i32
      %and3A_991 = vector.broadcast %and3A_990 : i32 to vector<16xi32>
      %and3A_992 = arith.andi %get3A_976, %and3A_991 : vector<16xi32>
      %bitcast_convert_type3A_993 = tpu.bitcast %and3A_992 : vector<16xi32> -> vector<16xf32>
      %add3A_994 = arith.addf %bitcast_convert_type3A_989, %bitcast_convert_type3A_993 : vector<16xf32>
      %swap3A_995 = arith.index_cast %scan3A_129 : i32 to index
      %swap3A_996 = arith.constant 336 : index
      %swap3A_997 = tpu.vector_load %arg9[%swap3A_995, %swap3A_996] {strides = array<i32>} : memref<32x1024xf32, #tpu.memory_space<vmem>>, vector<1x16xf32>,
      %swap3A_998 = vector.shape_cast %swap3A_997 : vector<1x16xf32> to vector<16xf32>
      %swap3A_999 = vector.shape_cast %add3A_985 : vector<16xf32> to vector<1x16xf32>
      tpu.vector_store %arg9[%swap3A_995, %swap3A_996], %swap3A_999 {add = true, strides = array<i32>} : memref<32x1024xf32, #tpu.memory_space<vmem>>, vector<1x16xf32>,
      %swap3A_1000 = arith.index_cast %scan3A_129 : i32 to index
      %swap3A_1001 = arith.constant 848 : index
      %swap3A_1002 = tpu.vector_load %arg9[%swap3A_1000, %swap3A_1001] {strides = array<i32>} : memref<32x1024xf32, #tpu.memory_space<vmem>>, vector<1x16xf32>,
      %swap3A_1003 = vector.shape_cast %swap3A_1002 : vector<1x16xf32> to vector<16xf32>
      %swap3A_1004 = vector.shape_cast %add3A_994 : vector<16xf32> to vector<1x16xf32>
      tpu.vector_store %arg9[%swap3A_1000, %swap3A_1001], %swap3A_1004 {add = true, strides = array<i32>} : memref<32x1024xf32, #tpu.memory_space<vmem>>, vector<1x16xf32>,
      %get3A_1005 = arith.constant 0 : i32
      %get3A_1006 = arith.index_cast %get3A_1005 : i32 to index
      %get3A_1007 = arith.index_cast %scan3A_129 : i32 to index
      %get3A_1008 = arith.constant 352 : index
      %get3A_1009 = tpu.vector_load %arg10[%get3A_1006, %get3A_1007, %get3A_1008] {strides = array<i32>} : memref<2x32x512xi32, #tpu.memory_space<vmem>>, vector<1x1x16xi32>,
      %get3A_1010 = vector.shape_cast %get3A_1009 : vector<1x1x16xi32> to vector<16xi32>
      %get3A_1011 = arith.constant 0 : i32
      %get3A_1012 = arith.index_cast %get3A_1011 : i32 to index
      %get3A_1013 = arith.index_cast %scan3A_129 : i32 to index
      %get3A_1014 = arith.constant 352 : index
      %get3A_1015 = tpu.vector_load %arg11[%get3A_1012, %get3A_1013, %get3A_1014] {strides = array<i32>} : memref<2x32x512xi32, #tpu.memory_space<vmem>>, vector<1x1x16xi32>,
      %get3A_1016 = vector.shape_cast %get3A_1015 : vector<1x1x16xi32> to vector<16xi32>
      %shift_left3A_1017 = arith.constant 16 : i32
      %shift_left3A_1018 = vector.broadcast %shift_left3A_1017 : i32 to vector<16xi32>
      %shift_left3A_1019 = arith.shli %get3A_1010, %shift_left3A_1018 : vector<16xi32>
      %bitcast_convert_type3A_1020 = tpu.bitcast %shift_left3A_1019 : vector<16xi32> -> vector<16xf32>
      %shift_left3A_1021 = arith.constant 16 : i32
      %shift_left3A_1022 = vector.broadcast %shift_left3A_1021 : i32 to vector<16xi32>
      %shift_left3A_1023 = arith.shli %get3A_1016, %shift_left3A_1022 : vector<16xi32>
      %bitcast_convert_type3A_1024 = tpu.bitcast %shift_left3A_1023 : vector<16xi32> -> vector<16xf32>
      %add3A_1025 = arith.addf %bitcast_convert_type3A_1020, %bitcast_convert_type3A_1024 : vector<16xf32>
      %and3A_1026 = arith.constant -65536 : i32
      %and3A_1027 = vector.broadcast %and3A_1026 : i32 to vector<16xi32>
      %and3A_1028 = arith.andi %get3A_1010, %and3A_1027 : vector<16xi32>
      %bitcast_convert_type3A_1029 = tpu.bitcast %and3A_1028 : vector<16xi32> -> vector<16xf32>
      %and3A_1030 = arith.constant -65536 : i32
      %and3A_1031 = vector.broadcast %and3A_1030 : i32 to vector<16xi32>
      %and3A_1032 = arith.andi %get3A_1016, %and3A_1031 : vector<16xi32>
      %bitcast_convert_type3A_1033 = tpu.bitcast %and3A_1032 : vector<16xi32> -> vector<16xf32>
      %add3A_1034 = arith.addf %bitcast_convert_type3A_1029, %bitcast_convert_type3A_1033 : vector<16xf32>
      %swap3A_1035 = arith.index_cast %scan3A_129 : i32 to index
      %swap3A_1036 = arith.constant 352 : index
      %swap3A_1037 = tpu.vector_load %arg9[%swap3A_1035, %swap3A_1036] {strides = array<i32>} : memref<32x1024xf32, #tpu.memory_space<vmem>>, vector<1x16xf32>,
      %swap3A_1038 = vector.shape_cast %swap3A_1037 : vector<1x16xf32> to vector<16xf32>
      %swap3A_1039 = vector.shape_cast %add3A_1025 : vector<16xf32> to vector<1x16xf32>
      tpu.vector_store %arg9[%swap3A_1035, %swap3A_1036], %swap3A_1039 {add = true, strides = array<i32>} : memref<32x1024xf32, #tpu.memory_space<vmem>>, vector<1x16xf32>,
      %swap3A_1040 = arith.index_cast %scan3A_129 : i32 to index
      %swap3A_1041 = arith.constant 864 : index
      %swap3A_1042 = tpu.vector_load %arg9[%swap3A_1040, %swap3A_1041] {strides = array<i32>} : memref<32x1024xf32, #tpu.memory_space<vmem>>, vector<1x16xf32>,
      %swap3A_1043 = vector.shape_cast %swap3A_1042 : vector<1x16xf32> to vector<16xf32>
      %swap3A_1044 = vector.shape_cast %add3A_1034 : vector<16xf32> to vector<1x16xf32>
      tpu.vector_store %arg9[%swap3A_1040, %swap3A_1041], %swap3A_1044 {add = true, strides = array<i32>} : memref<32x1024xf32, #tpu.memory_space<vmem>>, vector<1x16xf32>,
      %get3A_1045 = arith.constant 0 : i32
      %get3A_1046 = arith.index_cast %get3A_1045 : i32 to index
      %get3A_1047 = arith.index_cast %scan3A_129 : i32 to index
      %get3A_1048 = arith.constant 368 : index
      %get3A_1049 = tpu.vector_load %arg10[%get3A_1046, %get3A_1047, %get3A_1048] {strides = array<i32>} : memref<2x32x512xi32, #tpu.memory_space<vmem>>, vector<1x1x16xi32>,
      %get3A_1050 = vector.shape_cast %get3A_1049 : vector<1x1x16xi32> to vector<16xi32>
      %get3A_1051 = arith.constant 0 : i32
      %get3A_1052 = arith.index_cast %get3A_1051 : i32 to index
      %get3A_1053 = arith.index_cast %scan3A_129 : i32 to index
      %get3A_1054 = arith.constant 368 : index
      %get3A_1055 = tpu.vector_load %arg11[%get3A_1052, %get3A_1053, %get3A_1054] {strides = array<i32>} : memref<2x32x512xi32, #tpu.memory_space<vmem>>, vector<1x1x16xi32>,
      %get3A_1056 = vector.shape_cast %get3A_1055 : vector<1x1x16xi32> to vector<16xi32>
      %shift_left3A_1057 = arith.constant 16 : i32
      %shift_left3A_1058 = vector.broadcast %shift_left3A_1057 : i32 to vector<16xi32>
      %shift_left3A_1059 = arith.shli %get3A_1050, %shift_left3A_1058 : vector<16xi32>
      %bitcast_convert_type3A_1060 = tpu.bitcast %shift_left3A_1059 : vector<16xi32> -> vector<16xf32>
      %shift_left3A_1061 = arith.constant 16 : i32
      %shift_left3A_1062 = vector.broadcast %shift_left3A_1061 : i32 to vector<16xi32>
      %shift_left3A_1063 = arith.shli %get3A_1056, %shift_left3A_1062 : vector<16xi32>
      %bitcast_convert_type3A_1064 = tpu.bitcast %shift_left3A_1063 : vector<16xi32> -> vector<16xf32>
      %add3A_1065 = arith.addf %bitcast_convert_type3A_1060, %bitcast_convert_type3A_1064 : vector<16xf32>
      %and3A_1066 = arith.constant -65536 : i32
      %and3A_1067 = vector.broadcast %and3A_1066 : i32 to vector<16xi32>
      %and3A_1068 = arith.andi %get3A_1050, %and3A_1067 : vector<16xi32>
      %bitcast_convert_type3A_1069 = tpu.bitcast %and3A_1068 : vector<16xi32> -> vector<16xf32>
      %and3A_1070 = arith.constant -65536 : i32
      %and3A_1071 = vector.broadcast %and3A_1070 : i32 to vector<16xi32>
      %and3A_1072 = arith.andi %get3A_1056, %and3A_1071 : vector<16xi32>
      %bitcast_convert_type3A_1073 = tpu.bitcast %and3A_1072 : vector<16xi32> -> vector<16xf32>
      %add3A_1074 = arith.addf %bitcast_convert_type3A_1069, %bitcast_convert_type3A_1073 : vector<16xf32>
      %swap3A_1075 = arith.index_cast %scan3A_129 : i32 to index
      %swap3A_1076 = arith.constant 368 : index
      %swap3A_1077 = tpu.vector_load %arg9[%swap3A_1075, %swap3A_1076] {strides = array<i32>} : memref<32x1024xf32, #tpu.memory_space<vmem>>, vector<1x16xf32>,
      %swap3A_1078 = vector.shape_cast %swap3A_1077 : vector<1x16xf32> to vector<16xf32>
      %swap3A_1079 = vector.shape_cast %add3A_1065 : vector<16xf32> to vector<1x16xf32>
      tpu.vector_store %arg9[%swap3A_1075, %swap3A_1076], %swap3A_1079 {add = true, strides = array<i32>} : memref<32x1024xf32, #tpu.memory_space<vmem>>, vector<1x16xf32>,
      %swap3A_1080 = arith.index_cast %scan3A_129 : i32 to index
      %swap3A_1081 = arith.constant 880 : index
      %swap3A_1082 = tpu.vector_load %arg9[%swap3A_1080, %swap3A_1081] {strides = array<i32>} : memref<32x1024xf32, #tpu.memory_space<vmem>>, vector<1x16xf32>,
      %swap3A_1083 = vector.shape_cast %swap3A_1082 : vector<1x16xf32> to vector<16xf32>
      %swap3A_1084 = vector.shape_cast %add3A_1074 : vector<16xf32> to vector<1x16xf32>
      tpu.vector_store %arg9[%swap3A_1080, %swap3A_1081], %swap3A_1084 {add = true, strides = array<i32>} : memref<32x1024xf32, #tpu.memory_space<vmem>>, vector<1x16xf32>,
      %get3A_1085 = arith.constant 0 : i32
      %get3A_1086 = arith.index_cast %get3A_1085 : i32 to index
      %get3A_1087 = arith.index_cast %scan3A_129 : i32 to index
      %get3A_1088 = arith.constant 384 : index
      %get3A_1089 = tpu.vector_load %arg10[%get3A_1086, %get3A_1087, %get3A_1088] {strides = array<i32>} : memref<2x32x512xi32, #tpu.memory_space<vmem>>, vector<1x1x16xi32>,
      %get3A_1090 = vector.shape_cast %get3A_1089 : vector<1x1x16xi32> to vector<16xi32>
      %get3A_1091 = arith.constant 0 : i32
      %get3A_1092 = arith.index_cast %get3A_1091 : i32 to index
      %get3A_1093 = arith.index_cast %scan3A_129 : i32 to index
      %get3A_1094 = arith.constant 384 : index
      %get3A_1095 = tpu.vector_load %arg11[%get3A_1092, %get3A_1093, %get3A_1094] {strides = array<i32>} : memref<2x32x512xi32, #tpu.memory_space<vmem>>, vector<1x1x16xi32>,
      %get3A_1096 = vector.shape_cast %get3A_1095 : vector<1x1x16xi32> to vector<16xi32>
      %shift_left3A_1097 = arith.constant 16 : i32
      %shift_left3A_1098 = vector.broadcast %shift_left3A_1097 : i32 to vector<16xi32>
      %shift_left3A_1099 = arith.shli %get3A_1090, %shift_left3A_1098 : vector<16xi32>
      %bitcast_convert_type3A_1100 = tpu.bitcast %shift_left3A_1099 : vector<16xi32> -> vector<16xf32>
      %shift_left3A_1101 = arith.constant 16 : i32
      %shift_left3A_1102 = vector.broadcast %shift_left3A_1101 : i32 to vector<16xi32>
      %shift_left3A_1103 = arith.shli %get3A_1096, %shift_left3A_1102 : vector<16xi32>
      %bitcast_convert_type3A_1104 = tpu.bitcast %shift_left3A_1103 : vector<16xi32> -> vector<16xf32>
      %add3A_1105 = arith.addf %bitcast_convert_type3A_1100, %bitcast_convert_type3A_1104 : vector<16xf32>
      %and3A_1106 = arith.constant -65536 : i32
      %and3A_1107 = vector.broadcast %and3A_1106 : i32 to vector<16xi32>
      %and3A_1108 = arith.andi %get3A_1090, %and3A_1107 : vector<16xi32>
      %bitcast_convert_type3A_1109 = tpu.bitcast %and3A_1108 : vector<16xi32> -> vector<16xf32>
      %and3A_1110 = arith.constant -65536 : i32
      %and3A_1111 = vector.broadcast %and3A_1110 : i32 to vector<16xi32>
      %and3A_1112 = arith.andi %get3A_1096, %and3A_1111 : vector<16xi32>
      %bitcast_convert_type3A_1113 = tpu.bitcast %and3A_1112 : vector<16xi32> -> vector<16xf32>
      %add3A_1114 = arith.addf %bitcast_convert_type3A_1109, %bitcast_convert_type3A_1113 : vector<16xf32>
      %swap3A_1115 = arith.index_cast %scan3A_129 : i32 to index
      %swap3A_1116 = arith.constant 384 : index
      %swap3A_1117 = tpu.vector_load %arg9[%swap3A_1115, %swap3A_1116] {strides = array<i32>} : memref<32x1024xf32, #tpu.memory_space<vmem>>, vector<1x16xf32>,
      %swap3A_1118 = vector.shape_cast %swap3A_1117 : vector<1x16xf32> to vector<16xf32>
      %swap3A_1119 = vector.shape_cast %add3A_1105 : vector<16xf32> to vector<1x16xf32>
      tpu.vector_store %arg9[%swap3A_1115, %swap3A_1116], %swap3A_1119 {add = true, strides = array<i32>} : memref<32x1024xf32, #tpu.memory_space<vmem>>, vector<1x16xf32>,
      %swap3A_1120 = arith.index_cast %scan3A_129 : i32 to index
      %swap3A_1121 = arith.constant 896 : index
      %swap3A_1122 = tpu.vector_load %arg9[%swap3A_1120, %swap3A_1121] {strides = array<i32>} : memref<32x1024xf32, #tpu.memory_space<vmem>>, vector<1x16xf32>,
      %swap3A_1123 = vector.shape_cast %swap3A_1122 : vector<1x16xf32> to vector<16xf32>
      %swap3A_1124 = vector.shape_cast %add3A_1114 : vector<16xf32> to vector<1x16xf32>
      tpu.vector_store %arg9[%swap3A_1120, %swap3A_1121], %swap3A_1124 {add = true, strides = array<i32>} : memref<32x1024xf32, #tpu.memory_space<vmem>>, vector<1x16xf32>,
      %get3A_1125 = arith.constant 0 : i32
      %get3A_1126 = arith.index_cast %get3A_1125 : i32 to index
      %get3A_1127 = arith.index_cast %scan3A_129 : i32 to index
      %get3A_1128 = arith.constant 400 : index
      %get3A_1129 = tpu.vector_load %arg10[%get3A_1126, %get3A_1127, %get3A_1128] {strides = array<i32>} : memref<2x32x512xi32, #tpu.memory_space<vmem>>, vector<1x1x16xi32>,
      %get3A_1130 = vector.shape_cast %get3A_1129 : vector<1x1x16xi32> to vector<16xi32>
      %get3A_1131 = arith.constant 0 : i32
      %get3A_1132 = arith.index_cast %get3A_1131 : i32 to index
      %get3A_1133 = arith.index_cast %scan3A_129 : i32 to index
      %get3A_1134 = arith.constant 400 : index
      %get3A_1135 = tpu.vector_load %arg11[%get3A_1132, %get3A_1133, %get3A_1134] {strides = array<i32>} : memref<2x32x512xi32, #tpu.memory_space<vmem>>, vector<1x1x16xi32>,
      %get3A_1136 = vector.shape_cast %get3A_1135 : vector<1x1x16xi32> to vector<16xi32>
      %shift_left3A_1137 = arith.constant 16 : i32
      %shift_left3A_1138 = vector.broadcast %shift_left3A_1137 : i32 to vector<16xi32>
      %shift_left3A_1139 = arith.shli %get3A_1130, %shift_left3A_1138 : vector<16xi32>
      %bitcast_convert_type3A_1140 = tpu.bitcast %shift_left3A_1139 : vector<16xi32> -> vector<16xf32>
      %shift_left3A_1141 = arith.constant 16 : i32
      %shift_left3A_1142 = vector.broadcast %shift_left3A_1141 : i32 to vector<16xi32>
      %shift_left3A_1143 = arith.shli %get3A_1136, %shift_left3A_1142 : vector<16xi32>
      %bitcast_convert_type3A_1144 = tpu.bitcast %shift_left3A_1143 : vector<16xi32> -> vector<16xf32>
      %add3A_1145 = arith.addf %bitcast_convert_type3A_1140, %bitcast_convert_type3A_1144 : vector<16xf32>
      %and3A_1146 = arith.constant -65536 : i32
      %and3A_1147 = vector.broadcast %and3A_1146 : i32 to vector<16xi32>
      %and3A_1148 = arith.andi %get3A_1130, %and3A_1147 : vector<16xi32>
      %bitcast_convert_type3A_1149 = tpu.bitcast %and3A_1148 : vector<16xi32> -> vector<16xf32>
      %and3A_1150 = arith.constant -65536 : i32
      %and3A_1151 = vector.broadcast %and3A_1150 : i32 to vector<16xi32>
      %and3A_1152 = arith.andi %get3A_1136, %and3A_1151 : vector<16xi32>
      %bitcast_convert_type3A_1153 = tpu.bitcast %and3A_1152 : vector<16xi32> -> vector<16xf32>
      %add3A_1154 = arith.addf %bitcast_convert_type3A_1149, %bitcast_convert_type3A_1153 : vector<16xf32>
      %swap3A_1155 = arith.index_cast %scan3A_129 : i32 to index
      %swap3A_1156 = arith.constant 400 : index
      %swap3A_1157 = tpu.vector_load %arg9[%swap3A_1155, %swap3A_1156] {strides = array<i32>} : memref<32x1024xf32, #tpu.memory_space<vmem>>, vector<1x16xf32>,
      %swap3A_1158 = vector.shape_cast %swap3A_1157 : vector<1x16xf32> to vector<16xf32>
      %swap3A_1159 = vector.shape_cast %add3A_1145 : vector<16xf32> to vector<1x16xf32>
      tpu.vector_store %arg9[%swap3A_1155, %swap3A_1156], %swap3A_1159 {add = true, strides = array<i32>} : memref<32x1024xf32, #tpu.memory_space<vmem>>, vector<1x16xf32>,
      %swap3A_1160 = arith.index_cast %scan3A_129 : i32 to index
      %swap3A_1161 = arith.constant 912 : index
      %swap3A_1162 = tpu.vector_load %arg9[%swap3A_1160, %swap3A_1161] {strides = array<i32>} : memref<32x1024xf32, #tpu.memory_space<vmem>>, vector<1x16xf32>,
      %swap3A_1163 = vector.shape_cast %swap3A_1162 : vector<1x16xf32> to vector<16xf32>
      %swap3A_1164 = vector.shape_cast %add3A_1154 : vector<16xf32> to vector<1x16xf32>
      tpu.vector_store %arg9[%swap3A_1160, %swap3A_1161], %swap3A_1164 {add = true, strides = array<i32>} : memref<32x1024xf32, #tpu.memory_space<vmem>>, vector<1x16xf32>,
      %get3A_1165 = arith.constant 0 : i32
      %get3A_1166 = arith.index_cast %get3A_1165 : i32 to index
      %get3A_1167 = arith.index_cast %scan3A_129 : i32 to index
      %get3A_1168 = arith.constant 416 : index
      %get3A_1169 = tpu.vector_load %arg10[%get3A_1166, %get3A_1167, %get3A_1168] {strides = array<i32>} : memref<2x32x512xi32, #tpu.memory_space<vmem>>, vector<1x1x16xi32>,
      %get3A_1170 = vector.shape_cast %get3A_1169 : vector<1x1x16xi32> to vector<16xi32>
      %get3A_1171 = arith.constant 0 : i32
      %get3A_1172 = arith.index_cast %get3A_1171 : i32 to index
      %get3A_1173 = arith.index_cast %scan3A_129 : i32 to index
      %get3A_1174 = arith.constant 416 : index
      %get3A_1175 = tpu.vector_load %arg11[%get3A_1172, %get3A_1173, %get3A_1174] {strides = array<i32>} : memref<2x32x512xi32, #tpu.memory_space<vmem>>, vector<1x1x16xi32>,
      %get3A_1176 = vector.shape_cast %get3A_1175 : vector<1x1x16xi32> to vector<16xi32>
      %shift_left3A_1177 = arith.constant 16 : i32
      %shift_left3A_1178 = vector.broadcast %shift_left3A_1177 : i32 to vector<16xi32>
      %shift_left3A_1179 = arith.shli %get3A_1170, %shift_left3A_1178 : vector<16xi32>
      %bitcast_convert_type3A_1180 = tpu.bitcast %shift_left3A_1179 : vector<16xi32> -> vector<16xf32>
      %shift_left3A_1181 = arith.constant 16 : i32
      %shift_left3A_1182 = vector.broadcast %shift_left3A_1181 : i32 to vector<16xi32>
      %shift_left3A_1183 = arith.shli %get3A_1176, %shift_left3A_1182 : vector<16xi32>
      %bitcast_convert_type3A_1184 = tpu.bitcast %shift_left3A_1183 : vector<16xi32> -> vector<16xf32>
      %add3A_1185 = arith.addf %bitcast_convert_type3A_1180, %bitcast_convert_type3A_1184 : vector<16xf32>
      %and3A_1186 = arith.constant -65536 : i32
      %and3A_1187 = vector.broadcast %and3A_1186 : i32 to vector<16xi32>
      %and3A_1188 = arith.andi %get3A_1170, %and3A_1187 : vector<16xi32>
      %bitcast_convert_type3A_1189 = tpu.bitcast %and3A_1188 : vector<16xi32> -> vector<16xf32>
      %and3A_1190 = arith.constant -65536 : i32
      %and3A_1191 = vector.broadcast %and3A_1190 : i32 to vector<16xi32>
      %and3A_1192 = arith.andi %get3A_1176, %and3A_1191 : vector<16xi32>
      %bitcast_convert_type3A_1193 = tpu.bitcast %and3A_1192 : vector<16xi32> -> vector<16xf32>
      %add3A_1194 = arith.addf %bitcast_convert_type3A_1189, %bitcast_convert_type3A_1193 : vector<16xf32>
      %swap3A_1195 = arith.index_cast %scan3A_129 : i32 to index
      %swap3A_1196 = arith.constant 416 : index
      %swap3A_1197 = tpu.vector_load %arg9[%swap3A_1195, %swap3A_1196] {strides = array<i32>} : memref<32x1024xf32, #tpu.memory_space<vmem>>, vector<1x16xf32>,
      %swap3A_1198 = vector.shape_cast %swap3A_1197 : vector<1x16xf32> to vector<16xf32>
      %swap3A_1199 = vector.shape_cast %add3A_1185 : vector<16xf32> to vector<1x16xf32>
      tpu.vector_store %arg9[%swap3A_1195, %swap3A_1196], %swap3A_1199 {add = true, strides = array<i32>} : memref<32x1024xf32, #tpu.memory_space<vmem>>, vector<1x16xf32>,
      %swap3A_1200 = arith.index_cast %scan3A_129 : i32 to index
      %swap3A_1201 = arith.constant 928 : index
      %swap3A_1202 = tpu.vector_load %arg9[%swap3A_1200, %swap3A_1201] {strides = array<i32>} : memref<32x1024xf32, #tpu.memory_space<vmem>>, vector<1x16xf32>,
      %swap3A_1203 = vector.shape_cast %swap3A_1202 : vector<1x16xf32> to vector<16xf32>
      %swap3A_1204 = vector.shape_cast %add3A_1194 : vector<16xf32> to vector<1x16xf32>
      tpu.vector_store %arg9[%swap3A_1200, %swap3A_1201], %swap3A_1204 {add = true, strides = array<i32>} : memref<32x1024xf32, #tpu.memory_space<vmem>>, vector<1x16xf32>,
      %get3A_1205 = arith.constant 0 : i32
      %get3A_1206 = arith.index_cast %get3A_1205 : i32 to index
      %get3A_1207 = arith.index_cast %scan3A_129 : i32 to index
      %get3A_1208 = arith.constant 432 : index
      %get3A_1209 = tpu.vector_load %arg10[%get3A_1206, %get3A_1207, %get3A_1208] {strides = array<i32>} : memref<2x32x512xi32, #tpu.memory_space<vmem>>, vector<1x1x16xi32>,
      %get3A_1210 = vector.shape_cast %get3A_1209 : vector<1x1x16xi32> to vector<16xi32>
      %get3A_1211 = arith.constant 0 : i32
      %get3A_1212 = arith.index_cast %get3A_1211 : i32 to index
      %get3A_1213 = arith.index_cast %scan3A_129 : i32 to index
      %get3A_1214 = arith.constant 432 : index
      %get3A_1215 = tpu.vector_load %arg11[%get3A_1212, %get3A_1213, %get3A_1214] {strides = array<i32>} : memref<2x32x512xi32, #tpu.memory_space<vmem>>, vector<1x1x16xi32>,
      %get3A_1216 = vector.shape_cast %get3A_1215 : vector<1x1x16xi32> to vector<16xi32>
      %shift_left3A_1217 = arith.constant 16 : i32
      %shift_left3A_1218 = vector.broadcast %shift_left3A_1217 : i32 to vector<16xi32>
      %shift_left3A_1219 = arith.shli %get3A_1210, %shift_left3A_1218 : vector<16xi32>
      %bitcast_convert_type3A_1220 = tpu.bitcast %shift_left3A_1219 : vector<16xi32> -> vector<16xf32>
      %shift_left3A_1221 = arith.constant 16 : i32
      %shift_left3A_1222 = vector.broadcast %shift_left3A_1221 : i32 to vector<16xi32>
      %shift_left3A_1223 = arith.shli %get3A_1216, %shift_left3A_1222 : vector<16xi32>
      %bitcast_convert_type3A_1224 = tpu.bitcast %shift_left3A_1223 : vector<16xi32> -> vector<16xf32>
      %add3A_1225 = arith.addf %bitcast_convert_type3A_1220, %bitcast_convert_type3A_1224 : vector<16xf32>
      %and3A_1226 = arith.constant -65536 : i32
      %and3A_1227 = vector.broadcast %and3A_1226 : i32 to vector<16xi32>
      %and3A_1228 = arith.andi %get3A_1210, %and3A_1227 : vector<16xi32>
      %bitcast_convert_type3A_1229 = tpu.bitcast %and3A_1228 : vector<16xi32> -> vector<16xf32>
      %and3A_1230 = arith.constant -65536 : i32
      %and3A_1231 = vector.broadcast %and3A_1230 : i32 to vector<16xi32>
      %and3A_1232 = arith.andi %get3A_1216, %and3A_1231 : vector<16xi32>
      %bitcast_convert_type3A_1233 = tpu.bitcast %and3A_1232 : vector<16xi32> -> vector<16xf32>
      %add3A_1234 = arith.addf %bitcast_convert_type3A_1229, %bitcast_convert_type3A_1233 : vector<16xf32>
      %swap3A_1235 = arith.index_cast %scan3A_129 : i32 to index
      %swap3A_1236 = arith.constant 432 : index
      %swap3A_1237 = tpu.vector_load %arg9[%swap3A_1235, %swap3A_1236] {strides = array<i32>} : memref<32x1024xf32, #tpu.memory_space<vmem>>, vector<1x16xf32>,
      %swap3A_1238 = vector.shape_cast %swap3A_1237 : vector<1x16xf32> to vector<16xf32>
      %swap3A_1239 = vector.shape_cast %add3A_1225 : vector<16xf32> to vector<1x16xf32>
      tpu.vector_store %arg9[%swap3A_1235, %swap3A_1236], %swap3A_1239 {add = true, strides = array<i32>} : memref<32x1024xf32, #tpu.memory_space<vmem>>, vector<1x16xf32>,
      %swap3A_1240 = arith.index_cast %scan3A_129 : i32 to index
      %swap3A_1241 = arith.constant 944 : index
      %swap3A_1242 = tpu.vector_load %arg9[%swap3A_1240, %swap3A_1241] {strides = array<i32>} : memref<32x1024xf32, #tpu.memory_space<vmem>>, vector<1x16xf32>,
      %swap3A_1243 = vector.shape_cast %swap3A_1242 : vector<1x16xf32> to vector<16xf32>
      %swap3A_1244 = vector.shape_cast %add3A_1234 : vector<16xf32> to vector<1x16xf32>
      tpu.vector_store %arg9[%swap3A_1240, %swap3A_1241], %swap3A_1244 {add = true, strides = array<i32>} : memref<32x1024xf32, #tpu.memory_space<vmem>>, vector<1x16xf32>,
      %get3A_1245 = arith.constant 0 : i32
      %get3A_1246 = arith.index_cast %get3A_1245 : i32 to index
      %get3A_1247 = arith.index_cast %scan3A_129 : i32 to index
      %get3A_1248 = arith.constant 448 : index
      %get3A_1249 = tpu.vector_load %arg10[%get3A_1246, %get3A_1247, %get3A_1248] {strides = array<i32>} : memref<2x32x512xi32, #tpu.memory_space<vmem>>, vector<1x1x16xi32>,
      %get3A_1250 = vector.shape_cast %get3A_1249 : vector<1x1x16xi32> to vector<16xi32>
      %get3A_1251 = arith.constant 0 : i32
      %get3A_1252 = arith.index_cast %get3A_1251 : i32 to index
      %get3A_1253 = arith.index_cast %scan3A_129 : i32 to index
      %get3A_1254 = arith.constant 448 : index
      %get3A_1255 = tpu.vector_load %arg11[%get3A_1252, %get3A_1253, %get3A_1254] {strides = array<i32>} : memref<2x32x512xi32, #tpu.memory_space<vmem>>, vector<1x1x16xi32>,
      %get3A_1256 = vector.shape_cast %get3A_1255 : vector<1x1x16xi32> to vector<16xi32>
      %shift_left3A_1257 = arith.constant 16 : i32
      %shift_left3A_1258 = vector.broadcast %shift_left3A_1257 : i32 to vector<16xi32>
      %shift_left3A_1259 = arith.shli %get3A_1250, %shift_left3A_1258 : vector<16xi32>
      %bitcast_convert_type3A_1260 = tpu.bitcast %shift_left3A_1259 : vector<16xi32> -> vector<16xf32>
      %shift_left3A_1261 = arith.constant 16 : i32
      %shift_left3A_1262 = vector.broadcast %shift_left3A_1261 : i32 to vector<16xi32>
      %shift_left3A_1263 = arith.shli %get3A_1256, %shift_left3A_1262 : vector<16xi32>
      %bitcast_convert_type3A_1264 = tpu.bitcast %shift_left3A_1263 : vector<16xi32> -> vector<16xf32>
      %add3A_1265 = arith.addf %bitcast_convert_type3A_1260, %bitcast_convert_type3A_1264 : vector<16xf32>
      %and3A_1266 = arith.constant -65536 : i32
      %and3A_1267 = vector.broadcast %and3A_1266 : i32 to vector<16xi32>
      %and3A_1268 = arith.andi %get3A_1250, %and3A_1267 : vector<16xi32>
      %bitcast_convert_type3A_1269 = tpu.bitcast %and3A_1268 : vector<16xi32> -> vector<16xf32>
      %and3A_1270 = arith.constant -65536 : i32
      %and3A_1271 = vector.broadcast %and3A_1270 : i32 to vector<16xi32>
      %and3A_1272 = arith.andi %get3A_1256, %and3A_1271 : vector<16xi32>
      %bitcast_convert_type3A_1273 = tpu.bitcast %and3A_1272 : vector<16xi32> -> vector<16xf32>
      %add3A_1274 = arith.addf %bitcast_convert_type3A_1269, %bitcast_convert_type3A_1273 : vector<16xf32>
      %swap3A_1275 = arith.index_cast %scan3A_129 : i32 to index
      %swap3A_1276 = arith.constant 448 : index
      %swap3A_1277 = tpu.vector_load %arg9[%swap3A_1275, %swap3A_1276] {strides = array<i32>} : memref<32x1024xf32, #tpu.memory_space<vmem>>, vector<1x16xf32>,
      %swap3A_1278 = vector.shape_cast %swap3A_1277 : vector<1x16xf32> to vector<16xf32>
      %swap3A_1279 = vector.shape_cast %add3A_1265 : vector<16xf32> to vector<1x16xf32>
      tpu.vector_store %arg9[%swap3A_1275, %swap3A_1276], %swap3A_1279 {add = true, strides = array<i32>} : memref<32x1024xf32, #tpu.memory_space<vmem>>, vector<1x16xf32>,
      %swap3A_1280 = arith.index_cast %scan3A_129 : i32 to index
      %swap3A_1281 = arith.constant 960 : index
      %swap3A_1282 = tpu.vector_load %arg9[%swap3A_1280, %swap3A_1281] {strides = array<i32>} : memref<32x1024xf32, #tpu.memory_space<vmem>>, vector<1x16xf32>,
      %swap3A_1283 = vector.shape_cast %swap3A_1282 : vector<1x16xf32> to vector<16xf32>
      %swap3A_1284 = vector.shape_cast %add3A_1274 : vector<16xf32> to vector<1x16xf32>
      tpu.vector_store %arg9[%swap3A_1280, %swap3A_1281], %swap3A_1284 {add = true, strides = array<i32>} : memref<32x1024xf32, #tpu.memory_space<vmem>>, vector<1x16xf32>,
      %get3A_1285 = arith.constant 0 : i32
      %get3A_1286 = arith.index_cast %get3A_1285 : i32 to index
      %get3A_1287 = arith.index_cast %scan3A_129 : i32 to index
      %get3A_1288 = arith.constant 464 : index
      %get3A_1289 = tpu.vector_load %arg10[%get3A_1286, %get3A_1287, %get3A_1288] {strides = array<i32>} : memref<2x32x512xi32, #tpu.memory_space<vmem>>, vector<1x1x16xi32>,
      %get3A_1290 = vector.shape_cast %get3A_1289 : vector<1x1x16xi32> to vector<16xi32>
      %get3A_1291 = arith.constant 0 : i32
      %get3A_1292 = arith.index_cast %get3A_1291 : i32 to index
      %get3A_1293 = arith.index_cast %scan3A_129 : i32 to index
      %get3A_1294 = arith.constant 464 : index
      %get3A_1295 = tpu.vector_load %arg11[%get3A_1292, %get3A_1293, %get3A_1294] {strides = array<i32>} : memref<2x32x512xi32, #tpu.memory_space<vmem>>, vector<1x1x16xi32>,
      %get3A_1296 = vector.shape_cast %get3A_1295 : vector<1x1x16xi32> to vector<16xi32>
      %shift_left3A_1297 = arith.constant 16 : i32
      %shift_left3A_1298 = vector.broadcast %shift_left3A_1297 : i32 to vector<16xi32>
      %shift_left3A_1299 = arith.shli %get3A_1290, %shift_left3A_1298 : vector<16xi32>
      %bitcast_convert_type3A_1300 = tpu.bitcast %shift_left3A_1299 : vector<16xi32> -> vector<16xf32>
      %shift_left3A_1301 = arith.constant 16 : i32
      %shift_left3A_1302 = vector.broadcast %shift_left3A_1301 : i32 to vector<16xi32>
      %shift_left3A_1303 = arith.shli %get3A_1296, %shift_left3A_1302 : vector<16xi32>
      %bitcast_convert_type3A_1304 = tpu.bitcast %shift_left3A_1303 : vector<16xi32> -> vector<16xf32>
      %add3A_1305 = arith.addf %bitcast_convert_type3A_1300, %bitcast_convert_type3A_1304 : vector<16xf32>
      %and3A_1306 = arith.constant -65536 : i32
      %and3A_1307 = vector.broadcast %and3A_1306 : i32 to vector<16xi32>
      %and3A_1308 = arith.andi %get3A_1290, %and3A_1307 : vector<16xi32>
      %bitcast_convert_type3A_1309 = tpu.bitcast %and3A_1308 : vector<16xi32> -> vector<16xf32>
      %and3A_1310 = arith.constant -65536 : i32
      %and3A_1311 = vector.broadcast %and3A_1310 : i32 to vector<16xi32>
      %and3A_1312 = arith.andi %get3A_1296, %and3A_1311 : vector<16xi32>
      %bitcast_convert_type3A_1313 = tpu.bitcast %and3A_1312 : vector<16xi32> -> vector<16xf32>
      %add3A_1314 = arith.addf %bitcast_convert_type3A_1309, %bitcast_convert_type3A_1313 : vector<16xf32>
      %swap3A_1315 = arith.index_cast %scan3A_129 : i32 to index
      %swap3A_1316 = arith.constant 464 : index
      %swap3A_1317 = tpu.vector_load %arg9[%swap3A_1315, %swap3A_1316] {strides = array<i32>} : memref<32x1024xf32, #tpu.memory_space<vmem>>, vector<1x16xf32>,
      %swap3A_1318 = vector.shape_cast %swap3A_1317 : vector<1x16xf32> to vector<16xf32>
      %swap3A_1319 = vector.shape_cast %add3A_1305 : vector<16xf32> to vector<1x16xf32>
      tpu.vector_store %arg9[%swap3A_1315, %swap3A_1316], %swap3A_1319 {add = true, strides = array<i32>} : memref<32x1024xf32, #tpu.memory_space<vmem>>, vector<1x16xf32>,
      %swap3A_1320 = arith.index_cast %scan3A_129 : i32 to index
      %swap3A_1321 = arith.constant 976 : index
      %swap3A_1322 = tpu.vector_load %arg9[%swap3A_1320, %swap3A_1321] {strides = array<i32>} : memref<32x1024xf32, #tpu.memory_space<vmem>>, vector<1x16xf32>,
      %swap3A_1323 = vector.shape_cast %swap3A_1322 : vector<1x16xf32> to vector<16xf32>
      %swap3A_1324 = vector.shape_cast %add3A_1314 : vector<16xf32> to vector<1x16xf32>
      tpu.vector_store %arg9[%swap3A_1320, %swap3A_1321], %swap3A_1324 {add = true, strides = array<i32>} : memref<32x1024xf32, #tpu.memory_space<vmem>>, vector<1x16xf32>,
      %get3A_1325 = arith.constant 0 : i32
      %get3A_1326 = arith.index_cast %get3A_1325 : i32 to index
      %get3A_1327 = arith.index_cast %scan3A_129 : i32 to index
      %get3A_1328 = arith.constant 480 : index
      %get3A_1329 = tpu.vector_load %arg10[%get3A_1326, %get3A_1327, %get3A_1328] {strides = array<i32>} : memref<2x32x512xi32, #tpu.memory_space<vmem>>, vector<1x1x16xi32>,
      %get3A_1330 = vector.shape_cast %get3A_1329 : vector<1x1x16xi32> to vector<16xi32>
      %get3A_1331 = arith.constant 0 : i32
      %get3A_1332 = arith.index_cast %get3A_1331 : i32 to index
      %get3A_1333 = arith.index_cast %scan3A_129 : i32 to index
      %get3A_1334 = arith.constant 480 : index
      %get3A_1335 = tpu.vector_load %arg11[%get3A_1332, %get3A_1333, %get3A_1334] {strides = array<i32>} : memref<2x32x512xi32, #tpu.memory_space<vmem>>, vector<1x1x16xi32>,
      %get3A_1336 = vector.shape_cast %get3A_1335 : vector<1x1x16xi32> to vector<16xi32>
      %shift_left3A_1337 = arith.constant 16 : i32
      %shift_left3A_1338 = vector.broadcast %shift_left3A_1337 : i32 to vector<16xi32>
      %shift_left3A_1339 = arith.shli %get3A_1330, %shift_left3A_1338 : vector<16xi32>
      %bitcast_convert_type3A_1340 = tpu.bitcast %shift_left3A_1339 : vector<16xi32> -> vector<16xf32>
      %shift_left3A_1341 = arith.constant 16 : i32
      %shift_left3A_1342 = vector.broadcast %shift_left3A_1341 : i32 to vector<16xi32>
      %shift_left3A_1343 = arith.shli %get3A_1336, %shift_left3A_1342 : vector<16xi32>
      %bitcast_convert_type3A_1344 = tpu.bitcast %shift_left3A_1343 : vector<16xi32> -> vector<16xf32>
      %add3A_1345 = arith.addf %bitcast_convert_type3A_1340, %bitcast_convert_type3A_1344 : vector<16xf32>
      %and3A_1346 = arith.constant -65536 : i32
      %and3A_1347 = vector.broadcast %and3A_1346 : i32 to vector<16xi32>
      %and3A_1348 = arith.andi %get3A_1330, %and3A_1347 : vector<16xi32>
      %bitcast_convert_type3A_1349 = tpu.bitcast %and3A_1348 : vector<16xi32> -> vector<16xf32>
      %and3A_1350 = arith.constant -65536 : i32
      %and3A_1351 = vector.broadcast %and3A_1350 : i32 to vector<16xi32>
      %and3A_1352 = arith.andi %get3A_1336, %and3A_1351 : vector<16xi32>
      %bitcast_convert_type3A_1353 = tpu.bitcast %and3A_1352 : vector<16xi32> -> vector<16xf32>
      %add3A_1354 = arith.addf %bitcast_convert_type3A_1349, %bitcast_convert_type3A_1353 : vector<16xf32>
      %swap3A_1355 = arith.index_cast %scan3A_129 : i32 to index
      %swap3A_1356 = arith.constant 480 : index
      %swap3A_1357 = tpu.vector_load %arg9[%swap3A_1355, %swap3A_1356] {strides = array<i32>} : memref<32x1024xf32, #tpu.memory_space<vmem>>, vector<1x16xf32>,
      %swap3A_1358 = vector.shape_cast %swap3A_1357 : vector<1x16xf32> to vector<16xf32>
      %swap3A_1359 = vector.shape_cast %add3A_1345 : vector<16xf32> to vector<1x16xf32>
      tpu.vector_store %arg9[%swap3A_1355, %swap3A_1356], %swap3A_1359 {add = true, strides = array<i32>} : memref<32x1024xf32, #tpu.memory_space<vmem>>, vector<1x16xf32>,
      %swap3A_1360 = arith.index_cast %scan3A_129 : i32 to index
      %swap3A_1361 = arith.constant 992 : index
      %swap3A_1362 = tpu.vector_load %arg9[%swap3A_1360, %swap3A_1361] {strides = array<i32>} : memref<32x1024xf32, #tpu.memory_space<vmem>>, vector<1x16xf32>,
      %swap3A_1363 = vector.shape_cast %swap3A_1362 : vector<1x16xf32> to vector<16xf32>
      %swap3A_1364 = vector.shape_cast %add3A_1354 : vector<16xf32> to vector<1x16xf32>
      tpu.vector_store %arg9[%swap3A_1360, %swap3A_1361], %swap3A_1364 {add = true, strides = array<i32>} : memref<32x1024xf32, #tpu.memory_space<vmem>>, vector<1x16xf32>,
      %get3A_1365 = arith.constant 0 : i32
      %get3A_1366 = arith.index_cast %get3A_1365 : i32 to index
      %get3A_1367 = arith.index_cast %scan3A_129 : i32 to index
      %get3A_1368 = arith.constant 496 : index
      %get3A_1369 = tpu.vector_load %arg10[%get3A_1366, %get3A_1367, %get3A_1368] {strides = array<i32>} : memref<2x32x512xi32, #tpu.memory_space<vmem>>, vector<1x1x16xi32>,
      %get3A_1370 = vector.shape_cast %get3A_1369 : vector<1x1x16xi32> to vector<16xi32>
      %get3A_1371 = arith.constant 0 : i32
      %get3A_1372 = arith.index_cast %get3A_1371 : i32 to index
      %get3A_1373 = arith.index_cast %scan3A_129 : i32 to index
      %get3A_1374 = arith.constant 496 : index
      %get3A_1375 = tpu.vector_load %arg11[%get3A_1372, %get3A_1373, %get3A_1374] {strides = array<i32>} : memref<2x32x512xi32, #tpu.memory_space<vmem>>, vector<1x1x16xi32>,
      %get3A_1376 = vector.shape_cast %get3A_1375 : vector<1x1x16xi32> to vector<16xi32>
      %shift_left3A_1377 = arith.constant 16 : i32
      %shift_left3A_1378 = vector.broadcast %shift_left3A_1377 : i32 to vector<16xi32>
      %shift_left3A_1379 = arith.shli %get3A_1370, %shift_left3A_1378 : vector<16xi32>
      %bitcast_convert_type3A_1380 = tpu.bitcast %shift_left3A_1379 : vector<16xi32> -> vector<16xf32>
      %shift_left3A_1381 = arith.constant 16 : i32
      %shift_left3A_1382 = vector.broadcast %shift_left3A_1381 : i32 to vector<16xi32>
      %shift_left3A_1383 = arith.shli %get3A_1376, %shift_left3A_1382 : vector<16xi32>
      %bitcast_convert_type3A_1384 = tpu.bitcast %shift_left3A_1383 : vector<16xi32> -> vector<16xf32>
      %add3A_1385 = arith.addf %bitcast_convert_type3A_1380, %bitcast_convert_type3A_1384 : vector<16xf32>
      %and3A_1386 = arith.constant -65536 : i32
      %and3A_1387 = vector.broadcast %and3A_1386 : i32 to vector<16xi32>
      %and3A_1388 = arith.andi %get3A_1370, %and3A_1387 : vector<16xi32>
      %bitcast_convert_type3A_1389 = tpu.bitcast %and3A_1388 : vector<16xi32> -> vector<16xf32>
      %and3A_1390 = arith.constant -65536 : i32
      %and3A_1391 = vector.broadcast %and3A_1390 : i32 to vector<16xi32>
      %and3A_1392 = arith.andi %get3A_1376, %and3A_1391 : vector<16xi32>
      %bitcast_convert_type3A_1393 = tpu.bitcast %and3A_1392 : vector<16xi32> -> vector<16xf32>
      %add3A_1394 = arith.addf %bitcast_convert_type3A_1389, %bitcast_convert_type3A_1393 : vector<16xf32>
      %swap3A_1395 = arith.index_cast %scan3A_129 : i32 to index
      %swap3A_1396 = arith.constant 496 : index
      %swap3A_1397 = tpu.vector_load %arg9[%swap3A_1395, %swap3A_1396] {strides = array<i32>} : memref<32x1024xf32, #tpu.memory_space<vmem>>, vector<1x16xf32>,
      %swap3A_1398 = vector.shape_cast %swap3A_1397 : vector<1x16xf32> to vector<16xf32>
      %swap3A_1399 = vector.shape_cast %add3A_1385 : vector<16xf32> to vector<1x16xf32>
      tpu.vector_store %arg9[%swap3A_1395, %swap3A_1396], %swap3A_1399 {add = true, strides = array<i32>} : memref<32x1024xf32, #tpu.memory_space<vmem>>, vector<1x16xf32>,
      %swap3A_1400 = arith.index_cast %scan3A_129 : i32 to index
      %swap3A_1401 = arith.constant 1008 : index
      %swap3A_1402 = tpu.vector_load %arg9[%swap3A_1400, %swap3A_1401] {strides = array<i32>} : memref<32x1024xf32, #tpu.memory_space<vmem>>, vector<1x16xf32>,
      %swap3A_1403 = vector.shape_cast %swap3A_1402 : vector<1x16xf32> to vector<16xf32>
      %swap3A_1404 = vector.shape_cast %add3A_1394 : vector<16xf32> to vector<1x16xf32>
      tpu.vector_store %arg9[%swap3A_1400, %swap3A_1401], %swap3A_1404 {add = true, strides = array<i32>} : memref<32x1024xf32, #tpu.memory_space<vmem>>, vector<1x16xf32>,
    }
    %scan3A_92 = arith.constant 32 : i32
    "tpu.region"() ({
      %run_scoped3A_129 = tpu.sem_alloc : memref<!tpu.dma_semaphore, #tpu.memory_space<semaphore_mem>>
      %dma_start3A_130 = arith.constant 0 : i32
      %dma_start3A_131 = tpu.memref_slice %arg6[%mul3A_34, %dma_start3A_130] : memref<2048x1024xf32, #tpu.memory_space<hbm>> -> memref<32x1024xf32, #tpu.memory_space<hbm>>
      %dma_start3A_132 = arith.constant 0 : i32
      %dma_start3A_133 = tpu.memref_slice %arg6[%mul3A_34, %dma_start3A_132] : memref<2048x1024xf32, #tpu.memory_space<hbm>> -> memref<32x1024xf32, #tpu.memory_space<hbm>>
      tpu.enqueue_dma source(%arg9 : memref<32x1024xf32, #tpu.memory_space<vmem>>) target(%dma_start3A_133 : memref<32x1024xf32, #tpu.memory_space<hbm>>) target_semaphore(%run_scoped3A_129 : memref<!tpu.dma_semaphore, #tpu.memory_space<semaphore_mem>>)
      %dma_wait3A_134 = arith.constant 0 : i32
      %dma_wait3A_135 = tpu.memref_slice %arg6[%mul3A_34, %dma_wait3A_134] : memref<2048x1024xf32, #tpu.memory_space<hbm>> -> memref<32x1024xf32, #tpu.memory_space<hbm>>
      %dma_wait3A_136 = arith.constant 0 : i32
      %dma_wait3A_137 = tpu.memref_slice %arg6[%mul3A_34, %dma_wait3A_136] : memref<2048x1024xf32, #tpu.memory_space<hbm>> -> memref<32x1024xf32, #tpu.memory_space<hbm>>
      tpu.wait_dma2 semaphore(%run_scoped3A_129 : memref<!tpu.dma_semaphore, #tpu.memory_space<semaphore_mem>>) src(%arg9 : memref<32x1024xf32, #tpu.memory_space<vmem>>) dst(%dma_wait3A_137 : memref<32x1024xf32, #tpu.memory_space<hbm>>)
      tpu.yield
    }) : () -> ()
    %mul3A_93 = arith.constant 2 : i32
    %mul3A_94 = arith.muli %add3A, %mul3A_93 : i32
    %add3A_95 = arith.constant 1 : i32
    %add3A_96 = arith.addi %mul3A_94, %add3A_95 : i32
    %mul3A_97 = arith.constant 32 : i32
    %mul3A_98 = arith.muli %add3A_96, %mul3A_97 : i32
    "tpu.region"() ({
      %run_scoped3A_129 = tpu.sem_alloc : memref<!tpu.dma_semaphore, #tpu.memory_space<semaphore_mem>>
      %dma_start3A_130 = arith.constant 0 : i32
      %dma_start3A_131 = tpu.memref_slice %arg5[%mul3A_98, %dma_start3A_130] : memref<2048x1024xf32, #tpu.memory_space<hbm>> -> memref<32x1024xf32, #tpu.memory_space<hbm>>
      %dma_start3A_132 = arith.constant 0 : i32
      %dma_start3A_133 = tpu.memref_slice %arg5[%mul3A_98, %dma_start3A_132] : memref<2048x1024xf32, #tpu.memory_space<hbm>> -> memref<32x1024xf32, #tpu.memory_space<hbm>>
      tpu.enqueue_dma source(%dma_start3A_133 : memref<32x1024xf32, #tpu.memory_space<hbm>>) target(%arg9 : memref<32x1024xf32, #tpu.memory_space<vmem>>) target_semaphore(%run_scoped3A_129 : memref<!tpu.dma_semaphore, #tpu.memory_space<semaphore_mem>>)
      %dma_wait3A_134 = arith.constant 0 : i32
      %dma_wait3A_135 = tpu.memref_slice %arg5[%mul3A_98, %dma_wait3A_134] : memref<2048x1024xf32, #tpu.memory_space<hbm>> -> memref<32x1024xf32, #tpu.memory_space<hbm>>
      %dma_wait3A_136 = arith.constant 0 : i32
      %dma_wait3A_137 = tpu.memref_slice %arg5[%mul3A_98, %dma_wait3A_136] : memref<2048x1024xf32, #tpu.memory_space<hbm>> -> memref<32x1024xf32, #tpu.memory_space<hbm>>
      tpu.wait_dma2 semaphore(%run_scoped3A_129 : memref<!tpu.dma_semaphore, #tpu.memory_space<semaphore_mem>>) src(%dma_wait3A_137 : memref<32x1024xf32, #tpu.memory_space<hbm>>) dst(%arg9 : memref<32x1024xf32, #tpu.memory_space<vmem>>)
      tpu.yield
    }) : () -> ()
    %dma_wait3A_99 = arith.constant 1 : i32
    %dma_wait3A_100 = arith.constant 1 : i32
    %dma_wait3A_101 = arith.constant 0 : i32
    %dma_wait3A_102 = arith.constant 0 : i32
    %dma_wait3A_103 = tpu.memref_slice %arg10[%dma_wait3A_100, %dma_wait3A_101, %dma_wait3A_102] : memref<2x32x512xi32, #tpu.memory_space<vmem>> -> memref<1x32x512xi32, #tpu.memory_space<vmem>>
    %dma_wait3A_104 = tpu.memref_squeeze %dma_wait3A_103 : memref<1x32x512xi32, #tpu.memory_space<vmem>> -> memref<32x512xi32, #tpu.memory_space<vmem>>
    %dma_wait3A_105 = arith.constant 0 : i32
    %dma_wait3A_106 = tpu.memref_slice %arg7[%dma_wait3A_99, %dma_wait3A_105] : memref<2x32xi32, #tpu.memory_space<vmem>> -> memref<1x32xi32, #tpu.memory_space<vmem>>
    %dma_wait3A_107 = tpu.memref_squeeze %dma_wait3A_106 : memref<1x32xi32, #tpu.memory_space<vmem>> -> memref<32xi32, #tpu.memory_space<vmem>>
    %dma_wait3A_108 = arith.constant 0 : i32
    %dma_wait3A_109 = arith.constant 0 : i32
    %dma_wait3A_110 = tpu.memref_slice %arg2[%dma_wait3A_108, %dma_wait3A_109] : memref<6144x512xi32, #tpu.memory_space<hbm>> -> memref<6144x512xi32, #tpu.memory_space<hbm>>
    tpu.wait_indirect_dma semaphore(%arg13 : memref<!tpu.dma_semaphore, #tpu.memory_space<semaphore_mem>>) src(%dma_wait3A_110 : memref<6144x512xi32, #tpu.memory_space<hbm>>) dst(%dma_wait3A_104 : memref<32x512xi32, #tpu.memory_space<vmem>>)
    %dma_wait3A_111 = arith.constant 1 : i32
    %dma_wait3A_112 = arith.constant 1 : i32
    %dma_wait3A_113 = arith.constant 0 : i32
    %dma_wait3A_114 = arith.constant 0 : i32
    %dma_wait3A_115 = tpu.memref_slice %arg11[%dma_wait3A_112, %dma_wait3A_113, %dma_wait3A_114] : memref<2x32x512xi32, #tpu.memory_space<vmem>> -> memref<1x32x512xi32, #tpu.memory_space<vmem>>
    %dma_wait3A_116 = tpu.memref_squeeze %dma_wait3A_115 : memref<1x32x512xi32, #tpu.memory_space<vmem>> -> memref<32x512xi32, #tpu.memory_space<vmem>>
    %dma_wait3A_117 = arith.constant 0 : i32
    %dma_wait3A_118 = tpu.memref_slice %arg8[%dma_wait3A_111, %dma_wait3A_117] : memref<2x32xi32, #tpu.memory_space<vmem>> -> memref<1x32xi32, #tpu.memory_space<vmem>>
    %dma_wait3A_119 = tpu.memref_squeeze %dma_wait3A_118 : memref<1x32xi32, #tpu.memory_space<vmem>> -> memref<32xi32, #tpu.memory_space<vmem>>
    %dma_wait3A_120 = arith.constant 0 : i32
    %dma_wait3A_121 = arith.constant 0 : i32
    %dma_wait3A_122 = tpu.memref_slice %arg2[%dma_wait3A_120, %dma_wait3A_121] : memref<6144x512xi32, #tpu.memory_space<hbm>> -> memref<6144x512xi32, #tpu.memory_space<hbm>>
    tpu.wait_indirect_dma semaphore(%arg13 : memref<!tpu.dma_semaphore, #tpu.memory_space<semaphore_mem>>) src(%dma_wait3A_122 : memref<6144x512xi32, #tpu.memory_space<hbm>>) dst(%dma_wait3A_116 : memref<32x512xi32, #tpu.memory_space<vmem>>)
    %scan3A_123 = arith.constant 0 : i32
    %scan3A_124 = arith.constant 0 : i32
    %scan3A_125 = arith.constant 32 : i32
    %scan3A_126 = arith.addi %scan3A_124, %scan3A_125 : i32
    %scan3A_127 = arith.constant 1 : i32
    scf.for %scan3A_129 = %scan3A_124 to %scan3A_126 step %scan3A_127  : i32 {
      %get3A = arith.constant 1 : i32
      %get3A_130 = arith.index_cast %get3A : i32 to index
      %get3A_131 = arith.index_cast %scan3A_129 : i32 to index
      %get3A_132 = arith.constant 0 : index
      %get3A_133 = tpu.vector_load %arg10[%get3A_130, %get3A_131, %get3A_132] {strides = array<i32>} : memref<2x32x512xi32, #tpu.memory_space<vmem>>, vector<1x1x16xi32>,
      %get3A_134 = vector.shape_cast %get3A_133 : vector<1x1x16xi32> to vector<16xi32>
      %get3A_135 = arith.constant 1 : i32
      %get3A_136 = arith.index_cast %get3A_135 : i32 to index
      %get3A_137 = arith.index_cast %scan3A_129 : i32 to index
      %get3A_138 = arith.constant 0 : index
      %get3A_139 = tpu.vector_load %arg11[%get3A_136, %get3A_137, %get3A_138] {strides = array<i32>} : memref<2x32x512xi32, #tpu.memory_space<vmem>>, vector<1x1x16xi32>,
      %get3A_140 = vector.shape_cast %get3A_139 : vector<1x1x16xi32> to vector<16xi32>
      %shift_left3A = arith.constant 16 : i32
      %shift_left3A_141 = vector.broadcast %shift_left3A : i32 to vector<16xi32>
      %shift_left3A_142 = arith.shli %get3A_134, %shift_left3A_141 : vector<16xi32>
      %bitcast_convert_type3A = tpu.bitcast %shift_left3A_142 : vector<16xi32> -> vector<16xf32>
      %shift_left3A_143 = arith.constant 16 : i32
      %shift_left3A_144 = vector.broadcast %shift_left3A_143 : i32 to vector<16xi32>
      %shift_left3A_145 = arith.shli %get3A_140, %shift_left3A_144 : vector<16xi32>
      %bitcast_convert_type3A_146 = tpu.bitcast %shift_left3A_145 : vector<16xi32> -> vector<16xf32>
      %add3A_147 = arith.addf %bitcast_convert_type3A, %bitcast_convert_type3A_146 : vector<16xf32>
      %and3A = arith.constant -65536 : i32
      %and3A_148 = vector.broadcast %and3A : i32 to vector<16xi32>
      %and3A_149 = arith.andi %get3A_134, %and3A_148 : vector<16xi32>
      %bitcast_convert_type3A_150 = tpu.bitcast %and3A_149 : vector<16xi32> -> vector<16xf32>
      %and3A_151 = arith.constant -65536 : i32
      %and3A_152 = vector.broadcast %and3A_151 : i32 to vector<16xi32>
      %and3A_153 = arith.andi %get3A_140, %and3A_152 : vector<16xi32>
      %bitcast_convert_type3A_154 = tpu.bitcast %and3A_153 : vector<16xi32> -> vector<16xf32>
      %add3A_155 = arith.addf %bitcast_convert_type3A_150, %bitcast_convert_type3A_154 : vector<16xf32>
      %swap3A = arith.index_cast %scan3A_129 : i32 to index
      %swap3A_156 = arith.constant 0 : index
      %swap3A_157 = tpu.vector_load %arg9[%swap3A, %swap3A_156] {strides = array<i32>} : memref<32x1024xf32, #tpu.memory_space<vmem>>, vector<1x16xf32>,
      %swap3A_158 = vector.shape_cast %swap3A_157 : vector<1x16xf32> to vector<16xf32>
      %swap3A_159 = vector.shape_cast %add3A_147 : vector<16xf32> to vector<1x16xf32>
      tpu.vector_store %arg9[%swap3A, %swap3A_156], %swap3A_159 {add = true, strides = array<i32>} : memref<32x1024xf32, #tpu.memory_space<vmem>>, vector<1x16xf32>,
      %swap3A_160 = arith.index_cast %scan3A_129 : i32 to index
      %swap3A_161 = arith.constant 512 : index
      %swap3A_162 = tpu.vector_load %arg9[%swap3A_160, %swap3A_161] {strides = array<i32>} : memref<32x1024xf32, #tpu.memory_space<vmem>>, vector<1x16xf32>,
      %swap3A_163 = vector.shape_cast %swap3A_162 : vector<1x16xf32> to vector<16xf32>
      %swap3A_164 = vector.shape_cast %add3A_155 : vector<16xf32> to vector<1x16xf32>
      tpu.vector_store %arg9[%swap3A_160, %swap3A_161], %swap3A_164 {add = true, strides = array<i32>} : memref<32x1024xf32, #tpu.memory_space<vmem>>, vector<1x16xf32>,
      %get3A_165 = arith.constant 1 : i32
      %get3A_166 = arith.index_cast %get3A_165 : i32 to index
      %get3A_167 = arith.index_cast %scan3A_129 : i32 to index
      %get3A_168 = arith.constant 16 : index
      %get3A_169 = tpu.vector_load %arg10[%get3A_166, %get3A_167, %get3A_168] {strides = array<i32>} : memref<2x32x512xi32, #tpu.memory_space<vmem>>, vector<1x1x16xi32>,
      %get3A_170 = vector.shape_cast %get3A_169 : vector<1x1x16xi32> to vector<16xi32>
      %get3A_171 = arith.constant 1 : i32
      %get3A_172 = arith.index_cast %get3A_171 : i32 to index
      %get3A_173 = arith.index_cast %scan3A_129 : i32 to index
      %get3A_174 = arith.constant 16 : index
      %get3A_175 = tpu.vector_load %arg11[%get3A_172, %get3A_173, %get3A_174] {strides = array<i32>} : memref<2x32x512xi32, #tpu.memory_space<vmem>>, vector<1x1x16xi32>,
      %get3A_176 = vector.shape_cast %get3A_175 : vector<1x1x16xi32> to vector<16xi32>
      %shift_left3A_177 = arith.constant 16 : i32
      %shift_left3A_178 = vector.broadcast %shift_left3A_177 : i32 to vector<16xi32>
      %shift_left3A_179 = arith.shli %get3A_170, %shift_left3A_178 : vector<16xi32>
      %bitcast_convert_type3A_180 = tpu.bitcast %shift_left3A_179 : vector<16xi32> -> vector<16xf32>
      %shift_left3A_181 = arith.constant 16 : i32
      %shift_left3A_182 = vector.broadcast %shift_left3A_181 : i32 to vector<16xi32>
      %shift_left3A_183 = arith.shli %get3A_176, %shift_left3A_182 : vector<16xi32>
      %bitcast_convert_type3A_184 = tpu.bitcast %shift_left3A_183 : vector<16xi32> -> vector<16xf32>
      %add3A_185 = arith.addf %bitcast_convert_type3A_180, %bitcast_convert_type3A_184 : vector<16xf32>
      %and3A_186 = arith.constant -65536 : i32
      %and3A_187 = vector.broadcast %and3A_186 : i32 to vector<16xi32>
      %and3A_188 = arith.andi %get3A_170, %and3A_187 : vector<16xi32>
      %bitcast_convert_type3A_189 = tpu.bitcast %and3A_188 : vector<16xi32> -> vector<16xf32>
      %and3A_190 = arith.constant -65536 : i32
      %and3A_191 = vector.broadcast %and3A_190 : i32 to vector<16xi32>
      %and3A_192 = arith.andi %get3A_176, %and3A_191 : vector<16xi32>
      %bitcast_convert_type3A_193 = tpu.bitcast %and3A_192 : vector<16xi32> -> vector<16xf32>
      %add3A_194 = arith.addf %bitcast_convert_type3A_189, %bitcast_convert_type3A_193 : vector<16xf32>
      %swap3A_195 = arith.index_cast %scan3A_129 : i32 to index
      %swap3A_196 = arith.constant 16 : index
      %swap3A_197 = tpu.vector_load %arg9[%swap3A_195, %swap3A_196] {strides = array<i32>} : memref<32x1024xf32, #tpu.memory_space<vmem>>, vector<1x16xf32>,
      %swap3A_198 = vector.shape_cast %swap3A_197 : vector<1x16xf32> to vector<16xf32>
      %swap3A_199 = vector.shape_cast %add3A_185 : vector<16xf32> to vector<1x16xf32>
      tpu.vector_store %arg9[%swap3A_195, %swap3A_196], %swap3A_199 {add = true, strides = array<i32>} : memref<32x1024xf32, #tpu.memory_space<vmem>>, vector<1x16xf32>,
      %swap3A_200 = arith.index_cast %scan3A_129 : i32 to index
      %swap3A_201 = arith.constant 528 : index
      %swap3A_202 = tpu.vector_load %arg9[%swap3A_200, %swap3A_201] {strides = array<i32>} : memref<32x1024xf32, #tpu.memory_space<vmem>>, vector<1x16xf32>,
      %swap3A_203 = vector.shape_cast %swap3A_202 : vector<1x16xf32> to vector<16xf32>
      %swap3A_204 = vector.shape_cast %add3A_194 : vector<16xf32> to vector<1x16xf32>
      tpu.vector_store %arg9[%swap3A_200, %swap3A_201], %swap3A_204 {add = true, strides = array<i32>} : memref<32x1024xf32, #tpu.memory_space<vmem>>, vector<1x16xf32>,
      %get3A_205 = arith.constant 1 : i32
      %get3A_206 = arith.index_cast %get3A_205 : i32 to index
      %get3A_207 = arith.index_cast %scan3A_129 : i32 to index
      %get3A_208 = arith.constant 32 : index
      %get3A_209 = tpu.vector_load %arg10[%get3A_206, %get3A_207, %get3A_208] {strides = array<i32>} : memref<2x32x512xi32, #tpu.memory_space<vmem>>, vector<1x1x16xi32>,
      %get3A_210 = vector.shape_cast %get3A_209 : vector<1x1x16xi32> to vector<16xi32>
      %get3A_211 = arith.constant 1 : i32
      %get3A_212 = arith.index_cast %get3A_211 : i32 to index
      %get3A_213 = arith.index_cast %scan3A_129 : i32 to index
      %get3A_214 = arith.constant 32 : index
      %get3A_215 = tpu.vector_load %arg11[%get3A_212, %get3A_213, %get3A_214] {strides = array<i32>} : memref<2x32x512xi32, #tpu.memory_space<vmem>>, vector<1x1x16xi32>,
      %get3A_216 = vector.shape_cast %get3A_215 : vector<1x1x16xi32> to vector<16xi32>
      %shift_left3A_217 = arith.constant 16 : i32
      %shift_left3A_218 = vector.broadcast %shift_left3A_217 : i32 to vector<16xi32>
      %shift_left3A_219 = arith.shli %get3A_210, %shift_left3A_218 : vector<16xi32>
      %bitcast_convert_type3A_220 = tpu.bitcast %shift_left3A_219 : vector<16xi32> -> vector<16xf32>
      %shift_left3A_221 = arith.constant 16 : i32
      %shift_left3A_222 = vector.broadcast %shift_left3A_221 : i32 to vector<16xi32>
      %shift_left3A_223 = arith.shli %get3A_216, %shift_left3A_222 : vector<16xi32>
      %bitcast_convert_type3A_224 = tpu.bitcast %shift_left3A_223 : vector<16xi32> -> vector<16xf32>
      %add3A_225 = arith.addf %bitcast_convert_type3A_220, %bitcast_convert_type3A_224 : vector<16xf32>
      %and3A_226 = arith.constant -65536 : i32
      %and3A_227 = vector.broadcast %and3A_226 : i32 to vector<16xi32>
      %and3A_228 = arith.andi %get3A_210, %and3A_227 : vector<16xi32>
      %bitcast_convert_type3A_229 = tpu.bitcast %and3A_228 : vector<16xi32> -> vector<16xf32>
      %and3A_230 = arith.constant -65536 : i32
      %and3A_231 = vector.broadcast %and3A_230 : i32 to vector<16xi32>
      %and3A_232 = arith.andi %get3A_216, %and3A_231 : vector<16xi32>
      %bitcast_convert_type3A_233 = tpu.bitcast %and3A_232 : vector<16xi32> -> vector<16xf32>
      %add3A_234 = arith.addf %bitcast_convert_type3A_229, %bitcast_convert_type3A_233 : vector<16xf32>
      %swap3A_235 = arith.index_cast %scan3A_129 : i32 to index
      %swap3A_236 = arith.constant 32 : index
      %swap3A_237 = tpu.vector_load %arg9[%swap3A_235, %swap3A_236] {strides = array<i32>} : memref<32x1024xf32, #tpu.memory_space<vmem>>, vector<1x16xf32>,
      %swap3A_238 = vector.shape_cast %swap3A_237 : vector<1x16xf32> to vector<16xf32>
      %swap3A_239 = vector.shape_cast %add3A_225 : vector<16xf32> to vector<1x16xf32>
      tpu.vector_store %arg9[%swap3A_235, %swap3A_236], %swap3A_239 {add = true, strides = array<i32>} : memref<32x1024xf32, #tpu.memory_space<vmem>>, vector<1x16xf32>,
      %swap3A_240 = arith.index_cast %scan3A_129 : i32 to index
      %swap3A_241 = arith.constant 544 : index
      %swap3A_242 = tpu.vector_load %arg9[%swap3A_240, %swap3A_241] {strides = array<i32>} : memref<32x1024xf32, #tpu.memory_space<vmem>>, vector<1x16xf32>,
      %swap3A_243 = vector.shape_cast %swap3A_242 : vector<1x16xf32> to vector<16xf32>
      %swap3A_244 = vector.shape_cast %add3A_234 : vector<16xf32> to vector<1x16xf32>
      tpu.vector_store %arg9[%swap3A_240, %swap3A_241], %swap3A_244 {add = true, strides = array<i32>} : memref<32x1024xf32, #tpu.memory_space<vmem>>, vector<1x16xf32>,
      %get3A_245 = arith.constant 1 : i32
      %get3A_246 = arith.index_cast %get3A_245 : i32 to index
      %get3A_247 = arith.index_cast %scan3A_129 : i32 to index
      %get3A_248 = arith.constant 48 : index
      %get3A_249 = tpu.vector_load %arg10[%get3A_246, %get3A_247, %get3A_248] {strides = array<i32>} : memref<2x32x512xi32, #tpu.memory_space<vmem>>, vector<1x1x16xi32>,
      %get3A_250 = vector.shape_cast %get3A_249 : vector<1x1x16xi32> to vector<16xi32>
      %get3A_251 = arith.constant 1 : i32
      %get3A_252 = arith.index_cast %get3A_251 : i32 to index
      %get3A_253 = arith.index_cast %scan3A_129 : i32 to index
      %get3A_254 = arith.constant 48 : index
      %get3A_255 = tpu.vector_load %arg11[%get3A_252, %get3A_253, %get3A_254] {strides = array<i32>} : memref<2x32x512xi32, #tpu.memory_space<vmem>>, vector<1x1x16xi32>,
      %get3A_256 = vector.shape_cast %get3A_255 : vector<1x1x16xi32> to vector<16xi32>
      %shift_left3A_257 = arith.constant 16 : i32
      %shift_left3A_258 = vector.broadcast %shift_left3A_257 : i32 to vector<16xi32>
      %shift_left3A_259 = arith.shli %get3A_250, %shift_left3A_258 : vector<16xi32>
      %bitcast_convert_type3A_260 = tpu.bitcast %shift_left3A_259 : vector<16xi32> -> vector<16xf32>
      %shift_left3A_261 = arith.constant 16 : i32
      %shift_left3A_262 = vector.broadcast %shift_left3A_261 : i32 to vector<16xi32>
      %shift_left3A_263 = arith.shli %get3A_256, %shift_left3A_262 : vector<16xi32>
      %bitcast_convert_type3A_264 = tpu.bitcast %shift_left3A_263 : vector<16xi32> -> vector<16xf32>
      %add3A_265 = arith.addf %bitcast_convert_type3A_260, %bitcast_convert_type3A_264 : vector<16xf32>
      %and3A_266 = arith.constant -65536 : i32
      %and3A_267 = vector.broadcast %and3A_266 : i32 to vector<16xi32>
      %and3A_268 = arith.andi %get3A_250, %and3A_267 : vector<16xi32>
      %bitcast_convert_type3A_269 = tpu.bitcast %and3A_268 : vector<16xi32> -> vector<16xf32>
      %and3A_270 = arith.constant -65536 : i32
      %and3A_271 = vector.broadcast %and3A_270 : i32 to vector<16xi32>
      %and3A_272 = arith.andi %get3A_256, %and3A_271 : vector<16xi32>
      %bitcast_convert_type3A_273 = tpu.bitcast %and3A_272 : vector<16xi32> -> vector<16xf32>
      %add3A_274 = arith.addf %bitcast_convert_type3A_269, %bitcast_convert_type3A_273 : vector<16xf32>
      %swap3A_275 = arith.index_cast %scan3A_129 : i32 to index
      %swap3A_276 = arith.constant 48 : index
      %swap3A_277 = tpu.vector_load %arg9[%swap3A_275, %swap3A_276] {strides = array<i32>} : memref<32x1024xf32, #tpu.memory_space<vmem>>, vector<1x16xf32>,
      %swap3A_278 = vector.shape_cast %swap3A_277 : vector<1x16xf32> to vector<16xf32>
      %swap3A_279 = vector.shape_cast %add3A_265 : vector<16xf32> to vector<1x16xf32>
      tpu.vector_store %arg9[%swap3A_275, %swap3A_276], %swap3A_279 {add = true, strides = array<i32>} : memref<32x1024xf32, #tpu.memory_space<vmem>>, vector<1x16xf32>,
      %swap3A_280 = arith.index_cast %scan3A_129 : i32 to index
      %swap3A_281 = arith.constant 560 : index
      %swap3A_282 = tpu.vector_load %arg9[%swap3A_280, %swap3A_281] {strides = array<i32>} : memref<32x1024xf32, #tpu.memory_space<vmem>>, vector<1x16xf32>,
      %swap3A_283 = vector.shape_cast %swap3A_282 : vector<1x16xf32> to vector<16xf32>
      %swap3A_284 = vector.shape_cast %add3A_274 : vector<16xf32> to vector<1x16xf32>
      tpu.vector_store %arg9[%swap3A_280, %swap3A_281], %swap3A_284 {add = true, strides = array<i32>} : memref<32x1024xf32, #tpu.memory_space<vmem>>, vector<1x16xf32>,
      %get3A_285 = arith.constant 1 : i32
      %get3A_286 = arith.index_cast %get3A_285 : i32 to index
      %get3A_287 = arith.index_cast %scan3A_129 : i32 to index
      %get3A_288 = arith.constant 64 : index
      %get3A_289 = tpu.vector_load %arg10[%get3A_286, %get3A_287, %get3A_288] {strides = array<i32>} : memref<2x32x512xi32, #tpu.memory_space<vmem>>, vector<1x1x16xi32>,
      %get3A_290 = vector.shape_cast %get3A_289 : vector<1x1x16xi32> to vector<16xi32>
      %get3A_291 = arith.constant 1 : i32
      %get3A_292 = arith.index_cast %get3A_291 : i32 to index
      %get3A_293 = arith.index_cast %scan3A_129 : i32 to index
      %get3A_294 = arith.constant 64 : index
      %get3A_295 = tpu.vector_load %arg11[%get3A_292, %get3A_293, %get3A_294] {strides = array<i32>} : memref<2x32x512xi32, #tpu.memory_space<vmem>>, vector<1x1x16xi32>,
      %get3A_296 = vector.shape_cast %get3A_295 : vector<1x1x16xi32> to vector<16xi32>
      %shift_left3A_297 = arith.constant 16 : i32
      %shift_left3A_298 = vector.broadcast %shift_left3A_297 : i32 to vector<16xi32>
      %shift_left3A_299 = arith.shli %get3A_290, %shift_left3A_298 : vector<16xi32>
      %bitcast_convert_type3A_300 = tpu.bitcast %shift_left3A_299 : vector<16xi32> -> vector<16xf32>
      %shift_left3A_301 = arith.constant 16 : i32
      %shift_left3A_302 = vector.broadcast %shift_left3A_301 : i32 to vector<16xi32>
      %shift_left3A_303 = arith.shli %get3A_296, %shift_left3A_302 : vector<16xi32>
      %bitcast_convert_type3A_304 = tpu.bitcast %shift_left3A_303 : vector<16xi32> -> vector<16xf32>
      %add3A_305 = arith.addf %bitcast_convert_type3A_300, %bitcast_convert_type3A_304 : vector<16xf32>
      %and3A_306 = arith.constant -65536 : i32
      %and3A_307 = vector.broadcast %and3A_306 : i32 to vector<16xi32>
      %and3A_308 = arith.andi %get3A_290, %and3A_307 : vector<16xi32>
      %bitcast_convert_type3A_309 = tpu.bitcast %and3A_308 : vector<16xi32> -> vector<16xf32>
      %and3A_310 = arith.constant -65536 : i32
      %and3A_311 = vector.broadcast %and3A_310 : i32 to vector<16xi32>
      %and3A_312 = arith.andi %get3A_296, %and3A_311 : vector<16xi32>
      %bitcast_convert_type3A_313 = tpu.bitcast %and3A_312 : vector<16xi32> -> vector<16xf32>
      %add3A_314 = arith.addf %bitcast_convert_type3A_309, %bitcast_convert_type3A_313 : vector<16xf32>
      %swap3A_315 = arith.index_cast %scan3A_129 : i32 to index
      %swap3A_316 = arith.constant 64 : index
      %swap3A_317 = tpu.vector_load %arg9[%swap3A_315, %swap3A_316] {strides = array<i32>} : memref<32x1024xf32, #tpu.memory_space<vmem>>, vector<1x16xf32>,
      %swap3A_318 = vector.shape_cast %swap3A_317 : vector<1x16xf32> to vector<16xf32>
      %swap3A_319 = vector.shape_cast %add3A_305 : vector<16xf32> to vector<1x16xf32>
      tpu.vector_store %arg9[%swap3A_315, %swap3A_316], %swap3A_319 {add = true, strides = array<i32>} : memref<32x1024xf32, #tpu.memory_space<vmem>>, vector<1x16xf32>,
      %swap3A_320 = arith.index_cast %scan3A_129 : i32 to index
      %swap3A_321 = arith.constant 576 : index
      %swap3A_322 = tpu.vector_load %arg9[%swap3A_320, %swap3A_321] {strides = array<i32>} : memref<32x1024xf32, #tpu.memory_space<vmem>>, vector<1x16xf32>,
      %swap3A_323 = vector.shape_cast %swap3A_322 : vector<1x16xf32> to vector<16xf32>
      %swap3A_324 = vector.shape_cast %add3A_314 : vector<16xf32> to vector<1x16xf32>
      tpu.vector_store %arg9[%swap3A_320, %swap3A_321], %swap3A_324 {add = true, strides = array<i32>} : memref<32x1024xf32, #tpu.memory_space<vmem>>, vector<1x16xf32>,
      %get3A_325 = arith.constant 1 : i32
      %get3A_326 = arith.index_cast %get3A_325 : i32 to index
      %get3A_327 = arith.index_cast %scan3A_129 : i32 to index
      %get3A_328 = arith.constant 80 : index
      %get3A_329 = tpu.vector_load %arg10[%get3A_326, %get3A_327, %get3A_328] {strides = array<i32>} : memref<2x32x512xi32, #tpu.memory_space<vmem>>, vector<1x1x16xi32>,
      %get3A_330 = vector.shape_cast %get3A_329 : vector<1x1x16xi32> to vector<16xi32>
      %get3A_331 = arith.constant 1 : i32
      %get3A_332 = arith.index_cast %get3A_331 : i32 to index
      %get3A_333 = arith.index_cast %scan3A_129 : i32 to index
      %get3A_334 = arith.constant 80 : index
      %get3A_335 = tpu.vector_load %arg11[%get3A_332, %get3A_333, %get3A_334] {strides = array<i32>} : memref<2x32x512xi32, #tpu.memory_space<vmem>>, vector<1x1x16xi32>,
      %get3A_336 = vector.shape_cast %get3A_335 : vector<1x1x16xi32> to vector<16xi32>
      %shift_left3A_337 = arith.constant 16 : i32
      %shift_left3A_338 = vector.broadcast %shift_left3A_337 : i32 to vector<16xi32>
      %shift_left3A_339 = arith.shli %get3A_330, %shift_left3A_338 : vector<16xi32>
      %bitcast_convert_type3A_340 = tpu.bitcast %shift_left3A_339 : vector<16xi32> -> vector<16xf32>
      %shift_left3A_341 = arith.constant 16 : i32
      %shift_left3A_342 = vector.broadcast %shift_left3A_341 : i32 to vector<16xi32>
      %shift_left3A_343 = arith.shli %get3A_336, %shift_left3A_342 : vector<16xi32>
      %bitcast_convert_type3A_344 = tpu.bitcast %shift_left3A_343 : vector<16xi32> -> vector<16xf32>
      %add3A_345 = arith.addf %bitcast_convert_type3A_340, %bitcast_convert_type3A_344 : vector<16xf32>
      %and3A_346 = arith.constant -65536 : i32
      %and3A_347 = vector.broadcast %and3A_346 : i32 to vector<16xi32>
      %and3A_348 = arith.andi %get3A_330, %and3A_347 : vector<16xi32>
      %bitcast_convert_type3A_349 = tpu.bitcast %and3A_348 : vector<16xi32> -> vector<16xf32>
      %and3A_350 = arith.constant -65536 : i32
      %and3A_351 = vector.broadcast %and3A_350 : i32 to vector<16xi32>
      %and3A_352 = arith.andi %get3A_336, %and3A_351 : vector<16xi32>
      %bitcast_convert_type3A_353 = tpu.bitcast %and3A_352 : vector<16xi32> -> vector<16xf32>
      %add3A_354 = arith.addf %bitcast_convert_type3A_349, %bitcast_convert_type3A_353 : vector<16xf32>
      %swap3A_355 = arith.index_cast %scan3A_129 : i32 to index
      %swap3A_356 = arith.constant 80 : index
      %swap3A_357 = tpu.vector_load %arg9[%swap3A_355, %swap3A_356] {strides = array<i32>} : memref<32x1024xf32, #tpu.memory_space<vmem>>, vector<1x16xf32>,
      %swap3A_358 = vector.shape_cast %swap3A_357 : vector<1x16xf32> to vector<16xf32>
      %swap3A_359 = vector.shape_cast %add3A_345 : vector<16xf32> to vector<1x16xf32>
      tpu.vector_store %arg9[%swap3A_355, %swap3A_356], %swap3A_359 {add = true, strides = array<i32>} : memref<32x1024xf32, #tpu.memory_space<vmem>>, vector<1x16xf32>,
      %swap3A_360 = arith.index_cast %scan3A_129 : i32 to index
      %swap3A_361 = arith.constant 592 : index
      %swap3A_362 = tpu.vector_load %arg9[%swap3A_360, %swap3A_361] {strides = array<i32>} : memref<32x1024xf32, #tpu.memory_space<vmem>>, vector<1x16xf32>,
      %swap3A_363 = vector.shape_cast %swap3A_362 : vector<1x16xf32> to vector<16xf32>
      %swap3A_364 = vector.shape_cast %add3A_354 : vector<16xf32> to vector<1x16xf32>
      tpu.vector_store %arg9[%swap3A_360, %swap3A_361], %swap3A_364 {add = true, strides = array<i32>} : memref<32x1024xf32, #tpu.memory_space<vmem>>, vector<1x16xf32>,
      %get3A_365 = arith.constant 1 : i32
      %get3A_366 = arith.index_cast %get3A_365 : i32 to index
      %get3A_367 = arith.index_cast %scan3A_129 : i32 to index
      %get3A_368 = arith.constant 96 : index
      %get3A_369 = tpu.vector_load %arg10[%get3A_366, %get3A_367, %get3A_368] {strides = array<i32>} : memref<2x32x512xi32, #tpu.memory_space<vmem>>, vector<1x1x16xi32>,
      %get3A_370 = vector.shape_cast %get3A_369 : vector<1x1x16xi32> to vector<16xi32>
      %get3A_371 = arith.constant 1 : i32
      %get3A_372 = arith.index_cast %get3A_371 : i32 to index
      %get3A_373 = arith.index_cast %scan3A_129 : i32 to index
      %get3A_374 = arith.constant 96 : index
      %get3A_375 = tpu.vector_load %arg11[%get3A_372, %get3A_373, %get3A_374] {strides = array<i32>} : memref<2x32x512xi32, #tpu.memory_space<vmem>>, vector<1x1x16xi32>,
      %get3A_376 = vector.shape_cast %get3A_375 : vector<1x1x16xi32> to vector<16xi32>
      %shift_left3A_377 = arith.constant 16 : i32
      %shift_left3A_378 = vector.broadcast %shift_left3A_377 : i32 to vector<16xi32>
      %shift_left3A_379 = arith.shli %get3A_370, %shift_left3A_378 : vector<16xi32>
      %bitcast_convert_type3A_380 = tpu.bitcast %shift_left3A_379 : vector<16xi32> -> vector<16xf32>
      %shift_left3A_381 = arith.constant 16 : i32
      %shift_left3A_382 = vector.broadcast %shift_left3A_381 : i32 to vector<16xi32>
      %shift_left3A_383 = arith.shli %get3A_376, %shift_left3A_382 : vector<16xi32>
      %bitcast_convert_type3A_384 = tpu.bitcast %shift_left3A_383 : vector<16xi32> -> vector<16xf32>
      %add3A_385 = arith.addf %bitcast_convert_type3A_380, %bitcast_convert_type3A_384 : vector<16xf32>
      %and3A_386 = arith.constant -65536 : i32
      %and3A_387 = vector.broadcast %and3A_386 : i32 to vector<16xi32>
      %and3A_388 = arith.andi %get3A_370, %and3A_387 : vector<16xi32>
      %bitcast_convert_type3A_389 = tpu.bitcast %and3A_388 : vector<16xi32> -> vector<16xf32>
      %and3A_390 = arith.constant -65536 : i32
      %and3A_391 = vector.broadcast %and3A_390 : i32 to vector<16xi32>
      %and3A_392 = arith.andi %get3A_376, %and3A_391 : vector<16xi32>
      %bitcast_convert_type3A_393 = tpu.bitcast %and3A_392 : vector<16xi32> -> vector<16xf32>
      %add3A_394 = arith.addf %bitcast_convert_type3A_389, %bitcast_convert_type3A_393 : vector<16xf32>
      %swap3A_395 = arith.index_cast %scan3A_129 : i32 to index
      %swap3A_396 = arith.constant 96 : index
      %swap3A_397 = tpu.vector_load %arg9[%swap3A_395, %swap3A_396] {strides = array<i32>} : memref<32x1024xf32, #tpu.memory_space<vmem>>, vector<1x16xf32>,
      %swap3A_398 = vector.shape_cast %swap3A_397 : vector<1x16xf32> to vector<16xf32>
      %swap3A_399 = vector.shape_cast %add3A_385 : vector<16xf32> to vector<1x16xf32>
      tpu.vector_store %arg9[%swap3A_395, %swap3A_396], %swap3A_399 {add = true, strides = array<i32>} : memref<32x1024xf32, #tpu.memory_space<vmem>>, vector<1x16xf32>,
      %swap3A_400 = arith.index_cast %scan3A_129 : i32 to index
      %swap3A_401 = arith.constant 608 : index
      %swap3A_402 = tpu.vector_load %arg9[%swap3A_400, %swap3A_401] {strides = array<i32>} : memref<32x1024xf32, #tpu.memory_space<vmem>>, vector<1x16xf32>,
      %swap3A_403 = vector.shape_cast %swap3A_402 : vector<1x16xf32> to vector<16xf32>
      %swap3A_404 = vector.shape_cast %add3A_394 : vector<16xf32> to vector<1x16xf32>
      tpu.vector_store %arg9[%swap3A_400, %swap3A_401], %swap3A_404 {add = true, strides = array<i32>} : memref<32x1024xf32, #tpu.memory_space<vmem>>, vector<1x16xf32>,
      %get3A_405 = arith.constant 1 : i32
      %get3A_406 = arith.index_cast %get3A_405 : i32 to index
      %get3A_407 = arith.index_cast %scan3A_129 : i32 to index
      %get3A_408 = arith.constant 112 : index
      %get3A_409 = tpu.vector_load %arg10[%get3A_406, %get3A_407, %get3A_408] {strides = array<i32>} : memref<2x32x512xi32, #tpu.memory_space<vmem>>, vector<1x1x16xi32>,
      %get3A_410 = vector.shape_cast %get3A_409 : vector<1x1x16xi32> to vector<16xi32>
      %get3A_411 = arith.constant 1 : i32
      %get3A_412 = arith.index_cast %get3A_411 : i32 to index
      %get3A_413 = arith.index_cast %scan3A_129 : i32 to index
      %get3A_414 = arith.constant 112 : index
      %get3A_415 = tpu.vector_load %arg11[%get3A_412, %get3A_413, %get3A_414] {strides = array<i32>} : memref<2x32x512xi32, #tpu.memory_space<vmem>>, vector<1x1x16xi32>,
      %get3A_416 = vector.shape_cast %get3A_415 : vector<1x1x16xi32> to vector<16xi32>
      %shift_left3A_417 = arith.constant 16 : i32
      %shift_left3A_418 = vector.broadcast %shift_left3A_417 : i32 to vector<16xi32>
      %shift_left3A_419 = arith.shli %get3A_410, %shift_left3A_418 : vector<16xi32>
      %bitcast_convert_type3A_420 = tpu.bitcast %shift_left3A_419 : vector<16xi32> -> vector<16xf32>
      %shift_left3A_421 = arith.constant 16 : i32
      %shift_left3A_422 = vector.broadcast %shift_left3A_421 : i32 to vector<16xi32>
      %shift_left3A_423 = arith.shli %get3A_416, %shift_left3A_422 : vector<16xi32>
      %bitcast_convert_type3A_424 = tpu.bitcast %shift_left3A_423 : vector<16xi32> -> vector<16xf32>
      %add3A_425 = arith.addf %bitcast_convert_type3A_420, %bitcast_convert_type3A_424 : vector<16xf32>
      %and3A_426 = arith.constant -65536 : i32
      %and3A_427 = vector.broadcast %and3A_426 : i32 to vector<16xi32>
      %and3A_428 = arith.andi %get3A_410, %and3A_427 : vector<16xi32>
      %bitcast_convert_type3A_429 = tpu.bitcast %and3A_428 : vector<16xi32> -> vector<16xf32>
      %and3A_430 = arith.constant -65536 : i32
      %and3A_431 = vector.broadcast %and3A_430 : i32 to vector<16xi32>
      %and3A_432 = arith.andi %get3A_416, %and3A_431 : vector<16xi32>
      %bitcast_convert_type3A_433 = tpu.bitcast %and3A_432 : vector<16xi32> -> vector<16xf32>
      %add3A_434 = arith.addf %bitcast_convert_type3A_429, %bitcast_convert_type3A_433 : vector<16xf32>
      %swap3A_435 = arith.index_cast %scan3A_129 : i32 to index
      %swap3A_436 = arith.constant 112 : index
      %swap3A_437 = tpu.vector_load %arg9[%swap3A_435, %swap3A_436] {strides = array<i32>} : memref<32x1024xf32, #tpu.memory_space<vmem>>, vector<1x16xf32>,
      %swap3A_438 = vector.shape_cast %swap3A_437 : vector<1x16xf32> to vector<16xf32>
      %swap3A_439 = vector.shape_cast %add3A_425 : vector<16xf32> to vector<1x16xf32>
      tpu.vector_store %arg9[%swap3A_435, %swap3A_436], %swap3A_439 {add = true, strides = array<i32>} : memref<32x1024xf32, #tpu.memory_space<vmem>>, vector<1x16xf32>,
      %swap3A_440 = arith.index_cast %scan3A_129 : i32 to index
      %swap3A_441 = arith.constant 624 : index
      %swap3A_442 = tpu.vector_load %arg9[%swap3A_440, %swap3A_441] {strides = array<i32>} : memref<32x1024xf32, #tpu.memory_space<vmem>>, vector<1x16xf32>,
      %swap3A_443 = vector.shape_cast %swap3A_442 : vector<1x16xf32> to vector<16xf32>
      %swap3A_444 = vector.shape_cast %add3A_434 : vector<16xf32> to vector<1x16xf32>
      tpu.vector_store %arg9[%swap3A_440, %swap3A_441], %swap3A_444 {add = true, strides = array<i32>} : memref<32x1024xf32, #tpu.memory_space<vmem>>, vector<1x16xf32>,
      %get3A_445 = arith.constant 1 : i32
      %get3A_446 = arith.index_cast %get3A_445 : i32 to index
      %get3A_447 = arith.index_cast %scan3A_129 : i32 to index
      %get3A_448 = arith.constant 128 : index
      %get3A_449 = tpu.vector_load %arg10[%get3A_446, %get3A_447, %get3A_448] {strides = array<i32>} : memref<2x32x512xi32, #tpu.memory_space<vmem>>, vector<1x1x16xi32>,
      %get3A_450 = vector.shape_cast %get3A_449 : vector<1x1x16xi32> to vector<16xi32>
      %get3A_451 = arith.constant 1 : i32
      %get3A_452 = arith.index_cast %get3A_451 : i32 to index
      %get3A_453 = arith.index_cast %scan3A_129 : i32 to index
      %get3A_454 = arith.constant 128 : index
      %get3A_455 = tpu.vector_load %arg11[%get3A_452, %get3A_453, %get3A_454] {strides = array<i32>} : memref<2x32x512xi32, #tpu.memory_space<vmem>>, vector<1x1x16xi32>,
      %get3A_456 = vector.shape_cast %get3A_455 : vector<1x1x16xi32> to vector<16xi32>
      %shift_left3A_457 = arith.constant 16 : i32
      %shift_left3A_458 = vector.broadcast %shift_left3A_457 : i32 to vector<16xi32>
      %shift_left3A_459 = arith.shli %get3A_450, %shift_left3A_458 : vector<16xi32>
      %bitcast_convert_type3A_460 = tpu.bitcast %shift_left3A_459 : vector<16xi32> -> vector<16xf32>
      %shift_left3A_461 = arith.constant 16 : i32
      %shift_left3A_462 = vector.broadcast %shift_left3A_461 : i32 to vector<16xi32>
      %shift_left3A_463 = arith.shli %get3A_456, %shift_left3A_462 : vector<16xi32>
      %bitcast_convert_type3A_464 = tpu.bitcast %shift_left3A_463 : vector<16xi32> -> vector<16xf32>
      %add3A_465 = arith.addf %bitcast_convert_type3A_460, %bitcast_convert_type3A_464 : vector<16xf32>
      %and3A_466 = arith.constant -65536 : i32
      %and3A_467 = vector.broadcast %and3A_466 : i32 to vector<16xi32>
      %and3A_468 = arith.andi %get3A_450, %and3A_467 : vector<16xi32>
      %bitcast_convert_type3A_469 = tpu.bitcast %and3A_468 : vector<16xi32> -> vector<16xf32>
      %and3A_470 = arith.constant -65536 : i32
      %and3A_471 = vector.broadcast %and3A_470 : i32 to vector<16xi32>
      %and3A_472 = arith.andi %get3A_456, %and3A_471 : vector<16xi32>
      %bitcast_convert_type3A_473 = tpu.bitcast %and3A_472 : vector<16xi32> -> vector<16xf32>
      %add3A_474 = arith.addf %bitcast_convert_type3A_469, %bitcast_convert_type3A_473 : vector<16xf32>
      %swap3A_475 = arith.index_cast %scan3A_129 : i32 to index
      %swap3A_476 = arith.constant 128 : index
      %swap3A_477 = tpu.vector_load %arg9[%swap3A_475, %swap3A_476] {strides = array<i32>} : memref<32x1024xf32, #tpu.memory_space<vmem>>, vector<1x16xf32>,
      %swap3A_478 = vector.shape_cast %swap3A_477 : vector<1x16xf32> to vector<16xf32>
      %swap3A_479 = vector.shape_cast %add3A_465 : vector<16xf32> to vector<1x16xf32>
      tpu.vector_store %arg9[%swap3A_475, %swap3A_476], %swap3A_479 {add = true, strides = array<i32>} : memref<32x1024xf32, #tpu.memory_space<vmem>>, vector<1x16xf32>,
      %swap3A_480 = arith.index_cast %scan3A_129 : i32 to index
      %swap3A_481 = arith.constant 640 : index
      %swap3A_482 = tpu.vector_load %arg9[%swap3A_480, %swap3A_481] {strides = array<i32>} : memref<32x1024xf32, #tpu.memory_space<vmem>>, vector<1x16xf32>,
      %swap3A_483 = vector.shape_cast %swap3A_482 : vector<1x16xf32> to vector<16xf32>
      %swap3A_484 = vector.shape_cast %add3A_474 : vector<16xf32> to vector<1x16xf32>
      tpu.vector_store %arg9[%swap3A_480, %swap3A_481], %swap3A_484 {add = true, strides = array<i32>} : memref<32x1024xf32, #tpu.memory_space<vmem>>, vector<1x16xf32>,
      %get3A_485 = arith.constant 1 : i32
      %get3A_486 = arith.index_cast %get3A_485 : i32 to index
      %get3A_487 = arith.index_cast %scan3A_129 : i32 to index
      %get3A_488 = arith.constant 144 : index
      %get3A_489 = tpu.vector_load %arg10[%get3A_486, %get3A_487, %get3A_488] {strides = array<i32>} : memref<2x32x512xi32, #tpu.memory_space<vmem>>, vector<1x1x16xi32>,
      %get3A_490 = vector.shape_cast %get3A_489 : vector<1x1x16xi32> to vector<16xi32>
      %get3A_491 = arith.constant 1 : i32
      %get3A_492 = arith.index_cast %get3A_491 : i32 to index
      %get3A_493 = arith.index_cast %scan3A_129 : i32 to index
      %get3A_494 = arith.constant 144 : index
      %get3A_495 = tpu.vector_load %arg11[%get3A_492, %get3A_493, %get3A_494] {strides = array<i32>} : memref<2x32x512xi32, #tpu.memory_space<vmem>>, vector<1x1x16xi32>,
      %get3A_496 = vector.shape_cast %get3A_495 : vector<1x1x16xi32> to vector<16xi32>
      %shift_left3A_497 = arith.constant 16 : i32
      %shift_left3A_498 = vector.broadcast %shift_left3A_497 : i32 to vector<16xi32>
      %shift_left3A_499 = arith.shli %get3A_490, %shift_left3A_498 : vector<16xi32>
      %bitcast_convert_type3A_500 = tpu.bitcast %shift_left3A_499 : vector<16xi32> -> vector<16xf32>
      %shift_left3A_501 = arith.constant 16 : i32
      %shift_left3A_502 = vector.broadcast %shift_left3A_501 : i32 to vector<16xi32>
      %shift_left3A_503 = arith.shli %get3A_496, %shift_left3A_502 : vector<16xi32>
      %bitcast_convert_type3A_504 = tpu.bitcast %shift_left3A_503 : vector<16xi32> -> vector<16xf32>
      %add3A_505 = arith.addf %bitcast_convert_type3A_500, %bitcast_convert_type3A_504 : vector<16xf32>
      %and3A_506 = arith.constant -65536 : i32
      %and3A_507 = vector.broadcast %and3A_506 : i32 to vector<16xi32>
      %and3A_508 = arith.andi %get3A_490, %and3A_507 : vector<16xi32>
      %bitcast_convert_type3A_509 = tpu.bitcast %and3A_508 : vector<16xi32> -> vector<16xf32>
      %and3A_510 = arith.constant -65536 : i32
      %and3A_511 = vector.broadcast %and3A_510 : i32 to vector<16xi32>
      %and3A_512 = arith.andi %get3A_496, %and3A_511 : vector<16xi32>
      %bitcast_convert_type3A_513 = tpu.bitcast %and3A_512 : vector<16xi32> -> vector<16xf32>
      %add3A_514 = arith.addf %bitcast_convert_type3A_509, %bitcast_convert_type3A_513 : vector<16xf32>
      %swap3A_515 = arith.index_cast %scan3A_129 : i32 to index
      %swap3A_516 = arith.constant 144 : index
      %swap3A_517 = tpu.vector_load %arg9[%swap3A_515, %swap3A_516] {strides = array<i32>} : memref<32x1024xf32, #tpu.memory_space<vmem>>, vector<1x16xf32>,
      %swap3A_518 = vector.shape_cast %swap3A_517 : vector<1x16xf32> to vector<16xf32>
      %swap3A_519 = vector.shape_cast %add3A_505 : vector<16xf32> to vector<1x16xf32>
      tpu.vector_store %arg9[%swap3A_515, %swap3A_516], %swap3A_519 {add = true, strides = array<i32>} : memref<32x1024xf32, #tpu.memory_space<vmem>>, vector<1x16xf32>,
      %swap3A_520 = arith.index_cast %scan3A_129 : i32 to index
      %swap3A_521 = arith.constant 656 : index
      %swap3A_522 = tpu.vector_load %arg9[%swap3A_520, %swap3A_521] {strides = array<i32>} : memref<32x1024xf32, #tpu.memory_space<vmem>>, vector<1x16xf32>,
      %swap3A_523 = vector.shape_cast %swap3A_522 : vector<1x16xf32> to vector<16xf32>
      %swap3A_524 = vector.shape_cast %add3A_514 : vector<16xf32> to vector<1x16xf32>
      tpu.vector_store %arg9[%swap3A_520, %swap3A_521], %swap3A_524 {add = true, strides = array<i32>} : memref<32x1024xf32, #tpu.memory_space<vmem>>, vector<1x16xf32>,
      %get3A_525 = arith.constant 1 : i32
      %get3A_526 = arith.index_cast %get3A_525 : i32 to index
      %get3A_527 = arith.index_cast %scan3A_129 : i32 to index
      %get3A_528 = arith.constant 160 : index
      %get3A_529 = tpu.vector_load %arg10[%get3A_526, %get3A_527, %get3A_528] {strides = array<i32>} : memref<2x32x512xi32, #tpu.memory_space<vmem>>, vector<1x1x16xi32>,
      %get3A_530 = vector.shape_cast %get3A_529 : vector<1x1x16xi32> to vector<16xi32>
      %get3A_531 = arith.constant 1 : i32
      %get3A_532 = arith.index_cast %get3A_531 : i32 to index
      %get3A_533 = arith.index_cast %scan3A_129 : i32 to index
      %get3A_534 = arith.constant 160 : index
      %get3A_535 = tpu.vector_load %arg11[%get3A_532, %get3A_533, %get3A_534] {strides = array<i32>} : memref<2x32x512xi32, #tpu.memory_space<vmem>>, vector<1x1x16xi32>,
      %get3A_536 = vector.shape_cast %get3A_535 : vector<1x1x16xi32> to vector<16xi32>
      %shift_left3A_537 = arith.constant 16 : i32
      %shift_left3A_538 = vector.broadcast %shift_left3A_537 : i32 to vector<16xi32>
      %shift_left3A_539 = arith.shli %get3A_530, %shift_left3A_538 : vector<16xi32>
      %bitcast_convert_type3A_540 = tpu.bitcast %shift_left3A_539 : vector<16xi32> -> vector<16xf32>
      %shift_left3A_541 = arith.constant 16 : i32
      %shift_left3A_542 = vector.broadcast %shift_left3A_541 : i32 to vector<16xi32>
      %shift_left3A_543 = arith.shli %get3A_536, %shift_left3A_542 : vector<16xi32>
      %bitcast_convert_type3A_544 = tpu.bitcast %shift_left3A_543 : vector<16xi32> -> vector<16xf32>
      %add3A_545 = arith.addf %bitcast_convert_type3A_540, %bitcast_convert_type3A_544 : vector<16xf32>
      %and3A_546 = arith.constant -65536 : i32
      %and3A_547 = vector.broadcast %and3A_546 : i32 to vector<16xi32>
      %and3A_548 = arith.andi %get3A_530, %and3A_547 : vector<16xi32>
      %bitcast_convert_type3A_549 = tpu.bitcast %and3A_548 : vector<16xi32> -> vector<16xf32>
      %and3A_550 = arith.constant -65536 : i32
      %and3A_551 = vector.broadcast %and3A_550 : i32 to vector<16xi32>
      %and3A_552 = arith.andi %get3A_536, %and3A_551 : vector<16xi32>
      %bitcast_convert_type3A_553 = tpu.bitcast %and3A_552 : vector<16xi32> -> vector<16xf32>
      %add3A_554 = arith.addf %bitcast_convert_type3A_549, %bitcast_convert_type3A_553 : vector<16xf32>
      %swap3A_555 = arith.index_cast %scan3A_129 : i32 to index
      %swap3A_556 = arith.constant 160 : index
      %swap3A_557 = tpu.vector_load %arg9[%swap3A_555, %swap3A_556] {strides = array<i32>} : memref<32x1024xf32, #tpu.memory_space<vmem>>, vector<1x16xf32>,
      %swap3A_558 = vector.shape_cast %swap3A_557 : vector<1x16xf32> to vector<16xf32>
      %swap3A_559 = vector.shape_cast %add3A_545 : vector<16xf32> to vector<1x16xf32>
      tpu.vector_store %arg9[%swap3A_555, %swap3A_556], %swap3A_559 {add = true, strides = array<i32>} : memref<32x1024xf32, #tpu.memory_space<vmem>>, vector<1x16xf32>,
      %swap3A_560 = arith.index_cast %scan3A_129 : i32 to index
      %swap3A_561 = arith.constant 672 : index
      %swap3A_562 = tpu.vector_load %arg9[%swap3A_560, %swap3A_561] {strides = array<i32>} : memref<32x1024xf32, #tpu.memory_space<vmem>>, vector<1x16xf32>,
      %swap3A_563 = vector.shape_cast %swap3A_562 : vector<1x16xf32> to vector<16xf32>
      %swap3A_564 = vector.shape_cast %add3A_554 : vector<16xf32> to vector<1x16xf32>
      tpu.vector_store %arg9[%swap3A_560, %swap3A_561], %swap3A_564 {add = true, strides = array<i32>} : memref<32x1024xf32, #tpu.memory_space<vmem>>, vector<1x16xf32>,
      %get3A_565 = arith.constant 1 : i32
      %get3A_566 = arith.index_cast %get3A_565 : i32 to index
      %get3A_567 = arith.index_cast %scan3A_129 : i32 to index
      %get3A_568 = arith.constant 176 : index
      %get3A_569 = tpu.vector_load %arg10[%get3A_566, %get3A_567, %get3A_568] {strides = array<i32>} : memref<2x32x512xi32, #tpu.memory_space<vmem>>, vector<1x1x16xi32>,
      %get3A_570 = vector.shape_cast %get3A_569 : vector<1x1x16xi32> to vector<16xi32>
      %get3A_571 = arith.constant 1 : i32
      %get3A_572 = arith.index_cast %get3A_571 : i32 to index
      %get3A_573 = arith.index_cast %scan3A_129 : i32 to index
      %get3A_574 = arith.constant 176 : index
      %get3A_575 = tpu.vector_load %arg11[%get3A_572, %get3A_573, %get3A_574] {strides = array<i32>} : memref<2x32x512xi32, #tpu.memory_space<vmem>>, vector<1x1x16xi32>,
      %get3A_576 = vector.shape_cast %get3A_575 : vector<1x1x16xi32> to vector<16xi32>
      %shift_left3A_577 = arith.constant 16 : i32
      %shift_left3A_578 = vector.broadcast %shift_left3A_577 : i32 to vector<16xi32>
      %shift_left3A_579 = arith.shli %get3A_570, %shift_left3A_578 : vector<16xi32>
      %bitcast_convert_type3A_580 = tpu.bitcast %shift_left3A_579 : vector<16xi32> -> vector<16xf32>
      %shift_left3A_581 = arith.constant 16 : i32
      %shift_left3A_582 = vector.broadcast %shift_left3A_581 : i32 to vector<16xi32>
      %shift_left3A_583 = arith.shli %get3A_576, %shift_left3A_582 : vector<16xi32>
      %bitcast_convert_type3A_584 = tpu.bitcast %shift_left3A_583 : vector<16xi32> -> vector<16xf32>
      %add3A_585 = arith.addf %bitcast_convert_type3A_580, %bitcast_convert_type3A_584 : vector<16xf32>
      %and3A_586 = arith.constant -65536 : i32
      %and3A_587 = vector.broadcast %and3A_586 : i32 to vector<16xi32>
      %and3A_588 = arith.andi %get3A_570, %and3A_587 : vector<16xi32>
      %bitcast_convert_type3A_589 = tpu.bitcast %and3A_588 : vector<16xi32> -> vector<16xf32>
      %and3A_590 = arith.constant -65536 : i32
      %and3A_591 = vector.broadcast %and3A_590 : i32 to vector<16xi32>
      %and3A_592 = arith.andi %get3A_576, %and3A_591 : vector<16xi32>
      %bitcast_convert_type3A_593 = tpu.bitcast %and3A_592 : vector<16xi32> -> vector<16xf32>
      %add3A_594 = arith.addf %bitcast_convert_type3A_589, %bitcast_convert_type3A_593 : vector<16xf32>
      %swap3A_595 = arith.index_cast %scan3A_129 : i32 to index
      %swap3A_596 = arith.constant 176 : index
      %swap3A_597 = tpu.vector_load %arg9[%swap3A_595, %swap3A_596] {strides = array<i32>} : memref<32x1024xf32, #tpu.memory_space<vmem>>, vector<1x16xf32>,
      %swap3A_598 = vector.shape_cast %swap3A_597 : vector<1x16xf32> to vector<16xf32>
      %swap3A_599 = vector.shape_cast %add3A_585 : vector<16xf32> to vector<1x16xf32>
      tpu.vector_store %arg9[%swap3A_595, %swap3A_596], %swap3A_599 {add = true, strides = array<i32>} : memref<32x1024xf32, #tpu.memory_space<vmem>>, vector<1x16xf32>,
      %swap3A_600 = arith.index_cast %scan3A_129 : i32 to index
      %swap3A_601 = arith.constant 688 : index
      %swap3A_602 = tpu.vector_load %arg9[%swap3A_600, %swap3A_601] {strides = array<i32>} : memref<32x1024xf32, #tpu.memory_space<vmem>>, vector<1x16xf32>,
      %swap3A_603 = vector.shape_cast %swap3A_602 : vector<1x16xf32> to vector<16xf32>
      %swap3A_604 = vector.shape_cast %add3A_594 : vector<16xf32> to vector<1x16xf32>
      tpu.vector_store %arg9[%swap3A_600, %swap3A_601], %swap3A_604 {add = true, strides = array<i32>} : memref<32x1024xf32, #tpu.memory_space<vmem>>, vector<1x16xf32>,
      %get3A_605 = arith.constant 1 : i32
      %get3A_606 = arith.index_cast %get3A_605 : i32 to index
      %get3A_607 = arith.index_cast %scan3A_129 : i32 to index
      %get3A_608 = arith.constant 192 : index
      %get3A_609 = tpu.vector_load %arg10[%get3A_606, %get3A_607, %get3A_608] {strides = array<i32>} : memref<2x32x512xi32, #tpu.memory_space<vmem>>, vector<1x1x16xi32>,
      %get3A_610 = vector.shape_cast %get3A_609 : vector<1x1x16xi32> to vector<16xi32>
      %get3A_611 = arith.constant 1 : i32
      %get3A_612 = arith.index_cast %get3A_611 : i32 to index
      %get3A_613 = arith.index_cast %scan3A_129 : i32 to index
      %get3A_614 = arith.constant 192 : index
      %get3A_615 = tpu.vector_load %arg11[%get3A_612, %get3A_613, %get3A_614] {strides = array<i32>} : memref<2x32x512xi32, #tpu.memory_space<vmem>>, vector<1x1x16xi32>,
      %get3A_616 = vector.shape_cast %get3A_615 : vector<1x1x16xi32> to vector<16xi32>
      %shift_left3A_617 = arith.constant 16 : i32
      %shift_left3A_618 = vector.broadcast %shift_left3A_617 : i32 to vector<16xi32>
      %shift_left3A_619 = arith.shli %get3A_610, %shift_left3A_618 : vector<16xi32>
      %bitcast_convert_type3A_620 = tpu.bitcast %shift_left3A_619 : vector<16xi32> -> vector<16xf32>
      %shift_left3A_621 = arith.constant 16 : i32
      %shift_left3A_622 = vector.broadcast %shift_left3A_621 : i32 to vector<16xi32>
      %shift_left3A_623 = arith.shli %get3A_616, %shift_left3A_622 : vector<16xi32>
      %bitcast_convert_type3A_624 = tpu.bitcast %shift_left3A_623 : vector<16xi32> -> vector<16xf32>
      %add3A_625 = arith.addf %bitcast_convert_type3A_620, %bitcast_convert_type3A_624 : vector<16xf32>
      %and3A_626 = arith.constant -65536 : i32
      %and3A_627 = vector.broadcast %and3A_626 : i32 to vector<16xi32>
      %and3A_628 = arith.andi %get3A_610, %and3A_627 : vector<16xi32>
      %bitcast_convert_type3A_629 = tpu.bitcast %and3A_628 : vector<16xi32> -> vector<16xf32>
      %and3A_630 = arith.constant -65536 : i32
      %and3A_631 = vector.broadcast %and3A_630 : i32 to vector<16xi32>
      %and3A_632 = arith.andi %get3A_616, %and3A_631 : vector<16xi32>
      %bitcast_convert_type3A_633 = tpu.bitcast %and3A_632 : vector<16xi32> -> vector<16xf32>
      %add3A_634 = arith.addf %bitcast_convert_type3A_629, %bitcast_convert_type3A_633 : vector<16xf32>
      %swap3A_635 = arith.index_cast %scan3A_129 : i32 to index
      %swap3A_636 = arith.constant 192 : index
      %swap3A_637 = tpu.vector_load %arg9[%swap3A_635, %swap3A_636] {strides = array<i32>} : memref<32x1024xf32, #tpu.memory_space<vmem>>, vector<1x16xf32>,
      %swap3A_638 = vector.shape_cast %swap3A_637 : vector<1x16xf32> to vector<16xf32>
      %swap3A_639 = vector.shape_cast %add3A_625 : vector<16xf32> to vector<1x16xf32>
      tpu.vector_store %arg9[%swap3A_635, %swap3A_636], %swap3A_639 {add = true, strides = array<i32>} : memref<32x1024xf32, #tpu.memory_space<vmem>>, vector<1x16xf32>,
      %swap3A_640 = arith.index_cast %scan3A_129 : i32 to index
      %swap3A_641 = arith.constant 704 : index
      %swap3A_642 = tpu.vector_load %arg9[%swap3A_640, %swap3A_641] {strides = array<i32>} : memref<32x1024xf32, #tpu.memory_space<vmem>>, vector<1x16xf32>,
      %swap3A_643 = vector.shape_cast %swap3A_642 : vector<1x16xf32> to vector<16xf32>
      %swap3A_644 = vector.shape_cast %add3A_634 : vector<16xf32> to vector<1x16xf32>
      tpu.vector_store %arg9[%swap3A_640, %swap3A_641], %swap3A_644 {add = true, strides = array<i32>} : memref<32x1024xf32, #tpu.memory_space<vmem>>, vector<1x16xf32>,
      %get3A_645 = arith.constant 1 : i32
      %get3A_646 = arith.index_cast %get3A_645 : i32 to index
      %get3A_647 = arith.index_cast %scan3A_129 : i32 to index
      %get3A_648 = arith.constant 208 : index
      %get3A_649 = tpu.vector_load %arg10[%get3A_646, %get3A_647, %get3A_648] {strides = array<i32>} : memref<2x32x512xi32, #tpu.memory_space<vmem>>, vector<1x1x16xi32>,
      %get3A_650 = vector.shape_cast %get3A_649 : vector<1x1x16xi32> to vector<16xi32>
      %get3A_651 = arith.constant 1 : i32
      %get3A_652 = arith.index_cast %get3A_651 : i32 to index
      %get3A_653 = arith.index_cast %scan3A_129 : i32 to index
      %get3A_654 = arith.constant 208 : index
      %get3A_655 = tpu.vector_load %arg11[%get3A_652, %get3A_653, %get3A_654] {strides = array<i32>} : memref<2x32x512xi32, #tpu.memory_space<vmem>>, vector<1x1x16xi32>,
      %get3A_656 = vector.shape_cast %get3A_655 : vector<1x1x16xi32> to vector<16xi32>
      %shift_left3A_657 = arith.constant 16 : i32
      %shift_left3A_658 = vector.broadcast %shift_left3A_657 : i32 to vector<16xi32>
      %shift_left3A_659 = arith.shli %get3A_650, %shift_left3A_658 : vector<16xi32>
      %bitcast_convert_type3A_660 = tpu.bitcast %shift_left3A_659 : vector<16xi32> -> vector<16xf32>
      %shift_left3A_661 = arith.constant 16 : i32
      %shift_left3A_662 = vector.broadcast %shift_left3A_661 : i32 to vector<16xi32>
      %shift_left3A_663 = arith.shli %get3A_656, %shift_left3A_662 : vector<16xi32>
      %bitcast_convert_type3A_664 = tpu.bitcast %shift_left3A_663 : vector<16xi32> -> vector<16xf32>
      %add3A_665 = arith.addf %bitcast_convert_type3A_660, %bitcast_convert_type3A_664 : vector<16xf32>
      %and3A_666 = arith.constant -65536 : i32
      %and3A_667 = vector.broadcast %and3A_666 : i32 to vector<16xi32>
      %and3A_668 = arith.andi %get3A_650, %and3A_667 : vector<16xi32>
      %bitcast_convert_type3A_669 = tpu.bitcast %and3A_668 : vector<16xi32> -> vector<16xf32>
      %and3A_670 = arith.constant -65536 : i32
      %and3A_671 = vector.broadcast %and3A_670 : i32 to vector<16xi32>
      %and3A_672 = arith.andi %get3A_656, %and3A_671 : vector<16xi32>
      %bitcast_convert_type3A_673 = tpu.bitcast %and3A_672 : vector<16xi32> -> vector<16xf32>
      %add3A_674 = arith.addf %bitcast_convert_type3A_669, %bitcast_convert_type3A_673 : vector<16xf32>
      %swap3A_675 = arith.index_cast %scan3A_129 : i32 to index
      %swap3A_676 = arith.constant 208 : index
      %swap3A_677 = tpu.vector_load %arg9[%swap3A_675, %swap3A_676] {strides = array<i32>} : memref<32x1024xf32, #tpu.memory_space<vmem>>, vector<1x16xf32>,
      %swap3A_678 = vector.shape_cast %swap3A_677 : vector<1x16xf32> to vector<16xf32>
      %swap3A_679 = vector.shape_cast %add3A_665 : vector<16xf32> to vector<1x16xf32>
      tpu.vector_store %arg9[%swap3A_675, %swap3A_676], %swap3A_679 {add = true, strides = array<i32>} : memref<32x1024xf32, #tpu.memory_space<vmem>>, vector<1x16xf32>,
      %swap3A_680 = arith.index_cast %scan3A_129 : i32 to index
      %swap3A_681 = arith.constant 720 : index
      %swap3A_682 = tpu.vector_load %arg9[%swap3A_680, %swap3A_681] {strides = array<i32>} : memref<32x1024xf32, #tpu.memory_space<vmem>>, vector<1x16xf32>,
      %swap3A_683 = vector.shape_cast %swap3A_682 : vector<1x16xf32> to vector<16xf32>
      %swap3A_684 = vector.shape_cast %add3A_674 : vector<16xf32> to vector<1x16xf32>
      tpu.vector_store %arg9[%swap3A_680, %swap3A_681], %swap3A_684 {add = true, strides = array<i32>} : memref<32x1024xf32, #tpu.memory_space<vmem>>, vector<1x16xf32>,
      %get3A_685 = arith.constant 1 : i32
      %get3A_686 = arith.index_cast %get3A_685 : i32 to index
      %get3A_687 = arith.index_cast %scan3A_129 : i32 to index
      %get3A_688 = arith.constant 224 : index
      %get3A_689 = tpu.vector_load %arg10[%get3A_686, %get3A_687, %get3A_688] {strides = array<i32>} : memref<2x32x512xi32, #tpu.memory_space<vmem>>, vector<1x1x16xi32>,
      %get3A_690 = vector.shape_cast %get3A_689 : vector<1x1x16xi32> to vector<16xi32>
      %get3A_691 = arith.constant 1 : i32
      %get3A_692 = arith.index_cast %get3A_691 : i32 to index
      %get3A_693 = arith.index_cast %scan3A_129 : i32 to index
      %get3A_694 = arith.constant 224 : index
      %get3A_695 = tpu.vector_load %arg11[%get3A_692, %get3A_693, %get3A_694] {strides = array<i32>} : memref<2x32x512xi32, #tpu.memory_space<vmem>>, vector<1x1x16xi32>,
      %get3A_696 = vector.shape_cast %get3A_695 : vector<1x1x16xi32> to vector<16xi32>
      %shift_left3A_697 = arith.constant 16 : i32
      %shift_left3A_698 = vector.broadcast %shift_left3A_697 : i32 to vector<16xi32>
      %shift_left3A_699 = arith.shli %get3A_690, %shift_left3A_698 : vector<16xi32>
      %bitcast_convert_type3A_700 = tpu.bitcast %shift_left3A_699 : vector<16xi32> -> vector<16xf32>
      %shift_left3A_701 = arith.constant 16 : i32
      %shift_left3A_702 = vector.broadcast %shift_left3A_701 : i32 to vector<16xi32>
      %shift_left3A_703 = arith.shli %get3A_696, %shift_left3A_702 : vector<16xi32>
      %bitcast_convert_type3A_704 = tpu.bitcast %shift_left3A_703 : vector<16xi32> -> vector<16xf32>
      %add3A_705 = arith.addf %bitcast_convert_type3A_700, %bitcast_convert_type3A_704 : vector<16xf32>
      %and3A_706 = arith.constant -65536 : i32
      %and3A_707 = vector.broadcast %and3A_706 : i32 to vector<16xi32>
      %and3A_708 = arith.andi %get3A_690, %and3A_707 : vector<16xi32>
      %bitcast_convert_type3A_709 = tpu.bitcast %and3A_708 : vector<16xi32> -> vector<16xf32>
      %and3A_710 = arith.constant -65536 : i32
      %and3A_711 = vector.broadcast %and3A_710 : i32 to vector<16xi32>
      %and3A_712 = arith.andi %get3A_696, %and3A_711 : vector<16xi32>
      %bitcast_convert_type3A_713 = tpu.bitcast %and3A_712 : vector<16xi32> -> vector<16xf32>
      %add3A_714 = arith.addf %bitcast_convert_type3A_709, %bitcast_convert_type3A_713 : vector<16xf32>
      %swap3A_715 = arith.index_cast %scan3A_129 : i32 to index
      %swap3A_716 = arith.constant 224 : index
      %swap3A_717 = tpu.vector_load %arg9[%swap3A_715, %swap3A_716] {strides = array<i32>} : memref<32x1024xf32, #tpu.memory_space<vmem>>, vector<1x16xf32>,
      %swap3A_718 = vector.shape_cast %swap3A_717 : vector<1x16xf32> to vector<16xf32>
      %swap3A_719 = vector.shape_cast %add3A_705 : vector<16xf32> to vector<1x16xf32>
      tpu.vector_store %arg9[%swap3A_715, %swap3A_716], %swap3A_719 {add = true, strides = array<i32>} : memref<32x1024xf32, #tpu.memory_space<vmem>>, vector<1x16xf32>,
      %swap3A_720 = arith.index_cast %scan3A_129 : i32 to index
      %swap3A_721 = arith.constant 736 : index
      %swap3A_722 = tpu.vector_load %arg9[%swap3A_720, %swap3A_721] {strides = array<i32>} : memref<32x1024xf32, #tpu.memory_space<vmem>>, vector<1x16xf32>,
      %swap3A_723 = vector.shape_cast %swap3A_722 : vector<1x16xf32> to vector<16xf32>
      %swap3A_724 = vector.shape_cast %add3A_714 : vector<16xf32> to vector<1x16xf32>
      tpu.vector_store %arg9[%swap3A_720, %swap3A_721], %swap3A_724 {add = true, strides = array<i32>} : memref<32x1024xf32, #tpu.memory_space<vmem>>, vector<1x16xf32>,
      %get3A_725 = arith.constant 1 : i32
      %get3A_726 = arith.index_cast %get3A_725 : i32 to index
      %get3A_727 = arith.index_cast %scan3A_129 : i32 to index
      %get3A_728 = arith.constant 240 : index
      %get3A_729 = tpu.vector_load %arg10[%get3A_726, %get3A_727, %get3A_728] {strides = array<i32>} : memref<2x32x512xi32, #tpu.memory_space<vmem>>, vector<1x1x16xi32>,
      %get3A_730 = vector.shape_cast %get3A_729 : vector<1x1x16xi32> to vector<16xi32>
      %get3A_731 = arith.constant 1 : i32
      %get3A_732 = arith.index_cast %get3A_731 : i32 to index
      %get3A_733 = arith.index_cast %scan3A_129 : i32 to index
      %get3A_734 = arith.constant 240 : index
      %get3A_735 = tpu.vector_load %arg11[%get3A_732, %get3A_733, %get3A_734] {strides = array<i32>} : memref<2x32x512xi32, #tpu.memory_space<vmem>>, vector<1x1x16xi32>,
      %get3A_736 = vector.shape_cast %get3A_735 : vector<1x1x16xi32> to vector<16xi32>
      %shift_left3A_737 = arith.constant 16 : i32
      %shift_left3A_738 = vector.broadcast %shift_left3A_737 : i32 to vector<16xi32>
      %shift_left3A_739 = arith.shli %get3A_730, %shift_left3A_738 : vector<16xi32>
      %bitcast_convert_type3A_740 = tpu.bitcast %shift_left3A_739 : vector<16xi32> -> vector<16xf32>
      %shift_left3A_741 = arith.constant 16 : i32
      %shift_left3A_742 = vector.broadcast %shift_left3A_741 : i32 to vector<16xi32>
      %shift_left3A_743 = arith.shli %get3A_736, %shift_left3A_742 : vector<16xi32>
      %bitcast_convert_type3A_744 = tpu.bitcast %shift_left3A_743 : vector<16xi32> -> vector<16xf32>
      %add3A_745 = arith.addf %bitcast_convert_type3A_740, %bitcast_convert_type3A_744 : vector<16xf32>
      %and3A_746 = arith.constant -65536 : i32
      %and3A_747 = vector.broadcast %and3A_746 : i32 to vector<16xi32>
      %and3A_748 = arith.andi %get3A_730, %and3A_747 : vector<16xi32>
      %bitcast_convert_type3A_749 = tpu.bitcast %and3A_748 : vector<16xi32> -> vector<16xf32>
      %and3A_750 = arith.constant -65536 : i32
      %and3A_751 = vector.broadcast %and3A_750 : i32 to vector<16xi32>
      %and3A_752 = arith.andi %get3A_736, %and3A_751 : vector<16xi32>
      %bitcast_convert_type3A_753 = tpu.bitcast %and3A_752 : vector<16xi32> -> vector<16xf32>
      %add3A_754 = arith.addf %bitcast_convert_type3A_749, %bitcast_convert_type3A_753 : vector<16xf32>
      %swap3A_755 = arith.index_cast %scan3A_129 : i32 to index
      %swap3A_756 = arith.constant 240 : index
      %swap3A_757 = tpu.vector_load %arg9[%swap3A_755, %swap3A_756] {strides = array<i32>} : memref<32x1024xf32, #tpu.memory_space<vmem>>, vector<1x16xf32>,
      %swap3A_758 = vector.shape_cast %swap3A_757 : vector<1x16xf32> to vector<16xf32>
      %swap3A_759 = vector.shape_cast %add3A_745 : vector<16xf32> to vector<1x16xf32>
      tpu.vector_store %arg9[%swap3A_755, %swap3A_756], %swap3A_759 {add = true, strides = array<i32>} : memref<32x1024xf32, #tpu.memory_space<vmem>>, vector<1x16xf32>,
      %swap3A_760 = arith.index_cast %scan3A_129 : i32 to index
      %swap3A_761 = arith.constant 752 : index
      %swap3A_762 = tpu.vector_load %arg9[%swap3A_760, %swap3A_761] {strides = array<i32>} : memref<32x1024xf32, #tpu.memory_space<vmem>>, vector<1x16xf32>,
      %swap3A_763 = vector.shape_cast %swap3A_762 : vector<1x16xf32> to vector<16xf32>
      %swap3A_764 = vector.shape_cast %add3A_754 : vector<16xf32> to vector<1x16xf32>
      tpu.vector_store %arg9[%swap3A_760, %swap3A_761], %swap3A_764 {add = true, strides = array<i32>} : memref<32x1024xf32, #tpu.memory_space<vmem>>, vector<1x16xf32>,
      %get3A_765 = arith.constant 1 : i32
      %get3A_766 = arith.index_cast %get3A_765 : i32 to index
      %get3A_767 = arith.index_cast %scan3A_129 : i32 to index
      %get3A_768 = arith.constant 256 : index
      %get3A_769 = tpu.vector_load %arg10[%get3A_766, %get3A_767, %get3A_768] {strides = array<i32>} : memref<2x32x512xi32, #tpu.memory_space<vmem>>, vector<1x1x16xi32>,
      %get3A_770 = vector.shape_cast %get3A_769 : vector<1x1x16xi32> to vector<16xi32>
      %get3A_771 = arith.constant 1 : i32
      %get3A_772 = arith.index_cast %get3A_771 : i32 to index
      %get3A_773 = arith.index_cast %scan3A_129 : i32 to index
      %get3A_774 = arith.constant 256 : index
      %get3A_775 = tpu.vector_load %arg11[%get3A_772, %get3A_773, %get3A_774] {strides = array<i32>} : memref<2x32x512xi32, #tpu.memory_space<vmem>>, vector<1x1x16xi32>,
      %get3A_776 = vector.shape_cast %get3A_775 : vector<1x1x16xi32> to vector<16xi32>
      %shift_left3A_777 = arith.constant 16 : i32
      %shift_left3A_778 = vector.broadcast %shift_left3A_777 : i32 to vector<16xi32>
      %shift_left3A_779 = arith.shli %get3A_770, %shift_left3A_778 : vector<16xi32>
      %bitcast_convert_type3A_780 = tpu.bitcast %shift_left3A_779 : vector<16xi32> -> vector<16xf32>
      %shift_left3A_781 = arith.constant 16 : i32
      %shift_left3A_782 = vector.broadcast %shift_left3A_781 : i32 to vector<16xi32>
      %shift_left3A_783 = arith.shli %get3A_776, %shift_left3A_782 : vector<16xi32>
      %bitcast_convert_type3A_784 = tpu.bitcast %shift_left3A_783 : vector<16xi32> -> vector<16xf32>
      %add3A_785 = arith.addf %bitcast_convert_type3A_780, %bitcast_convert_type3A_784 : vector<16xf32>
      %and3A_786 = arith.constant -65536 : i32
      %and3A_787 = vector.broadcast %and3A_786 : i32 to vector<16xi32>
      %and3A_788 = arith.andi %get3A_770, %and3A_787 : vector<16xi32>
      %bitcast_convert_type3A_789 = tpu.bitcast %and3A_788 : vector<16xi32> -> vector<16xf32>
      %and3A_790 = arith.constant -65536 : i32
      %and3A_791 = vector.broadcast %and3A_790 : i32 to vector<16xi32>
      %and3A_792 = arith.andi %get3A_776, %and3A_791 : vector<16xi32>
      %bitcast_convert_type3A_793 = tpu.bitcast %and3A_792 : vector<16xi32> -> vector<16xf32>
      %add3A_794 = arith.addf %bitcast_convert_type3A_789, %bitcast_convert_type3A_793 : vector<16xf32>
      %swap3A_795 = arith.index_cast %scan3A_129 : i32 to index
      %swap3A_796 = arith.constant 256 : index
      %swap3A_797 = tpu.vector_load %arg9[%swap3A_795, %swap3A_796] {strides = array<i32>} : memref<32x1024xf32, #tpu.memory_space<vmem>>, vector<1x16xf32>,
      %swap3A_798 = vector.shape_cast %swap3A_797 : vector<1x16xf32> to vector<16xf32>
      %swap3A_799 = vector.shape_cast %add3A_785 : vector<16xf32> to vector<1x16xf32>
      tpu.vector_store %arg9[%swap3A_795, %swap3A_796], %swap3A_799 {add = true, strides = array<i32>} : memref<32x1024xf32, #tpu.memory_space<vmem>>, vector<1x16xf32>,
      %swap3A_800 = arith.index_cast %scan3A_129 : i32 to index
      %swap3A_801 = arith.constant 768 : index
      %swap3A_802 = tpu.vector_load %arg9[%swap3A_800, %swap3A_801] {strides = array<i32>} : memref<32x1024xf32, #tpu.memory_space<vmem>>, vector<1x16xf32>,
      %swap3A_803 = vector.shape_cast %swap3A_802 : vector<1x16xf32> to vector<16xf32>
      %swap3A_804 = vector.shape_cast %add3A_794 : vector<16xf32> to vector<1x16xf32>
      tpu.vector_store %arg9[%swap3A_800, %swap3A_801], %swap3A_804 {add = true, strides = array<i32>} : memref<32x1024xf32, #tpu.memory_space<vmem>>, vector<1x16xf32>,
      %get3A_805 = arith.constant 1 : i32
      %get3A_806 = arith.index_cast %get3A_805 : i32 to index
      %get3A_807 = arith.index_cast %scan3A_129 : i32 to index
      %get3A_808 = arith.constant 272 : index
      %get3A_809 = tpu.vector_load %arg10[%get3A_806, %get3A_807, %get3A_808] {strides = array<i32>} : memref<2x32x512xi32, #tpu.memory_space<vmem>>, vector<1x1x16xi32>,
      %get3A_810 = vector.shape_cast %get3A_809 : vector<1x1x16xi32> to vector<16xi32>
      %get3A_811 = arith.constant 1 : i32
      %get3A_812 = arith.index_cast %get3A_811 : i32 to index
      %get3A_813 = arith.index_cast %scan3A_129 : i32 to index
      %get3A_814 = arith.constant 272 : index
      %get3A_815 = tpu.vector_load %arg11[%get3A_812, %get3A_813, %get3A_814] {strides = array<i32>} : memref<2x32x512xi32, #tpu.memory_space<vmem>>, vector<1x1x16xi32>,
      %get3A_816 = vector.shape_cast %get3A_815 : vector<1x1x16xi32> to vector<16xi32>
      %shift_left3A_817 = arith.constant 16 : i32
      %shift_left3A_818 = vector.broadcast %shift_left3A_817 : i32 to vector<16xi32>
      %shift_left3A_819 = arith.shli %get3A_810, %shift_left3A_818 : vector<16xi32>
      %bitcast_convert_type3A_820 = tpu.bitcast %shift_left3A_819 : vector<16xi32> -> vector<16xf32>
      %shift_left3A_821 = arith.constant 16 : i32
      %shift_left3A_822 = vector.broadcast %shift_left3A_821 : i32 to vector<16xi32>
      %shift_left3A_823 = arith.shli %get3A_816, %shift_left3A_822 : vector<16xi32>
      %bitcast_convert_type3A_824 = tpu.bitcast %shift_left3A_823 : vector<16xi32> -> vector<16xf32>
      %add3A_825 = arith.addf %bitcast_convert_type3A_820, %bitcast_convert_type3A_824 : vector<16xf32>
      %and3A_826 = arith.constant -65536 : i32
      %and3A_827 = vector.broadcast %and3A_826 : i32 to vector<16xi32>
      %and3A_828 = arith.andi %get3A_810, %and3A_827 : vector<16xi32>
      %bitcast_convert_type3A_829 = tpu.bitcast %and3A_828 : vector<16xi32> -> vector<16xf32>
      %and3A_830 = arith.constant -65536 : i32
      %and3A_831 = vector.broadcast %and3A_830 : i32 to vector<16xi32>
      %and3A_832 = arith.andi %get3A_816, %and3A_831 : vector<16xi32>
      %bitcast_convert_type3A_833 = tpu.bitcast %and3A_832 : vector<16xi32> -> vector<16xf32>
      %add3A_834 = arith.addf %bitcast_convert_type3A_829, %bitcast_convert_type3A_833 : vector<16xf32>
      %swap3A_835 = arith.index_cast %scan3A_129 : i32 to index
      %swap3A_836 = arith.constant 272 : index
      %swap3A_837 = tpu.vector_load %arg9[%swap3A_835, %swap3A_836] {strides = array<i32>} : memref<32x1024xf32, #tpu.memory_space<vmem>>, vector<1x16xf32>,
      %swap3A_838 = vector.shape_cast %swap3A_837 : vector<1x16xf32> to vector<16xf32>
      %swap3A_839 = vector.shape_cast %add3A_825 : vector<16xf32> to vector<1x16xf32>
      tpu.vector_store %arg9[%swap3A_835, %swap3A_836], %swap3A_839 {add = true, strides = array<i32>} : memref<32x1024xf32, #tpu.memory_space<vmem>>, vector<1x16xf32>,
      %swap3A_840 = arith.index_cast %scan3A_129 : i32 to index
      %swap3A_841 = arith.constant 784 : index
      %swap3A_842 = tpu.vector_load %arg9[%swap3A_840, %swap3A_841] {strides = array<i32>} : memref<32x1024xf32, #tpu.memory_space<vmem>>, vector<1x16xf32>,
      %swap3A_843 = vector.shape_cast %swap3A_842 : vector<1x16xf32> to vector<16xf32>
      %swap3A_844 = vector.shape_cast %add3A_834 : vector<16xf32> to vector<1x16xf32>
      tpu.vector_store %arg9[%swap3A_840, %swap3A_841], %swap3A_844 {add = true, strides = array<i32>} : memref<32x1024xf32, #tpu.memory_space<vmem>>, vector<1x16xf32>,
      %get3A_845 = arith.constant 1 : i32
      %get3A_846 = arith.index_cast %get3A_845 : i32 to index
      %get3A_847 = arith.index_cast %scan3A_129 : i32 to index
      %get3A_848 = arith.constant 288 : index
      %get3A_849 = tpu.vector_load %arg10[%get3A_846, %get3A_847, %get3A_848] {strides = array<i32>} : memref<2x32x512xi32, #tpu.memory_space<vmem>>, vector<1x1x16xi32>,
      %get3A_850 = vector.shape_cast %get3A_849 : vector<1x1x16xi32> to vector<16xi32>
      %get3A_851 = arith.constant 1 : i32
      %get3A_852 = arith.index_cast %get3A_851 : i32 to index
      %get3A_853 = arith.index_cast %scan3A_129 : i32 to index
      %get3A_854 = arith.constant 288 : index
      %get3A_855 = tpu.vector_load %arg11[%get3A_852, %get3A_853, %get3A_854] {strides = array<i32>} : memref<2x32x512xi32, #tpu.memory_space<vmem>>, vector<1x1x16xi32>,
      %get3A_856 = vector.shape_cast %get3A_855 : vector<1x1x16xi32> to vector<16xi32>
      %shift_left3A_857 = arith.constant 16 : i32
      %shift_left3A_858 = vector.broadcast %shift_left3A_857 : i32 to vector<16xi32>
      %shift_left3A_859 = arith.shli %get3A_850, %shift_left3A_858 : vector<16xi32>
      %bitcast_convert_type3A_860 = tpu.bitcast %shift_left3A_859 : vector<16xi32> -> vector<16xf32>
      %shift_left3A_861 = arith.constant 16 : i32
      %shift_left3A_862 = vector.broadcast %shift_left3A_861 : i32 to vector<16xi32>
      %shift_left3A_863 = arith.shli %get3A_856, %shift_left3A_862 : vector<16xi32>
      %bitcast_convert_type3A_864 = tpu.bitcast %shift_left3A_863 : vector<16xi32> -> vector<16xf32>
      %add3A_865 = arith.addf %bitcast_convert_type3A_860, %bitcast_convert_type3A_864 : vector<16xf32>
      %and3A_866 = arith.constant -65536 : i32
      %and3A_867 = vector.broadcast %and3A_866 : i32 to vector<16xi32>
      %and3A_868 = arith.andi %get3A_850, %and3A_867 : vector<16xi32>
      %bitcast_convert_type3A_869 = tpu.bitcast %and3A_868 : vector<16xi32> -> vector<16xf32>
      %and3A_870 = arith.constant -65536 : i32
      %and3A_871 = vector.broadcast %and3A_870 : i32 to vector<16xi32>
      %and3A_872 = arith.andi %get3A_856, %and3A_871 : vector<16xi32>
      %bitcast_convert_type3A_873 = tpu.bitcast %and3A_872 : vector<16xi32> -> vector<16xf32>
      %add3A_874 = arith.addf %bitcast_convert_type3A_869, %bitcast_convert_type3A_873 : vector<16xf32>
      %swap3A_875 = arith.index_cast %scan3A_129 : i32 to index
      %swap3A_876 = arith.constant 288 : index
      %swap3A_877 = tpu.vector_load %arg9[%swap3A_875, %swap3A_876] {strides = array<i32>} : memref<32x1024xf32, #tpu.memory_space<vmem>>, vector<1x16xf32>,
      %swap3A_878 = vector.shape_cast %swap3A_877 : vector<1x16xf32> to vector<16xf32>
      %swap3A_879 = vector.shape_cast %add3A_865 : vector<16xf32> to vector<1x16xf32>
      tpu.vector_store %arg9[%swap3A_875, %swap3A_876], %swap3A_879 {add = true, strides = array<i32>} : memref<32x1024xf32, #tpu.memory_space<vmem>>, vector<1x16xf32>,
      %swap3A_880 = arith.index_cast %scan3A_129 : i32 to index
      %swap3A_881 = arith.constant 800 : index
      %swap3A_882 = tpu.vector_load %arg9[%swap3A_880, %swap3A_881] {strides = array<i32>} : memref<32x1024xf32, #tpu.memory_space<vmem>>, vector<1x16xf32>,
      %swap3A_883 = vector.shape_cast %swap3A_882 : vector<1x16xf32> to vector<16xf32>
      %swap3A_884 = vector.shape_cast %add3A_874 : vector<16xf32> to vector<1x16xf32>
      tpu.vector_store %arg9[%swap3A_880, %swap3A_881], %swap3A_884 {add = true, strides = array<i32>} : memref<32x1024xf32, #tpu.memory_space<vmem>>, vector<1x16xf32>,
      %get3A_885 = arith.constant 1 : i32
      %get3A_886 = arith.index_cast %get3A_885 : i32 to index
      %get3A_887 = arith.index_cast %scan3A_129 : i32 to index
      %get3A_888 = arith.constant 304 : index
      %get3A_889 = tpu.vector_load %arg10[%get3A_886, %get3A_887, %get3A_888] {strides = array<i32>} : memref<2x32x512xi32, #tpu.memory_space<vmem>>, vector<1x1x16xi32>,
      %get3A_890 = vector.shape_cast %get3A_889 : vector<1x1x16xi32> to vector<16xi32>
      %get3A_891 = arith.constant 1 : i32
      %get3A_892 = arith.index_cast %get3A_891 : i32 to index
      %get3A_893 = arith.index_cast %scan3A_129 : i32 to index
      %get3A_894 = arith.constant 304 : index
      %get3A_895 = tpu.vector_load %arg11[%get3A_892, %get3A_893, %get3A_894] {strides = array<i32>} : memref<2x32x512xi32, #tpu.memory_space<vmem>>, vector<1x1x16xi32>,
      %get3A_896 = vector.shape_cast %get3A_895 : vector<1x1x16xi32> to vector<16xi32>
      %shift_left3A_897 = arith.constant 16 : i32
      %shift_left3A_898 = vector.broadcast %shift_left3A_897 : i32 to vector<16xi32>
      %shift_left3A_899 = arith.shli %get3A_890, %shift_left3A_898 : vector<16xi32>
      %bitcast_convert_type3A_900 = tpu.bitcast %shift_left3A_899 : vector<16xi32> -> vector<16xf32>
      %shift_left3A_901 = arith.constant 16 : i32
      %shift_left3A_902 = vector.broadcast %shift_left3A_901 : i32 to vector<16xi32>
      %shift_left3A_903 = arith.shli %get3A_896, %shift_left3A_902 : vector<16xi32>
      %bitcast_convert_type3A_904 = tpu.bitcast %shift_left3A_903 : vector<16xi32> -> vector<16xf32>
      %add3A_905 = arith.addf %bitcast_convert_type3A_900, %bitcast_convert_type3A_904 : vector<16xf32>
      %and3A_906 = arith.constant -65536 : i32
      %and3A_907 = vector.broadcast %and3A_906 : i32 to vector<16xi32>
      %and3A_908 = arith.andi %get3A_890, %and3A_907 : vector<16xi32>
      %bitcast_convert_type3A_909 = tpu.bitcast %and3A_908 : vector<16xi32> -> vector<16xf32>
      %and3A_910 = arith.constant -65536 : i32
      %and3A_911 = vector.broadcast %and3A_910 : i32 to vector<16xi32>
      %and3A_912 = arith.andi %get3A_896, %and3A_911 : vector<16xi32>
      %bitcast_convert_type3A_913 = tpu.bitcast %and3A_912 : vector<16xi32> -> vector<16xf32>
      %add3A_914 = arith.addf %bitcast_convert_type3A_909, %bitcast_convert_type3A_913 : vector<16xf32>
      %swap3A_915 = arith.index_cast %scan3A_129 : i32 to index
      %swap3A_916 = arith.constant 304 : index
      %swap3A_917 = tpu.vector_load %arg9[%swap3A_915, %swap3A_916] {strides = array<i32>} : memref<32x1024xf32, #tpu.memory_space<vmem>>, vector<1x16xf32>,
      %swap3A_918 = vector.shape_cast %swap3A_917 : vector<1x16xf32> to vector<16xf32>
      %swap3A_919 = vector.shape_cast %add3A_905 : vector<16xf32> to vector<1x16xf32>
      tpu.vector_store %arg9[%swap3A_915, %swap3A_916], %swap3A_919 {add = true, strides = array<i32>} : memref<32x1024xf32, #tpu.memory_space<vmem>>, vector<1x16xf32>,
      %swap3A_920 = arith.index_cast %scan3A_129 : i32 to index
      %swap3A_921 = arith.constant 816 : index
      %swap3A_922 = tpu.vector_load %arg9[%swap3A_920, %swap3A_921] {strides = array<i32>} : memref<32x1024xf32, #tpu.memory_space<vmem>>, vector<1x16xf32>,
      %swap3A_923 = vector.shape_cast %swap3A_922 : vector<1x16xf32> to vector<16xf32>
      %swap3A_924 = vector.shape_cast %add3A_914 : vector<16xf32> to vector<1x16xf32>
      tpu.vector_store %arg9[%swap3A_920, %swap3A_921], %swap3A_924 {add = true, strides = array<i32>} : memref<32x1024xf32, #tpu.memory_space<vmem>>, vector<1x16xf32>,
      %get3A_925 = arith.constant 1 : i32
      %get3A_926 = arith.index_cast %get3A_925 : i32 to index
      %get3A_927 = arith.index_cast %scan3A_129 : i32 to index
      %get3A_928 = arith.constant 320 : index
      %get3A_929 = tpu.vector_load %arg10[%get3A_926, %get3A_927, %get3A_928] {strides = array<i32>} : memref<2x32x512xi32, #tpu.memory_space<vmem>>, vector<1x1x16xi32>,
      %get3A_930 = vector.shape_cast %get3A_929 : vector<1x1x16xi32> to vector<16xi32>
      %get3A_931 = arith.constant 1 : i32
      %get3A_932 = arith.index_cast %get3A_931 : i32 to index
      %get3A_933 = arith.index_cast %scan3A_129 : i32 to index
      %get3A_934 = arith.constant 320 : index
      %get3A_935 = tpu.vector_load %arg11[%get3A_932, %get3A_933, %get3A_934] {strides = array<i32>} : memref<2x32x512xi32, #tpu.memory_space<vmem>>, vector<1x1x16xi32>,
      %get3A_936 = vector.shape_cast %get3A_935 : vector<1x1x16xi32> to vector<16xi32>
      %shift_left3A_937 = arith.constant 16 : i32
      %shift_left3A_938 = vector.broadcast %shift_left3A_937 : i32 to vector<16xi32>
      %shift_left3A_939 = arith.shli %get3A_930, %shift_left3A_938 : vector<16xi32>
      %bitcast_convert_type3A_940 = tpu.bitcast %shift_left3A_939 : vector<16xi32> -> vector<16xf32>
      %shift_left3A_941 = arith.constant 16 : i32
      %shift_left3A_942 = vector.broadcast %shift_left3A_941 : i32 to vector<16xi32>
      %shift_left3A_943 = arith.shli %get3A_936, %shift_left3A_942 : vector<16xi32>
      %bitcast_convert_type3A_944 = tpu.bitcast %shift_left3A_943 : vector<16xi32> -> vector<16xf32>
      %add3A_945 = arith.addf %bitcast_convert_type3A_940, %bitcast_convert_type3A_944 : vector<16xf32>
      %and3A_946 = arith.constant -65536 : i32
      %and3A_947 = vector.broadcast %and3A_946 : i32 to vector<16xi32>
      %and3A_948 = arith.andi %get3A_930, %and3A_947 : vector<16xi32>
      %bitcast_convert_type3A_949 = tpu.bitcast %and3A_948 : vector<16xi32> -> vector<16xf32>
      %and3A_950 = arith.constant -65536 : i32
      %and3A_951 = vector.broadcast %and3A_950 : i32 to vector<16xi32>
      %and3A_952 = arith.andi %get3A_936, %and3A_951 : vector<16xi32>
      %bitcast_convert_type3A_953 = tpu.bitcast %and3A_952 : vector<16xi32> -> vector<16xf32>
      %add3A_954 = arith.addf %bitcast_convert_type3A_949, %bitcast_convert_type3A_953 : vector<16xf32>
      %swap3A_955 = arith.index_cast %scan3A_129 : i32 to index
      %swap3A_956 = arith.constant 320 : index
      %swap3A_957 = tpu.vector_load %arg9[%swap3A_955, %swap3A_956] {strides = array<i32>} : memref<32x1024xf32, #tpu.memory_space<vmem>>, vector<1x16xf32>,
      %swap3A_958 = vector.shape_cast %swap3A_957 : vector<1x16xf32> to vector<16xf32>
      %swap3A_959 = vector.shape_cast %add3A_945 : vector<16xf32> to vector<1x16xf32>
      tpu.vector_store %arg9[%swap3A_955, %swap3A_956], %swap3A_959 {add = true, strides = array<i32>} : memref<32x1024xf32, #tpu.memory_space<vmem>>, vector<1x16xf32>,
      %swap3A_960 = arith.index_cast %scan3A_129 : i32 to index
      %swap3A_961 = arith.constant 832 : index
      %swap3A_962 = tpu.vector_load %arg9[%swap3A_960, %swap3A_961] {strides = array<i32>} : memref<32x1024xf32, #tpu.memory_space<vmem>>, vector<1x16xf32>,
      %swap3A_963 = vector.shape_cast %swap3A_962 : vector<1x16xf32> to vector<16xf32>
      %swap3A_964 = vector.shape_cast %add3A_954 : vector<16xf32> to vector<1x16xf32>
      tpu.vector_store %arg9[%swap3A_960, %swap3A_961], %swap3A_964 {add = true, strides = array<i32>} : memref<32x1024xf32, #tpu.memory_space<vmem>>, vector<1x16xf32>,
      %get3A_965 = arith.constant 1 : i32
      %get3A_966 = arith.index_cast %get3A_965 : i32 to index
      %get3A_967 = arith.index_cast %scan3A_129 : i32 to index
      %get3A_968 = arith.constant 336 : index
      %get3A_969 = tpu.vector_load %arg10[%get3A_966, %get3A_967, %get3A_968] {strides = array<i32>} : memref<2x32x512xi32, #tpu.memory_space<vmem>>, vector<1x1x16xi32>,
      %get3A_970 = vector.shape_cast %get3A_969 : vector<1x1x16xi32> to vector<16xi32>
      %get3A_971 = arith.constant 1 : i32
      %get3A_972 = arith.index_cast %get3A_971 : i32 to index
      %get3A_973 = arith.index_cast %scan3A_129 : i32 to index
      %get3A_974 = arith.constant 336 : index
      %get3A_975 = tpu.vector_load %arg11[%get3A_972, %get3A_973, %get3A_974] {strides = array<i32>} : memref<2x32x512xi32, #tpu.memory_space<vmem>>, vector<1x1x16xi32>,
      %get3A_976 = vector.shape_cast %get3A_975 : vector<1x1x16xi32> to vector<16xi32>
      %shift_left3A_977 = arith.constant 16 : i32
      %shift_left3A_978 = vector.broadcast %shift_left3A_977 : i32 to vector<16xi32>
      %shift_left3A_979 = arith.shli %get3A_970, %shift_left3A_978 : vector<16xi32>
      %bitcast_convert_type3A_980 = tpu.bitcast %shift_left3A_979 : vector<16xi32> -> vector<16xf32>
      %shift_left3A_981 = arith.constant 16 : i32
      %shift_left3A_982 = vector.broadcast %shift_left3A_981 : i32 to vector<16xi32>
      %shift_left3A_983 = arith.shli %get3A_976, %shift_left3A_982 : vector<16xi32>
      %bitcast_convert_type3A_984 = tpu.bitcast %shift_left3A_983 : vector<16xi32> -> vector<16xf32>
      %add3A_985 = arith.addf %bitcast_convert_type3A_980, %bitcast_convert_type3A_984 : vector<16xf32>
      %and3A_986 = arith.constant -65536 : i32
      %and3A_987 = vector.broadcast %and3A_986 : i32 to vector<16xi32>
      %and3A_988 = arith.andi %get3A_970, %and3A_987 : vector<16xi32>
      %bitcast_convert_type3A_989 = tpu.bitcast %and3A_988 : vector<16xi32> -> vector<16xf32>
      %and3A_990 = arith.constant -65536 : i32
      %and3A_991 = vector.broadcast %and3A_990 : i32 to vector<16xi32>
      %and3A_992 = arith.andi %get3A_976, %and3A_991 : vector<16xi32>
      %bitcast_convert_type3A_993 = tpu.bitcast %and3A_992 : vector<16xi32> -> vector<16xf32>
      %add3A_994 = arith.addf %bitcast_convert_type3A_989, %bitcast_convert_type3A_993 : vector<16xf32>
      %swap3A_995 = arith.index_cast %scan3A_129 : i32 to index
      %swap3A_996 = arith.constant 336 : index
      %swap3A_997 = tpu.vector_load %arg9[%swap3A_995, %swap3A_996] {strides = array<i32>} : memref<32x1024xf32, #tpu.memory_space<vmem>>, vector<1x16xf32>,
      %swap3A_998 = vector.shape_cast %swap3A_997 : vector<1x16xf32> to vector<16xf32>
      %swap3A_999 = vector.shape_cast %add3A_985 : vector<16xf32> to vector<1x16xf32>
      tpu.vector_store %arg9[%swap3A_995, %swap3A_996], %swap3A_999 {add = true, strides = array<i32>} : memref<32x1024xf32, #tpu.memory_space<vmem>>, vector<1x16xf32>,
      %swap3A_1000 = arith.index_cast %scan3A_129 : i32 to index
      %swap3A_1001 = arith.constant 848 : index
      %swap3A_1002 = tpu.vector_load %arg9[%swap3A_1000, %swap3A_1001] {strides = array<i32>} : memref<32x1024xf32, #tpu.memory_space<vmem>>, vector<1x16xf32>,
      %swap3A_1003 = vector.shape_cast %swap3A_1002 : vector<1x16xf32> to vector<16xf32>
      %swap3A_1004 = vector.shape_cast %add3A_994 : vector<16xf32> to vector<1x16xf32>
      tpu.vector_store %arg9[%swap3A_1000, %swap3A_1001], %swap3A_1004 {add = true, strides = array<i32>} : memref<32x1024xf32, #tpu.memory_space<vmem>>, vector<1x16xf32>,
      %get3A_1005 = arith.constant 1 : i32
      %get3A_1006 = arith.index_cast %get3A_1005 : i32 to index
      %get3A_1007 = arith.index_cast %scan3A_129 : i32 to index
      %get3A_1008 = arith.constant 352 : index
      %get3A_1009 = tpu.vector_load %arg10[%get3A_1006, %get3A_1007, %get3A_1008] {strides = array<i32>} : memref<2x32x512xi32, #tpu.memory_space<vmem>>, vector<1x1x16xi32>,
      %get3A_1010 = vector.shape_cast %get3A_1009 : vector<1x1x16xi32> to vector<16xi32>
      %get3A_1011 = arith.constant 1 : i32
      %get3A_1012 = arith.index_cast %get3A_1011 : i32 to index
      %get3A_1013 = arith.index_cast %scan3A_129 : i32 to index
      %get3A_1014 = arith.constant 352 : index
      %get3A_1015 = tpu.vector_load %arg11[%get3A_1012, %get3A_1013, %get3A_1014] {strides = array<i32>} : memref<2x32x512xi32, #tpu.memory_space<vmem>>, vector<1x1x16xi32>,
      %get3A_1016 = vector.shape_cast %get3A_1015 : vector<1x1x16xi32> to vector<16xi32>
      %shift_left3A_1017 = arith.constant 16 : i32
      %shift_left3A_1018 = vector.broadcast %shift_left3A_1017 : i32 to vector<16xi32>
      %shift_left3A_1019 = arith.shli %get3A_1010, %shift_left3A_1018 : vector<16xi32>
      %bitcast_convert_type3A_1020 = tpu.bitcast %shift_left3A_1019 : vector<16xi32> -> vector<16xf32>
      %shift_left3A_1021 = arith.constant 16 : i32
      %shift_left3A_1022 = vector.broadcast %shift_left3A_1021 : i32 to vector<16xi32>
      %shift_left3A_1023 = arith.shli %get3A_1016, %shift_left3A_1022 : vector<16xi32>
      %bitcast_convert_type3A_1024 = tpu.bitcast %shift_left3A_1023 : vector<16xi32> -> vector<16xf32>
      %add3A_1025 = arith.addf %bitcast_convert_type3A_1020, %bitcast_convert_type3A_1024 : vector<16xf32>
      %and3A_1026 = arith.constant -65536 : i32
      %and3A_1027 = vector.broadcast %and3A_1026 : i32 to vector<16xi32>
      %and3A_1028 = arith.andi %get3A_1010, %and3A_1027 : vector<16xi32>
      %bitcast_convert_type3A_1029 = tpu.bitcast %and3A_1028 : vector<16xi32> -> vector<16xf32>
      %and3A_1030 = arith.constant -65536 : i32
      %and3A_1031 = vector.broadcast %and3A_1030 : i32 to vector<16xi32>
      %and3A_1032 = arith.andi %get3A_1016, %and3A_1031 : vector<16xi32>
      %bitcast_convert_type3A_1033 = tpu.bitcast %and3A_1032 : vector<16xi32> -> vector<16xf32>
      %add3A_1034 = arith.addf %bitcast_convert_type3A_1029, %bitcast_convert_type3A_1033 : vector<16xf32>
      %swap3A_1035 = arith.index_cast %scan3A_129 : i32 to index
      %swap3A_1036 = arith.constant 352 : index
      %swap3A_1037 = tpu.vector_load %arg9[%swap3A_1035, %swap3A_1036] {strides = array<i32>} : memref<32x1024xf32, #tpu.memory_space<vmem>>, vector<1x16xf32>,
      %swap3A_1038 = vector.shape_cast %swap3A_1037 : vector<1x16xf32> to vector<16xf32>
      %swap3A_1039 = vector.shape_cast %add3A_1025 : vector<16xf32> to vector<1x16xf32>
      tpu.vector_store %arg9[%swap3A_1035, %swap3A_1036], %swap3A_1039 {add = true, strides = array<i32>} : memref<32x1024xf32, #tpu.memory_space<vmem>>, vector<1x16xf32>,
      %swap3A_1040 = arith.index_cast %scan3A_129 : i32 to index
      %swap3A_1041 = arith.constant 864 : index
      %swap3A_1042 = tpu.vector_load %arg9[%swap3A_1040, %swap3A_1041] {strides = array<i32>} : memref<32x1024xf32, #tpu.memory_space<vmem>>, vector<1x16xf32>,
      %swap3A_1043 = vector.shape_cast %swap3A_1042 : vector<1x16xf32> to vector<16xf32>
      %swap3A_1044 = vector.shape_cast %add3A_1034 : vector<16xf32> to vector<1x16xf32>
      tpu.vector_store %arg9[%swap3A_1040, %swap3A_1041], %swap3A_1044 {add = true, strides = array<i32>} : memref<32x1024xf32, #tpu.memory_space<vmem>>, vector<1x16xf32>,
      %get3A_1045 = arith.constant 1 : i32
      %get3A_1046 = arith.index_cast %get3A_1045 : i32 to index
      %get3A_1047 = arith.index_cast %scan3A_129 : i32 to index
      %get3A_1048 = arith.constant 368 : index
      %get3A_1049 = tpu.vector_load %arg10[%get3A_1046, %get3A_1047, %get3A_1048] {strides = array<i32>} : memref<2x32x512xi32, #tpu.memory_space<vmem>>, vector<1x1x16xi32>,
      %get3A_1050 = vector.shape_cast %get3A_1049 : vector<1x1x16xi32> to vector<16xi32>
      %get3A_1051 = arith.constant 1 : i32
      %get3A_1052 = arith.index_cast %get3A_1051 : i32 to index
      %get3A_1053 = arith.index_cast %scan3A_129 : i32 to index
      %get3A_1054 = arith.constant 368 : index
      %get3A_1055 = tpu.vector_load %arg11[%get3A_1052, %get3A_1053, %get3A_1054] {strides = array<i32>} : memref<2x32x512xi32, #tpu.memory_space<vmem>>, vector<1x1x16xi32>,
      %get3A_1056 = vector.shape_cast %get3A_1055 : vector<1x1x16xi32> to vector<16xi32>
      %shift_left3A_1057 = arith.constant 16 : i32
      %shift_left3A_1058 = vector.broadcast %shift_left3A_1057 : i32 to vector<16xi32>
      %shift_left3A_1059 = arith.shli %get3A_1050, %shift_left3A_1058 : vector<16xi32>
      %bitcast_convert_type3A_1060 = tpu.bitcast %shift_left3A_1059 : vector<16xi32> -> vector<16xf32>
      %shift_left3A_1061 = arith.constant 16 : i32
      %shift_left3A_1062 = vector.broadcast %shift_left3A_1061 : i32 to vector<16xi32>
      %shift_left3A_1063 = arith.shli %get3A_1056, %shift_left3A_1062 : vector<16xi32>
      %bitcast_convert_type3A_1064 = tpu.bitcast %shift_left3A_1063 : vector<16xi32> -> vector<16xf32>
      %add3A_1065 = arith.addf %bitcast_convert_type3A_1060, %bitcast_convert_type3A_1064 : vector<16xf32>
      %and3A_1066 = arith.constant -65536 : i32
      %and3A_1067 = vector.broadcast %and3A_1066 : i32 to vector<16xi32>
      %and3A_1068 = arith.andi %get3A_1050, %and3A_1067 : vector<16xi32>
      %bitcast_convert_type3A_1069 = tpu.bitcast %and3A_1068 : vector<16xi32> -> vector<16xf32>
      %and3A_1070 = arith.constant -65536 : i32
      %and3A_1071 = vector.broadcast %and3A_1070 : i32 to vector<16xi32>
      %and3A_1072 = arith.andi %get3A_1056, %and3A_1071 : vector<16xi32>
      %bitcast_convert_type3A_1073 = tpu.bitcast %and3A_1072 : vector<16xi32> -> vector<16xf32>
      %add3A_1074 = arith.addf %bitcast_convert_type3A_1069, %bitcast_convert_type3A_1073 : vector<16xf32>
      %swap3A_1075 = arith.index_cast %scan3A_129 : i32 to index
      %swap3A_1076 = arith.constant 368 : index
      %swap3A_1077 = tpu.vector_load %arg9[%swap3A_1075, %swap3A_1076] {strides = array<i32>} : memref<32x1024xf32, #tpu.memory_space<vmem>>, vector<1x16xf32>,
      %swap3A_1078 = vector.shape_cast %swap3A_1077 : vector<1x16xf32> to vector<16xf32>
      %swap3A_1079 = vector.shape_cast %add3A_1065 : vector<16xf32> to vector<1x16xf32>
      tpu.vector_store %arg9[%swap3A_1075, %swap3A_1076], %swap3A_1079 {add = true, strides = array<i32>} : memref<32x1024xf32, #tpu.memory_space<vmem>>, vector<1x16xf32>,
      %swap3A_1080 = arith.index_cast %scan3A_129 : i32 to index
      %swap3A_1081 = arith.constant 880 : index
      %swap3A_1082 = tpu.vector_load %arg9[%swap3A_1080, %swap3A_1081] {strides = array<i32>} : memref<32x1024xf32, #tpu.memory_space<vmem>>, vector<1x16xf32>,
      %swap3A_1083 = vector.shape_cast %swap3A_1082 : vector<1x16xf32> to vector<16xf32>
      %swap3A_1084 = vector.shape_cast %add3A_1074 : vector<16xf32> to vector<1x16xf32>
      tpu.vector_store %arg9[%swap3A_1080, %swap3A_1081], %swap3A_1084 {add = true, strides = array<i32>} : memref<32x1024xf32, #tpu.memory_space<vmem>>, vector<1x16xf32>,
      %get3A_1085 = arith.constant 1 : i32
      %get3A_1086 = arith.index_cast %get3A_1085 : i32 to index
      %get3A_1087 = arith.index_cast %scan3A_129 : i32 to index
      %get3A_1088 = arith.constant 384 : index
      %get3A_1089 = tpu.vector_load %arg10[%get3A_1086, %get3A_1087, %get3A_1088] {strides = array<i32>} : memref<2x32x512xi32, #tpu.memory_space<vmem>>, vector<1x1x16xi32>,
      %get3A_1090 = vector.shape_cast %get3A_1089 : vector<1x1x16xi32> to vector<16xi32>
      %get3A_1091 = arith.constant 1 : i32
      %get3A_1092 = arith.index_cast %get3A_1091 : i32 to index
      %get3A_1093 = arith.index_cast %scan3A_129 : i32 to index
      %get3A_1094 = arith.constant 384 : index
      %get3A_1095 = tpu.vector_load %arg11[%get3A_1092, %get3A_1093, %get3A_1094] {strides = array<i32>} : memref<2x32x512xi32, #tpu.memory_space<vmem>>, vector<1x1x16xi32>,
      %get3A_1096 = vector.shape_cast %get3A_1095 : vector<1x1x16xi32> to vector<16xi32>
      %shift_left3A_1097 = arith.constant 16 : i32
      %shift_left3A_1098 = vector.broadcast %shift_left3A_1097 : i32 to vector<16xi32>
      %shift_left3A_1099 = arith.shli %get3A_1090, %shift_left3A_1098 : vector<16xi32>
      %bitcast_convert_type3A_1100 = tpu.bitcast %shift_left3A_1099 : vector<16xi32> -> vector<16xf32>
      %shift_left3A_1101 = arith.constant 16 : i32
      %shift_left3A_1102 = vector.broadcast %shift_left3A_1101 : i32 to vector<16xi32>
      %shift_left3A_1103 = arith.shli %get3A_1096, %shift_left3A_1102 : vector<16xi32>
      %bitcast_convert_type3A_1104 = tpu.bitcast %shift_left3A_1103 : vector<16xi32> -> vector<16xf32>
      %add3A_1105 = arith.addf %bitcast_convert_type3A_1100, %bitcast_convert_type3A_1104 : vector<16xf32>
      %and3A_1106 = arith.constant -65536 : i32
      %and3A_1107 = vector.broadcast %and3A_1106 : i32 to vector<16xi32>
      %and3A_1108 = arith.andi %get3A_1090, %and3A_1107 : vector<16xi32>
      %bitcast_convert_type3A_1109 = tpu.bitcast %and3A_1108 : vector<16xi32> -> vector<16xf32>
      %and3A_1110 = arith.constant -65536 : i32
      %and3A_1111 = vector.broadcast %and3A_1110 : i32 to vector<16xi32>
      %and3A_1112 = arith.andi %get3A_1096, %and3A_1111 : vector<16xi32>
      %bitcast_convert_type3A_1113 = tpu.bitcast %and3A_1112 : vector<16xi32> -> vector<16xf32>
      %add3A_1114 = arith.addf %bitcast_convert_type3A_1109, %bitcast_convert_type3A_1113 : vector<16xf32>
      %swap3A_1115 = arith.index_cast %scan3A_129 : i32 to index
      %swap3A_1116 = arith.constant 384 : index
      %swap3A_1117 = tpu.vector_load %arg9[%swap3A_1115, %swap3A_1116] {strides = array<i32>} : memref<32x1024xf32, #tpu.memory_space<vmem>>, vector<1x16xf32>,
      %swap3A_1118 = vector.shape_cast %swap3A_1117 : vector<1x16xf32> to vector<16xf32>
      %swap3A_1119 = vector.shape_cast %add3A_1105 : vector<16xf32> to vector<1x16xf32>
      tpu.vector_store %arg9[%swap3A_1115, %swap3A_1116], %swap3A_1119 {add = true, strides = array<i32>} : memref<32x1024xf32, #tpu.memory_space<vmem>>, vector<1x16xf32>,
      %swap3A_1120 = arith.index_cast %scan3A_129 : i32 to index
      %swap3A_1121 = arith.constant 896 : index
      %swap3A_1122 = tpu.vector_load %arg9[%swap3A_1120, %swap3A_1121] {strides = array<i32>} : memref<32x1024xf32, #tpu.memory_space<vmem>>, vector<1x16xf32>,
      %swap3A_1123 = vector.shape_cast %swap3A_1122 : vector<1x16xf32> to vector<16xf32>
      %swap3A_1124 = vector.shape_cast %add3A_1114 : vector<16xf32> to vector<1x16xf32>
      tpu.vector_store %arg9[%swap3A_1120, %swap3A_1121], %swap3A_1124 {add = true, strides = array<i32>} : memref<32x1024xf32, #tpu.memory_space<vmem>>, vector<1x16xf32>,
      %get3A_1125 = arith.constant 1 : i32
      %get3A_1126 = arith.index_cast %get3A_1125 : i32 to index
      %get3A_1127 = arith.index_cast %scan3A_129 : i32 to index
      %get3A_1128 = arith.constant 400 : index
      %get3A_1129 = tpu.vector_load %arg10[%get3A_1126, %get3A_1127, %get3A_1128] {strides = array<i32>} : memref<2x32x512xi32, #tpu.memory_space<vmem>>, vector<1x1x16xi32>,
      %get3A_1130 = vector.shape_cast %get3A_1129 : vector<1x1x16xi32> to vector<16xi32>
      %get3A_1131 = arith.constant 1 : i32
      %get3A_1132 = arith.index_cast %get3A_1131 : i32 to index
      %get3A_1133 = arith.index_cast %scan3A_129 : i32 to index
      %get3A_1134 = arith.constant 400 : index
      %get3A_1135 = tpu.vector_load %arg11[%get3A_1132, %get3A_1133, %get3A_1134] {strides = array<i32>} : memref<2x32x512xi32, #tpu.memory_space<vmem>>, vector<1x1x16xi32>,
      %get3A_1136 = vector.shape_cast %get3A_1135 : vector<1x1x16xi32> to vector<16xi32>
      %shift_left3A_1137 = arith.constant 16 : i32
      %shift_left3A_1138 = vector.broadcast %shift_left3A_1137 : i32 to vector<16xi32>
      %shift_left3A_1139 = arith.shli %get3A_1130, %shift_left3A_1138 : vector<16xi32>
      %bitcast_convert_type3A_1140 = tpu.bitcast %shift_left3A_1139 : vector<16xi32> -> vector<16xf32>
      %shift_left3A_1141 = arith.constant 16 : i32
      %shift_left3A_1142 = vector.broadcast %shift_left3A_1141 : i32 to vector<16xi32>
      %shift_left3A_1143 = arith.shli %get3A_1136, %shift_left3A_1142 : vector<16xi32>
      %bitcast_convert_type3A_1144 = tpu.bitcast %shift_left3A_1143 : vector<16xi32> -> vector<16xf32>
      %add3A_1145 = arith.addf %bitcast_convert_type3A_1140, %bitcast_convert_type3A_1144 : vector<16xf32>
      %and3A_1146 = arith.constant -65536 : i32
      %and3A_1147 = vector.broadcast %and3A_1146 : i32 to vector<16xi32>
      %and3A_1148 = arith.andi %get3A_1130, %and3A_1147 : vector<16xi32>
      %bitcast_convert_type3A_1149 = tpu.bitcast %and3A_1148 : vector<16xi32> -> vector<16xf32>
      %and3A_1150 = arith.constant -65536 : i32
      %and3A_1151 = vector.broadcast %and3A_1150 : i32 to vector<16xi32>
      %and3A_1152 = arith.andi %get3A_1136, %and3A_1151 : vector<16xi32>
      %bitcast_convert_type3A_1153 = tpu.bitcast %and3A_1152 : vector<16xi32> -> vector<16xf32>
      %add3A_1154 = arith.addf %bitcast_convert_type3A_1149, %bitcast_convert_type3A_1153 : vector<16xf32>
      %swap3A_1155 = arith.index_cast %scan3A_129 : i32 to index
      %swap3A_1156 = arith.constant 400 : index
      %swap3A_1157 = tpu.vector_load %arg9[%swap3A_1155, %swap3A_1156] {strides = array<i32>} : memref<32x1024xf32, #tpu.memory_space<vmem>>, vector<1x16xf32>,
      %swap3A_1158 = vector.shape_cast %swap3A_1157 : vector<1x16xf32> to vector<16xf32>
      %swap3A_1159 = vector.shape_cast %add3A_1145 : vector<16xf32> to vector<1x16xf32>
      tpu.vector_store %arg9[%swap3A_1155, %swap3A_1156], %swap3A_1159 {add = true, strides = array<i32>} : memref<32x1024xf32, #tpu.memory_space<vmem>>, vector<1x16xf32>,
      %swap3A_1160 = arith.index_cast %scan3A_129 : i32 to index
      %swap3A_1161 = arith.constant 912 : index
      %swap3A_1162 = tpu.vector_load %arg9[%swap3A_1160, %swap3A_1161] {strides = array<i32>} : memref<32x1024xf32, #tpu.memory_space<vmem>>, vector<1x16xf32>,
      %swap3A_1163 = vector.shape_cast %swap3A_1162 : vector<1x16xf32> to vector<16xf32>
      %swap3A_1164 = vector.shape_cast %add3A_1154 : vector<16xf32> to vector<1x16xf32>
      tpu.vector_store %arg9[%swap3A_1160, %swap3A_1161], %swap3A_1164 {add = true, strides = array<i32>} : memref<32x1024xf32, #tpu.memory_space<vmem>>, vector<1x16xf32>,
      %get3A_1165 = arith.constant 1 : i32
      %get3A_1166 = arith.index_cast %get3A_1165 : i32 to index
      %get3A_1167 = arith.index_cast %scan3A_129 : i32 to index
      %get3A_1168 = arith.constant 416 : index
      %get3A_1169 = tpu.vector_load %arg10[%get3A_1166, %get3A_1167, %get3A_1168] {strides = array<i32>} : memref<2x32x512xi32, #tpu.memory_space<vmem>>, vector<1x1x16xi32>,
      %get3A_1170 = vector.shape_cast %get3A_1169 : vector<1x1x16xi32> to vector<16xi32>
      %get3A_1171 = arith.constant 1 : i32
      %get3A_1172 = arith.index_cast %get3A_1171 : i32 to index
      %get3A_1173 = arith.index_cast %scan3A_129 : i32 to index
      %get3A_1174 = arith.constant 416 : index
      %get3A_1175 = tpu.vector_load %arg11[%get3A_1172, %get3A_1173, %get3A_1174] {strides = array<i32>} : memref<2x32x512xi32, #tpu.memory_space<vmem>>, vector<1x1x16xi32>,
      %get3A_1176 = vector.shape_cast %get3A_1175 : vector<1x1x16xi32> to vector<16xi32>
      %shift_left3A_1177 = arith.constant 16 : i32
      %shift_left3A_1178 = vector.broadcast %shift_left3A_1177 : i32 to vector<16xi32>
      %shift_left3A_1179 = arith.shli %get3A_1170, %shift_left3A_1178 : vector<16xi32>
      %bitcast_convert_type3A_1180 = tpu.bitcast %shift_left3A_1179 : vector<16xi32> -> vector<16xf32>
      %shift_left3A_1181 = arith.constant 16 : i32
      %shift_left3A_1182 = vector.broadcast %shift_left3A_1181 : i32 to vector<16xi32>
      %shift_left3A_1183 = arith.shli %get3A_1176, %shift_left3A_1182 : vector<16xi32>
      %bitcast_convert_type3A_1184 = tpu.bitcast %shift_left3A_1183 : vector<16xi32> -> vector<16xf32>
      %add3A_1185 = arith.addf %bitcast_convert_type3A_1180, %bitcast_convert_type3A_1184 : vector<16xf32>
      %and3A_1186 = arith.constant -65536 : i32
      %and3A_1187 = vector.broadcast %and3A_1186 : i32 to vector<16xi32>
      %and3A_1188 = arith.andi %get3A_1170, %and3A_1187 : vector<16xi32>
      %bitcast_convert_type3A_1189 = tpu.bitcast %and3A_1188 : vector<16xi32> -> vector<16xf32>
      %and3A_1190 = arith.constant -65536 : i32
      %and3A_1191 = vector.broadcast %and3A_1190 : i32 to vector<16xi32>
      %and3A_1192 = arith.andi %get3A_1176, %and3A_1191 : vector<16xi32>
      %bitcast_convert_type3A_1193 = tpu.bitcast %and3A_1192 : vector<16xi32> -> vector<16xf32>
      %add3A_1194 = arith.addf %bitcast_convert_type3A_1189, %bitcast_convert_type3A_1193 : vector<16xf32>
      %swap3A_1195 = arith.index_cast %scan3A_129 : i32 to index
      %swap3A_1196 = arith.constant 416 : index
      %swap3A_1197 = tpu.vector_load %arg9[%swap3A_1195, %swap3A_1196] {strides = array<i32>} : memref<32x1024xf32, #tpu.memory_space<vmem>>, vector<1x16xf32>,
      %swap3A_1198 = vector.shape_cast %swap3A_1197 : vector<1x16xf32> to vector<16xf32>
      %swap3A_1199 = vector.shape_cast %add3A_1185 : vector<16xf32> to vector<1x16xf32>
      tpu.vector_store %arg9[%swap3A_1195, %swap3A_1196], %swap3A_1199 {add = true, strides = array<i32>} : memref<32x1024xf32, #tpu.memory_space<vmem>>, vector<1x16xf32>,
      %swap3A_1200 = arith.index_cast %scan3A_129 : i32 to index
      %swap3A_1201 = arith.constant 928 : index
      %swap3A_1202 = tpu.vector_load %arg9[%swap3A_1200, %swap3A_1201] {strides = array<i32>} : memref<32x1024xf32, #tpu.memory_space<vmem>>, vector<1x16xf32>,
      %swap3A_1203 = vector.shape_cast %swap3A_1202 : vector<1x16xf32> to vector<16xf32>
      %swap3A_1204 = vector.shape_cast %add3A_1194 : vector<16xf32> to vector<1x16xf32>
      tpu.vector_store %arg9[%swap3A_1200, %swap3A_1201], %swap3A_1204 {add = true, strides = array<i32>} : memref<32x1024xf32, #tpu.memory_space<vmem>>, vector<1x16xf32>,
      %get3A_1205 = arith.constant 1 : i32
      %get3A_1206 = arith.index_cast %get3A_1205 : i32 to index
      %get3A_1207 = arith.index_cast %scan3A_129 : i32 to index
      %get3A_1208 = arith.constant 432 : index
      %get3A_1209 = tpu.vector_load %arg10[%get3A_1206, %get3A_1207, %get3A_1208] {strides = array<i32>} : memref<2x32x512xi32, #tpu.memory_space<vmem>>, vector<1x1x16xi32>,
      %get3A_1210 = vector.shape_cast %get3A_1209 : vector<1x1x16xi32> to vector<16xi32>
      %get3A_1211 = arith.constant 1 : i32
      %get3A_1212 = arith.index_cast %get3A_1211 : i32 to index
      %get3A_1213 = arith.index_cast %scan3A_129 : i32 to index
      %get3A_1214 = arith.constant 432 : index
      %get3A_1215 = tpu.vector_load %arg11[%get3A_1212, %get3A_1213, %get3A_1214] {strides = array<i32>} : memref<2x32x512xi32, #tpu.memory_space<vmem>>, vector<1x1x16xi32>,
      %get3A_1216 = vector.shape_cast %get3A_1215 : vector<1x1x16xi32> to vector<16xi32>
      %shift_left3A_1217 = arith.constant 16 : i32
      %shift_left3A_1218 = vector.broadcast %shift_left3A_1217 : i32 to vector<16xi32>
      %shift_left3A_1219 = arith.shli %get3A_1210, %shift_left3A_1218 : vector<16xi32>
      %bitcast_convert_type3A_1220 = tpu.bitcast %shift_left3A_1219 : vector<16xi32> -> vector<16xf32>
      %shift_left3A_1221 = arith.constant 16 : i32
      %shift_left3A_1222 = vector.broadcast %shift_left3A_1221 : i32 to vector<16xi32>
      %shift_left3A_1223 = arith.shli %get3A_1216, %shift_left3A_1222 : vector<16xi32>
      %bitcast_convert_type3A_1224 = tpu.bitcast %shift_left3A_1223 : vector<16xi32> -> vector<16xf32>
      %add3A_1225 = arith.addf %bitcast_convert_type3A_1220, %bitcast_convert_type3A_1224 : vector<16xf32>
      %and3A_1226 = arith.constant -65536 : i32
      %and3A_1227 = vector.broadcast %and3A_1226 : i32 to vector<16xi32>
      %and3A_1228 = arith.andi %get3A_1210, %and3A_1227 : vector<16xi32>
      %bitcast_convert_type3A_1229 = tpu.bitcast %and3A_1228 : vector<16xi32> -> vector<16xf32>
      %and3A_1230 = arith.constant -65536 : i32
      %and3A_1231 = vector.broadcast %and3A_1230 : i32 to vector<16xi32>
      %and3A_1232 = arith.andi %get3A_1216, %and3A_1231 : vector<16xi32>
      %bitcast_convert_type3A_1233 = tpu.bitcast %and3A_1232 : vector<16xi32> -> vector<16xf32>
      %add3A_1234 = arith.addf %bitcast_convert_type3A_1229, %bitcast_convert_type3A_1233 : vector<16xf32>
      %swap3A_1235 = arith.index_cast %scan3A_129 : i32 to index
      %swap3A_1236 = arith.constant 432 : index
      %swap3A_1237 = tpu.vector_load %arg9[%swap3A_1235, %swap3A_1236] {strides = array<i32>} : memref<32x1024xf32, #tpu.memory_space<vmem>>, vector<1x16xf32>,
      %swap3A_1238 = vector.shape_cast %swap3A_1237 : vector<1x16xf32> to vector<16xf32>
      %swap3A_1239 = vector.shape_cast %add3A_1225 : vector<16xf32> to vector<1x16xf32>
      tpu.vector_store %arg9[%swap3A_1235, %swap3A_1236], %swap3A_1239 {add = true, strides = array<i32>} : memref<32x1024xf32, #tpu.memory_space<vmem>>, vector<1x16xf32>,
      %swap3A_1240 = arith.index_cast %scan3A_129 : i32 to index
      %swap3A_1241 = arith.constant 944 : index
      %swap3A_1242 = tpu.vector_load %arg9[%swap3A_1240, %swap3A_1241] {strides = array<i32>} : memref<32x1024xf32, #tpu.memory_space<vmem>>, vector<1x16xf32>,
      %swap3A_1243 = vector.shape_cast %swap3A_1242 : vector<1x16xf32> to vector<16xf32>
      %swap3A_1244 = vector.shape_cast %add3A_1234 : vector<16xf32> to vector<1x16xf32>
      tpu.vector_store %arg9[%swap3A_1240, %swap3A_1241], %swap3A_1244 {add = true, strides = array<i32>} : memref<32x1024xf32, #tpu.memory_space<vmem>>, vector<1x16xf32>,
      %get3A_1245 = arith.constant 1 : i32
      %get3A_1246 = arith.index_cast %get3A_1245 : i32 to index
      %get3A_1247 = arith.index_cast %scan3A_129 : i32 to index
      %get3A_1248 = arith.constant 448 : index
      %get3A_1249 = tpu.vector_load %arg10[%get3A_1246, %get3A_1247, %get3A_1248] {strides = array<i32>} : memref<2x32x512xi32, #tpu.memory_space<vmem>>, vector<1x1x16xi32>,
      %get3A_1250 = vector.shape_cast %get3A_1249 : vector<1x1x16xi32> to vector<16xi32>
      %get3A_1251 = arith.constant 1 : i32
      %get3A_1252 = arith.index_cast %get3A_1251 : i32 to index
      %get3A_1253 = arith.index_cast %scan3A_129 : i32 to index
      %get3A_1254 = arith.constant 448 : index
      %get3A_1255 = tpu.vector_load %arg11[%get3A_1252, %get3A_1253, %get3A_1254] {strides = array<i32>} : memref<2x32x512xi32, #tpu.memory_space<vmem>>, vector<1x1x16xi32>,
      %get3A_1256 = vector.shape_cast %get3A_1255 : vector<1x1x16xi32> to vector<16xi32>
      %shift_left3A_1257 = arith.constant 16 : i32
      %shift_left3A_1258 = vector.broadcast %shift_left3A_1257 : i32 to vector<16xi32>
      %shift_left3A_1259 = arith.shli %get3A_1250, %shift_left3A_1258 : vector<16xi32>
      %bitcast_convert_type3A_1260 = tpu.bitcast %shift_left3A_1259 : vector<16xi32> -> vector<16xf32>
      %shift_left3A_1261 = arith.constant 16 : i32
      %shift_left3A_1262 = vector.broadcast %shift_left3A_1261 : i32 to vector<16xi32>
      %shift_left3A_1263 = arith.shli %get3A_1256, %shift_left3A_1262 : vector<16xi32>
      %bitcast_convert_type3A_1264 = tpu.bitcast %shift_left3A_1263 : vector<16xi32> -> vector<16xf32>
      %add3A_1265 = arith.addf %bitcast_convert_type3A_1260, %bitcast_convert_type3A_1264 : vector<16xf32>
      %and3A_1266 = arith.constant -65536 : i32
      %and3A_1267 = vector.broadcast %and3A_1266 : i32 to vector<16xi32>
      %and3A_1268 = arith.andi %get3A_1250, %and3A_1267 : vector<16xi32>
      %bitcast_convert_type3A_1269 = tpu.bitcast %and3A_1268 : vector<16xi32> -> vector<16xf32>
      %and3A_1270 = arith.constant -65536 : i32
      %and3A_1271 = vector.broadcast %and3A_1270 : i32 to vector<16xi32>
      %and3A_1272 = arith.andi %get3A_1256, %and3A_1271 : vector<16xi32>
      %bitcast_convert_type3A_1273 = tpu.bitcast %and3A_1272 : vector<16xi32> -> vector<16xf32>
      %add3A_1274 = arith.addf %bitcast_convert_type3A_1269, %bitcast_convert_type3A_1273 : vector<16xf32>
      %swap3A_1275 = arith.index_cast %scan3A_129 : i32 to index
      %swap3A_1276 = arith.constant 448 : index
      %swap3A_1277 = tpu.vector_load %arg9[%swap3A_1275, %swap3A_1276] {strides = array<i32>} : memref<32x1024xf32, #tpu.memory_space<vmem>>, vector<1x16xf32>,
      %swap3A_1278 = vector.shape_cast %swap3A_1277 : vector<1x16xf32> to vector<16xf32>
      %swap3A_1279 = vector.shape_cast %add3A_1265 : vector<16xf32> to vector<1x16xf32>
      tpu.vector_store %arg9[%swap3A_1275, %swap3A_1276], %swap3A_1279 {add = true, strides = array<i32>} : memref<32x1024xf32, #tpu.memory_space<vmem>>, vector<1x16xf32>,
      %swap3A_1280 = arith.index_cast %scan3A_129 : i32 to index
      %swap3A_1281 = arith.constant 960 : index
      %swap3A_1282 = tpu.vector_load %arg9[%swap3A_1280, %swap3A_1281] {strides = array<i32>} : memref<32x1024xf32, #tpu.memory_space<vmem>>, vector<1x16xf32>,
      %swap3A_1283 = vector.shape_cast %swap3A_1282 : vector<1x16xf32> to vector<16xf32>
      %swap3A_1284 = vector.shape_cast %add3A_1274 : vector<16xf32> to vector<1x16xf32>
      tpu.vector_store %arg9[%swap3A_1280, %swap3A_1281], %swap3A_1284 {add = true, strides = array<i32>} : memref<32x1024xf32, #tpu.memory_space<vmem>>, vector<1x16xf32>,
      %get3A_1285 = arith.constant 1 : i32
      %get3A_1286 = arith.index_cast %get3A_1285 : i32 to index
      %get3A_1287 = arith.index_cast %scan3A_129 : i32 to index
      %get3A_1288 = arith.constant 464 : index
      %get3A_1289 = tpu.vector_load %arg10[%get3A_1286, %get3A_1287, %get3A_1288] {strides = array<i32>} : memref<2x32x512xi32, #tpu.memory_space<vmem>>, vector<1x1x16xi32>,
      %get3A_1290 = vector.shape_cast %get3A_1289 : vector<1x1x16xi32> to vector<16xi32>
      %get3A_1291 = arith.constant 1 : i32
      %get3A_1292 = arith.index_cast %get3A_1291 : i32 to index
      %get3A_1293 = arith.index_cast %scan3A_129 : i32 to index
      %get3A_1294 = arith.constant 464 : index
      %get3A_1295 = tpu.vector_load %arg11[%get3A_1292, %get3A_1293, %get3A_1294] {strides = array<i32>} : memref<2x32x512xi32, #tpu.memory_space<vmem>>, vector<1x1x16xi32>,
      %get3A_1296 = vector.shape_cast %get3A_1295 : vector<1x1x16xi32> to vector<16xi32>
      %shift_left3A_1297 = arith.constant 16 : i32
      %shift_left3A_1298 = vector.broadcast %shift_left3A_1297 : i32 to vector<16xi32>
      %shift_left3A_1299 = arith.shli %get3A_1290, %shift_left3A_1298 : vector<16xi32>
      %bitcast_convert_type3A_1300 = tpu.bitcast %shift_left3A_1299 : vector<16xi32> -> vector<16xf32>
      %shift_left3A_1301 = arith.constant 16 : i32
      %shift_left3A_1302 = vector.broadcast %shift_left3A_1301 : i32 to vector<16xi32>
      %shift_left3A_1303 = arith.shli %get3A_1296, %shift_left3A_1302 : vector<16xi32>
      %bitcast_convert_type3A_1304 = tpu.bitcast %shift_left3A_1303 : vector<16xi32> -> vector<16xf32>
      %add3A_1305 = arith.addf %bitcast_convert_type3A_1300, %bitcast_convert_type3A_1304 : vector<16xf32>
      %and3A_1306 = arith.constant -65536 : i32
      %and3A_1307 = vector.broadcast %and3A_1306 : i32 to vector<16xi32>
      %and3A_1308 = arith.andi %get3A_1290, %and3A_1307 : vector<16xi32>
      %bitcast_convert_type3A_1309 = tpu.bitcast %and3A_1308 : vector<16xi32> -> vector<16xf32>
      %and3A_1310 = arith.constant -65536 : i32
      %and3A_1311 = vector.broadcast %and3A_1310 : i32 to vector<16xi32>
      %and3A_1312 = arith.andi %get3A_1296, %and3A_1311 : vector<16xi32>
      %bitcast_convert_type3A_1313 = tpu.bitcast %and3A_1312 : vector<16xi32> -> vector<16xf32>
      %add3A_1314 = arith.addf %bitcast_convert_type3A_1309, %bitcast_convert_type3A_1313 : vector<16xf32>
      %swap3A_1315 = arith.index_cast %scan3A_129 : i32 to index
      %swap3A_1316 = arith.constant 464 : index
      %swap3A_1317 = tpu.vector_load %arg9[%swap3A_1315, %swap3A_1316] {strides = array<i32>} : memref<32x1024xf32, #tpu.memory_space<vmem>>, vector<1x16xf32>,
      %swap3A_1318 = vector.shape_cast %swap3A_1317 : vector<1x16xf32> to vector<16xf32>
      %swap3A_1319 = vector.shape_cast %add3A_1305 : vector<16xf32> to vector<1x16xf32>
      tpu.vector_store %arg9[%swap3A_1315, %swap3A_1316], %swap3A_1319 {add = true, strides = array<i32>} : memref<32x1024xf32, #tpu.memory_space<vmem>>, vector<1x16xf32>,
      %swap3A_1320 = arith.index_cast %scan3A_129 : i32 to index
      %swap3A_1321 = arith.constant 976 : index
      %swap3A_1322 = tpu.vector_load %arg9[%swap3A_1320, %swap3A_1321] {strides = array<i32>} : memref<32x1024xf32, #tpu.memory_space<vmem>>, vector<1x16xf32>,
      %swap3A_1323 = vector.shape_cast %swap3A_1322 : vector<1x16xf32> to vector<16xf32>
      %swap3A_1324 = vector.shape_cast %add3A_1314 : vector<16xf32> to vector<1x16xf32>
      tpu.vector_store %arg9[%swap3A_1320, %swap3A_1321], %swap3A_1324 {add = true, strides = array<i32>} : memref<32x1024xf32, #tpu.memory_space<vmem>>, vector<1x16xf32>,
      %get3A_1325 = arith.constant 1 : i32
      %get3A_1326 = arith.index_cast %get3A_1325 : i32 to index
      %get3A_1327 = arith.index_cast %scan3A_129 : i32 to index
      %get3A_1328 = arith.constant 480 : index
      %get3A_1329 = tpu.vector_load %arg10[%get3A_1326, %get3A_1327, %get3A_1328] {strides = array<i32>} : memref<2x32x512xi32, #tpu.memory_space<vmem>>, vector<1x1x16xi32>,
      %get3A_1330 = vector.shape_cast %get3A_1329 : vector<1x1x16xi32> to vector<16xi32>
      %get3A_1331 = arith.constant 1 : i32
      %get3A_1332 = arith.index_cast %get3A_1331 : i32 to index
      %get3A_1333 = arith.index_cast %scan3A_129 : i32 to index
      %get3A_1334 = arith.constant 480 : index
      %get3A_1335 = tpu.vector_load %arg11[%get3A_1332, %get3A_1333, %get3A_1334] {strides = array<i32>} : memref<2x32x512xi32, #tpu.memory_space<vmem>>, vector<1x1x16xi32>,
      %get3A_1336 = vector.shape_cast %get3A_1335 : vector<1x1x16xi32> to vector<16xi32>
      %shift_left3A_1337 = arith.constant 16 : i32
      %shift_left3A_1338 = vector.broadcast %shift_left3A_1337 : i32 to vector<16xi32>
      %shift_left3A_1339 = arith.shli %get3A_1330, %shift_left3A_1338 : vector<16xi32>
      %bitcast_convert_type3A_1340 = tpu.bitcast %shift_left3A_1339 : vector<16xi32> -> vector<16xf32>
      %shift_left3A_1341 = arith.constant 16 : i32
      %shift_left3A_1342 = vector.broadcast %shift_left3A_1341 : i32 to vector<16xi32>
      %shift_left3A_1343 = arith.shli %get3A_1336, %shift_left3A_1342 : vector<16xi32>
      %bitcast_convert_type3A_1344 = tpu.bitcast %shift_left3A_1343 : vector<16xi32> -> vector<16xf32>
      %add3A_1345 = arith.addf %bitcast_convert_type3A_1340, %bitcast_convert_type3A_1344 : vector<16xf32>
      %and3A_1346 = arith.constant -65536 : i32
      %and3A_1347 = vector.broadcast %and3A_1346 : i32 to vector<16xi32>
      %and3A_1348 = arith.andi %get3A_1330, %and3A_1347 : vector<16xi32>
      %bitcast_convert_type3A_1349 = tpu.bitcast %and3A_1348 : vector<16xi32> -> vector<16xf32>
      %and3A_1350 = arith.constant -65536 : i32
      %and3A_1351 = vector.broadcast %and3A_1350 : i32 to vector<16xi32>
      %and3A_1352 = arith.andi %get3A_1336, %and3A_1351 : vector<16xi32>
      %bitcast_convert_type3A_1353 = tpu.bitcast %and3A_1352 : vector<16xi32> -> vector<16xf32>
      %add3A_1354 = arith.addf %bitcast_convert_type3A_1349, %bitcast_convert_type3A_1353 : vector<16xf32>
      %swap3A_1355 = arith.index_cast %scan3A_129 : i32 to index
      %swap3A_1356 = arith.constant 480 : index
      %swap3A_1357 = tpu.vector_load %arg9[%swap3A_1355, %swap3A_1356] {strides = array<i32>} : memref<32x1024xf32, #tpu.memory_space<vmem>>, vector<1x16xf32>,
      %swap3A_1358 = vector.shape_cast %swap3A_1357 : vector<1x16xf32> to vector<16xf32>
      %swap3A_1359 = vector.shape_cast %add3A_1345 : vector<16xf32> to vector<1x16xf32>
      tpu.vector_store %arg9[%swap3A_1355, %swap3A_1356], %swap3A_1359 {add = true, strides = array<i32>} : memref<32x1024xf32, #tpu.memory_space<vmem>>, vector<1x16xf32>,
      %swap3A_1360 = arith.index_cast %scan3A_129 : i32 to index
      %swap3A_1361 = arith.constant 992 : index
      %swap3A_1362 = tpu.vector_load %arg9[%swap3A_1360, %swap3A_1361] {strides = array<i32>} : memref<32x1024xf32, #tpu.memory_space<vmem>>, vector<1x16xf32>,
      %swap3A_1363 = vector.shape_cast %swap3A_1362 : vector<1x16xf32> to vector<16xf32>
      %swap3A_1364 = vector.shape_cast %add3A_1354 : vector<16xf32> to vector<1x16xf32>
      tpu.vector_store %arg9[%swap3A_1360, %swap3A_1361], %swap3A_1364 {add = true, strides = array<i32>} : memref<32x1024xf32, #tpu.memory_space<vmem>>, vector<1x16xf32>,
      %get3A_1365 = arith.constant 1 : i32
      %get3A_1366 = arith.index_cast %get3A_1365 : i32 to index
      %get3A_1367 = arith.index_cast %scan3A_129 : i32 to index
      %get3A_1368 = arith.constant 496 : index
      %get3A_1369 = tpu.vector_load %arg10[%get3A_1366, %get3A_1367, %get3A_1368] {strides = array<i32>} : memref<2x32x512xi32, #tpu.memory_space<vmem>>, vector<1x1x16xi32>,
      %get3A_1370 = vector.shape_cast %get3A_1369 : vector<1x1x16xi32> to vector<16xi32>
      %get3A_1371 = arith.constant 1 : i32
      %get3A_1372 = arith.index_cast %get3A_1371 : i32 to index
      %get3A_1373 = arith.index_cast %scan3A_129 : i32 to index
      %get3A_1374 = arith.constant 496 : index
      %get3A_1375 = tpu.vector_load %arg11[%get3A_1372, %get3A_1373, %get3A_1374] {strides = array<i32>} : memref<2x32x512xi32, #tpu.memory_space<vmem>>, vector<1x1x16xi32>,
      %get3A_1376 = vector.shape_cast %get3A_1375 : vector<1x1x16xi32> to vector<16xi32>
      %shift_left3A_1377 = arith.constant 16 : i32
      %shift_left3A_1378 = vector.broadcast %shift_left3A_1377 : i32 to vector<16xi32>
      %shift_left3A_1379 = arith.shli %get3A_1370, %shift_left3A_1378 : vector<16xi32>
      %bitcast_convert_type3A_1380 = tpu.bitcast %shift_left3A_1379 : vector<16xi32> -> vector<16xf32>
      %shift_left3A_1381 = arith.constant 16 : i32
      %shift_left3A_1382 = vector.broadcast %shift_left3A_1381 : i32 to vector<16xi32>
      %shift_left3A_1383 = arith.shli %get3A_1376, %shift_left3A_1382 : vector<16xi32>
      %bitcast_convert_type3A_1384 = tpu.bitcast %shift_left3A_1383 : vector<16xi32> -> vector<16xf32>
      %add3A_1385 = arith.addf %bitcast_convert_type3A_1380, %bitcast_convert_type3A_1384 : vector<16xf32>
      %and3A_1386 = arith.constant -65536 : i32
      %and3A_1387 = vector.broadcast %and3A_1386 : i32 to vector<16xi32>
      %and3A_1388 = arith.andi %get3A_1370, %and3A_1387 : vector<16xi32>
      %bitcast_convert_type3A_1389 = tpu.bitcast %and3A_1388 : vector<16xi32> -> vector<16xf32>
      %and3A_1390 = arith.constant -65536 : i32
      %and3A_1391 = vector.broadcast %and3A_1390 : i32 to vector<16xi32>
      %and3A_1392 = arith.andi %get3A_1376, %and3A_1391 : vector<16xi32>
      %bitcast_convert_type3A_1393 = tpu.bitcast %and3A_1392 : vector<16xi32> -> vector<16xf32>
      %add3A_1394 = arith.addf %bitcast_convert_type3A_1389, %bitcast_convert_type3A_1393 : vector<16xf32>
      %swap3A_1395 = arith.index_cast %scan3A_129 : i32 to index
      %swap3A_1396 = arith.constant 496 : index
      %swap3A_1397 = tpu.vector_load %arg9[%swap3A_1395, %swap3A_1396] {strides = array<i32>} : memref<32x1024xf32, #tpu.memory_space<vmem>>, vector<1x16xf32>,
      %swap3A_1398 = vector.shape_cast %swap3A_1397 : vector<1x16xf32> to vector<16xf32>
      %swap3A_1399 = vector.shape_cast %add3A_1385 : vector<16xf32> to vector<1x16xf32>
      tpu.vector_store %arg9[%swap3A_1395, %swap3A_1396], %swap3A_1399 {add = true, strides = array<i32>} : memref<32x1024xf32, #tpu.memory_space<vmem>>, vector<1x16xf32>,
      %swap3A_1400 = arith.index_cast %scan3A_129 : i32 to index
      %swap3A_1401 = arith.constant 1008 : index
      %swap3A_1402 = tpu.vector_load %arg9[%swap3A_1400, %swap3A_1401] {strides = array<i32>} : memref<32x1024xf32, #tpu.memory_space<vmem>>, vector<1x16xf32>,
      %swap3A_1403 = vector.shape_cast %swap3A_1402 : vector<1x16xf32> to vector<16xf32>
      %swap3A_1404 = vector.shape_cast %add3A_1394 : vector<16xf32> to vector<1x16xf32>
      tpu.vector_store %arg9[%swap3A_1400, %swap3A_1401], %swap3A_1404 {add = true, strides = array<i32>} : memref<32x1024xf32, #tpu.memory_space<vmem>>, vector<1x16xf32>,
    }
    %scan3A_128 = arith.constant 32 : i32
    "tpu.region"() ({
      %run_scoped3A_129 = tpu.sem_alloc : memref<!tpu.dma_semaphore, #tpu.memory_space<semaphore_mem>>
      %dma_start3A_130 = arith.constant 0 : i32
      %dma_start3A_131 = tpu.memref_slice %arg6[%mul3A_98, %dma_start3A_130] : memref<2048x1024xf32, #tpu.memory_space<hbm>> -> memref<32x1024xf32, #tpu.memory_space<hbm>>
      %dma_start3A_132 = arith.constant 0 : i32
      %dma_start3A_133 = tpu.memref_slice %arg6[%mul3A_98, %dma_start3A_132] : memref<2048x1024xf32, #tpu.memory_space<hbm>> -> memref<32x1024xf32, #tpu.memory_space<hbm>>
      tpu.enqueue_dma source(%arg9 : memref<32x1024xf32, #tpu.memory_space<vmem>>) target(%dma_start3A_133 : memref<32x1024xf32, #tpu.memory_space<hbm>>) target_semaphore(%run_scoped3A_129 : memref<!tpu.dma_semaphore, #tpu.memory_space<semaphore_mem>>)
      %dma_wait3A_134 = arith.constant 0 : i32
      %dma_wait3A_135 = tpu.memref_slice %arg6[%mul3A_98, %dma_wait3A_134] : memref<2048x1024xf32, #tpu.memory_space<hbm>> -> memref<32x1024xf32, #tpu.memory_space<hbm>>
      %dma_wait3A_136 = arith.constant 0 : i32
      %dma_wait3A_137 = tpu.memref_slice %arg6[%mul3A_98, %dma_wait3A_136] : memref<2048x1024xf32, #tpu.memory_space<hbm>> -> memref<32x1024xf32, #tpu.memory_space<hbm>>
      tpu.wait_dma2 semaphore(%run_scoped3A_129 : memref<!tpu.dma_semaphore, #tpu.memory_space<semaphore_mem>>) src(%arg9 : memref<32x1024xf32, #tpu.memory_space<vmem>>) dst(%dma_wait3A_137 : memref<32x1024xf32, #tpu.memory_space<hbm>>)
      tpu.yield
    }) : () -> ()
    return
  }
}

#map = affine_map<(d0, d1) -> (0, 0)>
module attributes {stable_mosaic.version = 14 : i64} {
  func.func @k(%arg0: i32, %arg1: i32, %arg2: memref<2048x512xi32, #tpu.memory_space<hbm>>, %arg3: memref<32x64xi32, #tpu.memory_space<hbm>>, %arg4: memref<32x64xi32, #tpu.memory_space<hbm>>, %arg5: memref<2048x128xf32, #tpu.memory_space<hbm>>, %arg6: memref<2048x128xf32, #tpu.memory_space<hbm>>, %arg7: memref<6144x512xi32, #tpu.memory_space<hbm>>, %arg8: memref<6144x128xf32, #tpu.memory_space<hbm>>, %arg9: memref<1x64xi32, #tpu.memory_space<vmem>>, %arg10: memref<1x64xi32, #tpu.memory_space<vmem>>, %arg11: memref<1x64x512xi32, #tpu.memory_space<vmem>>, %arg12: memref<1x64x128xf32, #tpu.memory_space<vmem>>, %arg13: memref<1x64x128xf32, #tpu.memory_space<vmem>>, %arg14: memref<!tpu.dma_semaphore, #tpu.memory_space<semaphore_mem>>) attributes {dimension_semantics = [#tpu.dimension_semantics<core_parallel>, #tpu.dimension_semantics<subcore_parallel>], iteration_bounds = array<i64: 2, 16>, scalar_prefetch = 0 : i64, scratch_operands = 6 : i64, tpu.core_type = #tpu.core_type<sc_vector_subcore>, window_params = [{transform_indices = #map}, {transform_indices = #map}, {transform_indices = #map}, {transform_indices = #map}, {transform_indices = #map}, {transform_indices = #map}, {transform_indices = #map}]} {
    %mul3A = arith.constant 2 : i32
    %mul3A_0 = arith.muli %arg1, %mul3A : i32
    %add3A = arith.addi %mul3A_0, %arg0 : i32
    %mul3A_1 = arith.constant 1 : i32
    %mul3A_2 = arith.muli %add3A, %mul3A_1 : i32
    %add3A_3 = arith.constant 0 : i32
    %add3A_4 = arith.addi %mul3A_2, %add3A_3 : i32
    %mul3A_5 = arith.constant 64 : i32
    %mul3A_6 = arith.muli %add3A_4, %mul3A_5 : i32
    %run_scoped3A = arith.constant 0 : i32
    "tpu.region"() ({
      %run_scoped3A_105 = tpu.sem_alloc : memref<!tpu.dma_semaphore, #tpu.memory_space<semaphore_mem>>
      %dma_start3A_106 = arith.constant 0 : i32
      %dma_start3A_107 = tpu.memref_slice %arg9[%run_scoped3A, %dma_start3A_106] : memref<1x64xi32, #tpu.memory_space<vmem>> -> memref<1x64xi32, #tpu.memory_space<vmem>>
      %dma_start3A_108 = tpu.memref_squeeze %dma_start3A_107 : memref<1x64xi32, #tpu.memory_space<vmem>> -> memref<64xi32, #tpu.memory_space<vmem>>
      %dma_start3A_109 = arith.constant 0 : i32
      %dma_start3A_110 = tpu.memref_slice %arg3[%add3A_4, %dma_start3A_109] : memref<32x64xi32, #tpu.memory_space<hbm>> -> memref<1x64xi32, #tpu.memory_space<hbm>>
      %dma_start3A_111 = tpu.memref_squeeze %dma_start3A_110 : memref<1x64xi32, #tpu.memory_space<hbm>> -> memref<64xi32, #tpu.memory_space<hbm>>
      %dma_start3A_112 = arith.constant 0 : i32
      %dma_start3A_113 = tpu.memref_slice %arg9[%run_scoped3A, %dma_start3A_112] : memref<1x64xi32, #tpu.memory_space<vmem>> -> memref<1x64xi32, #tpu.memory_space<vmem>>
      %dma_start3A_114 = tpu.memref_squeeze %dma_start3A_113 : memref<1x64xi32, #tpu.memory_space<vmem>> -> memref<64xi32, #tpu.memory_space<vmem>>
      %dma_start3A_115 = arith.constant 0 : i32
      %dma_start3A_116 = tpu.memref_slice %arg3[%add3A_4, %dma_start3A_115] : memref<32x64xi32, #tpu.memory_space<hbm>> -> memref<1x64xi32, #tpu.memory_space<hbm>>
      %dma_start3A_117 = tpu.memref_squeeze %dma_start3A_116 : memref<1x64xi32, #tpu.memory_space<hbm>> -> memref<64xi32, #tpu.memory_space<hbm>>
      tpu.enqueue_dma source(%dma_start3A_117 : memref<64xi32, #tpu.memory_space<hbm>>) target(%dma_start3A_114 : memref<64xi32, #tpu.memory_space<vmem>>) target_semaphore(%run_scoped3A_105 : memref<!tpu.dma_semaphore, #tpu.memory_space<semaphore_mem>>)
      %dma_wait3A_118 = arith.constant 0 : i32
      %dma_wait3A_119 = tpu.memref_slice %arg9[%run_scoped3A, %dma_wait3A_118] : memref<1x64xi32, #tpu.memory_space<vmem>> -> memref<1x64xi32, #tpu.memory_space<vmem>>
      %dma_wait3A_120 = tpu.memref_squeeze %dma_wait3A_119 : memref<1x64xi32, #tpu.memory_space<vmem>> -> memref<64xi32, #tpu.memory_space<vmem>>
      %dma_wait3A_121 = arith.constant 0 : i32
      %dma_wait3A_122 = tpu.memref_slice %arg3[%add3A_4, %dma_wait3A_121] : memref<32x64xi32, #tpu.memory_space<hbm>> -> memref<1x64xi32, #tpu.memory_space<hbm>>
      %dma_wait3A_123 = tpu.memref_squeeze %dma_wait3A_122 : memref<1x64xi32, #tpu.memory_space<hbm>> -> memref<64xi32, #tpu.memory_space<hbm>>
      %dma_wait3A_124 = arith.constant 0 : i32
      %dma_wait3A_125 = tpu.memref_slice %arg9[%run_scoped3A, %dma_wait3A_124] : memref<1x64xi32, #tpu.memory_space<vmem>> -> memref<1x64xi32, #tpu.memory_space<vmem>>
      %dma_wait3A_126 = tpu.memref_squeeze %dma_wait3A_125 : memref<1x64xi32, #tpu.memory_space<vmem>> -> memref<64xi32, #tpu.memory_space<vmem>>
      %dma_wait3A_127 = arith.constant 0 : i32
      %dma_wait3A_128 = tpu.memref_slice %arg3[%add3A_4, %dma_wait3A_127] : memref<32x64xi32, #tpu.memory_space<hbm>> -> memref<1x64xi32, #tpu.memory_space<hbm>>
      %dma_wait3A_129 = tpu.memref_squeeze %dma_wait3A_128 : memref<1x64xi32, #tpu.memory_space<hbm>> -> memref<64xi32, #tpu.memory_space<hbm>>
      tpu.wait_dma2 semaphore(%run_scoped3A_105 : memref<!tpu.dma_semaphore, #tpu.memory_space<semaphore_mem>>) src(%dma_wait3A_129 : memref<64xi32, #tpu.memory_space<hbm>>) dst(%dma_wait3A_126 : memref<64xi32, #tpu.memory_space<vmem>>)
      tpu.yield
    }) : () -> ()
    %run_scoped3A_7 = arith.constant 0 : i32
    "tpu.region"() ({
      %run_scoped3A_105 = tpu.sem_alloc : memref<!tpu.dma_semaphore, #tpu.memory_space<semaphore_mem>>
      %dma_start3A_106 = arith.constant 0 : i32
      %dma_start3A_107 = tpu.memref_slice %arg10[%run_scoped3A_7, %dma_start3A_106] : memref<1x64xi32, #tpu.memory_space<vmem>> -> memref<1x64xi32, #tpu.memory_space<vmem>>
      %dma_start3A_108 = tpu.memref_squeeze %dma_start3A_107 : memref<1x64xi32, #tpu.memory_space<vmem>> -> memref<64xi32, #tpu.memory_space<vmem>>
      %dma_start3A_109 = arith.constant 0 : i32
      %dma_start3A_110 = tpu.memref_slice %arg4[%add3A_4, %dma_start3A_109] : memref<32x64xi32, #tpu.memory_space<hbm>> -> memref<1x64xi32, #tpu.memory_space<hbm>>
      %dma_start3A_111 = tpu.memref_squeeze %dma_start3A_110 : memref<1x64xi32, #tpu.memory_space<hbm>> -> memref<64xi32, #tpu.memory_space<hbm>>
      %dma_start3A_112 = arith.constant 0 : i32
      %dma_start3A_113 = tpu.memref_slice %arg10[%run_scoped3A_7, %dma_start3A_112] : memref<1x64xi32, #tpu.memory_space<vmem>> -> memref<1x64xi32, #tpu.memory_space<vmem>>
      %dma_start3A_114 = tpu.memref_squeeze %dma_start3A_113 : memref<1x64xi32, #tpu.memory_space<vmem>> -> memref<64xi32, #tpu.memory_space<vmem>>
      %dma_start3A_115 = arith.constant 0 : i32
      %dma_start3A_116 = tpu.memref_slice %arg4[%add3A_4, %dma_start3A_115] : memref<32x64xi32, #tpu.memory_space<hbm>> -> memref<1x64xi32, #tpu.memory_space<hbm>>
      %dma_start3A_117 = tpu.memref_squeeze %dma_start3A_116 : memref<1x64xi32, #tpu.memory_space<hbm>> -> memref<64xi32, #tpu.memory_space<hbm>>
      tpu.enqueue_dma source(%dma_start3A_117 : memref<64xi32, #tpu.memory_space<hbm>>) target(%dma_start3A_114 : memref<64xi32, #tpu.memory_space<vmem>>) target_semaphore(%run_scoped3A_105 : memref<!tpu.dma_semaphore, #tpu.memory_space<semaphore_mem>>)
      %dma_wait3A_118 = arith.constant 0 : i32
      %dma_wait3A_119 = tpu.memref_slice %arg10[%run_scoped3A_7, %dma_wait3A_118] : memref<1x64xi32, #tpu.memory_space<vmem>> -> memref<1x64xi32, #tpu.memory_space<vmem>>
      %dma_wait3A_120 = tpu.memref_squeeze %dma_wait3A_119 : memref<1x64xi32, #tpu.memory_space<vmem>> -> memref<64xi32, #tpu.memory_space<vmem>>
      %dma_wait3A_121 = arith.constant 0 : i32
      %dma_wait3A_122 = tpu.memref_slice %arg4[%add3A_4, %dma_wait3A_121] : memref<32x64xi32, #tpu.memory_space<hbm>> -> memref<1x64xi32, #tpu.memory_space<hbm>>
      %dma_wait3A_123 = tpu.memref_squeeze %dma_wait3A_122 : memref<1x64xi32, #tpu.memory_space<hbm>> -> memref<64xi32, #tpu.memory_space<hbm>>
      %dma_wait3A_124 = arith.constant 0 : i32
      %dma_wait3A_125 = tpu.memref_slice %arg10[%run_scoped3A_7, %dma_wait3A_124] : memref<1x64xi32, #tpu.memory_space<vmem>> -> memref<1x64xi32, #tpu.memory_space<vmem>>
      %dma_wait3A_126 = tpu.memref_squeeze %dma_wait3A_125 : memref<1x64xi32, #tpu.memory_space<vmem>> -> memref<64xi32, #tpu.memory_space<vmem>>
      %dma_wait3A_127 = arith.constant 0 : i32
      %dma_wait3A_128 = tpu.memref_slice %arg4[%add3A_4, %dma_wait3A_127] : memref<32x64xi32, #tpu.memory_space<hbm>> -> memref<1x64xi32, #tpu.memory_space<hbm>>
      %dma_wait3A_129 = tpu.memref_squeeze %dma_wait3A_128 : memref<1x64xi32, #tpu.memory_space<hbm>> -> memref<64xi32, #tpu.memory_space<hbm>>
      tpu.wait_dma2 semaphore(%run_scoped3A_105 : memref<!tpu.dma_semaphore, #tpu.memory_space<semaphore_mem>>) src(%dma_wait3A_129 : memref<64xi32, #tpu.memory_space<hbm>>) dst(%dma_wait3A_126 : memref<64xi32, #tpu.memory_space<vmem>>)
      tpu.yield
    }) : () -> ()
    %run_scoped3A_8 = arith.constant 0 : i32
    "tpu.region"() ({
      %run_scoped3A_105 = tpu.sem_alloc : memref<!tpu.dma_semaphore, #tpu.memory_space<semaphore_mem>>
      %dma_start3A_106 = arith.constant 0 : i32
      %dma_start3A_107 = arith.constant 0 : i32
      %dma_start3A_108 = tpu.memref_slice %arg11[%run_scoped3A_8, %dma_start3A_106, %dma_start3A_107] : memref<1x64x512xi32, #tpu.memory_space<vmem>> -> memref<1x64x512xi32, #tpu.memory_space<vmem>>
      %dma_start3A_109 = tpu.memref_squeeze %dma_start3A_108 : memref<1x64x512xi32, #tpu.memory_space<vmem>> -> memref<64x512xi32, #tpu.memory_space<vmem>>
      %dma_start3A_110 = arith.constant 0 : i32
      %dma_start3A_111 = tpu.memref_slice %arg2[%mul3A_6, %dma_start3A_110] : memref<2048x512xi32, #tpu.memory_space<hbm>> -> memref<64x512xi32, #tpu.memory_space<hbm>>
      %dma_start3A_112 = arith.constant 0 : i32
      %dma_start3A_113 = arith.constant 0 : i32
      %dma_start3A_114 = tpu.memref_slice %arg11[%run_scoped3A_8, %dma_start3A_112, %dma_start3A_113] : memref<1x64x512xi32, #tpu.memory_space<vmem>> -> memref<1x64x512xi32, #tpu.memory_space<vmem>>
      %dma_start3A_115 = tpu.memref_squeeze %dma_start3A_114 : memref<1x64x512xi32, #tpu.memory_space<vmem>> -> memref<64x512xi32, #tpu.memory_space<vmem>>
      %dma_start3A_116 = arith.constant 0 : i32
      %dma_start3A_117 = tpu.memref_slice %arg2[%mul3A_6, %dma_start3A_116] : memref<2048x512xi32, #tpu.memory_space<hbm>> -> memref<64x512xi32, #tpu.memory_space<hbm>>
      tpu.enqueue_dma source(%dma_start3A_117 : memref<64x512xi32, #tpu.memory_space<hbm>>) target(%dma_start3A_115 : memref<64x512xi32, #tpu.memory_space<vmem>>) target_semaphore(%run_scoped3A_105 : memref<!tpu.dma_semaphore, #tpu.memory_space<semaphore_mem>>)
      %dma_wait3A_118 = arith.constant 0 : i32
      %dma_wait3A_119 = arith.constant 0 : i32
      %dma_wait3A_120 = tpu.memref_slice %arg11[%run_scoped3A_8, %dma_wait3A_118, %dma_wait3A_119] : memref<1x64x512xi32, #tpu.memory_space<vmem>> -> memref<1x64x512xi32, #tpu.memory_space<vmem>>
      %dma_wait3A_121 = tpu.memref_squeeze %dma_wait3A_120 : memref<1x64x512xi32, #tpu.memory_space<vmem>> -> memref<64x512xi32, #tpu.memory_space<vmem>>
      %dma_wait3A_122 = arith.constant 0 : i32
      %dma_wait3A_123 = tpu.memref_slice %arg2[%mul3A_6, %dma_wait3A_122] : memref<2048x512xi32, #tpu.memory_space<hbm>> -> memref<64x512xi32, #tpu.memory_space<hbm>>
      %dma_wait3A_124 = arith.constant 0 : i32
      %dma_wait3A_125 = arith.constant 0 : i32
      %dma_wait3A_126 = tpu.memref_slice %arg11[%run_scoped3A_8, %dma_wait3A_124, %dma_wait3A_125] : memref<1x64x512xi32, #tpu.memory_space<vmem>> -> memref<1x64x512xi32, #tpu.memory_space<vmem>>
      %dma_wait3A_127 = tpu.memref_squeeze %dma_wait3A_126 : memref<1x64x512xi32, #tpu.memory_space<vmem>> -> memref<64x512xi32, #tpu.memory_space<vmem>>
      %dma_wait3A_128 = arith.constant 0 : i32
      %dma_wait3A_129 = tpu.memref_slice %arg2[%mul3A_6, %dma_wait3A_128] : memref<2048x512xi32, #tpu.memory_space<hbm>> -> memref<64x512xi32, #tpu.memory_space<hbm>>
      tpu.wait_dma2 semaphore(%run_scoped3A_105 : memref<!tpu.dma_semaphore, #tpu.memory_space<semaphore_mem>>) src(%dma_wait3A_129 : memref<64x512xi32, #tpu.memory_space<hbm>>) dst(%dma_wait3A_127 : memref<64x512xi32, #tpu.memory_space<vmem>>)
      tpu.yield
    }) : () -> ()
    %run_scoped3A_9 = arith.constant 0 : i32
    "tpu.region"() ({
      %run_scoped3A_105 = tpu.sem_alloc : memref<!tpu.dma_semaphore, #tpu.memory_space<semaphore_mem>>
      %dma_start3A_106 = arith.constant 0 : i32
      %dma_start3A_107 = arith.constant 0 : i32
      %dma_start3A_108 = tpu.memref_slice %arg12[%run_scoped3A_9, %dma_start3A_106, %dma_start3A_107] : memref<1x64x128xf32, #tpu.memory_space<vmem>> -> memref<1x64x128xf32, #tpu.memory_space<vmem>>
      %dma_start3A_109 = tpu.memref_squeeze %dma_start3A_108 : memref<1x64x128xf32, #tpu.memory_space<vmem>> -> memref<64x128xf32, #tpu.memory_space<vmem>>
      %dma_start3A_110 = arith.constant 0 : i32
      %dma_start3A_111 = tpu.memref_slice %arg5[%mul3A_6, %dma_start3A_110] : memref<2048x128xf32, #tpu.memory_space<hbm>> -> memref<64x128xf32, #tpu.memory_space<hbm>>
      %dma_start3A_112 = arith.constant 0 : i32
      %dma_start3A_113 = arith.constant 0 : i32
      %dma_start3A_114 = tpu.memref_slice %arg12[%run_scoped3A_9, %dma_start3A_112, %dma_start3A_113] : memref<1x64x128xf32, #tpu.memory_space<vmem>> -> memref<1x64x128xf32, #tpu.memory_space<vmem>>
      %dma_start3A_115 = tpu.memref_squeeze %dma_start3A_114 : memref<1x64x128xf32, #tpu.memory_space<vmem>> -> memref<64x128xf32, #tpu.memory_space<vmem>>
      %dma_start3A_116 = arith.constant 0 : i32
      %dma_start3A_117 = tpu.memref_slice %arg5[%mul3A_6, %dma_start3A_116] : memref<2048x128xf32, #tpu.memory_space<hbm>> -> memref<64x128xf32, #tpu.memory_space<hbm>>
      tpu.enqueue_dma source(%dma_start3A_117 : memref<64x128xf32, #tpu.memory_space<hbm>>) target(%dma_start3A_115 : memref<64x128xf32, #tpu.memory_space<vmem>>) target_semaphore(%run_scoped3A_105 : memref<!tpu.dma_semaphore, #tpu.memory_space<semaphore_mem>>)
      %dma_wait3A_118 = arith.constant 0 : i32
      %dma_wait3A_119 = arith.constant 0 : i32
      %dma_wait3A_120 = tpu.memref_slice %arg12[%run_scoped3A_9, %dma_wait3A_118, %dma_wait3A_119] : memref<1x64x128xf32, #tpu.memory_space<vmem>> -> memref<1x64x128xf32, #tpu.memory_space<vmem>>
      %dma_wait3A_121 = tpu.memref_squeeze %dma_wait3A_120 : memref<1x64x128xf32, #tpu.memory_space<vmem>> -> memref<64x128xf32, #tpu.memory_space<vmem>>
      %dma_wait3A_122 = arith.constant 0 : i32
      %dma_wait3A_123 = tpu.memref_slice %arg5[%mul3A_6, %dma_wait3A_122] : memref<2048x128xf32, #tpu.memory_space<hbm>> -> memref<64x128xf32, #tpu.memory_space<hbm>>
      %dma_wait3A_124 = arith.constant 0 : i32
      %dma_wait3A_125 = arith.constant 0 : i32
      %dma_wait3A_126 = tpu.memref_slice %arg12[%run_scoped3A_9, %dma_wait3A_124, %dma_wait3A_125] : memref<1x64x128xf32, #tpu.memory_space<vmem>> -> memref<1x64x128xf32, #tpu.memory_space<vmem>>
      %dma_wait3A_127 = tpu.memref_squeeze %dma_wait3A_126 : memref<1x64x128xf32, #tpu.memory_space<vmem>> -> memref<64x128xf32, #tpu.memory_space<vmem>>
      %dma_wait3A_128 = arith.constant 0 : i32
      %dma_wait3A_129 = tpu.memref_slice %arg5[%mul3A_6, %dma_wait3A_128] : memref<2048x128xf32, #tpu.memory_space<hbm>> -> memref<64x128xf32, #tpu.memory_space<hbm>>
      tpu.wait_dma2 semaphore(%run_scoped3A_105 : memref<!tpu.dma_semaphore, #tpu.memory_space<semaphore_mem>>) src(%dma_wait3A_129 : memref<64x128xf32, #tpu.memory_space<hbm>>) dst(%dma_wait3A_127 : memref<64x128xf32, #tpu.memory_space<vmem>>)
      tpu.yield
    }) : () -> ()
    %run_scoped3A_10 = arith.constant 0 : i32
    "tpu.region"() ({
      %run_scoped3A_105 = tpu.sem_alloc : memref<!tpu.dma_semaphore, #tpu.memory_space<semaphore_mem>>
      %dma_start3A_106 = arith.constant 0 : i32
      %dma_start3A_107 = arith.constant 0 : i32
      %dma_start3A_108 = tpu.memref_slice %arg13[%run_scoped3A_10, %dma_start3A_106, %dma_start3A_107] : memref<1x64x128xf32, #tpu.memory_space<vmem>> -> memref<1x64x128xf32, #tpu.memory_space<vmem>>
      %dma_start3A_109 = tpu.memref_squeeze %dma_start3A_108 : memref<1x64x128xf32, #tpu.memory_space<vmem>> -> memref<64x128xf32, #tpu.memory_space<vmem>>
      %dma_start3A_110 = arith.constant 0 : i32
      %dma_start3A_111 = tpu.memref_slice %arg6[%mul3A_6, %dma_start3A_110] : memref<2048x128xf32, #tpu.memory_space<hbm>> -> memref<64x128xf32, #tpu.memory_space<hbm>>
      %dma_start3A_112 = arith.constant 0 : i32
      %dma_start3A_113 = arith.constant 0 : i32
      %dma_start3A_114 = tpu.memref_slice %arg13[%run_scoped3A_10, %dma_start3A_112, %dma_start3A_113] : memref<1x64x128xf32, #tpu.memory_space<vmem>> -> memref<1x64x128xf32, #tpu.memory_space<vmem>>
      %dma_start3A_115 = tpu.memref_squeeze %dma_start3A_114 : memref<1x64x128xf32, #tpu.memory_space<vmem>> -> memref<64x128xf32, #tpu.memory_space<vmem>>
      %dma_start3A_116 = arith.constant 0 : i32
      %dma_start3A_117 = tpu.memref_slice %arg6[%mul3A_6, %dma_start3A_116] : memref<2048x128xf32, #tpu.memory_space<hbm>> -> memref<64x128xf32, #tpu.memory_space<hbm>>
      tpu.enqueue_dma source(%dma_start3A_117 : memref<64x128xf32, #tpu.memory_space<hbm>>) target(%dma_start3A_115 : memref<64x128xf32, #tpu.memory_space<vmem>>) target_semaphore(%run_scoped3A_105 : memref<!tpu.dma_semaphore, #tpu.memory_space<semaphore_mem>>)
      %dma_wait3A_118 = arith.constant 0 : i32
      %dma_wait3A_119 = arith.constant 0 : i32
      %dma_wait3A_120 = tpu.memref_slice %arg13[%run_scoped3A_10, %dma_wait3A_118, %dma_wait3A_119] : memref<1x64x128xf32, #tpu.memory_space<vmem>> -> memref<1x64x128xf32, #tpu.memory_space<vmem>>
      %dma_wait3A_121 = tpu.memref_squeeze %dma_wait3A_120 : memref<1x64x128xf32, #tpu.memory_space<vmem>> -> memref<64x128xf32, #tpu.memory_space<vmem>>
      %dma_wait3A_122 = arith.constant 0 : i32
      %dma_wait3A_123 = tpu.memref_slice %arg6[%mul3A_6, %dma_wait3A_122] : memref<2048x128xf32, #tpu.memory_space<hbm>> -> memref<64x128xf32, #tpu.memory_space<hbm>>
      %dma_wait3A_124 = arith.constant 0 : i32
      %dma_wait3A_125 = arith.constant 0 : i32
      %dma_wait3A_126 = tpu.memref_slice %arg13[%run_scoped3A_10, %dma_wait3A_124, %dma_wait3A_125] : memref<1x64x128xf32, #tpu.memory_space<vmem>> -> memref<1x64x128xf32, #tpu.memory_space<vmem>>
      %dma_wait3A_127 = tpu.memref_squeeze %dma_wait3A_126 : memref<1x64x128xf32, #tpu.memory_space<vmem>> -> memref<64x128xf32, #tpu.memory_space<vmem>>
      %dma_wait3A_128 = arith.constant 0 : i32
      %dma_wait3A_129 = tpu.memref_slice %arg6[%mul3A_6, %dma_wait3A_128] : memref<2048x128xf32, #tpu.memory_space<hbm>> -> memref<64x128xf32, #tpu.memory_space<hbm>>
      tpu.wait_dma2 semaphore(%run_scoped3A_105 : memref<!tpu.dma_semaphore, #tpu.memory_space<semaphore_mem>>) src(%dma_wait3A_129 : memref<64x128xf32, #tpu.memory_space<hbm>>) dst(%dma_wait3A_127 : memref<64x128xf32, #tpu.memory_space<vmem>>)
      tpu.yield
    }) : () -> ()
    %dma_start3A = arith.constant 0 : i32
    %dma_start3A_11 = arith.constant 0 : i32
    %dma_start3A_12 = arith.constant 0 : i32
    %dma_start3A_13 = arith.constant 0 : i32
    %dma_start3A_14 = tpu.memref_slice %arg11[%dma_start3A, %dma_start3A_12, %dma_start3A_13] : memref<1x64x512xi32, #tpu.memory_space<vmem>> -> memref<1x64x512xi32, #tpu.memory_space<vmem>>
    %dma_start3A_15 = tpu.memref_squeeze %dma_start3A_14 : memref<1x64x512xi32, #tpu.memory_space<vmem>> -> memref<64x512xi32, #tpu.memory_space<vmem>>
    %dma_start3A_16 = arith.constant 0 : i32
    %dma_start3A_17 = tpu.memref_slice %arg9[%dma_start3A_11, %dma_start3A_16] : memref<1x64xi32, #tpu.memory_space<vmem>> -> memref<1x64xi32, #tpu.memory_space<vmem>>
    %dma_start3A_18 = tpu.memref_squeeze %dma_start3A_17 : memref<1x64xi32, #tpu.memory_space<vmem>> -> memref<64xi32, #tpu.memory_space<vmem>>
    %dma_start3A_19 = arith.constant 0 : i32
    %dma_start3A_20 = arith.constant 0 : i32
    %dma_start3A_21 = tpu.memref_slice %arg7[%dma_start3A_19, %dma_start3A_20] : memref<6144x512xi32, #tpu.memory_space<hbm>> -> memref<6144x512xi32, #tpu.memory_space<hbm>>
    tpu.enqueue_indirect_dma source(%dma_start3A_15 : memref<64x512xi32, #tpu.memory_space<vmem>>) target(%dma_start3A_21 : memref<6144x512xi32, #tpu.memory_space<hbm>>) offsets(%dma_start3A_18 : memref<64xi32, #tpu.memory_space<vmem>>) semaphore(%arg14 : memref<!tpu.dma_semaphore, #tpu.memory_space<semaphore_mem>>)
    %dma_start3A_22 = arith.constant 0 : i32
    %dma_start3A_23 = arith.constant 0 : i32
    %dma_start3A_24 = arith.constant 0 : i32
    %dma_start3A_25 = arith.constant 0 : i32
    %dma_start3A_26 = tpu.memref_slice %arg11[%dma_start3A_22, %dma_start3A_24, %dma_start3A_25] : memref<1x64x512xi32, #tpu.memory_space<vmem>> -> memref<1x64x512xi32, #tpu.memory_space<vmem>>
    %dma_start3A_27 = tpu.memref_squeeze %dma_start3A_26 : memref<1x64x512xi32, #tpu.memory_space<vmem>> -> memref<64x512xi32, #tpu.memory_space<vmem>>
    %dma_start3A_28 = arith.constant 0 : i32
    %dma_start3A_29 = tpu.memref_slice %arg10[%dma_start3A_23, %dma_start3A_28] : memref<1x64xi32, #tpu.memory_space<vmem>> -> memref<1x64xi32, #tpu.memory_space<vmem>>
    %dma_start3A_30 = tpu.memref_squeeze %dma_start3A_29 : memref<1x64xi32, #tpu.memory_space<vmem>> -> memref<64xi32, #tpu.memory_space<vmem>>
    %dma_start3A_31 = arith.constant 0 : i32
    %dma_start3A_32 = arith.constant 0 : i32
    %dma_start3A_33 = tpu.memref_slice %arg7[%dma_start3A_31, %dma_start3A_32] : memref<6144x512xi32, #tpu.memory_space<hbm>> -> memref<6144x512xi32, #tpu.memory_space<hbm>>
    tpu.enqueue_indirect_dma source(%dma_start3A_27 : memref<64x512xi32, #tpu.memory_space<vmem>>) target(%dma_start3A_33 : memref<6144x512xi32, #tpu.memory_space<hbm>>) offsets(%dma_start3A_30 : memref<64xi32, #tpu.memory_space<vmem>>) semaphore(%arg14 : memref<!tpu.dma_semaphore, #tpu.memory_space<semaphore_mem>>)
    %dma_start3A_34 = arith.constant 0 : i32
    %dma_start3A_35 = arith.constant 0 : i32
    %dma_start3A_36 = arith.constant 0 : i32
    %dma_start3A_37 = arith.constant 0 : i32
    %dma_start3A_38 = tpu.memref_slice %arg12[%dma_start3A_34, %dma_start3A_36, %dma_start3A_37] : memref<1x64x128xf32, #tpu.memory_space<vmem>> -> memref<1x64x128xf32, #tpu.memory_space<vmem>>
    %dma_start3A_39 = tpu.memref_squeeze %dma_start3A_38 : memref<1x64x128xf32, #tpu.memory_space<vmem>> -> memref<64x128xf32, #tpu.memory_space<vmem>>
    %dma_start3A_40 = arith.constant 0 : i32
    %dma_start3A_41 = tpu.memref_slice %arg9[%dma_start3A_35, %dma_start3A_40] : memref<1x64xi32, #tpu.memory_space<vmem>> -> memref<1x64xi32, #tpu.memory_space<vmem>>
    %dma_start3A_42 = tpu.memref_squeeze %dma_start3A_41 : memref<1x64xi32, #tpu.memory_space<vmem>> -> memref<64xi32, #tpu.memory_space<vmem>>
    %dma_start3A_43 = arith.constant 0 : i32
    %dma_start3A_44 = arith.constant 0 : i32
    %dma_start3A_45 = tpu.memref_slice %arg8[%dma_start3A_43, %dma_start3A_44] : memref<6144x128xf32, #tpu.memory_space<hbm>> -> memref<6144x128xf32, #tpu.memory_space<hbm>>
    tpu.enqueue_indirect_dma source(%dma_start3A_39 : memref<64x128xf32, #tpu.memory_space<vmem>>) target(%dma_start3A_45 : memref<6144x128xf32, #tpu.memory_space<hbm>>) offsets(%dma_start3A_42 : memref<64xi32, #tpu.memory_space<vmem>>) semaphore(%arg14 : memref<!tpu.dma_semaphore, #tpu.memory_space<semaphore_mem>>)
    %dma_start3A_46 = arith.constant 0 : i32
    %dma_start3A_47 = arith.constant 0 : i32
    %dma_start3A_48 = arith.constant 0 : i32
    %dma_start3A_49 = arith.constant 0 : i32
    %dma_start3A_50 = tpu.memref_slice %arg13[%dma_start3A_46, %dma_start3A_48, %dma_start3A_49] : memref<1x64x128xf32, #tpu.memory_space<vmem>> -> memref<1x64x128xf32, #tpu.memory_space<vmem>>
    %dma_start3A_51 = tpu.memref_squeeze %dma_start3A_50 : memref<1x64x128xf32, #tpu.memory_space<vmem>> -> memref<64x128xf32, #tpu.memory_space<vmem>>
    %dma_start3A_52 = arith.constant 0 : i32
    %dma_start3A_53 = tpu.memref_slice %arg10[%dma_start3A_47, %dma_start3A_52] : memref<1x64xi32, #tpu.memory_space<vmem>> -> memref<1x64xi32, #tpu.memory_space<vmem>>
    %dma_start3A_54 = tpu.memref_squeeze %dma_start3A_53 : memref<1x64xi32, #tpu.memory_space<vmem>> -> memref<64xi32, #tpu.memory_space<vmem>>
    %dma_start3A_55 = arith.constant 0 : i32
    %dma_start3A_56 = arith.constant 0 : i32
    %dma_start3A_57 = tpu.memref_slice %arg8[%dma_start3A_55, %dma_start3A_56] : memref<6144x128xf32, #tpu.memory_space<hbm>> -> memref<6144x128xf32, #tpu.memory_space<hbm>>
    tpu.enqueue_indirect_dma source(%dma_start3A_51 : memref<64x128xf32, #tpu.memory_space<vmem>>) target(%dma_start3A_57 : memref<6144x128xf32, #tpu.memory_space<hbm>>) offsets(%dma_start3A_54 : memref<64xi32, #tpu.memory_space<vmem>>) semaphore(%arg14 : memref<!tpu.dma_semaphore, #tpu.memory_space<semaphore_mem>>)
    %dma_wait3A = arith.constant 0 : i32
    %dma_wait3A_58 = arith.constant 0 : i32
    %dma_wait3A_59 = arith.constant 0 : i32
    %dma_wait3A_60 = arith.constant 0 : i32
    %dma_wait3A_61 = tpu.memref_slice %arg11[%dma_wait3A, %dma_wait3A_59, %dma_wait3A_60] : memref<1x64x512xi32, #tpu.memory_space<vmem>> -> memref<1x64x512xi32, #tpu.memory_space<vmem>>
    %dma_wait3A_62 = tpu.memref_squeeze %dma_wait3A_61 : memref<1x64x512xi32, #tpu.memory_space<vmem>> -> memref<64x512xi32, #tpu.memory_space<vmem>>
    %dma_wait3A_63 = arith.constant 0 : i32
    %dma_wait3A_64 = tpu.memref_slice %arg9[%dma_wait3A_58, %dma_wait3A_63] : memref<1x64xi32, #tpu.memory_space<vmem>> -> memref<1x64xi32, #tpu.memory_space<vmem>>
    %dma_wait3A_65 = tpu.memref_squeeze %dma_wait3A_64 : memref<1x64xi32, #tpu.memory_space<vmem>> -> memref<64xi32, #tpu.memory_space<vmem>>
    %dma_wait3A_66 = arith.constant 0 : i32
    %dma_wait3A_67 = arith.constant 0 : i32
    %dma_wait3A_68 = tpu.memref_slice %arg7[%dma_wait3A_66, %dma_wait3A_67] : memref<6144x512xi32, #tpu.memory_space<hbm>> -> memref<6144x512xi32, #tpu.memory_space<hbm>>
    tpu.wait_indirect_dma semaphore(%arg14 : memref<!tpu.dma_semaphore, #tpu.memory_space<semaphore_mem>>) src(%dma_wait3A_62 : memref<64x512xi32, #tpu.memory_space<vmem>>) dst(%dma_wait3A_68 : memref<6144x512xi32, #tpu.memory_space<hbm>>)
    %dma_wait3A_69 = arith.constant 0 : i32
    %dma_wait3A_70 = arith.constant 0 : i32
    %dma_wait3A_71 = arith.constant 0 : i32
    %dma_wait3A_72 = arith.constant 0 : i32
    %dma_wait3A_73 = tpu.memref_slice %arg11[%dma_wait3A_69, %dma_wait3A_71, %dma_wait3A_72] : memref<1x64x512xi32, #tpu.memory_space<vmem>> -> memref<1x64x512xi32, #tpu.memory_space<vmem>>
    %dma_wait3A_74 = tpu.memref_squeeze %dma_wait3A_73 : memref<1x64x512xi32, #tpu.memory_space<vmem>> -> memref<64x512xi32, #tpu.memory_space<vmem>>
    %dma_wait3A_75 = arith.constant 0 : i32
    %dma_wait3A_76 = tpu.memref_slice %arg10[%dma_wait3A_70, %dma_wait3A_75] : memref<1x64xi32, #tpu.memory_space<vmem>> -> memref<1x64xi32, #tpu.memory_space<vmem>>
    %dma_wait3A_77 = tpu.memref_squeeze %dma_wait3A_76 : memref<1x64xi32, #tpu.memory_space<vmem>> -> memref<64xi32, #tpu.memory_space<vmem>>
    %dma_wait3A_78 = arith.constant 0 : i32
    %dma_wait3A_79 = arith.constant 0 : i32
    %dma_wait3A_80 = tpu.memref_slice %arg7[%dma_wait3A_78, %dma_wait3A_79] : memref<6144x512xi32, #tpu.memory_space<hbm>> -> memref<6144x512xi32, #tpu.memory_space<hbm>>
    tpu.wait_indirect_dma semaphore(%arg14 : memref<!tpu.dma_semaphore, #tpu.memory_space<semaphore_mem>>) src(%dma_wait3A_74 : memref<64x512xi32, #tpu.memory_space<vmem>>) dst(%dma_wait3A_80 : memref<6144x512xi32, #tpu.memory_space<hbm>>)
    %dma_wait3A_81 = arith.constant 0 : i32
    %dma_wait3A_82 = arith.constant 0 : i32
    %dma_wait3A_83 = arith.constant 0 : i32
    %dma_wait3A_84 = arith.constant 0 : i32
    %dma_wait3A_85 = tpu.memref_slice %arg12[%dma_wait3A_81, %dma_wait3A_83, %dma_wait3A_84] : memref<1x64x128xf32, #tpu.memory_space<vmem>> -> memref<1x64x128xf32, #tpu.memory_space<vmem>>
    %dma_wait3A_86 = tpu.memref_squeeze %dma_wait3A_85 : memref<1x64x128xf32, #tpu.memory_space<vmem>> -> memref<64x128xf32, #tpu.memory_space<vmem>>
    %dma_wait3A_87 = arith.constant 0 : i32
    %dma_wait3A_88 = tpu.memref_slice %arg9[%dma_wait3A_82, %dma_wait3A_87] : memref<1x64xi32, #tpu.memory_space<vmem>> -> memref<1x64xi32, #tpu.memory_space<vmem>>
    %dma_wait3A_89 = tpu.memref_squeeze %dma_wait3A_88 : memref<1x64xi32, #tpu.memory_space<vmem>> -> memref<64xi32, #tpu.memory_space<vmem>>
    %dma_wait3A_90 = arith.constant 0 : i32
    %dma_wait3A_91 = arith.constant 0 : i32
    %dma_wait3A_92 = tpu.memref_slice %arg8[%dma_wait3A_90, %dma_wait3A_91] : memref<6144x128xf32, #tpu.memory_space<hbm>> -> memref<6144x128xf32, #tpu.memory_space<hbm>>
    tpu.wait_indirect_dma semaphore(%arg14 : memref<!tpu.dma_semaphore, #tpu.memory_space<semaphore_mem>>) src(%dma_wait3A_86 : memref<64x128xf32, #tpu.memory_space<vmem>>) dst(%dma_wait3A_92 : memref<6144x128xf32, #tpu.memory_space<hbm>>)
    %dma_wait3A_93 = arith.constant 0 : i32
    %dma_wait3A_94 = arith.constant 0 : i32
    %dma_wait3A_95 = arith.constant 0 : i32
    %dma_wait3A_96 = arith.constant 0 : i32
    %dma_wait3A_97 = tpu.memref_slice %arg13[%dma_wait3A_93, %dma_wait3A_95, %dma_wait3A_96] : memref<1x64x128xf32, #tpu.memory_space<vmem>> -> memref<1x64x128xf32, #tpu.memory_space<vmem>>
    %dma_wait3A_98 = tpu.memref_squeeze %dma_wait3A_97 : memref<1x64x128xf32, #tpu.memory_space<vmem>> -> memref<64x128xf32, #tpu.memory_space<vmem>>
    %dma_wait3A_99 = arith.constant 0 : i32
    %dma_wait3A_100 = tpu.memref_slice %arg10[%dma_wait3A_94, %dma_wait3A_99] : memref<1x64xi32, #tpu.memory_space<vmem>> -> memref<1x64xi32, #tpu.memory_space<vmem>>
    %dma_wait3A_101 = tpu.memref_squeeze %dma_wait3A_100 : memref<1x64xi32, #tpu.memory_space<vmem>> -> memref<64xi32, #tpu.memory_space<vmem>>
    %dma_wait3A_102 = arith.constant 0 : i32
    %dma_wait3A_103 = arith.constant 0 : i32
    %dma_wait3A_104 = tpu.memref_slice %arg8[%dma_wait3A_102, %dma_wait3A_103] : memref<6144x128xf32, #tpu.memory_space<hbm>> -> memref<6144x128xf32, #tpu.memory_space<hbm>>
    tpu.wait_indirect_dma semaphore(%arg14 : memref<!tpu.dma_semaphore, #tpu.memory_space<semaphore_mem>>) src(%dma_wait3A_98 : memref<64x128xf32, #tpu.memory_space<vmem>>) dst(%dma_wait3A_104 : memref<6144x128xf32, #tpu.memory_space<hbm>>)
    return
  }
}

module attributes {stable_mosaic.version = 14 : i64} {
  func.func @_router_body(%arg0: memref<2048x1024xf32, #tpu.memory_space<vmem>>, %arg1: memref<8x1024xf32, #tpu.memory_space<vmem>>, %arg2: memref<2048x8xf32, #tpu.memory_space<vmem>>, %arg3: memref<2048x2xi32, #tpu.memory_space<vmem>>, %arg4: memref<2048x1xi32, #tpu.memory_space<vmem>>, %arg5: memref<2048x1xi32, #tpu.memory_space<vmem>>, %arg6: memref<2048x128xf32, #tpu.memory_space<vmem>>, %arg7: memref<2048x128xf32, #tpu.memory_space<vmem>>, %arg8: memref<24x1xi32, #tpu.memory_space<vmem>>, %arg9: memref<24x1xi32, #tpu.memory_space<vmem>>, %arg10: memref<24x1xi32, #tpu.memory_space<vmem>>, %arg11: memref<2048x512xi32, #tpu.memory_space<vmem>>) attributes {dimension_semantics = [], scalar_prefetch = 0 : i64, scratch_operands = 0 : i64, tpu.core_type = #tpu.core_type<tc>} {
    %get3A = arith.constant 0 : index
    %get3A_0 = arith.constant 0 : index
    %get3A_1 = vector.load %arg0[%get3A, %get3A_0] : memref<2048x1024xf32, #tpu.memory_space<vmem>>, vector<2048x1024xf32>
    %slice3A = vector.extract_strided_slice %get3A_1 {offsets = [0, 0], sizes = [2048, 512], strides = [1, 1]} : vector<2048x1024xf32> to vector<2048x512xf32>
    %convert_element_type3A = arith.truncf %slice3A : vector<2048x512xf32> to vector<2048x512xbf16>
    %convert_element_type3A_2 = arith.extf %convert_element_type3A : vector<2048x512xbf16> to vector<2048x512xf32>
    %slice3A_3 = vector.extract_strided_slice %get3A_1 {offsets = [0, 512], sizes = [2048, 512], strides = [1, 1]} : vector<2048x1024xf32> to vector<2048x512xf32>
    %convert_element_type3A_4 = arith.truncf %slice3A_3 : vector<2048x512xf32> to vector<2048x512xbf16>
    %convert_element_type3A_5 = arith.extf %convert_element_type3A_4 : vector<2048x512xbf16> to vector<2048x512xf32>
    %bitcast_convert_type3A = tpu.bitcast %convert_element_type3A_2 : vector<2048x512xf32> -> vector<2048x512xi32>
    %shift_right_arithmetic3A = arith.constant 16 : i32
    %shift_right_arithmetic3A_6 = vector.broadcast %shift_right_arithmetic3A : i32 to vector<2048x512xi32>
    %shift_right_arithmetic3A_7 = arith.shrsi %bitcast_convert_type3A, %shift_right_arithmetic3A_6 : vector<2048x512xi32>
    %and3A = arith.constant 65535 : i32
    %and3A_8 = vector.broadcast %and3A : i32 to vector<2048x512xi32>
    %and3A_9 = arith.andi %shift_right_arithmetic3A_7, %and3A_8 : vector<2048x512xi32>
    %bitcast_convert_type3A_10 = tpu.bitcast %convert_element_type3A_5 : vector<2048x512xf32> -> vector<2048x512xi32>
    %and3A_11 = arith.constant -65536 : i32
    %and3A_12 = vector.broadcast %and3A_11 : i32 to vector<2048x512xi32>
    %and3A_13 = arith.andi %bitcast_convert_type3A_10, %and3A_12 : vector<2048x512xi32>
    %or3A = arith.ori %and3A_9, %and3A_13 : vector<2048x512xi32>
    %swap3A = arith.constant 0 : index
    %swap3A_14 = arith.constant 0 : index
    %swap3A_15 = vector.load %arg11[%swap3A, %swap3A_14] : memref<2048x512xi32, #tpu.memory_space<vmem>>, vector<2048x512xi32>
    tpu.vector_store %arg11[%swap3A, %swap3A_14], %or3A {strides = array<i32>} : memref<2048x512xi32, #tpu.memory_space<vmem>>, vector<2048x512xi32>,
    %get3A_16 = arith.constant 0 : index
    %get3A_17 = arith.constant 0 : index
    %get3A_18 = vector.load %arg1[%get3A_16, %get3A_17] : memref<8x1024xf32, #tpu.memory_space<vmem>>, vector<8x1024xf32>
    %dot_general3A = arith.constant dense<0.000000e+00> : vector<2048x8xf32>
    %dot_general3A_19 = tpu.matmul %get3A_1, %get3A_18, %dot_general3A {dimension_numbers = #tpu.dot_dimension_numbers<[1], [1], [0], [0], [0, 0, 1, 0], [], []>, transpose_lhs_hint = false} : vector<2048x1024xf32>, vector<8x1024xf32>, vector<2048x8xf32> -> vector<2048x8xf32>
    %swap3A_20 = arith.constant 0 : index
    %swap3A_21 = arith.constant 0 : index
    %swap3A_22 = vector.load %arg2[%swap3A_20, %swap3A_21] : memref<2048x8xf32, #tpu.memory_space<vmem>>, vector<2048x8xf32>
    tpu.vector_store %arg2[%swap3A_20, %swap3A_21], %dot_general3A_19 {strides = array<i32>} : memref<2048x8xf32, #tpu.memory_space<vmem>>, vector<2048x8xf32>,
    %reduce_max3A = arith.constant dense<0xFF800000> : vector<2048xf32>
    %reduce_max3A_23 = vector.multi_reduction <maximumf>, %dot_general3A_19, %reduce_max3A [1] : vector<2048x8xf32> to vector<2048xf32>
    %broadcast_in_dim3A = vector.shape_cast %reduce_max3A_23 : vector<2048xf32> to vector<2048x1xf32>
    %sub3A = vector.broadcast %broadcast_in_dim3A : vector<2048x1xf32> to vector<2048x8xf32>
    %sub3A_24 = arith.subf %dot_general3A_19, %sub3A : vector<2048x8xf32>
    %exp3A = math.exp %sub3A_24 : vector<2048x8xf32>
    %reduce_sum3A = arith.constant dense<0.000000e+00> : vector<2048xf32>
    %reduce_sum3A_25 = vector.multi_reduction <add>, %exp3A, %reduce_sum3A [1] : vector<2048x8xf32> to vector<2048xf32>
    %broadcast_in_dim3A_26 = vector.shape_cast %reduce_sum3A_25 : vector<2048xf32> to vector<2048x1xf32>
    %div3A = vector.broadcast %broadcast_in_dim3A_26 : vector<2048x1xf32> to vector<2048x8xf32>
    %div3A_27 = arith.divf %exp3A, %div3A : vector<2048x8xf32>
    %iota3A = tpu.iota {dimensions = array<i32: 1>} : vector<2048x8xi32>
    %reduce_max3A_28 = arith.constant dense<0xFF800000> : vector<2048xf32>
    %reduce_max3A_29 = vector.multi_reduction <maximumf>, %div3A_27, %reduce_max3A_28 [1] : vector<2048x8xf32> to vector<2048xf32>
    %broadcast_in_dim3A_30 = vector.shape_cast %reduce_max3A_29 : vector<2048xf32> to vector<2048x1xf32>
    %eq3A = vector.broadcast %broadcast_in_dim3A_30 : vector<2048x1xf32> to vector<2048x8xf32>
    %eq3A_31 = arith.cmpf oeq, %div3A_27, %eq3A : vector<2048x8xf32>
    %jit3A = arith.constant 8 : i32
    %broadcast_in_dim3A_32 = vector.broadcast %jit3A : i32 to vector<2048x8xi32>
    %select_n3A = arith.select %eq3A_31, %iota3A, %broadcast_in_dim3A_32 : vector<2048x8xi1>, vector<2048x8xi32>
    %reduce_min3A = arith.constant dense<2147483647> : vector<2048xi32>
    %reduce_min3A_33 = vector.multi_reduction <minsi>, %select_n3A, %reduce_min3A [1] : vector<2048x8xi32> to vector<2048xi32>
    %broadcast_in_dim3A_34 = vector.shape_cast %reduce_min3A_33 : vector<2048xi32> to vector<2048x1xi32>
    %eq3A_35 = vector.broadcast %broadcast_in_dim3A_34 : vector<2048x1xi32> to vector<2048x8xi32>
    %eq3A_36 = arith.cmpi eq, %iota3A, %eq3A_35 : vector<2048x8xi32>
    %jit3A_37 = arith.constant -1.000000e+00 : f32
    %broadcast_in_dim3A_38 = vector.broadcast %jit3A_37 : f32 to vector<2048x8xf32>
    %select_n3A_39 = arith.select %eq3A_36, %broadcast_in_dim3A_38, %div3A_27 : vector<2048x8xi1>, vector<2048x8xf32>
    %reduce_max3A_40 = arith.constant dense<0xFF800000> : vector<2048xf32>
    %reduce_max3A_41 = vector.multi_reduction <maximumf>, %select_n3A_39, %reduce_max3A_40 [1] : vector<2048x8xf32> to vector<2048xf32>
    %broadcast_in_dim3A_42 = vector.shape_cast %reduce_max3A_41 : vector<2048xf32> to vector<2048x1xf32>
    %eq3A_43 = vector.broadcast %broadcast_in_dim3A_42 : vector<2048x1xf32> to vector<2048x8xf32>
    %eq3A_44 = arith.cmpf oeq, %select_n3A_39, %eq3A_43 : vector<2048x8xf32>
    %jit3A_45 = arith.constant 8 : i32
    %broadcast_in_dim3A_46 = vector.broadcast %jit3A_45 : i32 to vector<2048x8xi32>
    %select_n3A_47 = arith.select %eq3A_44, %iota3A, %broadcast_in_dim3A_46 : vector<2048x8xi1>, vector<2048x8xi32>
    %reduce_min3A_48 = arith.constant dense<2147483647> : vector<2048xi32>
    %reduce_min3A_49 = vector.multi_reduction <minsi>, %select_n3A_47, %reduce_min3A_48 [1] : vector<2048x8xi32> to vector<2048xi32>
    %broadcast_in_dim3A_50 = vector.shape_cast %reduce_min3A_49 : vector<2048xi32> to vector<2048x1xi32>
    %add3A = arith.addf %broadcast_in_dim3A_30, %broadcast_in_dim3A_42 : vector<2048x1xf32>
    %add3A_51 = arith.constant 9.99999971E-10 : f32
    %add3A_52 = vector.broadcast %add3A_51 : f32 to vector<2048x1xf32>
    %add3A_53 = arith.addf %add3A, %add3A_52 : vector<2048x1xf32>
    %concatenate3A = tpu.concatenate %broadcast_in_dim3A_34, %broadcast_in_dim3A_50 in 1 : vector<2048x1xi32>, vector<2048x1xi32> -> vector<2048x2xi32>
    %swap3A_54 = arith.constant 0 : index
    %swap3A_55 = arith.constant 0 : index
    %swap3A_56 = vector.load %arg3[%swap3A_54, %swap3A_55] : memref<2048x2xi32, #tpu.memory_space<vmem>>, vector<2048x2xi32>
    tpu.vector_store %arg3[%swap3A_54, %swap3A_55], %concatenate3A {strides = array<i32>} : memref<2048x2xi32, #tpu.memory_space<vmem>>, vector<2048x2xi32>,
    %div3A_57 = arith.divf %broadcast_in_dim3A_30, %add3A_53 : vector<2048x1xf32>
    %broadcast_in_dim3A_58 = vector.shape_cast %div3A_57 : vector<2048x1xf32> to vector<2048x1xf32>
    %broadcast_in_dim3A_59 = vector.broadcast %broadcast_in_dim3A_58 : vector<2048x1xf32> to vector<2048x128xf32>
    %swap3A_60 = arith.constant 0 : index
    %swap3A_61 = arith.constant 0 : index
    %swap3A_62 = vector.load %arg6[%swap3A_60, %swap3A_61] : memref<2048x128xf32, #tpu.memory_space<vmem>>, vector<2048x128xf32>
    tpu.vector_store %arg6[%swap3A_60, %swap3A_61], %broadcast_in_dim3A_59 {strides = array<i32>} : memref<2048x128xf32, #tpu.memory_space<vmem>>, vector<2048x128xf32>,
    %div3A_63 = arith.divf %broadcast_in_dim3A_42, %add3A_53 : vector<2048x1xf32>
    %broadcast_in_dim3A_64 = vector.shape_cast %div3A_63 : vector<2048x1xf32> to vector<2048x1xf32>
    %broadcast_in_dim3A_65 = vector.broadcast %broadcast_in_dim3A_64 : vector<2048x1xf32> to vector<2048x128xf32>
    %swap3A_66 = arith.constant 0 : index
    %swap3A_67 = arith.constant 0 : index
    %swap3A_68 = vector.load %arg7[%swap3A_66, %swap3A_67] : memref<2048x128xf32, #tpu.memory_space<vmem>>, vector<2048x128xf32>
    tpu.vector_store %arg7[%swap3A_66, %swap3A_67], %broadcast_in_dim3A_65 {strides = array<i32>} : memref<2048x128xf32, #tpu.memory_space<vmem>>, vector<2048x128xf32>,
    %eq3A_69 = vector.broadcast %broadcast_in_dim3A_34 : vector<2048x1xi32> to vector<2048x8xi32>
    %eq3A_70 = arith.cmpi eq, %iota3A, %eq3A_69 : vector<2048x8xi32>
    %convert_element_type3A_71 = arith.extui %eq3A_70 : vector<2048x8xi1> to vector<2048x8xi32>
    %eq3A_72 = vector.broadcast %broadcast_in_dim3A_50 : vector<2048x1xi32> to vector<2048x8xi32>
    %eq3A_73 = arith.cmpi eq, %iota3A, %eq3A_72 : vector<2048x8xi32>
    %convert_element_type3A_74 = arith.extui %eq3A_73 : vector<2048x8xi1> to vector<2048x8xi32>
    %add3A_75 = arith.addi %convert_element_type3A_71, %convert_element_type3A_74 : vector<2048x8xi32>
    %broadcast_in_dim3A_76 = arith.constant 0 : i32
    %broadcast_in_dim3A_77 = vector.broadcast %broadcast_in_dim3A_76 : i32 to vector<1x8xi32>
    %slice3A_78 = vector.extract_strided_slice %add3A_75 {offsets = [0, 0], sizes = [2047, 8], strides = [1, 1]} : vector<2048x8xi32> to vector<2047x8xi32>
    %concatenate3A_79 = tpu.concatenate %broadcast_in_dim3A_77, %slice3A_78 in 0 : vector<1x8xi32>, vector<2047x8xi32> -> vector<2048x8xi32>
    %add3A_80 = arith.addi %add3A_75, %concatenate3A_79 : vector<2048x8xi32>
    %broadcast_in_dim3A_81 = arith.constant 0 : i32
    %broadcast_in_dim3A_82 = vector.broadcast %broadcast_in_dim3A_81 : i32 to vector<2x8xi32>
    %slice3A_83 = vector.extract_strided_slice %add3A_80 {offsets = [0, 0], sizes = [2046, 8], strides = [1, 1]} : vector<2048x8xi32> to vector<2046x8xi32>
    %concatenate3A_84 = tpu.concatenate %broadcast_in_dim3A_82, %slice3A_83 in 0 : vector<2x8xi32>, vector<2046x8xi32> -> vector<2048x8xi32>
    %add3A_85 = arith.addi %add3A_80, %concatenate3A_84 : vector<2048x8xi32>
    %broadcast_in_dim3A_86 = arith.constant 0 : i32
    %broadcast_in_dim3A_87 = vector.broadcast %broadcast_in_dim3A_86 : i32 to vector<4x8xi32>
    %slice3A_88 = vector.extract_strided_slice %add3A_85 {offsets = [0, 0], sizes = [2044, 8], strides = [1, 1]} : vector<2048x8xi32> to vector<2044x8xi32>
    %concatenate3A_89 = tpu.concatenate %broadcast_in_dim3A_87, %slice3A_88 in 0 : vector<4x8xi32>, vector<2044x8xi32> -> vector<2048x8xi32>
    %add3A_90 = arith.addi %add3A_85, %concatenate3A_89 : vector<2048x8xi32>
    %broadcast_in_dim3A_91 = arith.constant 0 : i32
    %broadcast_in_dim3A_92 = vector.broadcast %broadcast_in_dim3A_91 : i32 to vector<8x8xi32>
    %slice3A_93 = vector.extract_strided_slice %add3A_90 {offsets = [0, 0], sizes = [2040, 8], strides = [1, 1]} : vector<2048x8xi32> to vector<2040x8xi32>
    %concatenate3A_94 = tpu.concatenate %broadcast_in_dim3A_92, %slice3A_93 in 0 : vector<8x8xi32>, vector<2040x8xi32> -> vector<2048x8xi32>
    %add3A_95 = arith.addi %add3A_90, %concatenate3A_94 : vector<2048x8xi32>
    %broadcast_in_dim3A_96 = arith.constant 0 : i32
    %broadcast_in_dim3A_97 = vector.broadcast %broadcast_in_dim3A_96 : i32 to vector<16x8xi32>
    %slice3A_98 = vector.extract_strided_slice %add3A_95 {offsets = [0, 0], sizes = [2032, 8], strides = [1, 1]} : vector<2048x8xi32> to vector<2032x8xi32>
    %concatenate3A_99 = tpu.concatenate %broadcast_in_dim3A_97, %slice3A_98 in 0 : vector<16x8xi32>, vector<2032x8xi32> -> vector<2048x8xi32>
    %add3A_100 = arith.addi %add3A_95, %concatenate3A_99 : vector<2048x8xi32>
    %broadcast_in_dim3A_101 = arith.constant 0 : i32
    %broadcast_in_dim3A_102 = vector.broadcast %broadcast_in_dim3A_101 : i32 to vector<32x8xi32>
    %slice3A_103 = vector.extract_strided_slice %add3A_100 {offsets = [0, 0], sizes = [2016, 8], strides = [1, 1]} : vector<2048x8xi32> to vector<2016x8xi32>
    %concatenate3A_104 = tpu.concatenate %broadcast_in_dim3A_102, %slice3A_103 in 0 : vector<32x8xi32>, vector<2016x8xi32> -> vector<2048x8xi32>
    %add3A_105 = arith.addi %add3A_100, %concatenate3A_104 : vector<2048x8xi32>
    %broadcast_in_dim3A_106 = arith.constant 0 : i32
    %broadcast_in_dim3A_107 = vector.broadcast %broadcast_in_dim3A_106 : i32 to vector<64x8xi32>
    %slice3A_108 = vector.extract_strided_slice %add3A_105 {offsets = [0, 0], sizes = [1984, 8], strides = [1, 1]} : vector<2048x8xi32> to vector<1984x8xi32>
    %concatenate3A_109 = tpu.concatenate %broadcast_in_dim3A_107, %slice3A_108 in 0 : vector<64x8xi32>, vector<1984x8xi32> -> vector<2048x8xi32>
    %add3A_110 = arith.addi %add3A_105, %concatenate3A_109 : vector<2048x8xi32>
    %broadcast_in_dim3A_111 = arith.constant 0 : i32
    %broadcast_in_dim3A_112 = vector.broadcast %broadcast_in_dim3A_111 : i32 to vector<128x8xi32>
    %slice3A_113 = vector.extract_strided_slice %add3A_110 {offsets = [0, 0], sizes = [1920, 8], strides = [1, 1]} : vector<2048x8xi32> to vector<1920x8xi32>
    %concatenate3A_114 = tpu.concatenate %broadcast_in_dim3A_112, %slice3A_113 in 0 : vector<128x8xi32>, vector<1920x8xi32> -> vector<2048x8xi32>
    %add3A_115 = arith.addi %add3A_110, %concatenate3A_114 : vector<2048x8xi32>
    %broadcast_in_dim3A_116 = arith.constant 0 : i32
    %broadcast_in_dim3A_117 = vector.broadcast %broadcast_in_dim3A_116 : i32 to vector<256x8xi32>
    %slice3A_118 = vector.extract_strided_slice %add3A_115 {offsets = [0, 0], sizes = [1792, 8], strides = [1, 1]} : vector<2048x8xi32> to vector<1792x8xi32>
    %concatenate3A_119 = tpu.concatenate %broadcast_in_dim3A_117, %slice3A_118 in 0 : vector<256x8xi32>, vector<1792x8xi32> -> vector<2048x8xi32>
    %add3A_120 = arith.addi %add3A_115, %concatenate3A_119 : vector<2048x8xi32>
    %broadcast_in_dim3A_121 = arith.constant 0 : i32
    %broadcast_in_dim3A_122 = vector.broadcast %broadcast_in_dim3A_121 : i32 to vector<512x8xi32>
    %slice3A_123 = vector.extract_strided_slice %add3A_120 {offsets = [0, 0], sizes = [1536, 8], strides = [1, 1]} : vector<2048x8xi32> to vector<1536x8xi32>
    %concatenate3A_124 = tpu.concatenate %broadcast_in_dim3A_122, %slice3A_123 in 0 : vector<512x8xi32>, vector<1536x8xi32> -> vector<2048x8xi32>
    %add3A_125 = arith.addi %add3A_120, %concatenate3A_124 : vector<2048x8xi32>
    %broadcast_in_dim3A_126 = arith.constant 0 : i32
    %broadcast_in_dim3A_127 = vector.broadcast %broadcast_in_dim3A_126 : i32 to vector<1024x8xi32>
    %slice3A_128 = vector.extract_strided_slice %add3A_125 {offsets = [0, 0], sizes = [1024, 8], strides = [1, 1]} : vector<2048x8xi32> to vector<1024x8xi32>
    %concatenate3A_129 = tpu.concatenate %broadcast_in_dim3A_127, %slice3A_128 in 0 : vector<1024x8xi32>, vector<1024x8xi32> -> vector<2048x8xi32>
    %add3A_130 = arith.addi %add3A_125, %concatenate3A_129 : vector<2048x8xi32>
    %sub3A_131 = arith.subi %add3A_130, %add3A_75 : vector<2048x8xi32>
    %slice3A_132 = vector.extract_strided_slice %add3A_130 {offsets = [2047, 0], sizes = [1, 8], strides = [1, 1]} : vector<2048x8xi32> to vector<1x8xi32>
    %add3A_133 = arith.constant 255 : i32
    %add3A_134 = vector.broadcast %add3A_133 : i32 to vector<1x8xi32>
    %add3A_135 = arith.addi %slice3A_132, %add3A_134 : vector<1x8xi32>
    %jit3A_136 = arith.constant 256 : i32
    %div3A_137 = vector.broadcast %jit3A_136 : i32 to vector<1x8xi32>
    %div3A_138 = arith.divsi %add3A_135, %div3A_137 : vector<1x8xi32>
    %sign3A = arith.constant 0 : i32
    %sign3A_139 = vector.broadcast %sign3A : i32 to vector<1x8xi32>
    %sign3A_140 = arith.cmpi sgt, %add3A_135, %sign3A_139 : vector<1x8xi32>
    %sign3A_141 = arith.extui %sign3A_140 : vector<1x8xi1> to vector<1x8xi32>
    %sign3A_142 = arith.constant 0 : i32
    %sign3A_143 = vector.broadcast %sign3A_142 : i32 to vector<1x8xi32>
    %sign3A_144 = arith.cmpi slt, %add3A_135, %sign3A_143 : vector<1x8xi32>
    %sign3A_145 = arith.extui %sign3A_144 : vector<1x8xi1> to vector<1x8xi32>
    %sign3A_146 = arith.subi %sign3A_141, %sign3A_145 : vector<1x8xi32>
    %sign3A_147 = arith.constant 0 : i32
    %sign3A_148 = arith.cmpi sgt, %jit3A_136, %sign3A_147 : i32
    %sign3A_149 = arith.extui %sign3A_148 : i1 to i32
    %sign3A_150 = arith.constant 0 : i32
    %sign3A_151 = arith.cmpi slt, %jit3A_136, %sign3A_150 : i32
    %sign3A_152 = arith.extui %sign3A_151 : i1 to i32
    %sign3A_153 = arith.subi %sign3A_149, %sign3A_152 : i32
    %ne3A = vector.broadcast %sign3A_153 : i32 to vector<1x8xi32>
    %ne3A_154 = arith.cmpi ne, %sign3A_146, %ne3A : vector<1x8xi32>
    %rem3A = vector.broadcast %jit3A_136 : i32 to vector<1x8xi32>
    %rem3A_155 = arith.remsi %add3A_135, %rem3A : vector<1x8xi32>
    %ne3A_156 = arith.constant 0 : i32
    %ne3A_157 = vector.broadcast %ne3A_156 : i32 to vector<1x8xi32>
    %ne3A_158 = arith.cmpi ne, %rem3A_155, %ne3A_157 : vector<1x8xi32>
    %and3A_159 = arith.andi %ne3A_154, %ne3A_158 : vector<1x8xi1>
    %sub3A_160 = arith.constant 1 : i32
    %sub3A_161 = vector.broadcast %sub3A_160 : i32 to vector<1x8xi32>
    %sub3A_162 = arith.subi %div3A_138, %sub3A_161 : vector<1x8xi32>
    %select_n3A_163 = arith.select %and3A_159, %sub3A_162, %div3A_138 : vector<1x8xi1>, vector<1x8xi32>
    %mul3A = arith.constant 256 : i32
    %mul3A_164 = vector.broadcast %mul3A : i32 to vector<1x8xi32>
    %mul3A_165 = arith.muli %select_n3A_163, %mul3A_164 : vector<1x8xi32>
    %broadcast_in_dim3A_166 = arith.constant 0 : i32
    %broadcast_in_dim3A_167 = vector.broadcast %broadcast_in_dim3A_166 : i32 to vector<1x1xi32>
    %slice3A_168 = vector.extract_strided_slice %mul3A_165 {offsets = [0, 0], sizes = [1, 7], strides = [1, 1]} : vector<1x8xi32> to vector<1x7xi32>
    %concatenate3A_169 = tpu.concatenate %broadcast_in_dim3A_167, %slice3A_168 in 1 : vector<1x1xi32>, vector<1x7xi32> -> vector<1x8xi32>
    %add3A_170 = arith.addi %mul3A_165, %concatenate3A_169 : vector<1x8xi32>
    %broadcast_in_dim3A_171 = arith.constant 0 : i32
    %broadcast_in_dim3A_172 = vector.broadcast %broadcast_in_dim3A_171 : i32 to vector<1x2xi32>
    %slice3A_173 = vector.extract_strided_slice %add3A_170 {offsets = [0, 0], sizes = [1, 6], strides = [1, 1]} : vector<1x8xi32> to vector<1x6xi32>
    %concatenate3A_174 = tpu.concatenate %broadcast_in_dim3A_172, %slice3A_173 in 1 : vector<1x2xi32>, vector<1x6xi32> -> vector<1x8xi32>
    %add3A_175 = arith.addi %add3A_170, %concatenate3A_174 : vector<1x8xi32>
    %broadcast_in_dim3A_176 = arith.constant 0 : i32
    %broadcast_in_dim3A_177 = vector.broadcast %broadcast_in_dim3A_176 : i32 to vector<1x4xi32>
    %slice3A_178 = vector.extract_strided_slice %add3A_175 {offsets = [0, 0], sizes = [1, 4], strides = [1, 1]} : vector<1x8xi32> to vector<1x4xi32>
    %concatenate3A_179 = tpu.concatenate %broadcast_in_dim3A_177, %slice3A_178 in 1 : vector<1x4xi32>, vector<1x4xi32> -> vector<1x8xi32>
    %add3A_180 = arith.addi %add3A_175, %concatenate3A_179 : vector<1x8xi32>
    %sub3A_181 = arith.subi %add3A_180, %mul3A_165 : vector<1x8xi32>
    %add3A_182 = vector.broadcast %sub3A_181 : vector<1x8xi32> to vector<2048x8xi32>
    %add3A_183 = arith.addi %add3A_182, %sub3A_131 : vector<2048x8xi32>
    %eq3A_184 = vector.broadcast %broadcast_in_dim3A_34 : vector<2048x1xi32> to vector<2048x8xi32>
    %eq3A_185 = arith.cmpi eq, %iota3A, %eq3A_184 : vector<2048x8xi32>
    %jit3A_186 = arith.constant 0 : i32
    %broadcast_in_dim3A_187 = vector.broadcast %jit3A_186 : i32 to vector<2048x8xi32>
    %select_n3A_188 = arith.select %eq3A_185, %add3A_183, %broadcast_in_dim3A_187 : vector<2048x8xi1>, vector<2048x8xi32>
    %reduce_sum3A_189 = arith.constant dense<0> : vector<2048xi32>
    %reduce_sum3A_190 = vector.multi_reduction <add>, %select_n3A_188, %reduce_sum3A_189 [1] : vector<2048x8xi32> to vector<2048xi32>
    %broadcast_in_dim3A_191 = vector.shape_cast %reduce_sum3A_190 : vector<2048xi32> to vector<2048x1xi32>
    %swap3A_192 = arith.constant 0 : index
    %swap3A_193 = arith.constant 0 : index
    %swap3A_194 = vector.load %arg4[%swap3A_192, %swap3A_193] : memref<2048x1xi32, #tpu.memory_space<vmem>>, vector<2048x1xi32>
    tpu.vector_store %arg4[%swap3A_192, %swap3A_193], %broadcast_in_dim3A_191 {strides = array<i32>} : memref<2048x1xi32, #tpu.memory_space<vmem>>, vector<2048x1xi32>,
    %eq3A_195 = vector.broadcast %broadcast_in_dim3A_50 : vector<2048x1xi32> to vector<2048x8xi32>
    %eq3A_196 = arith.cmpi eq, %iota3A, %eq3A_195 : vector<2048x8xi32>
    %jit3A_197 = arith.constant 0 : i32
    %broadcast_in_dim3A_198 = vector.broadcast %jit3A_197 : i32 to vector<2048x8xi32>
    %select_n3A_199 = arith.select %eq3A_196, %add3A_183, %broadcast_in_dim3A_198 : vector<2048x8xi1>, vector<2048x8xi32>
    %reduce_sum3A_200 = arith.constant dense<0> : vector<2048xi32>
    %reduce_sum3A_201 = vector.multi_reduction <add>, %select_n3A_199, %reduce_sum3A_200 [1] : vector<2048x8xi32> to vector<2048xi32>
    %broadcast_in_dim3A_202 = vector.shape_cast %reduce_sum3A_201 : vector<2048xi32> to vector<2048x1xi32>
    %swap3A_203 = arith.constant 0 : index
    %swap3A_204 = arith.constant 0 : index
    %swap3A_205 = vector.load %arg5[%swap3A_203, %swap3A_204] : memref<2048x1xi32, #tpu.memory_space<vmem>>, vector<2048x1xi32>
    tpu.vector_store %arg5[%swap3A_203, %swap3A_204], %broadcast_in_dim3A_202 {strides = array<i32>} : memref<2048x1xi32, #tpu.memory_space<vmem>>, vector<2048x1xi32>,
    %iota3A_206 = tpu.iota {dimensions = array<i32: 0>} : vector<24x8xi32>
    %mul3A_207 = arith.constant 256 : i32
    %mul3A_208 = vector.broadcast %mul3A_207 : i32 to vector<24x8xi32>
    %mul3A_209 = arith.muli %iota3A_206, %mul3A_208 : vector<24x8xi32>
    %broadcast_in_dim3A_210 = vector.shape_cast %add3A_180 : vector<1x8xi32> to vector<1x8xi32>
    %broadcast_in_dim3A_211 = vector.broadcast %broadcast_in_dim3A_210 : vector<1x8xi32> to vector<24x8xi32>
    %ge3A = arith.cmpi sge, %mul3A_209, %broadcast_in_dim3A_211 : vector<24x8xi32>
    %convert_element_type3A_212 = arith.extui %ge3A : vector<24x8xi1> to vector<24x8xi32>
    %reduce_sum3A_213 = arith.constant dense<0> : vector<24xi32>
    %reduce_sum3A_214 = vector.multi_reduction <add>, %convert_element_type3A_212, %reduce_sum3A_213 [1] : vector<24x8xi32> to vector<24xi32>
    %broadcast_in_dim3A_215 = vector.shape_cast %reduce_sum3A_214 : vector<24xi32> to vector<24x1xi32>
    %swap3A_216 = arith.constant 0 : index
    %swap3A_217 = arith.constant 0 : index
    %swap3A_218 = vector.load %arg8[%swap3A_216, %swap3A_217] : memref<24x1xi32, #tpu.memory_space<vmem>>, vector<24x1xi32>
    tpu.vector_store %arg8[%swap3A_216, %swap3A_217], %broadcast_in_dim3A_215 {strides = array<i32>} : memref<24x1xi32, #tpu.memory_space<vmem>>, vector<24x1xi32>,
    %slice3A_219 = vector.extract_strided_slice %broadcast_in_dim3A_215 {offsets = [0, 0], sizes = [1, 1], strides = [1, 1]} : vector<24x1xi32> to vector<1x1xi32>
    %slice3A_220 = vector.extract_strided_slice %broadcast_in_dim3A_215 {offsets = [0, 0], sizes = [23, 1], strides = [1, 1]} : vector<24x1xi32> to vector<23x1xi32>
    %concatenate3A_221 = tpu.concatenate %slice3A_219, %slice3A_220 in 0 : vector<1x1xi32>, vector<23x1xi32> -> vector<24x1xi32>
    %ne3A_222 = arith.cmpi ne, %broadcast_in_dim3A_215, %concatenate3A_221 : vector<24x1xi32>
    %convert_element_type3A_223 = arith.extui %ne3A_222 : vector<24x1xi1> to vector<24x1xi32>
    %broadcast_in_dim3A_224 = arith.constant 0 : i32
    %broadcast_in_dim3A_225 = vector.broadcast %broadcast_in_dim3A_224 : i32 to vector<1x1xi32>
    %slice3A_226 = vector.extract_strided_slice %convert_element_type3A_223 {offsets = [0, 0], sizes = [23, 1], strides = [1, 1]} : vector<24x1xi32> to vector<23x1xi32>
    %concatenate3A_227 = tpu.concatenate %broadcast_in_dim3A_225, %slice3A_226 in 0 : vector<1x1xi32>, vector<23x1xi32> -> vector<24x1xi32>
    %add3A_228 = arith.addi %convert_element_type3A_223, %concatenate3A_227 : vector<24x1xi32>
    %broadcast_in_dim3A_229 = arith.constant 0 : i32
    %broadcast_in_dim3A_230 = vector.broadcast %broadcast_in_dim3A_229 : i32 to vector<2x1xi32>
    %slice3A_231 = vector.extract_strided_slice %add3A_228 {offsets = [0, 0], sizes = [22, 1], strides = [1, 1]} : vector<24x1xi32> to vector<22x1xi32>
    %concatenate3A_232 = tpu.concatenate %broadcast_in_dim3A_230, %slice3A_231 in 0 : vector<2x1xi32>, vector<22x1xi32> -> vector<24x1xi32>
    %add3A_233 = arith.addi %add3A_228, %concatenate3A_232 : vector<24x1xi32>
    %broadcast_in_dim3A_234 = arith.constant 0 : i32
    %broadcast_in_dim3A_235 = vector.broadcast %broadcast_in_dim3A_234 : i32 to vector<4x1xi32>
    %slice3A_236 = vector.extract_strided_slice %add3A_233 {offsets = [0, 0], sizes = [20, 1], strides = [1, 1]} : vector<24x1xi32> to vector<20x1xi32>
    %concatenate3A_237 = tpu.concatenate %broadcast_in_dim3A_235, %slice3A_236 in 0 : vector<4x1xi32>, vector<20x1xi32> -> vector<24x1xi32>
    %add3A_238 = arith.addi %add3A_233, %concatenate3A_237 : vector<24x1xi32>
    %broadcast_in_dim3A_239 = arith.constant 0 : i32
    %broadcast_in_dim3A_240 = vector.broadcast %broadcast_in_dim3A_239 : i32 to vector<8x1xi32>
    %slice3A_241 = vector.extract_strided_slice %add3A_238 {offsets = [0, 0], sizes = [16, 1], strides = [1, 1]} : vector<24x1xi32> to vector<16x1xi32>
    %concatenate3A_242 = tpu.concatenate %broadcast_in_dim3A_240, %slice3A_241 in 0 : vector<8x1xi32>, vector<16x1xi32> -> vector<24x1xi32>
    %add3A_243 = arith.addi %add3A_238, %concatenate3A_242 : vector<24x1xi32>
    %broadcast_in_dim3A_244 = arith.constant 0 : i32
    %broadcast_in_dim3A_245 = vector.broadcast %broadcast_in_dim3A_244 : i32 to vector<16x1xi32>
    %slice3A_246 = vector.extract_strided_slice %add3A_243 {offsets = [0, 0], sizes = [8, 1], strides = [1, 1]} : vector<24x1xi32> to vector<8x1xi32>
    %concatenate3A_247 = tpu.concatenate %broadcast_in_dim3A_245, %slice3A_246 in 0 : vector<16x1xi32>, vector<8x1xi32> -> vector<24x1xi32>
    %add3A_248 = arith.addi %add3A_243, %concatenate3A_247 : vector<24x1xi32>
    %rem3A_249 = arith.constant 2 : i32
    %rem3A_250 = vector.broadcast %rem3A_249 : i32 to vector<24x1xi32>
    %rem3A_251 = arith.remsi %add3A_248, %rem3A_250 : vector<24x1xi32>
    %swap3A_252 = arith.constant 0 : index
    %swap3A_253 = arith.constant 0 : index
    %swap3A_254 = vector.load %arg9[%swap3A_252, %swap3A_253] : memref<24x1xi32, #tpu.memory_space<vmem>>, vector<24x1xi32>
    tpu.vector_store %arg9[%swap3A_252, %swap3A_253], %rem3A_251 {strides = array<i32>} : memref<24x1xi32, #tpu.memory_space<vmem>>, vector<24x1xi32>,
    %slice3A_255 = vector.extract_strided_slice %add3A_180 {offsets = [0, 7], sizes = [1, 1], strides = [1, 1]} : vector<1x8xi32> to vector<1x1xi32>
    %jit3A_256 = arith.constant 256 : i32
    %div3A_257 = vector.broadcast %jit3A_256 : i32 to vector<1x1xi32>
    %div3A_258 = arith.divsi %slice3A_255, %div3A_257 : vector<1x1xi32>
    %sign3A_259 = arith.constant 0 : i32
    %sign3A_260 = vector.broadcast %sign3A_259 : i32 to vector<1x1xi32>
    %sign3A_261 = arith.cmpi sgt, %slice3A_255, %sign3A_260 : vector<1x1xi32>
    %sign3A_262 = arith.extui %sign3A_261 : vector<1x1xi1> to vector<1x1xi32>
    %sign3A_263 = arith.constant 0 : i32
    %sign3A_264 = vector.broadcast %sign3A_263 : i32 to vector<1x1xi32>
    %sign3A_265 = arith.cmpi slt, %slice3A_255, %sign3A_264 : vector<1x1xi32>
    %sign3A_266 = arith.extui %sign3A_265 : vector<1x1xi1> to vector<1x1xi32>
    %sign3A_267 = arith.subi %sign3A_262, %sign3A_266 : vector<1x1xi32>
    %sign3A_268 = arith.constant 0 : i32
    %sign3A_269 = arith.cmpi sgt, %jit3A_256, %sign3A_268 : i32
    %sign3A_270 = arith.extui %sign3A_269 : i1 to i32
    %sign3A_271 = arith.constant 0 : i32
    %sign3A_272 = arith.cmpi slt, %jit3A_256, %sign3A_271 : i32
    %sign3A_273 = arith.extui %sign3A_272 : i1 to i32
    %sign3A_274 = arith.subi %sign3A_270, %sign3A_273 : i32
    %ne3A_275 = vector.broadcast %sign3A_274 : i32 to vector<1x1xi32>
    %ne3A_276 = arith.cmpi ne, %sign3A_267, %ne3A_275 : vector<1x1xi32>
    %rem3A_277 = vector.broadcast %jit3A_256 : i32 to vector<1x1xi32>
    %rem3A_278 = arith.remsi %slice3A_255, %rem3A_277 : vector<1x1xi32>
    %ne3A_279 = arith.constant 0 : i32
    %ne3A_280 = vector.broadcast %ne3A_279 : i32 to vector<1x1xi32>
    %ne3A_281 = arith.cmpi ne, %rem3A_278, %ne3A_280 : vector<1x1xi32>
    %and3A_282 = arith.andi %ne3A_276, %ne3A_281 : vector<1x1xi1>
    %sub3A_283 = arith.constant 1 : i32
    %sub3A_284 = vector.broadcast %sub3A_283 : i32 to vector<1x1xi32>
    %sub3A_285 = arith.subi %div3A_258, %sub3A_284 : vector<1x1xi32>
    %select_n3A_286 = arith.select %and3A_282, %sub3A_285, %div3A_258 : vector<1x1xi1>, vector<1x1xi32>
    %sub3A_287 = arith.constant 1 : i32
    %sub3A_288 = vector.broadcast %sub3A_287 : i32 to vector<1x1xi32>
    %sub3A_289 = arith.subi %select_n3A_286, %sub3A_288 : vector<1x1xi32>
    %iota3A_290 = tpu.iota {dimensions = array<i32: 0>} : vector<24x1xi32>
    %broadcast_in_dim3A_291 = vector.shape_cast %sub3A_289 : vector<1x1xi32> to vector<1x1xi32>
    %broadcast_in_dim3A_292 = vector.broadcast %broadcast_in_dim3A_291 : vector<1x1xi32> to vector<24x1xi32>
    %min3A = arith.minsi %iota3A_290, %broadcast_in_dim3A_292 : vector<24x1xi32>
    %swap3A_293 = arith.constant 0 : index
    %swap3A_294 = arith.constant 0 : index
    %swap3A_295 = vector.load %arg10[%swap3A_293, %swap3A_294] : memref<24x1xi32, #tpu.memory_space<vmem>>, vector<24x1xi32>
    tpu.vector_store %arg10[%swap3A_293, %swap3A_294], %min3A {strides = array<i32>} : memref<24x1xi32, #tpu.memory_space<vmem>>, vector<24x1xi32>,
    return
  }
}

module attributes {stable_mosaic.version = 14 : i64} {
  func.func @_gmlp_body(%arg0: i32, %arg1: memref<24xi32, #tpu.memory_space<smem>>, %arg2: memref<24xi32, #tpu.memory_space<smem>>, %arg3: memref<24xi32, #tpu.memory_space<smem>>, %arg4: memref<256x512xi32, #tpu.memory_space<vmem>>, %arg5: memref<256x128xf32, #tpu.memory_space<vmem>>, %arg6: memref<8x512x1024xf32, #tpu.memory_space<any>>, %arg7: memref<8x512x1024xf32, #tpu.memory_space<any>>, %arg8: memref<8x1024x512xf32, #tpu.memory_space<any>>, %arg9: memref<256x512xi32, #tpu.memory_space<vmem>>, %arg10: memref<2x512x1024xf32, #tpu.memory_space<vmem>>, %arg11: memref<2x512x1024xf32, #tpu.memory_space<vmem>>, %arg12: memref<2x1024x512xf32, #tpu.memory_space<vmem>>, %arg13: memref<2x!tpu.dma_semaphore, #tpu.memory_space<semaphore_mem>>) attributes {dimension_semantics = [#tpu.dimension_semantics<arbitrary>], iteration_bounds = array<i64: 24>, scalar_prefetch = 3 : i64, scratch_operands = 4 : i64, tpu.core_type = #tpu.core_type<tc>, window_params = [{transform_indices = @transform_0, window_bounds = array<i64: 256, 512>}, {transform_indices = @transform_1, window_bounds = array<i64: 256, 128>}, {}, {}, {}, {transform_indices = @transform_5, window_bounds = array<i64: 256, 512>}]} {
    %get3A = arith.index_cast %arg0 : i32 to index
    %get3A_0 = memref.load %arg1[%get3A] : memref<24xi32, #tpu.memory_space<smem>>
    %min3A = arith.constant 7 : i32
    %min3A_1 = arith.minsi %get3A_0, %min3A : i32
    %get3A_2 = arith.index_cast %arg0 : i32 to index
    %get3A_3 = memref.load %arg2[%get3A_2] : memref<24xi32, #tpu.memory_space<smem>>
    %eq3A = arith.constant 0 : i32
    %eq3A_4 = arith.cmpi eq, %arg0, %eq3A : i32
    %convert_element_type3A = arith.extui %eq3A_4 : i1 to i32
    %cond3A = arith.constant 0 : i32
    %cond3A_5 = arith.cmpi ne, %convert_element_type3A, %cond3A : i32
    scf.if %cond3A_5 {
      %dma_start3A = tpu.memref_slice %arg13[%get3A_3] : memref<2x!tpu.dma_semaphore, #tpu.memory_space<semaphore_mem>> -> memref<1x!tpu.dma_semaphore, #tpu.memory_space<semaphore_mem>>
      %dma_start3A_38 = tpu.memref_squeeze %dma_start3A : memref<1x!tpu.dma_semaphore, #tpu.memory_space<semaphore_mem>> -> memref<!tpu.dma_semaphore, #tpu.memory_space<semaphore_mem>>
      %dma_start3A_39 = arith.constant 0 : i32
      %dma_start3A_40 = arith.constant 0 : i32
      %dma_start3A_41 = tpu.memref_slice %arg10[%get3A_3, %dma_start3A_39, %dma_start3A_40] : memref<2x512x1024xf32, #tpu.memory_space<vmem>> -> memref<1x512x1024xf32, #tpu.memory_space<vmem>>
      %dma_start3A_42 = tpu.memref_squeeze %dma_start3A_41 : memref<1x512x1024xf32, #tpu.memory_space<vmem>> -> memref<512x1024xf32, #tpu.memory_space<vmem>>
      %dma_start3A_43 = arith.constant 0 : i32
      %dma_start3A_44 = arith.constant 0 : i32
      %dma_start3A_45 = tpu.memref_slice %arg6[%min3A_1, %dma_start3A_43, %dma_start3A_44] : memref<8x512x1024xf32, #tpu.memory_space<any>> -> memref<1x512x1024xf32, #tpu.memory_space<any>>
      %dma_start3A_46 = tpu.memref_squeeze %dma_start3A_45 : memref<1x512x1024xf32, #tpu.memory_space<any>> -> memref<512x1024xf32, #tpu.memory_space<any>>
      tpu.enqueue_dma source(%dma_start3A_46 : memref<512x1024xf32, #tpu.memory_space<any>>) target(%dma_start3A_42 : memref<512x1024xf32, #tpu.memory_space<vmem>>) target_semaphore(%dma_start3A_38 : memref<!tpu.dma_semaphore, #tpu.memory_space<semaphore_mem>>)
      %dma_start3A_47 = tpu.memref_slice %arg13[%get3A_3] : memref<2x!tpu.dma_semaphore, #tpu.memory_space<semaphore_mem>> -> memref<1x!tpu.dma_semaphore, #tpu.memory_space<semaphore_mem>>
      %dma_start3A_48 = tpu.memref_squeeze %dma_start3A_47 : memref<1x!tpu.dma_semaphore, #tpu.memory_space<semaphore_mem>> -> memref<!tpu.dma_semaphore, #tpu.memory_space<semaphore_mem>>
      %dma_start3A_49 = arith.constant 0 : i32
      %dma_start3A_50 = arith.constant 0 : i32
      %dma_start3A_51 = tpu.memref_slice %arg11[%get3A_3, %dma_start3A_49, %dma_start3A_50] : memref<2x512x1024xf32, #tpu.memory_space<vmem>> -> memref<1x512x1024xf32, #tpu.memory_space<vmem>>
      %dma_start3A_52 = tpu.memref_squeeze %dma_start3A_51 : memref<1x512x1024xf32, #tpu.memory_space<vmem>> -> memref<512x1024xf32, #tpu.memory_space<vmem>>
      %dma_start3A_53 = arith.constant 0 : i32
      %dma_start3A_54 = arith.constant 0 : i32
      %dma_start3A_55 = tpu.memref_slice %arg7[%min3A_1, %dma_start3A_53, %dma_start3A_54] : memref<8x512x1024xf32, #tpu.memory_space<any>> -> memref<1x512x1024xf32, #tpu.memory_space<any>>
      %dma_start3A_56 = tpu.memref_squeeze %dma_start3A_55 : memref<1x512x1024xf32, #tpu.memory_space<any>> -> memref<512x1024xf32, #tpu.memory_space<any>>
      tpu.enqueue_dma source(%dma_start3A_56 : memref<512x1024xf32, #tpu.memory_space<any>>) target(%dma_start3A_52 : memref<512x1024xf32, #tpu.memory_space<vmem>>) target_semaphore(%dma_start3A_48 : memref<!tpu.dma_semaphore, #tpu.memory_space<semaphore_mem>>)
      %dma_start3A_57 = tpu.memref_slice %arg13[%get3A_3] : memref<2x!tpu.dma_semaphore, #tpu.memory_space<semaphore_mem>> -> memref<1x!tpu.dma_semaphore, #tpu.memory_space<semaphore_mem>>
      %dma_start3A_58 = tpu.memref_squeeze %dma_start3A_57 : memref<1x!tpu.dma_semaphore, #tpu.memory_space<semaphore_mem>> -> memref<!tpu.dma_semaphore, #tpu.memory_space<semaphore_mem>>
      %dma_start3A_59 = arith.constant 0 : i32
      %dma_start3A_60 = arith.constant 0 : i32
      %dma_start3A_61 = tpu.memref_slice %arg12[%get3A_3, %dma_start3A_59, %dma_start3A_60] : memref<2x1024x512xf32, #tpu.memory_space<vmem>> -> memref<1x1024x512xf32, #tpu.memory_space<vmem>>
      %dma_start3A_62 = tpu.memref_squeeze %dma_start3A_61 : memref<1x1024x512xf32, #tpu.memory_space<vmem>> -> memref<1024x512xf32, #tpu.memory_space<vmem>>
      %dma_start3A_63 = arith.constant 0 : i32
      %dma_start3A_64 = arith.constant 0 : i32
      %dma_start3A_65 = tpu.memref_slice %arg8[%min3A_1, %dma_start3A_63, %dma_start3A_64] : memref<8x1024x512xf32, #tpu.memory_space<any>> -> memref<1x1024x512xf32, #tpu.memory_space<any>>
      %dma_start3A_66 = tpu.memref_squeeze %dma_start3A_65 : memref<1x1024x512xf32, #tpu.memory_space<any>> -> memref<1024x512xf32, #tpu.memory_space<any>>
      tpu.enqueue_dma source(%dma_start3A_66 : memref<1024x512xf32, #tpu.memory_space<any>>) target(%dma_start3A_62 : memref<1024x512xf32, #tpu.memory_space<vmem>>) target_semaphore(%dma_start3A_58 : memref<!tpu.dma_semaphore, #tpu.memory_space<semaphore_mem>>)
    } else {
    }
    %eq3A_6 = arith.constant 0 : i32
    %eq3A_7 = arith.cmpi eq, %arg0, %eq3A_6 : i32
    %sub3A = arith.constant 1 : i32
    %sub3A_8 = arith.subi %arg0, %sub3A : i32
    %max3A = arith.constant 0 : i32
    %max3A_9 = arith.maxsi %sub3A_8, %max3A : i32
    %get3A_10 = arith.index_cast %max3A_9 : i32 to index
    %get3A_11 = memref.load %arg1[%get3A_10] : memref<24xi32, #tpu.memory_space<smem>>
    %ne3A = arith.cmpi ne, %get3A_0, %get3A_11 : i32
    %or3A = arith.ori %eq3A_7, %ne3A : i1
    %lt3A = arith.constant 8 : i32
    %lt3A_12 = arith.cmpi slt, %get3A_0, %lt3A : i32
    %and3A = arith.andi %or3A, %lt3A_12 : i1
    %convert_element_type3A_13 = arith.extui %and3A : i1 to i32
    %cond3A_14 = arith.constant 0 : i32
    %cond3A_15 = arith.cmpi ne, %convert_element_type3A_13, %cond3A_14 : i32
    scf.if %cond3A_15 {
      %dma_wait3A = arith.constant 0 : i32
      %dma_wait3A_38 = tpu.memref_slice %arg13[%get3A_3] : memref<2x!tpu.dma_semaphore, #tpu.memory_space<semaphore_mem>> -> memref<1x!tpu.dma_semaphore, #tpu.memory_space<semaphore_mem>>
      %dma_wait3A_39 = tpu.memref_squeeze %dma_wait3A_38 : memref<1x!tpu.dma_semaphore, #tpu.memory_space<semaphore_mem>> -> memref<!tpu.dma_semaphore, #tpu.memory_space<semaphore_mem>>
      %dma_wait3A_40 = arith.constant 0 : i32
      %dma_wait3A_41 = arith.constant 0 : i32
      %dma_wait3A_42 = tpu.memref_slice %arg10[%get3A_3, %dma_wait3A_40, %dma_wait3A_41] : memref<2x512x1024xf32, #tpu.memory_space<vmem>> -> memref<1x512x1024xf32, #tpu.memory_space<vmem>>
      %dma_wait3A_43 = tpu.memref_squeeze %dma_wait3A_42 : memref<1x512x1024xf32, #tpu.memory_space<vmem>> -> memref<512x1024xf32, #tpu.memory_space<vmem>>
      %dma_wait3A_44 = arith.constant 0 : i32
      %dma_wait3A_45 = arith.constant 0 : i32
      %dma_wait3A_46 = tpu.memref_slice %arg6[%dma_wait3A, %dma_wait3A_44, %dma_wait3A_45] : memref<8x512x1024xf32, #tpu.memory_space<any>> -> memref<1x512x1024xf32, #tpu.memory_space<any>>
      %dma_wait3A_47 = tpu.memref_squeeze %dma_wait3A_46 : memref<1x512x1024xf32, #tpu.memory_space<any>> -> memref<512x1024xf32, #tpu.memory_space<any>>
      tpu.wait_dma2 semaphore(%dma_wait3A_39 : memref<!tpu.dma_semaphore, #tpu.memory_space<semaphore_mem>>) src(%dma_wait3A_47 : memref<512x1024xf32, #tpu.memory_space<any>>) dst(%dma_wait3A_43 : memref<512x1024xf32, #tpu.memory_space<vmem>>)
      %dma_wait3A_48 = arith.constant 0 : i32
      %dma_wait3A_49 = tpu.memref_slice %arg13[%get3A_3] : memref<2x!tpu.dma_semaphore, #tpu.memory_space<semaphore_mem>> -> memref<1x!tpu.dma_semaphore, #tpu.memory_space<semaphore_mem>>
      %dma_wait3A_50 = tpu.memref_squeeze %dma_wait3A_49 : memref<1x!tpu.dma_semaphore, #tpu.memory_space<semaphore_mem>> -> memref<!tpu.dma_semaphore, #tpu.memory_space<semaphore_mem>>
      %dma_wait3A_51 = arith.constant 0 : i32
      %dma_wait3A_52 = arith.constant 0 : i32
      %dma_wait3A_53 = tpu.memref_slice %arg11[%get3A_3, %dma_wait3A_51, %dma_wait3A_52] : memref<2x512x1024xf32, #tpu.memory_space<vmem>> -> memref<1x512x1024xf32, #tpu.memory_space<vmem>>
      %dma_wait3A_54 = tpu.memref_squeeze %dma_wait3A_53 : memref<1x512x1024xf32, #tpu.memory_space<vmem>> -> memref<512x1024xf32, #tpu.memory_space<vmem>>
      %dma_wait3A_55 = arith.constant 0 : i32
      %dma_wait3A_56 = arith.constant 0 : i32
      %dma_wait3A_57 = tpu.memref_slice %arg7[%dma_wait3A_48, %dma_wait3A_55, %dma_wait3A_56] : memref<8x512x1024xf32, #tpu.memory_space<any>> -> memref<1x512x1024xf32, #tpu.memory_space<any>>
      %dma_wait3A_58 = tpu.memref_squeeze %dma_wait3A_57 : memref<1x512x1024xf32, #tpu.memory_space<any>> -> memref<512x1024xf32, #tpu.memory_space<any>>
      tpu.wait_dma2 semaphore(%dma_wait3A_50 : memref<!tpu.dma_semaphore, #tpu.memory_space<semaphore_mem>>) src(%dma_wait3A_58 : memref<512x1024xf32, #tpu.memory_space<any>>) dst(%dma_wait3A_54 : memref<512x1024xf32, #tpu.memory_space<vmem>>)
      %dma_wait3A_59 = arith.constant 0 : i32
      %dma_wait3A_60 = tpu.memref_slice %arg13[%get3A_3] : memref<2x!tpu.dma_semaphore, #tpu.memory_space<semaphore_mem>> -> memref<1x!tpu.dma_semaphore, #tpu.memory_space<semaphore_mem>>
      %dma_wait3A_61 = tpu.memref_squeeze %dma_wait3A_60 : memref<1x!tpu.dma_semaphore, #tpu.memory_space<semaphore_mem>> -> memref<!tpu.dma_semaphore, #tpu.memory_space<semaphore_mem>>
      %dma_wait3A_62 = arith.constant 0 : i32
      %dma_wait3A_63 = arith.constant 0 : i32
      %dma_wait3A_64 = tpu.memref_slice %arg12[%get3A_3, %dma_wait3A_62, %dma_wait3A_63] : memref<2x1024x512xf32, #tpu.memory_space<vmem>> -> memref<1x1024x512xf32, #tpu.memory_space<vmem>>
      %dma_wait3A_65 = tpu.memref_squeeze %dma_wait3A_64 : memref<1x1024x512xf32, #tpu.memory_space<vmem>> -> memref<1024x512xf32, #tpu.memory_space<vmem>>
      %dma_wait3A_66 = arith.constant 0 : i32
      %dma_wait3A_67 = arith.constant 0 : i32
      %dma_wait3A_68 = tpu.memref_slice %arg8[%dma_wait3A_59, %dma_wait3A_66, %dma_wait3A_67] : memref<8x1024x512xf32, #tpu.memory_space<any>> -> memref<1x1024x512xf32, #tpu.memory_space<any>>
      %dma_wait3A_69 = tpu.memref_squeeze %dma_wait3A_68 : memref<1x1024x512xf32, #tpu.memory_space<any>> -> memref<1024x512xf32, #tpu.memory_space<any>>
      tpu.wait_dma2 semaphore(%dma_wait3A_61 : memref<!tpu.dma_semaphore, #tpu.memory_space<semaphore_mem>>) src(%dma_wait3A_69 : memref<1024x512xf32, #tpu.memory_space<any>>) dst(%dma_wait3A_65 : memref<1024x512xf32, #tpu.memory_space<vmem>>)
    } else {
    }
    %add3A = arith.constant 1 : i32
    %add3A_16 = arith.addi %arg0, %add3A : i32
    %min3A_17 = arith.constant 23 : i32
    %min3A_18 = arith.minsi %add3A_16, %min3A_17 : i32
    %get3A_19 = arith.index_cast %min3A_18 : i32 to index
    %get3A_20 = memref.load %arg1[%get3A_19] : memref<24xi32, #tpu.memory_space<smem>>
    %add3A_21 = arith.constant 1 : i32
    %add3A_22 = arith.addi %arg0, %add3A_21 : i32
    %lt3A_23 = arith.constant 24 : i32
    %lt3A_24 = arith.cmpi slt, %add3A_22, %lt3A_23 : i32
    %ne3A_25 = arith.cmpi ne, %get3A_20, %get3A_0 : i32
    %lt3A_26 = arith.constant 8 : i32
    %lt3A_27 = arith.cmpi slt, %get3A_20, %lt3A_26 : i32
    %and3A_28 = arith.andi %ne3A_25, %lt3A_27 : i1
    %and3A_29 = arith.andi %lt3A_24, %and3A_28 : i1
    %convert_element_type3A_30 = arith.extui %and3A_29 : i1 to i32
    %cond3A_31 = arith.constant 0 : i32
    %cond3A_32 = arith.cmpi ne, %convert_element_type3A_30, %cond3A_31 : i32
    scf.if %cond3A_32 {
      %sub3A_38 = arith.constant 1 : i32
      %sub3A_39 = arith.subi %sub3A_38, %get3A_3 : i32
      %dma_start3A = tpu.memref_slice %arg13[%sub3A_39] : memref<2x!tpu.dma_semaphore, #tpu.memory_space<semaphore_mem>> -> memref<1x!tpu.dma_semaphore, #tpu.memory_space<semaphore_mem>>
      %dma_start3A_40 = tpu.memref_squeeze %dma_start3A : memref<1x!tpu.dma_semaphore, #tpu.memory_space<semaphore_mem>> -> memref<!tpu.dma_semaphore, #tpu.memory_space<semaphore_mem>>
      %dma_start3A_41 = arith.constant 0 : i32
      %dma_start3A_42 = arith.constant 0 : i32
      %dma_start3A_43 = tpu.memref_slice %arg10[%sub3A_39, %dma_start3A_41, %dma_start3A_42] : memref<2x512x1024xf32, #tpu.memory_space<vmem>> -> memref<1x512x1024xf32, #tpu.memory_space<vmem>>
      %dma_start3A_44 = tpu.memref_squeeze %dma_start3A_43 : memref<1x512x1024xf32, #tpu.memory_space<vmem>> -> memref<512x1024xf32, #tpu.memory_space<vmem>>
      %dma_start3A_45 = arith.constant 0 : i32
      %dma_start3A_46 = arith.constant 0 : i32
      %dma_start3A_47 = tpu.memref_slice %arg6[%get3A_20, %dma_start3A_45, %dma_start3A_46] : memref<8x512x1024xf32, #tpu.memory_space<any>> -> memref<1x512x1024xf32, #tpu.memory_space<any>>
      %dma_start3A_48 = tpu.memref_squeeze %dma_start3A_47 : memref<1x512x1024xf32, #tpu.memory_space<any>> -> memref<512x1024xf32, #tpu.memory_space<any>>
      tpu.enqueue_dma source(%dma_start3A_48 : memref<512x1024xf32, #tpu.memory_space<any>>) target(%dma_start3A_44 : memref<512x1024xf32, #tpu.memory_space<vmem>>) target_semaphore(%dma_start3A_40 : memref<!tpu.dma_semaphore, #tpu.memory_space<semaphore_mem>>)
      %dma_start3A_49 = tpu.memref_slice %arg13[%sub3A_39] : memref<2x!tpu.dma_semaphore, #tpu.memory_space<semaphore_mem>> -> memref<1x!tpu.dma_semaphore, #tpu.memory_space<semaphore_mem>>
      %dma_start3A_50 = tpu.memref_squeeze %dma_start3A_49 : memref<1x!tpu.dma_semaphore, #tpu.memory_space<semaphore_mem>> -> memref<!tpu.dma_semaphore, #tpu.memory_space<semaphore_mem>>
      %dma_start3A_51 = arith.constant 0 : i32
      %dma_start3A_52 = arith.constant 0 : i32
      %dma_start3A_53 = tpu.memref_slice %arg11[%sub3A_39, %dma_start3A_51, %dma_start3A_52] : memref<2x512x1024xf32, #tpu.memory_space<vmem>> -> memref<1x512x1024xf32, #tpu.memory_space<vmem>>
      %dma_start3A_54 = tpu.memref_squeeze %dma_start3A_53 : memref<1x512x1024xf32, #tpu.memory_space<vmem>> -> memref<512x1024xf32, #tpu.memory_space<vmem>>
      %dma_start3A_55 = arith.constant 0 : i32
      %dma_start3A_56 = arith.constant 0 : i32
      %dma_start3A_57 = tpu.memref_slice %arg7[%get3A_20, %dma_start3A_55, %dma_start3A_56] : memref<8x512x1024xf32, #tpu.memory_space<any>> -> memref<1x512x1024xf32, #tpu.memory_space<any>>
      %dma_start3A_58 = tpu.memref_squeeze %dma_start3A_57 : memref<1x512x1024xf32, #tpu.memory_space<any>> -> memref<512x1024xf32, #tpu.memory_space<any>>
      tpu.enqueue_dma source(%dma_start3A_58 : memref<512x1024xf32, #tpu.memory_space<any>>) target(%dma_start3A_54 : memref<512x1024xf32, #tpu.memory_space<vmem>>) target_semaphore(%dma_start3A_50 : memref<!tpu.dma_semaphore, #tpu.memory_space<semaphore_mem>>)
      %dma_start3A_59 = tpu.memref_slice %arg13[%sub3A_39] : memref<2x!tpu.dma_semaphore, #tpu.memory_space<semaphore_mem>> -> memref<1x!tpu.dma_semaphore, #tpu.memory_space<semaphore_mem>>
      %dma_start3A_60 = tpu.memref_squeeze %dma_start3A_59 : memref<1x!tpu.dma_semaphore, #tpu.memory_space<semaphore_mem>> -> memref<!tpu.dma_semaphore, #tpu.memory_space<semaphore_mem>>
      %dma_start3A_61 = arith.constant 0 : i32
      %dma_start3A_62 = arith.constant 0 : i32
      %dma_start3A_63 = tpu.memref_slice %arg12[%sub3A_39, %dma_start3A_61, %dma_start3A_62] : memref<2x1024x512xf32, #tpu.memory_space<vmem>> -> memref<1x1024x512xf32, #tpu.memory_space<vmem>>
      %dma_start3A_64 = tpu.memref_squeeze %dma_start3A_63 : memref<1x1024x512xf32, #tpu.memory_space<vmem>> -> memref<1024x512xf32, #tpu.memory_space<vmem>>
      %dma_start3A_65 = arith.constant 0 : i32
      %dma_start3A_66 = arith.constant 0 : i32
      %dma_start3A_67 = tpu.memref_slice %arg8[%get3A_20, %dma_start3A_65, %dma_start3A_66] : memref<8x1024x512xf32, #tpu.memory_space<any>> -> memref<1x1024x512xf32, #tpu.memory_space<any>>
      %dma_start3A_68 = tpu.memref_squeeze %dma_start3A_67 : memref<1x1024x512xf32, #tpu.memory_space<any>> -> memref<1024x512xf32, #tpu.memory_space<any>>
      tpu.enqueue_dma source(%dma_start3A_68 : memref<1024x512xf32, #tpu.memory_space<any>>) target(%dma_start3A_64 : memref<1024x512xf32, #tpu.memory_space<vmem>>) target_semaphore(%dma_start3A_60 : memref<!tpu.dma_semaphore, #tpu.memory_space<semaphore_mem>>)
    } else {
    }
    %lt3A_33 = arith.constant 8 : i32
    %lt3A_34 = arith.cmpi slt, %get3A_0, %lt3A_33 : i32
    %convert_element_type3A_35 = arith.extui %lt3A_34 : i1 to i32
    %cond3A_36 = arith.constant 0 : i32
    %cond3A_37 = arith.cmpi ne, %convert_element_type3A_35, %cond3A_36 : i32
    scf.if %cond3A_37 {
      %get3A_38 = arith.constant 0 : index
      %get3A_39 = arith.constant 0 : index
      %get3A_40 = vector.load %arg4[%get3A_38, %get3A_39] : memref<256x512xi32, #tpu.memory_space<vmem>>, vector<256x512xi32>
      %shift_left3A = arith.constant 16 : i32
      %shift_left3A_41 = vector.broadcast %shift_left3A : i32 to vector<256x512xi32>
      %shift_left3A_42 = arith.shli %get3A_40, %shift_left3A_41 : vector<256x512xi32>
      %bitcast_convert_type3A = tpu.bitcast %shift_left3A_42 : vector<256x512xi32> -> vector<256x512xf32>
      %and3A_43 = arith.constant -65536 : i32
      %and3A_44 = vector.broadcast %and3A_43 : i32 to vector<256x512xi32>
      %and3A_45 = arith.andi %get3A_40, %and3A_44 : vector<256x512xi32>
      %bitcast_convert_type3A_46 = tpu.bitcast %and3A_45 : vector<256x512xi32> -> vector<256x512xf32>
      %concatenate3A = tpu.concatenate %bitcast_convert_type3A, %bitcast_convert_type3A_46 in 1 : vector<256x512xf32>, vector<256x512xf32> -> vector<256x1024xf32>
      %get3A_47 = arith.index_cast %get3A_3 : i32 to index
      %get3A_48 = arith.constant 0 : index
      %get3A_49 = arith.constant 0 : index
      %get3A_50 = vector.load %arg10[%get3A_47, %get3A_48, %get3A_49] : memref<2x512x1024xf32, #tpu.memory_space<vmem>>, vector<1x512x1024xf32>
      %get3A_51 = vector.shape_cast %get3A_50 : vector<1x512x1024xf32> to vector<512x1024xf32>
      %convert_element_type3A_52 = arith.truncf %concatenate3A : vector<256x1024xf32> to vector<256x1024xbf16>
      %convert_element_type3A_53 = arith.truncf %get3A_51 : vector<512x1024xf32> to vector<512x1024xbf16>
      %dot_general3A = arith.constant dense<0.000000e+00> : vector<256x512xf32>
      %dot_general3A_54 = tpu.matmul %convert_element_type3A_52, %convert_element_type3A_53, %dot_general3A {dimension_numbers = #tpu.dot_dimension_numbers<[1], [1], [0], [0], [0, 0, 1, 0], [], []>, transpose_lhs_hint = false} : vector<256x1024xbf16>, vector<512x1024xbf16>, vector<256x512xf32> -> vector<256x512xf32>
      %get3A_55 = arith.index_cast %get3A_3 : i32 to index
      %get3A_56 = arith.constant 0 : index
      %get3A_57 = arith.constant 0 : index
      %get3A_58 = vector.load %arg11[%get3A_55, %get3A_56, %get3A_57] : memref<2x512x1024xf32, #tpu.memory_space<vmem>>, vector<1x512x1024xf32>
      %get3A_59 = vector.shape_cast %get3A_58 : vector<1x512x1024xf32> to vector<512x1024xf32>
      %convert_element_type3A_60 = arith.truncf %concatenate3A : vector<256x1024xf32> to vector<256x1024xbf16>
      %convert_element_type3A_61 = arith.truncf %get3A_59 : vector<512x1024xf32> to vector<512x1024xbf16>
      %dot_general3A_62 = arith.constant dense<0.000000e+00> : vector<256x512xf32>
      %dot_general3A_63 = tpu.matmul %convert_element_type3A_60, %convert_element_type3A_61, %dot_general3A_62 {dimension_numbers = #tpu.dot_dimension_numbers<[1], [1], [0], [0], [0, 0, 1, 0], [], []>, transpose_lhs_hint = false} : vector<256x1024xbf16>, vector<512x1024xbf16>, vector<256x512xf32> -> vector<256x512xf32>
      %neg3A = arith.constant 0.000000e+00 : f32
      %neg3A_64 = vector.broadcast %neg3A : f32 to vector<256x512xf32>
      %neg3A_65 = arith.subf %neg3A_64, %dot_general3A_54 : vector<256x512xf32>
      %exp3A = math.exp %neg3A_65 : vector<256x512xf32>
      %add3A_66 = arith.constant 1.000000e+00 : f32
      %add3A_67 = vector.broadcast %add3A_66 : f32 to vector<256x512xf32>
      %add3A_68 = arith.addf %add3A_67, %exp3A : vector<256x512xf32>
      %div3A = arith.divf %dot_general3A_54, %add3A_68 : vector<256x512xf32>
      %mul3A = arith.mulf %div3A, %dot_general3A_63 : vector<256x512xf32>
      %get3A_69 = arith.constant 0 : index
      %get3A_70 = arith.constant 0 : index
      %get3A_71 = vector.load %arg5[%get3A_69, %get3A_70] : memref<256x128xf32, #tpu.memory_space<vmem>>, vector<256x1xf32>
      %get3A_72 = arith.index_cast %get3A_3 : i32 to index
      %get3A_73 = arith.constant 0 : index
      %get3A_74 = arith.constant 0 : index
      %get3A_75 = vector.load %arg12[%get3A_72, %get3A_73, %get3A_74] : memref<2x1024x512xf32, #tpu.memory_space<vmem>>, vector<1x1024x512xf32>
      %get3A_76 = vector.shape_cast %get3A_75 : vector<1x1024x512xf32> to vector<1024x512xf32>
      %convert_element_type3A_77 = arith.truncf %mul3A : vector<256x512xf32> to vector<256x512xbf16>
      %convert_element_type3A_78 = arith.truncf %get3A_76 : vector<1024x512xf32> to vector<1024x512xbf16>
      %dot_general3A_79 = arith.constant dense<0.000000e+00> : vector<256x1024xf32>
      %dot_general3A_80 = tpu.matmul %convert_element_type3A_77, %convert_element_type3A_78, %dot_general3A_79 {dimension_numbers = #tpu.dot_dimension_numbers<[1], [1], [0], [0], [0, 0, 1, 0], [], []>, transpose_lhs_hint = false} : vector<256x512xbf16>, vector<1024x512xbf16>, vector<256x1024xf32> -> vector<256x1024xf32>
      %mul3A_81 = vector.broadcast %get3A_71 : vector<256x1xf32> to vector<256x1024xf32>
      %mul3A_82 = arith.mulf %mul3A_81, %dot_general3A_80 : vector<256x1024xf32>
      %slice3A = vector.extract_strided_slice %mul3A_82 {offsets = [0, 0], sizes = [256, 512], strides = [1, 1]} : vector<256x1024xf32> to vector<256x512xf32>
      %convert_element_type3A_83 = arith.truncf %slice3A : vector<256x512xf32> to vector<256x512xbf16>
      %convert_element_type3A_84 = arith.extf %convert_element_type3A_83 : vector<256x512xbf16> to vector<256x512xf32>
      %slice3A_85 = vector.extract_strided_slice %mul3A_82 {offsets = [0, 512], sizes = [256, 512], strides = [1, 1]} : vector<256x1024xf32> to vector<256x512xf32>
      %convert_element_type3A_86 = arith.truncf %slice3A_85 : vector<256x512xf32> to vector<256x512xbf16>
      %convert_element_type3A_87 = arith.extf %convert_element_type3A_86 : vector<256x512xbf16> to vector<256x512xf32>
      %bitcast_convert_type3A_88 = tpu.bitcast %convert_element_type3A_84 : vector<256x512xf32> -> vector<256x512xi32>
      %shift_right_arithmetic3A = arith.constant 16 : i32
      %shift_right_arithmetic3A_89 = vector.broadcast %shift_right_arithmetic3A : i32 to vector<256x512xi32>
      %shift_right_arithmetic3A_90 = arith.shrsi %bitcast_convert_type3A_88, %shift_right_arithmetic3A_89 : vector<256x512xi32>
      %and3A_91 = arith.constant 65535 : i32
      %and3A_92 = vector.broadcast %and3A_91 : i32 to vector<256x512xi32>
      %and3A_93 = arith.andi %shift_right_arithmetic3A_90, %and3A_92 : vector<256x512xi32>
      %bitcast_convert_type3A_94 = tpu.bitcast %convert_element_type3A_87 : vector<256x512xf32> -> vector<256x512xi32>
      %and3A_95 = arith.constant -65536 : i32
      %and3A_96 = vector.broadcast %and3A_95 : i32 to vector<256x512xi32>
      %and3A_97 = arith.andi %bitcast_convert_type3A_94, %and3A_96 : vector<256x512xi32>
      %or3A_98 = arith.ori %and3A_93, %and3A_97 : vector<256x512xi32>
      %swap3A = arith.constant 0 : index
      %swap3A_99 = arith.constant 0 : index
      %swap3A_100 = vector.load %arg9[%swap3A, %swap3A_99] : memref<256x512xi32, #tpu.memory_space<vmem>>, vector<256x512xi32>
      tpu.vector_store %arg9[%swap3A, %swap3A_99], %or3A_98 {strides = array<i32>} : memref<256x512xi32, #tpu.memory_space<vmem>>, vector<256x512xi32>,
    } else {
    }
    return
  }
  func.func @transform_0(%arg0: i32, %arg1: memref<24xi32, #tpu.memory_space<smem>>, %arg2: memref<24xi32, #tpu.memory_space<smem>>, %arg3: memref<24xi32, #tpu.memory_space<smem>>) -> (i32, i32) {
    %get3A = arith.index_cast %arg0 : i32 to index
    %get3A_0 = memref.load %arg3[%get3A] : memref<24xi32, #tpu.memory_space<smem>>
    %c0_i32 = arith.constant 0 : i32
    %c0_i32_1 = arith.constant 0 : i32
    return %get3A_0, %c0_i32 : i32, i32
  }
  func.func @transform_1(%arg0: i32, %arg1: memref<24xi32, #tpu.memory_space<smem>>, %arg2: memref<24xi32, #tpu.memory_space<smem>>, %arg3: memref<24xi32, #tpu.memory_space<smem>>) -> (i32, i32) {
    %get3A = arith.index_cast %arg0 : i32 to index
    %get3A_0 = memref.load %arg3[%get3A] : memref<24xi32, #tpu.memory_space<smem>>
    %c0_i32 = arith.constant 0 : i32
    %c0_i32_1 = arith.constant 0 : i32
    return %get3A_0, %c0_i32 : i32, i32
  }
  func.func @transform_5(%arg0: i32, %arg1: memref<24xi32, #tpu.memory_space<smem>>, %arg2: memref<24xi32, #tpu.memory_space<smem>>, %arg3: memref<24xi32, #tpu.memory_space<smem>>) -> (i32, i32) {
    %get3A = arith.index_cast %arg0 : i32 to index
    %get3A_0 = memref.load %arg3[%get3A] : memref<24xi32, #tpu.memory_space<smem>>
    %c0_i32 = arith.constant 0 : i32
    %c0_i32_1 = arith.constant 0 : i32
    return %get3A_0, %c0_i32 : i32, i32
  }
}

module attributes {stable_mosaic.version = 14 : i64} {
  func.func @_shared_body(%arg0: i32, %arg1: memref<256x1024xf32, #tpu.memory_space<vmem>>, %arg2: memref<512x1024xf32, #tpu.memory_space<vmem>>, %arg3: memref<512x1024xf32, #tpu.memory_space<vmem>>, %arg4: memref<1024x512xf32, #tpu.memory_space<vmem>>, %arg5: memref<256x1024xf32, #tpu.memory_space<vmem>>) attributes {dimension_semantics = [#tpu.dimension_semantics<arbitrary>], iteration_bounds = array<i64: 8>, scalar_prefetch = 0 : i64, scratch_operands = 0 : i64, tpu.core_type = #tpu.core_type<tc>, window_params = [{transform_indices = @transform_0, window_bounds = array<i64: 256, 1024>}, {pipeline_mode = #tpu.pipeline_mode<synchronous>, transform_indices = @transform_1, window_bounds = array<i64: 512, 1024>}, {pipeline_mode = #tpu.pipeline_mode<synchronous>, transform_indices = @transform_2, window_bounds = array<i64: 512, 1024>}, {pipeline_mode = #tpu.pipeline_mode<synchronous>, transform_indices = @transform_3, window_bounds = array<i64: 1024, 512>}, {transform_indices = @transform_4, window_bounds = array<i64: 256, 1024>}]} {
    %get3A = arith.constant 0 : index
    %get3A_0 = arith.constant 0 : index
    %get3A_1 = vector.load %arg1[%get3A, %get3A_0] : memref<256x1024xf32, #tpu.memory_space<vmem>>, vector<256x1024xf32>
    %get3A_2 = arith.constant 0 : index
    %get3A_3 = arith.constant 0 : index
    %get3A_4 = vector.load %arg2[%get3A_2, %get3A_3] : memref<512x1024xf32, #tpu.memory_space<vmem>>, vector<512x1024xf32>
    %convert_element_type3A = arith.truncf %get3A_1 : vector<256x1024xf32> to vector<256x1024xbf16>
    %convert_element_type3A_5 = arith.truncf %get3A_4 : vector<512x1024xf32> to vector<512x1024xbf16>
    %dot_general3A = arith.constant dense<0.000000e+00> : vector<256x512xf32>
    %dot_general3A_6 = tpu.matmul %convert_element_type3A, %convert_element_type3A_5, %dot_general3A {dimension_numbers = #tpu.dot_dimension_numbers<[1], [1], [0], [0], [0, 0, 1, 0], [], []>, transpose_lhs_hint = false} : vector<256x1024xbf16>, vector<512x1024xbf16>, vector<256x512xf32> -> vector<256x512xf32>
    %get3A_7 = arith.constant 0 : index
    %get3A_8 = arith.constant 0 : index
    %get3A_9 = vector.load %arg3[%get3A_7, %get3A_8] : memref<512x1024xf32, #tpu.memory_space<vmem>>, vector<512x1024xf32>
    %convert_element_type3A_10 = arith.truncf %get3A_1 : vector<256x1024xf32> to vector<256x1024xbf16>
    %convert_element_type3A_11 = arith.truncf %get3A_9 : vector<512x1024xf32> to vector<512x1024xbf16>
    %dot_general3A_12 = arith.constant dense<0.000000e+00> : vector<256x512xf32>
    %dot_general3A_13 = tpu.matmul %convert_element_type3A_10, %convert_element_type3A_11, %dot_general3A_12 {dimension_numbers = #tpu.dot_dimension_numbers<[1], [1], [0], [0], [0, 0, 1, 0], [], []>, transpose_lhs_hint = false} : vector<256x1024xbf16>, vector<512x1024xbf16>, vector<256x512xf32> -> vector<256x512xf32>
    %neg3A = arith.constant 0.000000e+00 : f32
    %neg3A_14 = vector.broadcast %neg3A : f32 to vector<256x512xf32>
    %neg3A_15 = arith.subf %neg3A_14, %dot_general3A_6 : vector<256x512xf32>
    %exp3A = math.exp %neg3A_15 : vector<256x512xf32>
    %add3A = arith.constant 1.000000e+00 : f32
    %add3A_16 = vector.broadcast %add3A : f32 to vector<256x512xf32>
    %add3A_17 = arith.addf %add3A_16, %exp3A : vector<256x512xf32>
    %div3A = arith.divf %dot_general3A_6, %add3A_17 : vector<256x512xf32>
    %mul3A = arith.mulf %div3A, %dot_general3A_13 : vector<256x512xf32>
    %get3A_18 = arith.constant 0 : index
    %get3A_19 = arith.constant 0 : index
    %get3A_20 = vector.load %arg4[%get3A_18, %get3A_19] : memref<1024x512xf32, #tpu.memory_space<vmem>>, vector<1024x512xf32>
    %convert_element_type3A_21 = arith.truncf %mul3A : vector<256x512xf32> to vector<256x512xbf16>
    %convert_element_type3A_22 = arith.truncf %get3A_20 : vector<1024x512xf32> to vector<1024x512xbf16>
    %dot_general3A_23 = arith.constant dense<0.000000e+00> : vector<256x1024xf32>
    %dot_general3A_24 = tpu.matmul %convert_element_type3A_21, %convert_element_type3A_22, %dot_general3A_23 {dimension_numbers = #tpu.dot_dimension_numbers<[1], [1], [0], [0], [0, 0, 1, 0], [], []>, transpose_lhs_hint = false} : vector<256x512xbf16>, vector<1024x512xbf16>, vector<256x1024xf32> -> vector<256x1024xf32>
    %swap3A = arith.constant 0 : index
    %swap3A_25 = arith.constant 0 : index
    %swap3A_26 = vector.load %arg5[%swap3A, %swap3A_25] : memref<256x1024xf32, #tpu.memory_space<vmem>>, vector<256x1024xf32>
    tpu.vector_store %arg5[%swap3A, %swap3A_25], %dot_general3A_24 {strides = array<i32>} : memref<256x1024xf32, #tpu.memory_space<vmem>>, vector<256x1024xf32>,
    return
  }
  func.func @transform_0(%arg0: i32) -> (i32, i32) {
    %c0_i32 = arith.constant 0 : i32
    %c0_i32_0 = arith.constant 0 : i32
    return %arg0, %c0_i32 : i32, i32
  }
  func.func @transform_1(%arg0: i32) -> (i32, i32) {
    %c0_i32 = arith.constant 0 : i32
    %c0_i32_0 = arith.constant 0 : i32
    %c0_i32_1 = arith.constant 0 : i32
    return %c0_i32, %c0_i32_0 : i32, i32
  }
  func.func @transform_2(%arg0: i32) -> (i32, i32) {
    %c0_i32 = arith.constant 0 : i32
    %c0_i32_0 = arith.constant 0 : i32
    %c0_i32_1 = arith.constant 0 : i32
    return %c0_i32, %c0_i32_0 : i32, i32
  }
  func.func @transform_3(%arg0: i32) -> (i32, i32) {
    %c0_i32 = arith.constant 0 : i32
    %c0_i32_0 = arith.constant 0 : i32
    %c0_i32_1 = arith.constant 0 : i32
    return %c0_i32, %c0_i32_0 : i32, i32
  }
  func.func @transform_4(%arg0: i32) -> (i32, i32) {
    %c0_i32 = arith.constant 0 : i32
    %c0_i32_0 = arith.constant 0 : i32
    return %arg0, %c0_i32 : i32, i32
  }
}

</mosaic_0001>

<sc_bundles>
// kernel: kernel.10.cloned.1.call-start
scs
__scs_entry_jumppad:
0x0: {  	(pc) =	sbr.rel $0x88, $3  }
0x1: {  	(tag) =	ssettag $0x0;
	lr =	simm.s32 $0x1  }
0x2: {  	[smem:$0x3F99] =	sst lr;
	_ =	strace $0xD0000000  }
0x3: {  	_ = 	snop  }
0x4: {  	_ = 	snop  }
0x5: {  	_ = 	snop  }
0x6: {  	_ = 	snop  }
0x7: {  	_ = 	snop  }
__scs_overlays_trampoline_lowered:
0x8: {  	[smem:$0x3FA8] =	sst s0  }
0x9: {  	[smem:$0x3FA9] =	sst s1  }
0xa: {  	[smem:$0x3FAA] =	sst s2  }
0xb: {  	[smem:$0x3FAB] =	sst s3  }
0xc: {  	[smem:$0x3FAC] =	sst s4  }
0xd: {  	[smem:$0x3FAD] =	sst s5  }
0xe: {  	[smem:$0x3FAE] =	sst s6  }
0xf: {  	[smem:$0x3FAF] =	sst s7  }
0x10: {  	[smem:$0x3FB0] =	sst s8  }
0x11: {  	[smem:$0x3FB1] =	sst s9;
	s0 =	simm.s32 @!p0 $0x0  }
0x12: {  	s1 =	sld [smem:$0x3F97];
	s0 =	simm.s32 @p0 $0x1  }
0x13: {  	[smem:$0x3FB2] =	sst s0;
	s0 =	simm.s32 @!p1 $0x0  }
0x14: {  	s2 =	sld [smem:$0x3F96];
	s0 =	simm.s32 @p1 $0x1  }
0x15: {  	[smem:$0x3FB3] =	sst s0;
	s0 =	simm.s32 @!p2 $0x0  }
0x16: {  	s3 =	sld [smem:$0x3FDB];
	s0 =	simm.s32 @p2 $0x1  }
0x17: {  	s4 =	simm.s32 $0x1BF5;
	[smem:$0x3FB5] =	sst s0  }
0x18: {  	s0 =	sld [smem:$0x3F98];
	_ =	swait.ge [sflag:s4], $0x0  }
0x19: {  	s7 =	sld [smem:$0x3F99]  }
0x1a: {  	s8 =	sadd.s32 $0xFFFFE003, lr  }
0x1b: {  	s9 =	sadd.s32 $0xFFFFFEF7, lr;
	s5 =	simm.s32 $0xFFFFFFFF;
	p2 =	slt.u32 s8, $0xFFFFF086  }
0x1c: {  	p1 =	slt.u32 s9, $0xF7A;
	s5 =	simm.s32 @!p2 $0x0  }
0x1d: {  	s5 =	simm.s32 @p1 $0x1;
	p0 =	seq.s32 s7, s2  }
0x1e: {  	s7 =	smul.u32 @!p0 $0xF7A, s2;
	p2 =	seq.s32 @!p0 s5, $0x0  }
0x1f: {  	s9 =	smul.u32 $0xF7A, s1;
	s8 =	simm.s32 @!p0 $0x1BF5;
	p2 =	por !p2, p0  }
0x20: {  	[sflag:s8] =	ssyncset.s32 @!p0 $0xFFFFF086;
	s6 =	sadd.s32 @!p0 s3, s7;
	s7 =	simm.s32 @!p0 $0x108  }
0x21: {  	s3 =	sadd.s32 s3, s9;
	s6 =	sadd.s32 @!p0 $0x88, s6;
	s7 =	simm.s32 @p2 $0x1082  }
0x22: {  	[simem:s7], [sflag:s8] =	dma.local @!p0 [hbm:s6], $0xF7A  }
0x23: {  	s9 =	sor.u32 $0xD0000000, s2;
	s6 =	simm.s32 $0x108;
	_ =	swait.ge @!p0 [sflag:s8], $0x0  }
0x24: {  	s3 =	sadd.s32 $0x88, s3;
	s6 =	simm.s32 @!p1 $0x1082;
	[sflag:s4] =	ssyncset.s32 $0xFFFFF086  }
0x25: {  	[simem:s6], [sflag:s4] =	dma.local [hbm:s3], $0xF7A  }
0x26: {  	[smem:$0x3F99] =	sst s1;
	(tag) =	ssettag s2;
	_ =	strace s9  }
0x27: {  	s1 =	sld [smem:$0x3FA9]  }
0x28: {  	s2 =	sld [smem:$0x3FAA]  }
0x29: {  	s4 =	sld [smem:$0x3FAC]  }
0x2a: {  	p0 =	seq.s32 s5, $0x0;
	s5 =	sld [smem:$0x3FAD]  }
0x2b: {  	s6 =	sld [smem:$0x3FAE]  }
0x2c: {  	s7 =	sld [smem:$0x3FAF]  }
0x2d: {  	s3 =	simm.s32 $0x108;
	s8 =	sld [smem:$0x3FB0]  }
0x2e: {  	s3 =	simm.s32 @!p0 $0x1082;
	s9 =	sld [smem:$0x3FB1]  }
0x2f: {  	lr =	sadd.s32 s0, s3;
	s0 =	sld [smem:$0x3FA8]  }
0x30: {  	s3 =	sld [smem:$0x3FAB]  }
0x31: {  	[smem:$0x3FB4] =	sst s10  }
0x32: {  	s10 =	sld [smem:$0x3FB2];
	_ =	sdelay $0x3  }
0x33: {  	p0 =	seq.s32 s10, $0x1;
	s10 =	sld [smem:$0x3FB4];
	_ =	sdelay $0x3  }
0x34: {  	[smem:$0x3FB4] =	sst s10  }
0x35: {  	s10 =	sld [smem:$0x3FB3];
	_ =	sdelay $0x3  }
0x36: {  	p1 =	seq.s32 s10, $0x1;
	s10 =	sld [smem:$0x3FB4];
	_ =	sdelay $0x3  }
0x37: {  	[smem:$0x3FB4] =	sst s10  }
0x38: {  	s10 =	sld [smem:$0x3FB5]  }
0x39: {  	_ = 	snop;
	(pc) =	sbr.ind lr, $3  }
0x3a: {  	_ = 	snop  }
0x3b: {  	_ = 	snop  }
0x3c: {  	p2 =	seq.s32 s10, $0x1;
	s10 =	sld [smem:$0x3FB4]  }
0x3d: {  	_ =	shalt  }
0x3e: {  	_ =	shalt  }
0x3f: {  	_ =	shalt  }
0x40: {  	_ =	shalt  }
0x41: {  	_ =	shalt  }
0x42: {  	_ =	shalt  }
0x43: {  	_ =	shalt  }
0x44: {  	_ =	shalt  }
0x45: {  	_ =	shalt  }
0x46: {  	_ =	shalt  }
0x47: {  	_ =	shalt  }
0x48: {  	_ =	shalt  }
0x49: {  	_ =	shalt  }
0x4a: {  	_ =	shalt  }
0x4b: {  	_ =	shalt  }
0x4c: {  	_ =	shalt  }
0x4d: {  	_ =	shalt  }
0x4e: {  	_ =	shalt  }
0x4f: {  	_ =	shalt  }
0x50: {  	_ =	shalt  }
0x51: {  	_ =	shalt  }
0x52: {  	_ =	shalt  }
0x53: {  	_ =	shalt  }
0x54: {  	_ =	shalt  }
0x55: {  	_ =	shalt  }
0x56: {  	_ =	shalt  }
0x57: {  	_ =	shalt  }
0x58: {  	_ =	shalt  }
0x59: {  	_ =	shalt  }
0x5a: {  	_ =	shalt  }
0x5b: {  	_ =	shalt  }
0x5c: {  	_ =	shalt  }
0x5d: {  	_ =	shalt  }
0x5e: {  	_ =	shalt  }
0x5f: {  	_ =	shalt  }
0x60: {  	_ =	shalt  }
0x61: {  	_ =	shalt  }
0x62: {  	_ =	shalt  }
0x63: {  	_ =	shalt  }
0x64: {  	_ =	shalt  }
0x65: {  	_ =	shalt  }
0x66: {  	_ =	shalt  }
0x67: {  	_ =	shalt  }
0x68: {  	_ =	shalt  }
0x69: {  	_ =	shalt  }
0x6a: {  	_ =	shalt  }
0x6b: {  	_ =	shalt  }
0x6c: {  	_ =	shalt  }
0x6d: {  	_ =	shalt  }
0x6e: {  	_ =	shalt  }
0x6f: {  	_ =	shalt  }
0x70: {  	_ =	shalt  }
0x71: {  	_ =	shalt  }
0x72: {  	_ =	shalt  }
0x73: {  	_ =	shalt  }
0x74: {  	_ =	shalt  }
0x75: {  	_ =	shalt  }
0x76: {  	_ =	shalt  }
0x77: {  	_ =	shalt  }
0x78: {  	_ =	shalt  }
0x79: {  	_ =	shalt  }
0x7a: {  	_ =	shalt  }
0x7b: {  	_ =	shalt  }
0x7c: {  	_ =	shalt  }
0x7d: {  	_ =	shalt  }
0x7e: {  	_ =	shalt  }
0x7f: {  	_ =	shalt  }
0x80: {  	_ =	shalt  }
0x81: {  	_ =	shalt  }
0x82: {  	_ =	shalt  }
0x83: {  	_ =	shalt  }
0x84: {  	_ =	shalt  }
0x85: {  	_ =	shalt  }
0x86: {  	_ =	shalt  }
0x87: {  	_ =	shalt  }
.Lfunc_end0:
.L_simem_size_0:
called_computation.1_lowered:
.L_overlay_start_0:
0x88: {  	s2 =	sld [smem:$0x3FD9]  }
0x89: {  	s3 =	sld [smem:$0x3FFE];
	_ =	sdelay $0x1  }
0x8a: {  	s1 =	srdreg.scid  }
0x8b: {  	s0 =	sand.u32 $0x1, s1  }
0x8c: {  	s14 =	sshll.u32 s0, $0xA;
	s2 =	sadd.s32 s3, s2  }
0x8d: {  	s2 =	sadd.s32 s2, s14  }
0x8e: {  	[smem:$0x3FC0] =	sst s2  }
0x8f: {  	_ = 	snop  }
0x90: {  	s2 =	sld [smem:$0x3FD0];
	_ =	sdelay $0x2  }
0x91: {  	s15 =	simm.s32 $0xA;
	s4 =	simm.s32 $0x10  }
0x92: {  	[smem:s4], [sflag:s15] =	dma.local [hbm:s2], $0x1  }
0x93: {  	_ =	swait.eq [sflag:s15], $0x1  }
0x94: {  	[sflag:s15] =	ssyncset.done $0x0  }
0x95: {  	[sflag:s15] =	ssyncadd.s32 $0xFFFFFFFF  }
0x96: {  	s16 =	sld [smem:$0x10];
	(tm) =	ssettm $0x1  }
0x97: {  	s17 =	sld [smem:$0x3FFB];
	_ =	sdelay $0x3  }
0x98: {  	_ =	strace s17  }
0x99: {  	s3 =	sld [smem:$0x3FFC];
	_ =	sdelay $0x3  }
0x9a: {  	_ =	strace s3  }
0x9b: {  	s3 =	sld [smem:$0x3FFD];
	_ =	sdelay $0x3  }
0x9c: {  	_ =	strace s3  }
0x9d: {  	_ =	strace $0x8FFFFFFF  }
0x9e: {  	s18 =	sld [smem:$0x3FDB];
	_ =	sdelay $0x1  }
0x9f: {  	s19 =	simm.s32 $_scs_section_size  }
0xa0: {  	s5 =	simm.s32 $_size__tile_overlayer_lowered;
	s6 =	simm.s32 $_tile_overlayer_lowered  }
0xa1: {  	s22 =	simm.s32 $0x1BFF;
	s21 =	sshll.u32 s6, $0x1;
	s3 =	sadd.s32 s19, s18  }
0xa2: {  	s7 =	simm.s32 $0x0;
	s20 =	sshll.u32 s5, $0x1;
	s5 =	sadd.s32 s21, s3  }
0xa3: {  	[timem:s7], [sflag:s22] =	dma.local [hbm:s5], s20  }
0xa4: {  	_ =	swait.ge [sflag:s22], s20  }
0xa5: {  	s4 =	ssub.s32 $0x0, s20;
	[sflag:s22] =	ssyncset.done $0x0  }
0xa6: {  	[sflag:s22] =	ssyncadd.s32 s4;
	_ =	sdelay $0x1  }
0xa7: {  	s23 =	simm.s32 $0x1B8B  }
0xa8: {  	_ =	swait.ge [sflag:s23], $0x1  }
0xa9: {  	[sflag:s23] =	ssyncset.done $0x0  }
0xaa: {  	s25 =	simm.s32 $0x1B8E;
	s24 =	sld [smem:$0x3FFE];
	[sflag:s23] =	ssyncadd.s32 $0xFFFFFFFF  }
0xab: {  	s26 =	simm.s32 $execute0_lowered;
	[smem:$0x3FD2] =	sst s25  }
0xac: {  	s5 =	sshll.u32 s26, $0x1;
	_ =	strace $0x80000049;
	[dreg:$0x1] =	wrdreg $0xFFFFFFFF  }
0xad: {  	s28 =	simm.s32 $_size_execute0_lowered;
	s3 =	sadd.s32 s3, s5;
	[dreg:$0x0] =	wrdreg $0x0  }
0xae: {  	s5 =	sshll.u32 s28, $0x1;
	[dreg:$0x2] =	wrdreg s3  }
0xaf: {  	[dreg:$0x3] =	wrdreg s5  }
0xb0: {  	[dreg:$0x4] =	wrdreg $0xC0  }
0xb1: {  	_ =	task [dreg:s7], $0x5FFFF  }
0xb2: {  	[dreg:$0x1] =	wrdreg $0xFFFFFFFF  }
0xb3: {  	[dreg:$0x0] =	wrdreg $0x60  }
0xb4: {  	[dreg:$0x2] =	wrdreg s24  }
0xb5: {  	[dreg:$0x3] =	wrdreg s16  }
0xb6: {  	[dreg:$0x4] =	wrdreg $0x9  }
0xb7: {  	_ =	task.clear_ibuf [dreg:s7], $0x5FFFF;
	_ =	strace $0x90000049  }
0xb8: {  	s29 =	simm.s32 $0x9;
	_ =	strace $0x8000004B  }
0xb9: {  	_ =	swait.ge [sflag:s29], $0x1  }
0xba: {  	[sflag:s29] =	ssyncadd.s32 $0xFFFFFFFF  }
0xbb: {  	_ =	strace $0x9000004B  }
0xbc: {  	_ =	sfence  }
0xbd: {  	s30 =	sld [smem:$0x0];
	_ =	sdelay $0x2  }
0xbe: {  	s31 =	sshll.u32 s1, $0xD;
	s1 =	sshrl.u32 s1, $0x2  }
0xbf: {  	s3 =	sand.u32 $0x4000, s31;
	s1 =	sadd.s32 s1, s30  }
0xc0: {  	s0 =	sor.u32 s3, s0;
	s1 =	sshll.u32 s1, $0x11  }
0xc1: {  	s0 =	sor.u32 s1, s0  }
0xc2: {  	s0 =	sadd.s32 $0x8F2B, s0  }
0xc3: {  	[sflag:s0] =	ssyncadd.remote.s32 $0x1  }
0xc4: {  	_ =	sfence.sel $0xFFFF  }
0xc5: {  	[dreg:$0x0] =	wrdreg $0xFFFFFFFF;
	(pc) =	sbr.abs _section_cstart, $3  }
0xc6: {  	[dreg:$0x1] =	wrdreg $0xFFFFFFFF  }
0xc7: {  	_ =	task.clear_ibuf [dreg:s7], $0x2FFFF;
	_ =	strace $0x9FFFFFFF  }
0xc8: {  	(tm) =	ssettm $0x7FFFFFFF  }
0xc9: {  	_ =	shalt  }
tec
execute0_lowered:
.L_overlay_start_1:
0x0: {  	(tag) =	ssettag $0x1  }
0x1: {  	s0 =	rddreg [dreg:$0x0]  }
0x2: {  	s2 =	rddreg [dreg:$0x1];
	s1 =	simm.s32 $0x0  }
0x3: {  	s4 =	srdreg.scid;
	s12 =	stileid.u32;
	s15 =	simm.s32 $0x1  }
0x4: {  	s28 =	simm.s32 $0x14A00;
	s29 =	simm.s32 $0x15200;
	s30 =	simm.s32 $0x15A00  }
0x5: {  	s31 =	simm.s32 $0x16200;
	s16 =	simm.s32 $0x17200;
	s17 =	simm.s32 $0x17A00  }
0x6: {  	s18 =	simm.s32 $0x2;
	s19 =	simm.s32 $0x0;
	[smem:$0x7FF] =	sst s1  }
0x7: {  	s3 =	sadd.s32 $0x800, s0;
	s8 =	sadd.s32 $0x88800, s0;
	s4 =	sand.u32 $0x1, s4  }
0x8: {  	s9 =	sadd.s32 $0x88C00, s0;
	s6 =	sshll.u32 s12, $0x1;
	s11 =	sadd.s32 $0x89000, s0  }
0x9: {  	s20 =	sshll.u32 s12, $0x6;
	_ =	strace $0x8000004A;
	s5 =	ssub.s32 $0x2, s4  }
0xa: {  	s10 =	sor.u32 s4, s6;
	s22 =	sand.u32 $0x380, s20;
	s6 =	sadd.s32 $0x900, s0  }
0xb: {  	s0 =	simm.s32 $0x16A00;
	s7 =	sshrl.u32 s5, $0x1;
	s21 =	sshllo.u32 s10, $0x1  }
0xc: {  	s23 =	sshll.u32 s10, $0x5;
	s25 =	sshll.u32 s10, $0xD;
	s13 =	ssub.s32 s5, s7  }
0xd: {  	s24 =	sshll.u32 s21, $0x4;
	s4 =	sadd.s32 s8, s23;
	s5 =	sadd.s32 s9, s23  }
0xe: {  	s7 =	sadd.s32 s11, s25;
	s12 =	sshll.u32 s21, $0xC;
	s10 =	sadd.s32 s2, s25  }
0xf: {  	v2 =	vlaneseq.u32;
	s14 =	sand.u32 $0x70, s24;
	s11 =	sadd.s32 s11, s12;
	s12 =	sadd.s32 s2, s12  }
0x10: {  	vm0 =	vmmov $0xffff;
	v1 =	vshrl.u32 v2, $0x3;
	s13 =	smax.u32 s13, $0x1;
	s2 =	simm.s32 $0x200;
	s26 =	sor.u32 s22, s14  }
0x11: {  	v0 =	vand.u32 $0x7, v2;
	v2 =	vor.u32 $0x8, v2;
	v1 =	vmul.u32 $0x8, v1;
	s14 =	simm.s32 $0x3;
	s8 =	sadd.s32 s8, s26;
	s9 =	sadd.s32 s9, s26  }
.LBB2_1:
0x12: {  	[tilespmem:s1], [sflag:$0x3] =	stream.linear.gather [hbm4b:s4+s1], $0x80, $0x38;
	[tilespmem:$0x18200] =	vst v63  }
0x13: {  	_ =	swait.ge [sflag:s14], $0x80  }
0x14: {  	[sflag:s14] =	ssyncset.done $0x0  }
0x15: {  	s20 =	simm.s32 $0x100;
	[sflag:s14] =	ssyncadd.s32 $0xFFFFFF80  }
0x16: {  	[tilespmem:s20], [sflag:$0x3] =	stream.linear.gather [hbm4b:s5+s1], $0x80, $0x38;
	[tilespmem:$0x18200] =	vst v63  }
0x17: {  	_ =	swait.ge [sflag:s14], $0x80  }
0x18: {  	[sflag:s14] =	ssyncset.done $0x0  }
0x19: {  	[sflag:s14] =	ssyncadd.s32 $0xFFFFFF80  }
0x1a: {  	v3 =	vld [tilespmem:$0x0];
	_ =	sdelay $0x4  }
0x1b: {  	v4 =	vshll.u32 v3, $0x2  }
0x1c: {  	v3 =	vand.u32 $0x7, v3;
	v4 =	vand.u32 $0xFFFFFFE0, v4  }
0x1d: {  	v3 =	vor.u32 v3, v4  }
0x1e: {  	v4 =	vperm.xlane v3, v0;
	_ =	sdelay $0x1  }
0x1f: {  	v4 =	vadd.s32 v1, v4;
	_ =	sdelay $0x1  }
0x20: {  	v3 =	vperm.xlane v3, v2;
	_ =	sdelay $0x1  }
0x21: {  	s23 =	simm.s32 $0x8200;
	v3 =	vadd.s32 v1, v3  }
0x22: {  	[tilespmem:s23], [sflag:$0x1] =	stream.indirect_vreg.gather [hbm4b:s3+s1], $0x80, v4, vm0, $0xb8;
	[tilespmem:$0x18200] =	vst v63  }
0x23: {  	s24 =	simm.s32 $0x8A00  }
0x24: {  	[tilespmem:s24], [sflag:$0x1] =	stream.indirect_vreg.gather [hbm4b:s6+s1], $0x80, v4, vm0, $0xb8;
	[tilespmem:$0x18200] =	vst v63  }
0x25: {  	s25 =	simm.s32 $0x9200  }
0x26: {  	[tilespmem:s25], [sflag:$0x1] =	stream.indirect_vreg.gather [hbm4b:s3+s1], $0x80, v3, vm0, $0xb8;
	[tilespmem:$0x18200] =	vst v63  }
0x27: {  	s26 =	simm.s32 $0x9A00  }
0x28: {  	[tilespmem:s26], [sflag:$0x1] =	stream.indirect_vreg.gather [hbm4b:s6+s1], $0x80, v3, vm0, $0xb8;
	[tilespmem:$0x18200] =	vst v63  }
0x29: {  	v3 =	vld [tilespmem:$0x10];
	_ =	sdelay $0x4  }
0x2a: {  	v4 =	vshll.u32 v3, $0x2  }
0x2b: {  	v3 =	vand.u32 $0x7, v3;
	v4 =	vand.u32 $0xFFFFFFE0, v4  }
0x2c: {  	v3 =	vor.u32 v3, v4  }
0x2d: {  	v4 =	vperm.xlane v3, v0;
	_ =	sdelay $0x1  }
0x2e: {  	v4 =	vadd.s32 v1, v4;
	_ =	sdelay $0x1  }
0x2f: {  	v3 =	vperm.xlane v3, v2;
	_ =	sdelay $0x1  }
0x30: {  	s21 =	simm.s32 $0xA200;
	v3 =	vadd.s32 v1, v3  }
0x31: {  	[tilespmem:s21], [sflag:$0x1] =	stream.indirect_vreg.gather [hbm4b:s3+s1], $0x80, v4, vm0, $0xb8;
	[tilespmem:$0x18200] =	vst v63  }
0x32: {  	s22 =	simm.s32 $0xAA00  }
0x33: {  	[tilespmem:s22], [sflag:$0x1] =	stream.indirect_vreg.gather [hbm4b:s6+s1], $0x80, v4, vm0, $0xb8;
	[tilespmem:$0x18200] =	vst v63  }
0x34: {  	s23 =	simm.s32 $0xB200  }
0x35: {  	[tilespmem:s23], [sflag:$0x1] =	stream.indirect_vreg.gather [hbm4b:s3+s1], $0x80, v3, vm0, $0xb8;
	[tilespmem:$0x18200] =	vst v63  }
0x36: {  	s24 =	simm.s32 $0xBA00  }
0x37: {  	[tilespmem:s24], [sflag:$0x1] =	stream.indirect_vreg.gather [hbm4b:s6+s1], $0x80, v3, vm0, $0xb8;
	[tilespmem:$0x18200] =	vst v63  }
0x38: {  	v3 =	vld [tilespmem:$0x100];
	_ =	sdelay $0x4  }
0x39: {  	v4 =	vshll.u32 v3, $0x2  }
0x3a: {  	v3 =	vand.u32 $0x7, v3;
	v4 =	vand.u32 $0xFFFFFFE0, v4  }
0x3b: {  	v3 =	vor.u32 v3, v4  }
0x3c: {  	v4 =	vperm.xlane v3, v0;
	_ =	sdelay $0x1  }
0x3d: {  	v4 =	vadd.s32 v1, v4;
	_ =	sdelay $0x1  }
0x3e: {  	v3 =	vperm.xlane v3, v2;
	_ =	sdelay $0x1  }
0x3f: {  	s25 =	simm.s32 $0x10200;
	v3 =	vadd.s32 v1, v3  }
0x40: {  	[tilespmem:s25], [sflag:$0x1] =	stream.indirect_vreg.gather [hbm4b:s3+s1], $0x80, v4, vm0, $0xb8;
	[tilespmem:$0x18200] =	vst v63  }
0x41: {  	s26 =	simm.s32 $0x10A00  }
0x42: {  	[tilespmem:s26], [sflag:$0x1] =	stream.indirect_vreg.gather [hbm4b:s6+s1], $0x80, v4, vm0, $0xb8;
	[tilespmem:$0x18200] =	vst v63  }
0x43: {  	s21 =	simm.s32 $0x11200  }
0x44: {  	[tilespmem:s21], [sflag:$0x1] =	stream.indirect_vreg.gather [hbm4b:s3+s1], $0x80, v3, vm0, $0xb8;
	[tilespmem:$0x18200] =	vst v63  }
0x45: {  	s22 =	simm.s32 $0x11A00  }
0x46: {  	[tilespmem:s22], [sflag:$0x1] =	stream.indirect_vreg.gather [hbm4b:s6+s1], $0x80, v3, vm0, $0xb8;
	[tilespmem:$0x18200] =	vst v63  }
0x47: {  	v3 =	vld [tilespmem:$0x110];
	_ =	sdelay $0x4  }
0x48: {  	v4 =	vshll.u32 v3, $0x2  }
0x49: {  	v3 =	vand.u32 $0x7, v3;
	v4 =	vand.u32 $0xFFFFFFE0, v4  }
0x4a: {  	v3 =	vor.u32 v3, v4  }
0x4b: {  	v4 =	vperm.xlane v3, v0;
	_ =	sdelay $0x1  }
0x4c: {  	v4 =	vadd.s32 v1, v4;
	_ =	sdelay $0x1  }
0x4d: {  	v3 =	vperm.xlane v3, v2;
	_ =	sdelay $0x1  }
0x4e: {  	s23 =	simm.s32 $0x12200;
	v3 =	vadd.s32 v1, v3  }
0x4f: {  	[tilespmem:s23], [sflag:$0x1] =	stream.indirect_vreg.gather [hbm4b:s3+s1], $0x80, v4, vm0, $0xb8;
	[tilespmem:$0x18200] =	vst v63  }
0x50: {  	s24 =	simm.s32 $0x12A00  }
0x51: {  	[tilespmem:s24], [sflag:$0x1] =	stream.indirect_vreg.gather [hbm4b:s6+s1], $0x80, v4, vm0, $0xb8;
	[tilespmem:$0x18200] =	vst v63  }
0x52: {  	s25 =	simm.s32 $0x13200  }
0x53: {  	[tilespmem:s25], [sflag:$0x1] =	stream.indirect_vreg.gather [hbm4b:s3+s1], $0x80, v3, vm0, $0xb8;
	[tilespmem:$0x18200] =	vst v63  }
0x54: {  	s26 =	simm.s32 $0x13A00  }
0x55: {  	[tilespmem:s26], [sflag:$0x1] =	stream.indirect_vreg.gather [hbm4b:s6+s1], $0x80, v3, vm0, $0xb8;
	[tilespmem:$0x18200] =	vst v63  }
0x56: {  	_ = 	snop  }
0x57: {  	[tilespmem:s2], [sflag:$0x3] =	stream.linear.gather [hbm4b:s7+s1], $0x8000, $0x38;
	[tilespmem:$0x18200] =	vst v63  }
0x58: {  	_ =	swait.ge [sflag:s14], $0x8000  }
0x59: {  	[sflag:s14] =	ssyncset.done $0x0  }
0x5a: {  	[sflag:s14] =	ssyncadd.s32 $0xFFFF8000  }
0x5b: {  	_ =	swait.ge [sflag:s15], $0x4000  }
0x5c: {  	[sflag:s15] =	ssyncset.done $0x0  }
0x5d: {  	[sflag:s15] =	ssyncadd.s32 $0xFFFFC000  }
0x5e: {  	_ =	swait.ge [sflag:s15], $0x4000  }
0x5f: {  	[sflag:s15] =	ssyncset.done $0x0  }
0x60: {  	s21 =	simm.s32 $0x80;
	[sflag:s15] =	ssyncadd.s32 $0xFFFFC000  }
0x61: {  	[tilespmem:s21], [sflag:$0x3] =	stream.linear.gather [hbm4b:s8+s1], $0x80, $0x38;
	[tilespmem:$0x18200] =	vst v63  }
0x62: {  	_ =	swait.ge [sflag:s14], $0x80  }
0x63: {  	[sflag:s14] =	ssyncset.done $0x0  }
0x64: {  	s22 =	simm.s32 $0x180;
	[sflag:s14] =	ssyncadd.s32 $0xFFFFFF80  }
0x65: {  	[tilespmem:s22], [sflag:$0x3] =	stream.linear.gather [hbm4b:s9+s1], $0x80, $0x38;
	[tilespmem:$0x18200] =	vst v63  }
0x66: {  	_ =	swait.ge [sflag:s14], $0x80  }
0x67: {  	[sflag:s14] =	ssyncset.done $0x0  }
0x68: {  	[sflag:s14] =	ssyncadd.s32 $0xFFFFFF80  }
0x69: {  	v3 =	vld [tilespmem:$0x80];
	_ =	sdelay $0x4  }
0x6a: {  	v4 =	vshll.u32 v3, $0x2  }
0x6b: {  	v3 =	vand.u32 $0x7, v3;
	v4 =	vand.u32 $0xFFFFFFE0, v4  }
0x6c: {  	v3 =	vor.u32 v3, v4  }
0x6d: {  	v4 =	vperm.xlane v3, v0;
	_ =	sdelay $0x1  }
0x6e: {  	v4 =	vadd.s32 v1, v4;
	_ =	sdelay $0x1  }
0x6f: {  	v3 =	vperm.xlane v3, v2;
	_ =	sdelay $0x1  }
0x70: {  	s23 =	simm.s32 $0xC200;
	v3 =	vadd.s32 v1, v3  }
0x71: {  	[tilespmem:s23], [sflag:$0x2] =	stream.indirect_vreg.gather [hbm4b:s3+s1], $0x80, v4, vm0, $0xb8;
	[tilespmem:$0x18200] =	vst v63  }
0x72: {  	s24 =	simm.s32 $0xCA00  }
0x73: {  	[tilespmem:s24], [sflag:$0x2] =	stream.indirect_vreg.gather [hbm4b:s6+s1], $0x80, v4, vm0, $0xb8;
	[tilespmem:$0x18200] =	vst v63  }
0x74: {  	s25 =	simm.s32 $0xD200  }
0x75: {  	[tilespmem:s25], [sflag:$0x2] =	stream.indirect_vreg.gather [hbm4b:s3+s1], $0x80, v3, vm0, $0xb8;
	[tilespmem:$0x18200] =	vst v63  }
0x76: {  	s26 =	simm.s32 $0xDA00  }
0x77: {  	[tilespmem:s26], [sflag:$0x2] =	stream.indirect_vreg.gather [hbm4b:s6+s1], $0x80, v3, vm0, $0xb8;
	[tilespmem:$0x18200] =	vst v63  }
0x78: {  	v3 =	vld [tilespmem:$0x90];
	_ =	sdelay $0x4  }
0x79: {  	v4 =	vshll.u32 v3, $0x2  }
0x7a: {  	v3 =	vand.u32 $0x7, v3;
	v4 =	vand.u32 $0xFFFFFFE0, v4  }
0x7b: {  	v3 =	vor.u32 v3, v4  }
0x7c: {  	v4 =	vperm.xlane v3, v0;
	_ =	sdelay $0x1  }
0x7d: {  	v4 =	vadd.s32 v1, v4;
	_ =	sdelay $0x1  }
0x7e: {  	v3 =	vperm.xlane v3, v2;
	_ =	sdelay $0x1  }
0x7f: {  	s21 =	simm.s32 $0xE200;
	v3 =	vadd.s32 v1, v3  }
0x80: {  	[tilespmem:s21], [sflag:$0x2] =	stream.indirect_vreg.gather [hbm4b:s3+s1], $0x80, v4, vm0, $0xb8;
	[tilespmem:$0x18200] =	vst v63  }
0x81: {  	s22 =	simm.s32 $0xEA00  }
0x82: {  	[tilespmem:s22], [sflag:$0x2] =	stream.indirect_vreg.gather [hbm4b:s6+s1], $0x80, v4, vm0, $0xb8;
	[tilespmem:$0x18200] =	vst v63  }
0x83: {  	s23 =	simm.s32 $0xF200  }
0x84: {  	[tilespmem:s23], [sflag:$0x2] =	stream.indirect_vreg.gather [hbm4b:s3+s1], $0x80, v3, vm0, $0xb8;
	[tilespmem:$0x18200] =	vst v63  }
0x85: {  	s24 =	simm.s32 $0xFA00  }
0x86: {  	[tilespmem:s24], [sflag:$0x2] =	stream.indirect_vreg.gather [hbm4b:s6+s1], $0x80, v3, vm0, $0xb8;
	[tilespmem:$0x18200] =	vst v63  }
0x87: {  	v3 =	vld [tilespmem:$0x180];
	_ =	sdelay $0x4  }
0x88: {  	v4 =	vshll.u32 v3, $0x2  }
0x89: {  	v3 =	vand.u32 $0x7, v3;
	v4 =	vand.u32 $0xFFFFFFE0, v4  }
0x8a: {  	v3 =	vor.u32 v3, v4  }
0x8b: {  	v4 =	vperm.xlane v3, v0;
	_ =	sdelay $0x1  }
0x8c: {  	v4 =	vadd.s32 v1, v4;
	_ =	sdelay $0x1  }
0x8d: {  	v3 =	vperm.xlane v3, v2;
	_ =	sdelay $0x1  }
0x8e: {  	s25 =	simm.s32 $0x14200;
	v3 =	vadd.s32 v1, v3  }
0x8f: {  	[tilespmem:s25], [sflag:$0x2] =	stream.indirect_vreg.gather [hbm4b:s3+s1], $0x80, v4, vm0, $0xb8;
	[tilespmem:$0x18200] =	vst v63  }
0x90: {  	_ = 	snop  }
0x91: {  	[tilespmem:s28], [sflag:$0x2] =	stream.indirect_vreg.gather [hbm4b:s6+s1], $0x80, v4, vm0, $0xb8;
	[tilespmem:$0x18200] =	vst v63  }
0x92: {  	_ = 	snop  }
0x93: {  	[tilespmem:s29], [sflag:$0x2] =	stream.indirect_vreg.gather [hbm4b:s3+s1], $0x80, v3, vm0, $0xb8;
	[tilespmem:$0x18200] =	vst v63  }
0x94: {  	_ = 	snop  }
0x95: {  	[tilespmem:s30], [sflag:$0x2] =	stream.indirect_vreg.gather [hbm4b:s6+s1], $0x80, v3, vm0, $0xb8;
	[tilespmem:$0x18200] =	vst v63  }
0x96: {  	v3 =	vld [tilespmem:$0x190];
	_ =	sdelay $0x4  }
0x97: {  	v4 =	vshll.u32 v3, $0x2  }
0x98: {  	v3 =	vand.u32 $0x7, v3;
	v4 =	vand.u32 $0xFFFFFFE0, v4  }
0x99: {  	v3 =	vor.u32 v3, v4  }
0x9a: {  	v4 =	vperm.xlane v3, v0;
	_ =	sdelay $0x1  }
0x9b: {  	v4 =	vadd.s32 v1, v4;
	_ =	sdelay $0x1  }
0x9c: {  	v3 =	vperm.xlane v3, v2;
	_ =	sdelay $0x1  }
0x9d: {  	v3 =	vadd.s32 v1, v3  }
0x9e: {  	[tilespmem:s31], [sflag:$0x2] =	stream.indirect_vreg.gather [hbm4b:s3+s1], $0x80, v4, vm0, $0xb8;
	[tilespmem:$0x18200] =	vst v63  }
0x9f: {  	s26 =	simm.s32 $0x0  }
0xa0: {  	[tilespmem:s0], [sflag:$0x2] =	stream.indirect_vreg.gather [hbm4b:s6+s1], $0x80, v4, vm0, $0xb8;
	[tilespmem:$0x18200] =	vst v63  }
0xa1: {  	s20 =	sand.u32 $0xFFFFF000, s26;
	s21 =	sand.u32 $0x380, s1  }
0xa2: {  	[tilespmem:s16], [sflag:$0x2] =	stream.indirect_vreg.gather [hbm4b:s3+s1], $0x80, v3, vm0, $0xb8;
	[tilespmem:$0x18200] =	vst v63  }
0xa3: {  	s20 =	sor.u32 s21, s20  }
0xa4: {  	[tilespmem:s17], [sflag:$0x2] =	stream.indirect_vreg.gather [hbm4b:s6+s1], $0x80, v3, vm0, $0xb8;
	[tilespmem:$0x18200] =	vst v63  }
0xa5: {  	v3 =	vld [tilespmem:s20+$0x8200]  }
0xa6: {  	v4 =	vld [tilespmem:s20+$0x10200];
	_ =	sdelay $0x4  }
0xa7: {  	s22 =	simm.s32 $0x0;
	v5 =	vshll.u32 v3, $0x10;
	v6 =	vshll.u32 v4, $0x10  }
0xa8: {  	s22 =	sand.u32 $0x3FFFE000, s22;
	v3 =	vand.u32 $0xFFFF0000, v3;
	v4 =	vand.u32 $0xFFFF0000, v4;
	v5 =	vadd.f32 v6, v5  }
0xa9: {  	s21 =	sor.u32 s21, s22;
	v3 =	vadd.f32 v4, v3  }
0xaa: {  	[tilespmem:s21+$0x200] =	vst.add.f32.msk $0xffff, v5  }
0xab: {  	[tilespmem:s21+$0x1200] =	vst.add.f32.msk $0xffff, v3  }
0xac: {  	v3 =	vld [tilespmem:s20+$0x8210]  }
0xad: {  	v4 =	vld [tilespmem:s20+$0x10210];
	_ =	sdelay $0x4  }
0xae: {  	v5 =	vshll.u32 v3, $0x10;
	v39 =	vshll.u32 v4, $0x10  }
0xaf: {  	v3 =	vand.u32 $0xFFFF0000, v3;
	v4 =	vand.u32 $0xFFFF0000, v4;
	v5 =	vadd.f32 v39, v5  }
0xb0: {  	v3 =	vadd.f32 v4, v3  }
0xb1: {  	[tilespmem:s21+$0x210] =	vst.add.f32.msk $0xffff, v5  }
0xb2: {  	[tilespmem:s21+$0x1210] =	vst.add.f32.msk $0xffff, v3  }
0xb3: {  	v3 =	vld [tilespmem:s20+$0x8220]  }
0xb4: {  	v4 =	vld [tilespmem:s20+$0x10220];
	_ =	sdelay $0x4  }
0xb5: {  	v5 =	vshll.u32 v3, $0x10;
	v40 =	vshll.u32 v4, $0x10  }
0xb6: {  	v3 =	vand.u32 $0xFFFF0000, v3;
	v4 =	vand.u32 $0xFFFF0000, v4;
	v5 =	vadd.f32 v40, v5  }
0xb7: {  	v3 =	vadd.f32 v4, v3  }
0xb8: {  	[tilespmem:s21+$0x220] =	vst.add.f32.msk $0xffff, v5  }
0xb9: {  	[tilespmem:s21+$0x1220] =	vst.add.f32.msk $0xffff, v3  }
0xba: {  	v3 =	vld [tilespmem:s20+$0x8230]  }
0xbb: {  	v4 =	vld [tilespmem:s20+$0x10230];
	_ =	sdelay $0x4  }
0xbc: {  	v5 =	vshll.u32 v3, $0x10;
	v41 =	vshll.u32 v4, $0x10  }
0xbd: {  	v3 =	vand.u32 $0xFFFF0000, v3;
	v4 =	vand.u32 $0xFFFF0000, v4;
	v5 =	vadd.f32 v41, v5  }
0xbe: {  	v3 =	vadd.f32 v4, v3  }
0xbf: {  	[tilespmem:s21+$0x230] =	vst.add.f32.msk $0xffff, v5  }
0xc0: {  	[tilespmem:s21+$0x1230] =	vst.add.f32.msk $0xffff, v3  }
0xc1: {  	v3 =	vld [tilespmem:s20+$0x8240]  }
0xc2: {  	v4 =	vld [tilespmem:s20+$0x10240];
	_ =	sdelay $0x4  }
0xc3: {  	v5 =	vshll.u32 v3, $0x10;
	v42 =	vshll.u32 v4, $0x10  }
0xc4: {  	v3 =	vand.u32 $0xFFFF0000, v3;
	v4 =	vand.u32 $0xFFFF0000, v4;
	v5 =	vadd.f32 v42, v5  }
0xc5: {  	v3 =	vadd.f32 v4, v3  }
0xc6: {  	[tilespmem:s21+$0x240] =	vst.add.f32.msk $0xffff, v5  }
0xc7: {  	[tilespmem:s21+$0x1240] =	vst.add.f32.msk $0xffff, v3  }
0xc8: {  	v3 =	vld [tilespmem:s20+$0x8250]  }
0xc9: {  	v4 =	vld [tilespmem:s20+$0x10250];
	_ =	sdelay $0x4  }
0xca: {  	v5 =	vshll.u32 v3, $0x10;
	v43 =	vshll.u32 v4, $0x10  }
0xcb: {  	v3 =	vand.u32 $0xFFFF0000, v3;
	v4 =	vand.u32 $0xFFFF0000, v4;
	v5 =	vadd.f32 v43, v5  }
0xcc: {  	v3 =	vadd.f32 v4, v3  }
0xcd: {  	[tilespmem:s21+$0x250] =	vst.add.f32.msk $0xffff, v5  }
0xce: {  	[tilespmem:s21+$0x1250] =	vst.add.f32.msk $0xffff, v3  }
0xcf: {  	v3 =	vld [tilespmem:s20+$0x8260]  }
0xd0: {  	v4 =	vld [tilespmem:s20+$0x10260];
	_ =	sdelay $0x4  }
0xd1: {  	v5 =	vshll.u32 v3, $0x10;
	v44 =	vshll.u32 v4, $0x10  }
0xd2: {  	v3 =	vand.u32 $0xFFFF0000, v3;
	v4 =	vand.u32 $0xFFFF0000, v4;
	v5 =	vadd.f32 v44, v5  }
0xd3: {  	v3 =	vadd.f32 v4, v3  }
0xd4: {  	[tilespmem:s21+$0x260] =	vst.add.f32.msk $0xffff, v5  }
0xd5: {  	[tilespmem:s21+$0x1260] =	vst.add.f32.msk $0xffff, v3  }
0xd6: {  	v3 =	vld [tilespmem:s20+$0x8270]  }
0xd7: {  	v4 =	vld [tilespmem:s20+$0x10270];
	_ =	sdelay $0x4  }
0xd8: {  	v5 =	vshll.u32 v3, $0x10;
	v45 =	vshll.u32 v4, $0x10  }
0xd9: {  	v3 =	vand.u32 $0xFFFF0000, v3;
	v4 =	vand.u32 $0xFFFF0000, v4;
	v5 =	vadd.f32 v45, v5  }
0xda: {  	v3 =	vadd.f32 v4, v3  }
0xdb: {  	[tilespmem:s21+$0x270] =	vst.add.f32.msk $0xffff, v5  }
0xdc: {  	[tilespmem:s21+$0x1270] =	vst.add.f32.msk $0xffff, v3  }
0xdd: {  	v3 =	vld [tilespmem:s20+$0x8600]  }
0xde: {  	v4 =	vld [tilespmem:s20+$0x10600];
	_ =	sdelay $0x4  }
0xdf: {  	v5 =	vshll.u32 v3, $0x10;
	v46 =	vshll.u32 v4, $0x10  }
0xe0: {  	v3 =	vand.u32 $0xFFFF0000, v3;
	v4 =	vand.u32 $0xFFFF0000, v4;
	v5 =	vadd.f32 v46, v5  }
0xe1: {  	v3 =	vadd.f32 v4, v3  }
0xe2: {  	[tilespmem:s21+$0x600] =	vst.add.f32.msk $0xffff, v5  }
0xe3: {  	[tilespmem:s21+$0x1600] =	vst.add.f32.msk $0xffff, v3  }
0xe4: {  	v3 =	vld [tilespmem:s20+$0x8610]  }
0xe5: {  	v4 =	vld [tilespmem:s20+$0x10610];
	_ =	sdelay $0x4  }
0xe6: {  	v5 =	vshll.u32 v3, $0x10;
	v47 =	vshll.u32 v4, $0x10  }
0xe7: {  	v3 =	vand.u32 $0xFFFF0000, v3;
	v4 =	vand.u32 $0xFFFF0000, v4;
	v5 =	vadd.f32 v47, v5  }
0xe8: {  	v3 =	vadd.f32 v4, v3  }
0xe9: {  	[tilespmem:s21+$0x610] =	vst.add.f32.msk $0xffff, v5  }
0xea: {  	[tilespmem:s21+$0x1610] =	vst.add.f32.msk $0xffff, v3  }
0xeb: {  	v3 =	vld [tilespmem:s20+$0x8620]  }
0xec: {  	v4 =	vld [tilespmem:s20+$0x10620];
	_ =	sdelay $0x4  }
0xed: {  	v5 =	vshll.u32 v3, $0x10;
	v48 =	vshll.u32 v4, $0x10  }
0xee: {  	v3 =	vand.u32 $0xFFFF0000, v3;
	v4 =	vand.u32 $0xFFFF0000, v4;
	v5 =	vadd.f32 v48, v5  }
0xef: {  	v3 =	vadd.f32 v4, v3  }
0xf0: {  	[tilespmem:s21+$0x620] =	vst.add.f32.msk $0xffff, v5  }
0xf1: {  	[tilespmem:s21+$0x1620] =	vst.add.f32.msk $0xffff, v3  }
0xf2: {  	v3 =	vld [tilespmem:s20+$0x8630]  }
0xf3: {  	v4 =	vld [tilespmem:s20+$0x10630];
	_ =	sdelay $0x4  }
0xf4: {  	v5 =	vshll.u32 v3, $0x10;
	v49 =	vshll.u32 v4, $0x10  }
0xf5: {  	v3 =	vand.u32 $0xFFFF0000, v3;
	v4 =	vand.u32 $0xFFFF0000, v4;
	v5 =	vadd.f32 v49, v5  }
0xf6: {  	v3 =	vadd.f32 v4, v3  }
0xf7: {  	[tilespmem:s21+$0x630] =	vst.add.f32.msk $0xffff, v5  }
0xf8: {  	[tilespmem:s21+$0x1630] =	vst.add.f32.msk $0xffff, v3  }
0xf9: {  	v3 =	vld [tilespmem:s20+$0x8640]  }
0xfa: {  	v4 =	vld [tilespmem:s20+$0x10640];
	_ =	sdelay $0x4  }
0xfb: {  	v5 =	vshll.u32 v3, $0x10;
	v50 =	vshll.u32 v4, $0x10  }
0xfc: {  	v3 =	vand.u32 $0xFFFF0000, v3;
	v4 =	vand.u32 $0xFFFF0000, v4;
	v5 =	vadd.f32 v50, v5  }
0xfd: {  	v3 =	vadd.f32 v4, v3  }
0xfe: {  	[tilespmem:s21+$0x640] =	vst.add.f32.msk $0xffff, v5  }
0xff: {  	[tilespmem:s21+$0x1640] =	vst.add.f32.msk $0xffff, v3  }
0x100: {  	v3 =	vld [tilespmem:s20+$0x8650]  }
0x101: {  	v4 =	vld [tilespmem:s20+$0x10650];
	_ =	sdelay $0x4  }
0x102: {  	v5 =	vshll.u32 v3, $0x10;
	v51 =	vshll.u32 v4, $0x10  }
0x103: {  	v3 =	vand.u32 $0xFFFF0000, v3;
	v4 =	vand.u32 $0xFFFF0000, v4;
	v5 =	vadd.f32 v51, v5  }
0x104: {  	v3 =	vadd.f32 v4, v3  }
0x105: {  	[tilespmem:s21+$0x650] =	vst.add.f32.msk $0xffff, v5  }
0x106: {  	[tilespmem:s21+$0x1650] =	vst.add.f32.msk $0xffff, v3  }
0x107: {  	v3 =	vld [tilespmem:s20+$0x8660]  }
0x108: {  	v4 =	vld [tilespmem:s20+$0x10660];
	_ =	sdelay $0x4  }
0x109: {  	v5 =	vshll.u32 v3, $0x10;
	v52 =	vshll.u32 v4, $0x10  }
0x10a: {  	v3 =	vand.u32 $0xFFFF0000, v3;
	v4 =	vand.u32 $0xFFFF0000, v4;
	v5 =	vadd.f32 v52, v5  }
0x10b: {  	v3 =	vadd.f32 v4, v3  }
0x10c: {  	[tilespmem:s21+$0x660] =	vst.add.f32.msk $0xffff, v5  }
0x10d: {  	[tilespmem:s21+$0x1660] =	vst.add.f32.msk $0xffff, v3  }
0x10e: {  	v3 =	vld [tilespmem:s20+$0x8670]  }
0x10f: {  	v4 =	vld [tilespmem:s20+$0x10670];
	_ =	sdelay $0x4  }
0x110: {  	v5 =	vshll.u32 v3, $0x10;
	v53 =	vshll.u32 v4, $0x10  }
0x111: {  	v3 =	vand.u32 $0xFFFF0000, v3;
	v4 =	vand.u32 $0xFFFF0000, v4;
	v5 =	vadd.f32 v53, v5  }
0x112: {  	v3 =	vadd.f32 v4, v3  }
0x113: {  	[tilespmem:s21+$0x670] =	vst.add.f32.msk $0xffff, v5  }
0x114: {  	[tilespmem:s21+$0x1670] =	vst.add.f32.msk $0xffff, v3  }
0x115: {  	v3 =	vld [tilespmem:s20+$0x8A00]  }
0x116: {  	v4 =	vld [tilespmem:s20+$0x10A00];
	_ =	sdelay $0x4  }
0x117: {  	v5 =	vshll.u32 v3, $0x10;
	v54 =	vshll.u32 v4, $0x10  }
0x118: {  	v3 =	vand.u32 $0xFFFF0000, v3;
	v4 =	vand.u32 $0xFFFF0000, v4;
	v5 =	vadd.f32 v54, v5  }
0x119: {  	v3 =	vadd.f32 v4, v3  }
0x11a: {  	[tilespmem:s21+$0xA00] =	vst.add.f32.msk $0xffff, v5  }
0x11b: {  	[tilespmem:s21+$0x1A00] =	vst.add.f32.msk $0xffff, v3  }
0x11c: {  	v3 =	vld [tilespmem:s20+$0x8A10]  }
0x11d: {  	v4 =	vld [tilespmem:s20+$0x10A10];
	_ =	sdelay $0x4  }
0x11e: {  	v5 =	vshll.u32 v3, $0x10;
	v55 =	vshll.u32 v4, $0x10  }
0x11f: {  	v3 =	vand.u32 $0xFFFF0000, v3;
	v4 =	vand.u32 $0xFFFF0000, v4;
	v5 =	vadd.f32 v55, v5  }
0x120: {  	v3 =	vadd.f32 v4, v3  }
0x121: {  	[tilespmem:s21+$0xA10] =	vst.add.f32.msk $0xffff, v5  }
0x122: {  	[tilespmem:s21+$0x1A10] =	vst.add.f32.msk $0xffff, v3  }
0x123: {  	v3 =	vld [tilespmem:s20+$0x8A20]  }
0x124: {  	v4 =	vld [tilespmem:s20+$0x10A20];
	_ =	sdelay $0x4  }
0x125: {  	v5 =	vshll.u32 v3, $0x10;
	v56 =	vshll.u32 v4, $0x10  }
0x126: {  	v3 =	vand.u32 $0xFFFF0000, v3;
	v4 =	vand.u32 $0xFFFF0000, v4;
	v5 =	vadd.f32 v56, v5  }
0x127: {  	v3 =	vadd.f32 v4, v3  }
0x128: {  	[tilespmem:s21+$0xA20] =	vst.add.f32.msk $0xffff, v5  }
0x129: {  	[tilespmem:s21+$0x1A20] =	vst.add.f32.msk $0xffff, v3  }
0x12a: {  	v3 =	vld [tilespmem:s20+$0x8A30]  }
0x12b: {  	v4 =	vld [tilespmem:s20+$0x10A30];
	_ =	sdelay $0x4  }
0x12c: {  	v5 =	vshll.u32 v3, $0x10;
	v57 =	vshll.u32 v4, $0x10  }
0x12d: {  	v3 =	vand.u32 $0xFFFF0000, v3;
	v4 =	vand.u32 $0xFFFF0000, v4;
	v5 =	vadd.f32 v57, v5  }
0x12e: {  	v3 =	vadd.f32 v4, v3  }
0x12f: {  	[tilespmem:s21+$0xA30] =	vst.add.f32.msk $0xffff, v5  }
0x130: {  	[tilespmem:s21+$0x1A30] =	vst.add.f32.msk $0xffff, v3  }
0x131: {  	v3 =	vld [tilespmem:s20+$0x8A40]  }
0x132: {  	v4 =	vld [tilespmem:s20+$0x10A40];
	_ =	sdelay $0x4  }
0x133: {  	v5 =	vshll.u32 v3, $0x10;
	v58 =	vshll.u32 v4, $0x10  }
0x134: {  	v3 =	vand.u32 $0xFFFF0000, v3;
	v4 =	vand.u32 $0xFFFF0000, v4;
	v5 =	vadd.f32 v58, v5  }
0x135: {  	v3 =	vadd.f32 v4, v3  }
0x136: {  	[tilespmem:s21+$0xA40] =	vst.add.f32.msk $0xffff, v5  }
0x137: {  	[tilespmem:s21+$0x1A40] =	vst.add.f32.msk $0xffff, v3  }
0x138: {  	v3 =	vld [tilespmem:s20+$0x8A50]  }
0x139: {  	v4 =	vld [tilespmem:s20+$0x10A50];
	_ =	sdelay $0x4  }
0x13a: {  	v5 =	vshll.u32 v3, $0x10;
	v59 =	vshll.u32 v4, $0x10  }
0x13b: {  	v3 =	vand.u32 $0xFFFF0000, v3;
	v4 =	vand.u32 $0xFFFF0000, v4;
	v5 =	vadd.f32 v59, v5  }
0x13c: {  	v3 =	vadd.f32 v4, v3  }
0x13d: {  	[tilespmem:s21+$0xA50] =	vst.add.f32.msk $0xffff, v5  }
0x13e: {  	[tilespmem:s21+$0x1A50] =	vst.add.f32.msk $0xffff, v3  }
0x13f: {  	v3 =	vld [tilespmem:s20+$0x8A60]  }
0x140: {  	v4 =	vld [tilespmem:s20+$0x10A60];
	_ =	sdelay $0x4  }
0x141: {  	v5 =	vshll.u32 v3, $0x10;
	v60 =	vshll.u32 v4, $0x10  }
0x142: {  	v3 =	vand.u32 $0xFFFF0000, v3;
	v4 =	vand.u32 $0xFFFF0000, v4;
	v5 =	vadd.f32 v60, v5  }
0x143: {  	v3 =	vadd.f32 v4, v3  }
0x144: {  	[tilespmem:s21+$0xA60] =	vst.add.f32.msk $0xffff, v5  }
0x145: {  	[tilespmem:s21+$0x1A60] =	vst.add.f32.msk $0xffff, v3  }
0x146: {  	v3 =	vld [tilespmem:s20+$0x8A70]  }
0x147: {  	v4 =	vld [tilespmem:s20+$0x10A70];
	_ =	sdelay $0x4  }
0x148: {  	v5 =	vshll.u32 v3, $0x10;
	v61 =	vshll.u32 v4, $0x10  }
0x149: {  	v3 =	vand.u32 $0xFFFF0000, v3;
	v4 =	vand.u32 $0xFFFF0000, v4;
	v5 =	vadd.f32 v61, v5  }
0x14a: {  	v3 =	vadd.f32 v4, v3  }
0x14b: {  	[tilespmem:s21+$0xA70] =	vst.add.f32.msk $0xffff, v5  }
0x14c: {  	[tilespmem:s21+$0x1A70] =	vst.add.f32.msk $0xffff, v3  }
0x14d: {  	v3 =	vld [tilespmem:s20+$0x8E00]  }
0x14e: {  	v4 =	vld [tilespmem:s20+$0x10E00];
	_ =	sdelay $0x4  }
0x14f: {  	v5 =	vshll.u32 v3, $0x10;
	v62 =	vshll.u32 v4, $0x10  }
0x150: {  	v3 =	vand.u32 $0xFFFF0000, v3;
	v4 =	vand.u32 $0xFFFF0000, v4;
	v5 =	vadd.f32 v62, v5  }
0x151: {  	v3 =	vadd.f32 v4, v3  }
0x152: {  	[tilespmem:s21+$0xE00] =	vst.add.f32.msk $0xffff, v5  }
0x153: {  	[tilespmem:s21+$0x1E00] =	vst.add.f32.msk $0xffff, v3  }
0x154: {  	v3 =	vld [tilespmem:s20+$0x8E10]  }
0x155: {  	v4 =	vld [tilespmem:s20+$0x10E10];
	_ =	sdelay $0x4  }
0x156: {  	v5 =	vshll.u32 v3, $0x10;
	v63 =	vshll.u32 v4, $0x10  }
0x157: {  	v3 =	vand.u32 $0xFFFF0000, v3;
	v4 =	vand.u32 $0xFFFF0000, v4;
	v5 =	vadd.f32 v63, v5  }
0x158: {  	v3 =	vadd.f32 v4, v3  }
0x159: {  	[tilespmem:s21+$0xE10] =	vst.add.f32.msk $0xffff, v5  }
0x15a: {  	[tilespmem:s21+$0x1E10] =	vst.add.f32.msk $0xffff, v3  }
0x15b: {  	s22 =	simm.s32 $0x1;
	s23 =	simm.s32 $0x0;
	v3 =	vld [tilespmem:s20+$0x8E20]  }
.LBB2_2:
0x15c: {  	p0 =	sne.s32 s22, $0x1F  }
0x15d: {  	v4 =	vld [tilespmem:s20+$0x10E20];
	s23 =	sadd.s32 $0x80, s23;
	s24 =	smov.u32 s22;
	s22 =	sadd.s32 $0x1, s22  }
0x15e: {  	_ =	sdelay $0x2  }
0x15f: {  	v5 =	vshll.u32 v3, $0x10;
	v3 =	vand.u32 $0xFFFF0000, v3  }
0x160: {  	v6 =	vshll.u32 v4, $0x10;
	v4 =	vand.u32 $0xFFFF0000, v4  }
0x161: {  	v5 =	vadd.f32 v6, v5;
	v3 =	vadd.f32 v4, v3;
	_ =	sdelay $0x1  }
0x162: {  	[tilespmem:s21+$0xE20] =	vst.add.f32.msk $0xffff, v5  }
0x163: {  	[tilespmem:s21+$0x1E20] =	vst.add.f32.msk $0xffff, v3  }
0x164: {  	v3 =	vld [tilespmem:s20+$0x8E30]  }
0x165: {  	v4 =	vld [tilespmem:s20+$0x10E30];
	_ =	sdelay $0x3  }
0x166: {  	v5 =	vshll.u32 v3, $0x10;
	v3 =	vand.u32 $0xFFFF0000, v3  }
0x167: {  	v6 =	vshll.u32 v4, $0x10;
	v4 =	vand.u32 $0xFFFF0000, v4  }
0x168: {  	v5 =	vadd.f32 v6, v5;
	v3 =	vadd.f32 v4, v3;
	_ =	sdelay $0x1  }
0x169: {  	[tilespmem:s21+$0xE30] =	vst.add.f32.msk $0xffff, v5  }
0x16a: {  	[tilespmem:s21+$0x1E30] =	vst.add.f32.msk $0xffff, v3  }
0x16b: {  	v3 =	vld [tilespmem:s20+$0x8E40]  }
0x16c: {  	v4 =	vld [tilespmem:s20+$0x10E40];
	_ =	sdelay $0x3  }
0x16d: {  	v5 =	vshll.u32 v3, $0x10;
	v3 =	vand.u32 $0xFFFF0000, v3  }
0x16e: {  	v6 =	vshll.u32 v4, $0x10;
	v4 =	vand.u32 $0xFFFF0000, v4  }
0x16f: {  	v5 =	vadd.f32 v6, v5;
	v3 =	vadd.f32 v4, v3;
	_ =	sdelay $0x1  }
0x170: {  	[tilespmem:s21+$0xE40] =	vst.add.f32.msk $0xffff, v5  }
0x171: {  	[tilespmem:s21+$0x1E40] =	vst.add.f32.msk $0xffff, v3  }
0x172: {  	v3 =	vld [tilespmem:s20+$0x8E50]  }
0x173: {  	v4 =	vld [tilespmem:s20+$0x10E50];
	_ =	sdelay $0x3  }
0x174: {  	v5 =	vshll.u32 v3, $0x10;
	v3 =	vand.u32 $0xFFFF0000, v3  }
0x175: {  	v6 =	vshll.u32 v4, $0x10;
	v4 =	vand.u32 $0xFFFF0000, v4  }
0x176: {  	v5 =	vadd.f32 v6, v5;
	v3 =	vadd.f32 v4, v3;
	_ =	sdelay $0x1  }
0x177: {  	[tilespmem:s21+$0xE50] =	vst.add.f32.msk $0xffff, v5  }
0x178: {  	[tilespmem:s21+$0x1E50] =	vst.add.f32.msk $0xffff, v3  }
0x179: {  	v3 =	vld [tilespmem:s20+$0x8E60]  }
0x17a: {  	v4 =	vld [tilespmem:s20+$0x10E60];
	_ =	sdelay $0x3  }
0x17b: {  	v5 =	vshll.u32 v3, $0x10;
	v3 =	vand.u32 $0xFFFF0000, v3  }
0x17c: {  	v6 =	vshll.u32 v4, $0x10;
	v4 =	vand.u32 $0xFFFF0000, v4  }
0x17d: {  	v5 =	vadd.f32 v6, v5;
	v3 =	vadd.f32 v4, v3;
	_ =	sdelay $0x1  }
0x17e: {  	[tilespmem:s21+$0xE60] =	vst.add.f32.msk $0xffff, v5  }
0x17f: {  	[tilespmem:s21+$0x1E60] =	vst.add.f32.msk $0xffff, v3  }
0x180: {  	v3 =	vld [tilespmem:s20+$0x8E70]  }
0x181: {  	v4 =	vld [tilespmem:s20+$0x10E70];
	_ =	sdelay $0x3  }
0x182: {  	v5 =	vshll.u32 v3, $0x10;
	v3 =	vand.u32 $0xFFFF0000, v3  }
0x183: {  	v6 =	vshll.u32 v4, $0x10;
	v4 =	vand.u32 $0xFFFF0000, v4  }
0x184: {  	v5 =	vadd.f32 v6, v5;
	v3 =	vadd.f32 v4, v3  }
0x185: {  	s20 =	sshll.u32 s24, $0x9  }
0x186: {  	s25 =	sand.u32 $0x380, s23;
	s20 =	sand.u32 $0xFFFFF000, s20;
	[tilespmem:s21+$0xE70] =	vst.add.f32.msk $0xffff, v5  }
0x187: {  	s20 =	sor.u32 s25, s20;
	[tilespmem:s21+$0x1E70] =	vst.add.f32.msk $0xffff, v3  }
0x188: {  	v3 =	vld [tilespmem:s20+$0x8200]  }
0x189: {  	v4 =	vld [tilespmem:s20+$0x10200];
	_ =	sdelay $0x3  }
0x18a: {  	v5 =	vshll.u32 v3, $0x10;
	v3 =	vand.u32 $0xFFFF0000, v3  }
0x18b: {  	s21 =	sshll.u32 s24, $0xA;
	v6 =	vshll.u32 v4, $0x10;
	v4 =	vand.u32 $0xFFFF0000, v4  }
0x18c: {  	s21 =	sand.u32 $0x3FFFE000, s21;
	v5 =	vadd.f32 v6, v5;
	v3 =	vadd.f32 v4, v3  }
0x18d: {  	s21 =	sor.u32 s25, s21  }
0x18e: {  	[tilespmem:s21+$0x200] =	vst.add.f32.msk $0xffff, v5  }
0x18f: {  	[tilespmem:s21+$0x1200] =	vst.add.f32.msk $0xffff, v3  }
0x190: {  	v3 =	vld [tilespmem:s20+$0x8210]  }
0x191: {  	v4 =	vld [tilespmem:s20+$0x10210];
	_ =	sdelay $0x3  }
0x192: {  	v5 =	vshll.u32 v3, $0x10;
	v3 =	vand.u32 $0xFFFF0000, v3  }
0x193: {  	v6 =	vshll.u32 v4, $0x10;
	v4 =	vand.u32 $0xFFFF0000, v4  }
0x194: {  	v5 =	vadd.f32 v6, v5;
	v3 =	vadd.f32 v4, v3;
	_ =	sdelay $0x1  }
0x195: {  	[tilespmem:s21+$0x210] =	vst.add.f32.msk $0xffff, v5  }
0x196: {  	[tilespmem:s21+$0x1210] =	vst.add.f32.msk $0xffff, v3  }
0x197: {  	v3 =	vld [tilespmem:s20+$0x8220]  }
0x198: {  	v4 =	vld [tilespmem:s20+$0x10220];
	_ =	sdelay $0x3  }
0x199: {  	v5 =	vshll.u32 v3, $0x10;
	v3 =	vand.u32 $0xFFFF0000, v3  }
0x19a: {  	v6 =	vshll.u32 v4, $0x10;
	v4 =	vand.u32 $0xFFFF0000, v4  }
0x19b: {  	v5 =	vadd.f32 v6, v5;
	v3 =	vadd.f32 v4, v3;
	_ =	sdelay $0x1  }
0x19c: {  	[tilespmem:s21+$0x220] =	vst.add.f32.msk $0xffff, v5  }
0x19d: {  	[tilespmem:s21+$0x1220] =	vst.add.f32.msk $0xffff, v3  }
0x19e: {  	v3 =	vld [tilespmem:s20+$0x8230]  }
0x19f: {  	v4 =	vld [tilespmem:s20+$0x10230];
	_ =	sdelay $0x3  }
0x1a0: {  	v5 =	vshll.u32 v3, $0x10;
	v3 =	vand.u32 $0xFFFF0000, v3  }
0x1a1: {  	v6 =	vshll.u32 v4, $0x10;
	v4 =	vand.u32 $0xFFFF0000, v4  }
0x1a2: {  	v5 =	vadd.f32 v6, v5;
	v3 =	vadd.f32 v4, v3;
	_ =	sdelay $0x1  }
0x1a3: {  	[tilespmem:s21+$0x230] =	vst.add.f32.msk $0xffff, v5  }
0x1a4: {  	[tilespmem:s21+$0x1230] =	vst.add.f32.msk $0xffff, v3  }
0x1a5: {  	v3 =	vld [tilespmem:s20+$0x8240]  }
0x1a6: {  	v4 =	vld [tilespmem:s20+$0x10240];
	_ =	sdelay $0x3  }
0x1a7: {  	v5 =	vshll.u32 v3, $0x10;
	v3 =	vand.u32 $0xFFFF0000, v3  }
0x1a8: {  	v6 =	vshll.u32 v4, $0x10;
	v4 =	vand.u32 $0xFFFF0000, v4  }
0x1a9: {  	v5 =	vadd.f32 v6, v5;
	v3 =	vadd.f32 v4, v3;
	_ =	sdelay $0x1  }
0x1aa: {  	[tilespmem:s21+$0x240] =	vst.add.f32.msk $0xffff, v5  }
0x1ab: {  	[tilespmem:s21+$0x1240] =	vst.add.f32.msk $0xffff, v3  }
0x1ac: {  	v3 =	vld [tilespmem:s20+$0x8250]  }
0x1ad: {  	v4 =	vld [tilespmem:s20+$0x10250];
	_ =	sdelay $0x3  }
0x1ae: {  	v5 =	vshll.u32 v3, $0x10;
	v3 =	vand.u32 $0xFFFF0000, v3  }
0x1af: {  	v6 =	vshll.u32 v4, $0x10;
	v4 =	vand.u32 $0xFFFF0000, v4  }
0x1b0: {  	v5 =	vadd.f32 v6, v5;
	v3 =	vadd.f32 v4, v3;
	_ =	sdelay $0x1  }
0x1b1: {  	[tilespmem:s21+$0x250] =	vst.add.f32.msk $0xffff, v5  }
0x1b2: {  	[tilespmem:s21+$0x1250] =	vst.add.f32.msk $0xffff, v3  }
0x1b3: {  	v3 =	vld [tilespmem:s20+$0x8260]  }
0x1b4: {  	v4 =	vld [tilespmem:s20+$0x10260];
	_ =	sdelay $0x3  }
0x1b5: {  	v5 =	vshll.u32 v3, $0x10;
	v3 =	vand.u32 $0xFFFF0000, v3  }
0x1b6: {  	v6 =	vshll.u32 v4, $0x10;
	v4 =	vand.u32 $0xFFFF0000, v4  }
0x1b7: {  	v5 =	vadd.f32 v6, v5;
	v3 =	vadd.f32 v4, v3;
	_ =	sdelay $0x1  }
0x1b8: {  	[tilespmem:s21+$0x260] =	vst.add.f32.msk $0xffff, v5  }
0x1b9: {  	[tilespmem:s21+$0x1260] =	vst.add.f32.msk $0xffff, v3  }
0x1ba: {  	v3 =	vld [tilespmem:s20+$0x8270]  }
0x1bb: {  	v4 =	vld [tilespmem:s20+$0x10270];
	_ =	sdelay $0x3  }
0x1bc: {  	v5 =	vshll.u32 v3, $0x10;
	v3 =	vand.u32 $0xFFFF0000, v3  }
0x1bd: {  	v6 =	vshll.u32 v4, $0x10;
	v4 =	vand.u32 $0xFFFF0000, v4  }
0x1be: {  	v5 =	vadd.f32 v6, v5;
	v3 =	vadd.f32 v4, v3;
	_ =	sdelay $0x1  }
0x1bf: {  	[tilespmem:s21+$0x270] =	vst.add.f32.msk $0xffff, v5  }
0x1c0: {  	[tilespmem:s21+$0x1270] =	vst.add.f32.msk $0xffff, v3  }
0x1c1: {  	v3 =	vld [tilespmem:s20+$0x8600]  }
0x1c2: {  	v4 =	vld [tilespmem:s20+$0x10600];
	_ =	sdelay $0x3  }
0x1c3: {  	v5 =	vshll.u32 v3, $0x10;
	v3 =	vand.u32 $0xFFFF0000, v3  }
0x1c4: {  	v6 =	vshll.u32 v4, $0x10;
	v4 =	vand.u32 $0xFFFF0000, v4  }
0x1c5: {  	v5 =	vadd.f32 v6, v5;
	v3 =	vadd.f32 v4, v3;
	_ =	sdelay $0x1  }
0x1c6: {  	[tilespmem:s21+$0x600] =	vst.add.f32.msk $0xffff, v5  }
0x1c7: {  	[tilespmem:s21+$0x1600] =	vst.add.f32.msk $0xffff, v3  }
0x1c8: {  	v3 =	vld [tilespmem:s20+$0x8610]  }
0x1c9: {  	v4 =	vld [tilespmem:s20+$0x10610];
	_ =	sdelay $0x3  }
0x1ca: {  	v5 =	vshll.u32 v3, $0x10;
	v3 =	vand.u32 $0xFFFF0000, v3  }
0x1cb: {  	v6 =	vshll.u32 v4, $0x10;
	v4 =	vand.u32 $0xFFFF0000, v4  }
0x1cc: {  	v5 =	vadd.f32 v6, v5;
	v3 =	vadd.f32 v4, v3;
	_ =	sdelay $0x1  }
0x1cd: {  	[tilespmem:s21+$0x610] =	vst.add.f32.msk $0xffff, v5  }
0x1ce: {  	[tilespmem:s21+$0x1610] =	vst.add.f32.msk $0xffff, v3  }
0x1cf: {  	v3 =	vld [tilespmem:s20+$0x8620]  }
0x1d0: {  	v4 =	vld [tilespmem:s20+$0x10620];
	_ =	sdelay $0x3  }
0x1d1: {  	v5 =	vshll.u32 v3, $0x10;
	v3 =	vand.u32 $0xFFFF0000, v3  }
0x1d2: {  	v6 =	vshll.u32 v4, $0x10;
	v4 =	vand.u32 $0xFFFF0000, v4  }
0x1d3: {  	v5 =	vadd.f32 v6, v5;
	v3 =	vadd.f32 v4, v3;
	_ =	sdelay $0x1  }
0x1d4: {  	[tilespmem:s21+$0x620] =	vst.add.f32.msk $0xffff, v5  }
0x1d5: {  	[tilespmem:s21+$0x1620] =	vst.add.f32.msk $0xffff, v3  }
0x1d6: {  	v3 =	vld [tilespmem:s20+$0x8630]  }
0x1d7: {  	v4 =	vld [tilespmem:s20+$0x10630];
	_ =	sdelay $0x3  }
0x1d8: {  	v5 =	vshll.u32 v3, $0x10;
	v3 =	vand.u32 $0xFFFF0000, v3  }
0x1d9: {  	v6 =	vshll.u32 v4, $0x10;
	v4 =	vand.u32 $0xFFFF0000, v4  }
0x1da: {  	v5 =	vadd.f32 v6, v5;
	v3 =	vadd.f32 v4, v3;
	_ =	sdelay $0x1  }
0x1db: {  	[tilespmem:s21+$0x630] =	vst.add.f32.msk $0xffff, v5  }
0x1dc: {  	[tilespmem:s21+$0x1630] =	vst.add.f32.msk $0xffff, v3  }
0x1dd: {  	v3 =	vld [tilespmem:s20+$0x8640]  }
0x1de: {  	v4 =	vld [tilespmem:s20+$0x10640];
	_ =	sdelay $0x3  }
0x1df: {  	v5 =	vshll.u32 v3, $0x10;
	v3 =	vand.u32 $0xFFFF0000, v3  }
0x1e0: {  	v6 =	vshll.u32 v4, $0x10;
	v4 =	vand.u32 $0xFFFF0000, v4  }
0x1e1: {  	v5 =	vadd.f32 v6, v5;
	v3 =	vadd.f32 v4, v3;
	_ =	sdelay $0x1  }
0x1e2: {  	[tilespmem:s21+$0x640] =	vst.add.f32.msk $0xffff, v5  }
0x1e3: {  	[tilespmem:s21+$0x1640] =	vst.add.f32.msk $0xffff, v3  }
0x1e4: {  	v3 =	vld [tilespmem:s20+$0x8650]  }
0x1e5: {  	v4 =	vld [tilespmem:s20+$0x10650];
	_ =	sdelay $0x3  }
0x1e6: {  	v5 =	vshll.u32 v3, $0x10;
	v3 =	vand.u32 $0xFFFF0000, v3  }
0x1e7: {  	v6 =	vshll.u32 v4, $0x10;
	v4 =	vand.u32 $0xFFFF0000, v4  }
0x1e8: {  	v5 =	vadd.f32 v6, v5;
	v3 =	vadd.f32 v4, v3;
	_ =	sdelay $0x1  }
0x1e9: {  	[tilespmem:s21+$0x650] =	vst.add.f32.msk $0xffff, v5  }
0x1ea: {  	[tilespmem:s21+$0x1650] =	vst.add.f32.msk $0xffff, v3  }
0x1eb: {  	v3 =	vld [tilespmem:s20+$0x8660]  }
0x1ec: {  	v4 =	vld [tilespmem:s20+$0x10660];
	_ =	sdelay $0x3  }
0x1ed: {  	v5 =	vshll.u32 v3, $0x10;
	v3 =	vand.u32 $0xFFFF0000, v3  }
0x1ee: {  	v6 =	vshll.u32 v4, $0x10;
	v4 =	vand.u32 $0xFFFF0000, v4  }
0x1ef: {  	v5 =	vadd.f32 v6, v5;
	v3 =	vadd.f32 v4, v3;
	_ =	sdelay $0x1  }
0x1f0: {  	[tilespmem:s21+$0x660] =	vst.add.f32.msk $0xffff, v5  }
0x1f1: {  	[tilespmem:s21+$0x1660] =	vst.add.f32.msk $0xffff, v3  }
0x1f2: {  	v3 =	vld [tilespmem:s20+$0x8670]  }
0x1f3: {  	v4 =	vld [tilespmem:s20+$0x10670];
	_ =	sdelay $0x3  }
0x1f4: {  	v5 =	vshll.u32 v3, $0x10;
	v3 =	vand.u32 $0xFFFF0000, v3  }
0x1f5: {  	v6 =	vshll.u32 v4, $0x10;
	v4 =	vand.u32 $0xFFFF0000, v4  }
0x1f6: {  	v5 =	vadd.f32 v6, v5;
	v3 =	vadd.f32 v4, v3;
	_ =	sdelay $0x1  }
0x1f7: {  	[tilespmem:s21+$0x670] =	vst.add.f32.msk $0xffff, v5  }
0x1f8: {  	[tilespmem:s21+$0x1670] =	vst.add.f32.msk $0xffff, v3  }
0x1f9: {  	v3 =	vld [tilespmem:s20+$0x8A00]  }
0x1fa: {  	v4 =	vld [tilespmem:s20+$0x10A00];
	_ =	sdelay $0x3  }
0x1fb: {  	v5 =	vshll.u32 v3, $0x10;
	v3 =	vand.u32 $0xFFFF0000, v3  }
0x1fc: {  	v6 =	vshll.u32 v4, $0x10;
	v4 =	vand.u32 $0xFFFF0000, v4  }
0x1fd: {  	v5 =	vadd.f32 v6, v5;
	v3 =	vadd.f32 v4, v3;
	_ =	sdelay $0x1  }
0x1fe: {  	[tilespmem:s21+$0xA00] =	vst.add.f32.msk $0xffff, v5  }
0x1ff: {  	[tilespmem:s21+$0x1A00] =	vst.add.f32.msk $0xffff, v3  }
0x200: {  	v3 =	vld [tilespmem:s20+$0x8A10]  }
0x201: {  	v4 =	vld [tilespmem:s20+$0x10A10];
	_ =	sdelay $0x3  }
0x202: {  	v5 =	vshll.u32 v3, $0x10;
	v3 =	vand.u32 $0xFFFF0000, v3  }
0x203: {  	v6 =	vshll.u32 v4, $0x10;
	v4 =	vand.u32 $0xFFFF0000, v4  }
0x204: {  	v5 =	vadd.f32 v6, v5;
	v3 =	vadd.f32 v4, v3;
	_ =	sdelay $0x1  }
0x205: {  	[tilespmem:s21+$0xA10] =	vst.add.f32.msk $0xffff, v5  }
0x206: {  	[tilespmem:s21+$0x1A10] =	vst.add.f32.msk $0xffff, v3  }
0x207: {  	v3 =	vld [tilespmem:s20+$0x8A20]  }
0x208: {  	v4 =	vld [tilespmem:s20+$0x10A20];
	_ =	sdelay $0x3  }
0x209: {  	v5 =	vshll.u32 v3, $0x10;
	v3 =	vand.u32 $0xFFFF0000, v3  }
0x20a: {  	v6 =	vshll.u32 v4, $0x10;
	v4 =	vand.u32 $0xFFFF0000, v4  }
0x20b: {  	v5 =	vadd.f32 v6, v5;
	v3 =	vadd.f32 v4, v3;
	_ =	sdelay $0x1  }
0x20c: {  	[tilespmem:s21+$0xA20] =	vst.add.f32.msk $0xffff, v5  }
0x20d: {  	[tilespmem:s21+$0x1A20] =	vst.add.f32.msk $0xffff, v3  }
0x20e: {  	v3 =	vld [tilespmem:s20+$0x8A30]  }
0x20f: {  	v4 =	vld [tilespmem:s20+$0x10A30];
	_ =	sdelay $0x3  }
0x210: {  	v5 =	vshll.u32 v3, $0x10;
	v3 =	vand.u32 $0xFFFF0000, v3  }
0x211: {  	v6 =	vshll.u32 v4, $0x10;
	v4 =	vand.u32 $0xFFFF0000, v4  }
0x212: {  	v5 =	vadd.f32 v6, v5;
	v3 =	vadd.f32 v4, v3;
	_ =	sdelay $0x1  }
0x213: {  	[tilespmem:s21+$0xA30] =	vst.add.f32.msk $0xffff, v5  }
0x214: {  	[tilespmem:s21+$0x1A30] =	vst.add.f32.msk $0xffff, v3  }
0x215: {  	v3 =	vld [tilespmem:s20+$0x8A40]  }
0x216: {  	v4 =	vld [tilespmem:s20+$0x10A40];
	_ =	sdelay $0x3  }
0x217: {  	v5 =	vshll.u32 v3, $0x10;
	v3 =	vand.u32 $0xFFFF0000, v3  }
0x218: {  	v6 =	vshll.u32 v4, $0x10;
	v4 =	vand.u32 $0xFFFF0000, v4  }
0x219: {  	v5 =	vadd.f32 v6, v5;
	v3 =	vadd.f32 v4, v3;
	_ =	sdelay $0x1  }
0x21a: {  	[tilespmem:s21+$0xA40] =	vst.add.f32.msk $0xffff, v5  }
0x21b: {  	[tilespmem:s21+$0x1A40] =	vst.add.f32.msk $0xffff, v3  }
0x21c: {  	v3 =	vld [tilespmem:s20+$0x8A50]  }
0x21d: {  	v4 =	vld [tilespmem:s20+$0x10A50];
	_ =	sdelay $0x3  }
0x21e: {  	v5 =	vshll.u32 v3, $0x10;
	v3 =	vand.u32 $0xFFFF0000, v3  }
0x21f: {  	v6 =	vshll.u32 v4, $0x10;
	v4 =	vand.u32 $0xFFFF0000, v4  }
0x220: {  	v5 =	vadd.f32 v6, v5;
	v3 =	vadd.f32 v4, v3;
	_ =	sdelay $0x1  }
0x221: {  	[tilespmem:s21+$0xA50] =	vst.add.f32.msk $0xffff, v5  }
0x222: {  	[tilespmem:s21+$0x1A50] =	vst.add.f32.msk $0xffff, v3  }
0x223: {  	v3 =	vld [tilespmem:s20+$0x8A60]  }
0x224: {  	v4 =	vld [tilespmem:s20+$0x10A60];
	_ =	sdelay $0x3  }
0x225: {  	v5 =	vshll.u32 v3, $0x10;
	v3 =	vand.u32 $0xFFFF0000, v3  }
0x226: {  	v6 =	vshll.u32 v4, $0x10;
	v4 =	vand.u32 $0xFFFF0000, v4  }
0x227: {  	v5 =	vadd.f32 v6, v5;
	v3 =	vadd.f32 v4, v3;
	_ =	sdelay $0x1  }
0x228: {  	[tilespmem:s21+$0xA60] =	vst.add.f32.msk $0xffff, v5  }
0x229: {  	[tilespmem:s21+$0x1A60] =	vst.add.f32.msk $0xffff, v3  }
0x22a: {  	v3 =	vld [tilespmem:s20+$0x8A70]  }
0x22b: {  	v4 =	vld [tilespmem:s20+$0x10A70];
	_ =	sdelay $0x3  }
0x22c: {  	v5 =	vshll.u32 v3, $0x10;
	v3 =	vand.u32 $0xFFFF0000, v3  }
0x22d: {  	v6 =	vshll.u32 v4, $0x10;
	v4 =	vand.u32 $0xFFFF0000, v4  }
0x22e: {  	v5 =	vadd.f32 v6, v5;
	v3 =	vadd.f32 v4, v3;
	_ =	sdelay $0x1  }
0x22f: {  	[tilespmem:s21+$0xA70] =	vst.add.f32.msk $0xffff, v5  }
0x230: {  	[tilespmem:s21+$0x1A70] =	vst.add.f32.msk $0xffff, v3  }
0x231: {  	v3 =	vld [tilespmem:s20+$0x8E00]  }
0x232: {  	v4 =	vld [tilespmem:s20+$0x10E00];
	_ =	sdelay $0x3  }
0x233: {  	v5 =	vshll.u32 v3, $0x10;
	v3 =	vand.u32 $0xFFFF0000, v3  }
0x234: {  	v6 =	vshll.u32 v4, $0x10;
	v4 =	vand.u32 $0xFFFF0000, v4  }
0x235: {  	v5 =	vadd.f32 v6, v5;
	v3 =	vadd.f32 v4, v3;
	_ =	sdelay $0x1  }
0x236: {  	[tilespmem:s21+$0xE00] =	vst.add.f32.msk $0xffff, v5  }
0x237: {  	[tilespmem:s21+$0x1E00] =	vst.add.f32.msk $0xffff, v3  }
0x238: {  	v3 =	vld [tilespmem:s20+$0x8E10]  }
0x239: {  	v4 =	vld [tilespmem:s20+$0x10E10];
	_ =	sdelay $0x3  }
0x23a: {  	v5 =	vshll.u32 v3, $0x10;
	v3 =	vand.u32 $0xFFFF0000, v3  }
0x23b: {  	v6 =	vshll.u32 v4, $0x10;
	v4 =	vand.u32 $0xFFFF0000, v4  }
.Ltmp0:
0x23c: {  	v5 =	vadd.f32 v6, v5;
	v3 =	vadd.f32 v4, v3;
	(pc) =	sbr.rel @p0 .LBB2_2-.Ltmp0, $4  }
0x23d: {  	_ = 	snop  }
0x23e: {  	[tilespmem:s21+$0xE10] =	vst.add.f32.msk $0xffff, v5  }
0x23f: {  	[tilespmem:s21+$0x1E10] =	vst.add.f32.msk $0xffff, v3  }
0x240: {  	v3 =	vld [tilespmem:s20+$0x8E20]  }
0x241: {  	v4 =	vld [tilespmem:s20+$0x10E20];
	_ =	sdelay $0x4  }
0x242: {  	v5 =	vshll.u32 v3, $0x10;
	v6 =	vshll.u32 v4, $0x10  }
0x243: {  	v3 =	vand.u32 $0xFFFF0000, v3;
	v4 =	vand.u32 $0xFFFF0000, v4;
	v5 =	vadd.f32 v6, v5  }
0x244: {  	v3 =	vadd.f32 v4, v3  }
0x245: {  	[tilespmem:s21+$0xE20] =	vst.add.f32.msk $0xffff, v5  }
0x246: {  	[tilespmem:s21+$0x1E20] =	vst.add.f32.msk $0xffff, v3  }
0x247: {  	v3 =	vld [tilespmem:s20+$0x8E30]  }
0x248: {  	v4 =	vld [tilespmem:s20+$0x10E30];
	_ =	sdelay $0x4  }
0x249: {  	v5 =	vshll.u32 v3, $0x10;
	v33 =	vshll.u32 v4, $0x10  }
0x24a: {  	v3 =	vand.u32 $0xFFFF0000, v3;
	v4 =	vand.u32 $0xFFFF0000, v4;
	v5 =	vadd.f32 v33, v5  }
0x24b: {  	v3 =	vadd.f32 v4, v3  }
0x24c: {  	[tilespmem:s21+$0xE30] =	vst.add.f32.msk $0xffff, v5  }
0x24d: {  	[tilespmem:s21+$0x1E30] =	vst.add.f32.msk $0xffff, v3  }
0x24e: {  	v3 =	vld [tilespmem:s20+$0x8E40]  }
0x24f: {  	v4 =	vld [tilespmem:s20+$0x10E40];
	_ =	sdelay $0x4  }
0x250: {  	v5 =	vshll.u32 v3, $0x10;
	v34 =	vshll.u32 v4, $0x10  }
0x251: {  	v3 =	vand.u32 $0xFFFF0000, v3;
	v4 =	vand.u32 $0xFFFF0000, v4;
	v5 =	vadd.f32 v34, v5  }
0x252: {  	v3 =	vadd.f32 v4, v3  }
0x253: {  	[tilespmem:s21+$0xE40] =	vst.add.f32.msk $0xffff, v5  }
0x254: {  	[tilespmem:s21+$0x1E40] =	vst.add.f32.msk $0xffff, v3  }
0x255: {  	v3 =	vld [tilespmem:s20+$0x8E50]  }
0x256: {  	v4 =	vld [tilespmem:s20+$0x10E50];
	_ =	sdelay $0x4  }
0x257: {  	v5 =	vshll.u32 v3, $0x10;
	v35 =	vshll.u32 v4, $0x10  }
0x258: {  	v3 =	vand.u32 $0xFFFF0000, v3;
	v4 =	vand.u32 $0xFFFF0000, v4;
	v5 =	vadd.f32 v35, v5  }
0x259: {  	v3 =	vadd.f32 v4, v3  }
0x25a: {  	[tilespmem:s21+$0xE50] =	vst.add.f32.msk $0xffff, v5  }
0x25b: {  	[tilespmem:s21+$0x1E50] =	vst.add.f32.msk $0xffff, v3  }
0x25c: {  	v3 =	vld [tilespmem:s20+$0x8E60]  }
0x25d: {  	v4 =	vld [tilespmem:s20+$0x10E60];
	_ =	sdelay $0x4  }
0x25e: {  	v5 =	vshll.u32 v3, $0x10;
	v36 =	vshll.u32 v4, $0x10  }
0x25f: {  	v3 =	vand.u32 $0xFFFF0000, v3;
	v4 =	vand.u32 $0xFFFF0000, v4;
	v5 =	vadd.f32 v36, v5  }
0x260: {  	v3 =	vadd.f32 v4, v3  }
0x261: {  	[tilespmem:s21+$0xE60] =	vst.add.f32.msk $0xffff, v5  }
0x262: {  	[tilespmem:s21+$0x1E60] =	vst.add.f32.msk $0xffff, v3  }
0x263: {  	v3 =	vld [tilespmem:s20+$0x8E70]  }
0x264: {  	v4 =	vld [tilespmem:s20+$0x10E70];
	_ =	sdelay $0x4  }
0x265: {  	v5 =	vshll.u32 v3, $0x10;
	v37 =	vshll.u32 v4, $0x10  }
0x266: {  	v3 =	vand.u32 $0xFFFF0000, v3;
	v4 =	vand.u32 $0xFFFF0000, v4;
	v5 =	vadd.f32 v37, v5  }
0x267: {  	v3 =	vadd.f32 v4, v3  }
0x268: {  	[tilespmem:s21+$0xE70] =	vst.add.f32.msk $0xffff, v5  }
0x269: {  	[tilespmem:s21+$0x1E70] =	vst.add.f32.msk $0xffff, v3;
	s21 =	simm.s32 $0x0  }
0x26a: {  	[hbm4b:s10+s21] =	stream.linear.scatter [tilespmem:s2], [sflag:$0x3], $0x8000, $0x38;
	[tilespmem:$0x18200] =	vst v63  }
0x26b: {  	_ =	swait.ge [sflag:s14], $0x8000  }
0x26c: {  	[sflag:s14] =	ssyncset.done $0x0  }
0x26d: {  	[sflag:s14] =	ssyncadd.s32 $0xFFFF8000  }
0x26e: {  	[tilespmem:s2], [sflag:$0x3] =	stream.linear.gather [hbm4b:s11+s21], $0x8000, $0x38;
	[tilespmem:$0x18200] =	vst v63  }
0x26f: {  	_ =	swait.ge [sflag:s14], $0x8000  }
0x270: {  	[sflag:s14] =	ssyncset.done $0x0  }
0x271: {  	[sflag:s14] =	ssyncadd.s32 $0xFFFF8000  }
0x272: {  	_ =	swait.ge [sflag:s18], $0x4000  }
0x273: {  	[sflag:s18] =	ssyncset.done $0x0  }
0x274: {  	[sflag:s18] =	ssyncadd.s32 $0xFFFFC000  }
0x275: {  	s25 =	simm.s32 $0x0;
	_ =	swait.ge [sflag:s18], $0x4000  }
0x276: {  	s22 =	sand.u32 $0xFFFFF000, s25;
	s26 =	sand.u32 $0x380, s21;
	[sflag:s18] =	ssyncset.done $0x0  }
0x277: {  	s23 =	sor.u32 s26, s22;
	[sflag:s18] =	ssyncadd.s32 $0xFFFFC000  }
0x278: {  	v3 =	vld [tilespmem:s23+$0xC200]  }
0x279: {  	v4 =	vld [tilespmem:s23+$0x14200];
	_ =	sdelay $0x4  }
0x27a: {  	s24 =	simm.s32 $0x0;
	v5 =	vshll.u32 v3, $0x10;
	v38 =	vshll.u32 v4, $0x10  }
0x27b: {  	s24 =	sand.u32 $0x3FFFE000, s24;
	v3 =	vand.u32 $0xFFFF0000, v3;
	v4 =	vand.u32 $0xFFFF0000, v4;
	v5 =	vadd.f32 v38, v5  }
0x27c: {  	s20 =	sor.u32 s26, s24;
	v3 =	vadd.f32 v4, v3  }
0x27d: {  	[tilespmem:s20+$0x200] =	vst.add.f32.msk $0xffff, v5  }
0x27e: {  	[tilespmem:s20+$0x1200] =	vst.add.f32.msk $0xffff, v3  }
0x27f: {  	v3 =	vld [tilespmem:s23+$0xC210]  }
0x280: {  	v4 =	vld [tilespmem:s23+$0x14210];
	_ =	sdelay $0x4  }
0x281: {  	v5 =	vshll.u32 v3, $0x10;
	v39 =	vshll.u32 v4, $0x10  }
0x282: {  	v3 =	vand.u32 $0xFFFF0000, v3;
	v4 =	vand.u32 $0xFFFF0000, v4;
	v5 =	vadd.f32 v39, v5  }
0x283: {  	v3 =	vadd.f32 v4, v3  }
0x284: {  	[tilespmem:s20+$0x210] =	vst.add.f32.msk $0xffff, v5  }
0x285: {  	[tilespmem:s20+$0x1210] =	vst.add.f32.msk $0xffff, v3  }
0x286: {  	v3 =	vld [tilespmem:s23+$0xC220]  }
0x287: {  	v4 =	vld [tilespmem:s23+$0x14220];
	_ =	sdelay $0x4  }
0x288: {  	v5 =	vshll.u32 v3, $0x10;
	v40 =	vshll.u32 v4, $0x10  }
0x289: {  	v3 =	vand.u32 $0xFFFF0000, v3;
	v4 =	vand.u32 $0xFFFF0000, v4;
	v5 =	vadd.f32 v40, v5  }
0x28a: {  	v3 =	vadd.f32 v4, v3  }
0x28b: {  	[tilespmem:s20+$0x220] =	vst.add.f32.msk $0xffff, v5  }
0x28c: {  	[tilespmem:s20+$0x1220] =	vst.add.f32.msk $0xffff, v3  }
0x28d: {  	v3 =	vld [tilespmem:s23+$0xC230]  }
0x28e: {  	v4 =	vld [tilespmem:s23+$0x14230];
	_ =	sdelay $0x4  }
0x28f: {  	v5 =	vshll.u32 v3, $0x10;
	v41 =	vshll.u32 v4, $0x10  }
0x290: {  	v3 =	vand.u32 $0xFFFF0000, v3;
	v4 =	vand.u32 $0xFFFF0000, v4;
	v5 =	vadd.f32 v41, v5  }
0x291: {  	v3 =	vadd.f32 v4, v3  }
0x292: {  	[tilespmem:s20+$0x230] =	vst.add.f32.msk $0xffff, v5  }
0x293: {  	[tilespmem:s20+$0x1230] =	vst.add.f32.msk $0xffff, v3  }
0x294: {  	v3 =	vld [tilespmem:s23+$0xC240]  }
0x295: {  	v4 =	vld [tilespmem:s23+$0x14240];
	_ =	sdelay $0x4  }
0x296: {  	v5 =	vshll.u32 v3, $0x10;
	v42 =	vshll.u32 v4, $0x10  }
0x297: {  	v3 =	vand.u32 $0xFFFF0000, v3;
	v4 =	vand.u32 $0xFFFF0000, v4;
	v5 =	vadd.f32 v42, v5  }
0x298: {  	v3 =	vadd.f32 v4, v3  }
0x299: {  	[tilespmem:s20+$0x240] =	vst.add.f32.msk $0xffff, v5  }
0x29a: {  	[tilespmem:s20+$0x1240] =	vst.add.f32.msk $0xffff, v3  }
0x29b: {  	v3 =	vld [tilespmem:s23+$0xC250]  }
0x29c: {  	v4 =	vld [tilespmem:s23+$0x14250];
	_ =	sdelay $0x4  }
0x29d: {  	v5 =	vshll.u32 v3, $0x10;
	v43 =	vshll.u32 v4, $0x10  }
0x29e: {  	v3 =	vand.u32 $0xFFFF0000, v3;
	v4 =	vand.u32 $0xFFFF0000, v4;
	v5 =	vadd.f32 v43, v5  }
0x29f: {  	v3 =	vadd.f32 v4, v3  }
0x2a0: {  	[tilespmem:s20+$0x250] =	vst.add.f32.msk $0xffff, v5  }
0x2a1: {  	[tilespmem:s20+$0x1250] =	vst.add.f32.msk $0xffff, v3  }
0x2a2: {  	v3 =	vld [tilespmem:s23+$0xC260]  }
0x2a3: {  	v4 =	vld [tilespmem:s23+$0x14260];
	_ =	sdelay $0x4  }
0x2a4: {  	v5 =	vshll.u32 v3, $0x10;
	v44 =	vshll.u32 v4, $0x10  }
0x2a5: {  	v3 =	vand.u32 $0xFFFF0000, v3;
	v4 =	vand.u32 $0xFFFF0000, v4;
	v5 =	vadd.f32 v44, v5  }
0x2a6: {  	v3 =	vadd.f32 v4, v3  }
0x2a7: {  	[tilespmem:s20+$0x260] =	vst.add.f32.msk $0xffff, v5  }
0x2a8: {  	[tilespmem:s20+$0x1260] =	vst.add.f32.msk $0xffff, v3  }
0x2a9: {  	v3 =	vld [tilespmem:s23+$0xC270]  }
0x2aa: {  	v4 =	vld [tilespmem:s23+$0x14270];
	_ =	sdelay $0x4  }
0x2ab: {  	v5 =	vshll.u32 v3, $0x10;
	v45 =	vshll.u32 v4, $0x10  }
0x2ac: {  	v3 =	vand.u32 $0xFFFF0000, v3;
	v4 =	vand.u32 $0xFFFF0000, v4;
	v5 =	vadd.f32 v45, v5  }
0x2ad: {  	v3 =	vadd.f32 v4, v3  }
0x2ae: {  	[tilespmem:s20+$0x270] =	vst.add.f32.msk $0xffff, v5  }
0x2af: {  	[tilespmem:s20+$0x1270] =	vst.add.f32.msk $0xffff, v3  }
0x2b0: {  	v3 =	vld [tilespmem:s23+$0xC600]  }
0x2b1: {  	v4 =	vld [tilespmem:s23+$0x14600];
	_ =	sdelay $0x4  }
0x2b2: {  	v5 =	vshll.u32 v3, $0x10;
	v46 =	vshll.u32 v4, $0x10  }
0x2b3: {  	v3 =	vand.u32 $0xFFFF0000, v3;
	v4 =	vand.u32 $0xFFFF0000, v4;
	v5 =	vadd.f32 v46, v5  }
0x2b4: {  	v3 =	vadd.f32 v4, v3  }
0x2b5: {  	[tilespmem:s20+$0x600] =	vst.add.f32.msk $0xffff, v5  }
0x2b6: {  	[tilespmem:s20+$0x1600] =	vst.add.f32.msk $0xffff, v3  }
0x2b7: {  	v3 =	vld [tilespmem:s23+$0xC610]  }
0x2b8: {  	v4 =	vld [tilespmem:s23+$0x14610];
	_ =	sdelay $0x4  }
0x2b9: {  	v5 =	vshll.u32 v3, $0x10;
	v47 =	vshll.u32 v4, $0x10  }
0x2ba: {  	v3 =	vand.u32 $0xFFFF0000, v3;
	v4 =	vand.u32 $0xFFFF0000, v4;
	v5 =	vadd.f32 v47, v5  }
0x2bb: {  	v3 =	vadd.f32 v4, v3  }
0x2bc: {  	[tilespmem:s20+$0x610] =	vst.add.f32.msk $0xffff, v5  }
0x2bd: {  	[tilespmem:s20+$0x1610] =	vst.add.f32.msk $0xffff, v3  }
0x2be: {  	v3 =	vld [tilespmem:s23+$0xC620]  }
0x2bf: {  	v4 =	vld [tilespmem:s23+$0x14620];
	_ =	sdelay $0x4  }
0x2c0: {  	v5 =	vshll.u32 v3, $0x10;
	v48 =	vshll.u32 v4, $0x10  }
0x2c1: {  	v3 =	vand.u32 $0xFFFF0000, v3;
	v4 =	vand.u32 $0xFFFF0000, v4;
	v5 =	vadd.f32 v48, v5  }
0x2c2: {  	v3 =	vadd.f32 v4, v3  }
0x2c3: {  	[tilespmem:s20+$0x620] =	vst.add.f32.msk $0xffff, v5  }
0x2c4: {  	[tilespmem:s20+$0x1620] =	vst.add.f32.msk $0xffff, v3  }
0x2c5: {  	v3 =	vld [tilespmem:s23+$0xC630]  }
0x2c6: {  	v4 =	vld [tilespmem:s23+$0x14630];
	_ =	sdelay $0x4  }
0x2c7: {  	v5 =	vshll.u32 v3, $0x10;
	v49 =	vshll.u32 v4, $0x10  }
0x2c8: {  	v3 =	vand.u32 $0xFFFF0000, v3;
	v4 =	vand.u32 $0xFFFF0000, v4;
	v5 =	vadd.f32 v49, v5  }
0x2c9: {  	v3 =	vadd.f32 v4, v3  }
0x2ca: {  	[tilespmem:s20+$0x630] =	vst.add.f32.msk $0xffff, v5  }
0x2cb: {  	[tilespmem:s20+$0x1630] =	vst.add.f32.msk $0xffff, v3  }
0x2cc: {  	v3 =	vld [tilespmem:s23+$0xC640]  }
0x2cd: {  	v4 =	vld [tilespmem:s23+$0x14640];
	_ =	sdelay $0x4  }
0x2ce: {  	v5 =	vshll.u32 v3, $0x10;
	v50 =	vshll.u32 v4, $0x10  }
0x2cf: {  	v3 =	vand.u32 $0xFFFF0000, v3;
	v4 =	vand.u32 $0xFFFF0000, v4;
	v5 =	vadd.f32 v50, v5  }
0x2d0: {  	v3 =	vadd.f32 v4, v3  }
0x2d1: {  	[tilespmem:s20+$0x640] =	vst.add.f32.msk $0xffff, v5  }
0x2d2: {  	[tilespmem:s20+$0x1640] =	vst.add.f32.msk $0xffff, v3  }
0x2d3: {  	v3 =	vld [tilespmem:s23+$0xC650]  }
0x2d4: {  	v4 =	vld [tilespmem:s23+$0x14650];
	_ =	sdelay $0x4  }
0x2d5: {  	v5 =	vshll.u32 v3, $0x10;
	v51 =	vshll.u32 v4, $0x10  }
0x2d6: {  	v3 =	vand.u32 $0xFFFF0000, v3;
	v4 =	vand.u32 $0xFFFF0000, v4;
	v5 =	vadd.f32 v51, v5  }
0x2d7: {  	v3 =	vadd.f32 v4, v3  }
0x2d8: {  	[tilespmem:s20+$0x650] =	vst.add.f32.msk $0xffff, v5  }
0x2d9: {  	[tilespmem:s20+$0x1650] =	vst.add.f32.msk $0xffff, v3  }
0x2da: {  	v3 =	vld [tilespmem:s23+$0xC660]  }
0x2db: {  	v4 =	vld [tilespmem:s23+$0x14660];
	_ =	sdelay $0x4  }
0x2dc: {  	v5 =	vshll.u32 v3, $0x10;
	v52 =	vshll.u32 v4, $0x10  }
0x2dd: {  	v3 =	vand.u32 $0xFFFF0000, v3;
	v4 =	vand.u32 $0xFFFF0000, v4;
	v5 =	vadd.f32 v52, v5  }
0x2de: {  	v3 =	vadd.f32 v4, v3  }
0x2df: {  	[tilespmem:s20+$0x660] =	vst.add.f32.msk $0xffff, v5  }
0x2e0: {  	[tilespmem:s20+$0x1660] =	vst.add.f32.msk $0xffff, v3  }
0x2e1: {  	v3 =	vld [tilespmem:s23+$0xC670]  }
0x2e2: {  	v4 =	vld [tilespmem:s23+$0x14670];
	_ =	sdelay $0x4  }
0x2e3: {  	v5 =	vshll.u32 v3, $0x10;
	v53 =	vshll.u32 v4, $0x10  }
0x2e4: {  	v3 =	vand.u32 $0xFFFF0000, v3;
	v4 =	vand.u32 $0xFFFF0000, v4;
	v5 =	vadd.f32 v53, v5  }
0x2e5: {  	v3 =	vadd.f32 v4, v3  }
0x2e6: {  	[tilespmem:s20+$0x670] =	vst.add.f32.msk $0xffff, v5  }
0x2e7: {  	[tilespmem:s20+$0x1670] =	vst.add.f32.msk $0xffff, v3  }
0x2e8: {  	v3 =	vld [tilespmem:s23+$0xCA00]  }
0x2e9: {  	v4 =	vld [tilespmem:s23+$0x14A00];
	_ =	sdelay $0x4  }
0x2ea: {  	v5 =	vshll.u32 v3, $0x10;
	v54 =	vshll.u32 v4, $0x10  }
0x2eb: {  	v3 =	vand.u32 $0xFFFF0000, v3;
	v4 =	vand.u32 $0xFFFF0000, v4;
	v5 =	vadd.f32 v54, v5  }
0x2ec: {  	v3 =	vadd.f32 v4, v3  }
0x2ed: {  	[tilespmem:s20+$0xA00] =	vst.add.f32.msk $0xffff, v5  }
0x2ee: {  	[tilespmem:s20+$0x1A00] =	vst.add.f32.msk $0xffff, v3  }
0x2ef: {  	v3 =	vld [tilespmem:s23+$0xCA10]  }
0x2f0: {  	v4 =	vld [tilespmem:s23+$0x14A10];
	_ =	sdelay $0x4  }
0x2f1: {  	v5 =	vshll.u32 v3, $0x10;
	v55 =	vshll.u32 v4, $0x10  }
0x2f2: {  	v3 =	vand.u32 $0xFFFF0000, v3;
	v4 =	vand.u32 $0xFFFF0000, v4;
	v5 =	vadd.f32 v55, v5  }
0x2f3: {  	v3 =	vadd.f32 v4, v3  }
0x2f4: {  	[tilespmem:s20+$0xA10] =	vst.add.f32.msk $0xffff, v5  }
0x2f5: {  	[tilespmem:s20+$0x1A10] =	vst.add.f32.msk $0xffff, v3  }
0x2f6: {  	v3 =	vld [tilespmem:s23+$0xCA20]  }
0x2f7: {  	v4 =	vld [tilespmem:s23+$0x14A20];
	_ =	sdelay $0x4  }
0x2f8: {  	v5 =	vshll.u32 v3, $0x10;
	v56 =	vshll.u32 v4, $0x10  }
0x2f9: {  	v3 =	vand.u32 $0xFFFF0000, v3;
	v4 =	vand.u32 $0xFFFF0000, v4;
	v5 =	vadd.f32 v56, v5  }
0x2fa: {  	v3 =	vadd.f32 v4, v3  }
0x2fb: {  	[tilespmem:s20+$0xA20] =	vst.add.f32.msk $0xffff, v5  }
0x2fc: {  	[tilespmem:s20+$0x1A20] =	vst.add.f32.msk $0xffff, v3  }
0x2fd: {  	v3 =	vld [tilespmem:s23+$0xCA30]  }
0x2fe: {  	v4 =	vld [tilespmem:s23+$0x14A30];
	_ =	sdelay $0x4  }
0x2ff: {  	v5 =	vshll.u32 v3, $0x10;
	v57 =	vshll.u32 v4, $0x10  }
0x300: {  	v3 =	vand.u32 $0xFFFF0000, v3;
	v4 =	vand.u32 $0xFFFF0000, v4;
	v5 =	vadd.f32 v57, v5  }
0x301: {  	v3 =	vadd.f32 v4, v3  }
0x302: {  	[tilespmem:s20+$0xA30] =	vst.add.f32.msk $0xffff, v5  }
0x303: {  	[tilespmem:s20+$0x1A30] =	vst.add.f32.msk $0xffff, v3  }
0x304: {  	v3 =	vld [tilespmem:s23+$0xCA40]  }
0x305: {  	v4 =	vld [tilespmem:s23+$0x14A40];
	_ =	sdelay $0x4  }
0x306: {  	v5 =	vshll.u32 v3, $0x10;
	v58 =	vshll.u32 v4, $0x10  }
0x307: {  	v3 =	vand.u32 $0xFFFF0000, v3;
	v4 =	vand.u32 $0xFFFF0000, v4;
	v5 =	vadd.f32 v58, v5  }
0x308: {  	v3 =	vadd.f32 v4, v3  }
0x309: {  	[tilespmem:s20+$0xA40] =	vst.add.f32.msk $0xffff, v5  }
0x30a: {  	[tilespmem:s20+$0x1A40] =	vst.add.f32.msk $0xffff, v3  }
0x30b: {  	v3 =	vld [tilespmem:s23+$0xCA50]  }
0x30c: {  	v4 =	vld [tilespmem:s23+$0x14A50];
	_ =	sdelay $0x4  }
0x30d: {  	v5 =	vshll.u32 v3, $0x10;
	v59 =	vshll.u32 v4, $0x10  }
0x30e: {  	v3 =	vand.u32 $0xFFFF0000, v3;
	v4 =	vand.u32 $0xFFFF0000, v4;
	v5 =	vadd.f32 v59, v5  }
0x30f: {  	v3 =	vadd.f32 v4, v3  }
0x310: {  	[tilespmem:s20+$0xA50] =	vst.add.f32.msk $0xffff, v5  }
0x311: {  	[tilespmem:s20+$0x1A50] =	vst.add.f32.msk $0xffff, v3  }
0x312: {  	v3 =	vld [tilespmem:s23+$0xCA60]  }
0x313: {  	v4 =	vld [tilespmem:s23+$0x14A60];
	_ =	sdelay $0x4  }
0x314: {  	v5 =	vshll.u32 v3, $0x10;
	v60 =	vshll.u32 v4, $0x10  }
0x315: {  	v3 =	vand.u32 $0xFFFF0000, v3;
	v4 =	vand.u32 $0xFFFF0000, v4;
	v5 =	vadd.f32 v60, v5  }
0x316: {  	v3 =	vadd.f32 v4, v3  }
0x317: {  	[tilespmem:s20+$0xA60] =	vst.add.f32.msk $0xffff, v5  }
0x318: {  	[tilespmem:s20+$0x1A60] =	vst.add.f32.msk $0xffff, v3  }
0x319: {  	v3 =	vld [tilespmem:s23+$0xCA70]  }
0x31a: {  	v4 =	vld [tilespmem:s23+$0x14A70];
	_ =	sdelay $0x4  }
0x31b: {  	v5 =	vshll.u32 v3, $0x10;
	v61 =	vshll.u32 v4, $0x10  }
0x31c: {  	v3 =	vand.u32 $0xFFFF0000, v3;
	v4 =	vand.u32 $0xFFFF0000, v4;
	v5 =	vadd.f32 v61, v5  }
0x31d: {  	v3 =	vadd.f32 v4, v3  }
0x31e: {  	s22 =	sadd.s32 $0x0, s22;
	[tilespmem:s20+$0xA70] =	vst.add.f32.msk $0xffff, v5  }
0x31f: {  	s25 =	sor.u32 $0x4C00, s22;
	[tilespmem:s20+$0x1A70] =	vst.add.f32.msk $0xffff, v3  }
0x320: {  	v3 =	vld [tilespmem:s25+$0x8200]  }
0x321: {  	v4 =	vld [tilespmem:s25+$0x10200];
	_ =	sdelay $0x4  }
0x322: {  	v5 =	vshll.u32 v3, $0x10;
	v62 =	vshll.u32 v4, $0x10  }
0x323: {  	v3 =	vand.u32 $0xFFFF0000, v3;
	v4 =	vand.u32 $0xFFFF0000, v4;
	v5 =	vadd.f32 v62, v5  }
0x324: {  	v3 =	vadd.f32 v4, v3  }
0x325: {  	[tilespmem:s20+$0xE00] =	vst.add.f32.msk $0xffff, v5  }
0x326: {  	s26 =	sor.u32 $0x4C10, s22;
	[tilespmem:s20+$0x1E00] =	vst.add.f32.msk $0xffff, v3  }
0x327: {  	v3 =	vld [tilespmem:s26+$0x8200]  }
0x328: {  	v4 =	vld [tilespmem:s26+$0x10200];
	_ =	sdelay $0x4  }
0x329: {  	v5 =	vshll.u32 v3, $0x10;
	v63 =	vshll.u32 v4, $0x10  }
0x32a: {  	v3 =	vand.u32 $0xFFFF0000, v3;
	v4 =	vand.u32 $0xFFFF0000, v4;
	v5 =	vadd.f32 v63, v5  }
0x32b: {  	v3 =	vadd.f32 v4, v3  }
0x32c: {  	[tilespmem:s20+$0xE10] =	vst.add.f32.msk $0xffff, v5  }
0x32d: {  	s24 =	sor.u32 $0x4C20, s22;
	[tilespmem:s20+$0x1E10] =	vst.add.f32.msk $0xffff, v3  }
0x32e: {  	s23 =	simm.s32 $0x1;
	v3 =	vld [tilespmem:s24+$0x8200]  }
.LBB2_4:
0x32f: {  	p0 =	sne.s32 s23, $0x1F  }
0x330: {  	v4 =	vld [tilespmem:s24+$0x10200];
	s21 =	sadd.s32 $0x80, s21;
	s25 =	smov.u32 s23;
	s23 =	sadd.s32 $0x1, s23  }
0x331: {  	_ =	sdelay $0x2  }
0x332: {  	v5 =	vshll.u32 v3, $0x10;
	v3 =	vand.u32 $0xFFFF0000, v3  }
0x333: {  	v6 =	vshll.u32 v4, $0x10;
	v4 =	vand.u32 $0xFFFF0000, v4  }
0x334: {  	v5 =	vadd.f32 v6, v5;
	v3 =	vadd.f32 v4, v3;
	_ =	sdelay $0x1  }
0x335: {  	[tilespmem:s20+$0xE20] =	vst.add.f32.msk $0xffff, v5  }
0x336: {  	s24 =	sor.u32 $0x4C30, s22;
	[tilespmem:s20+$0x1E20] =	vst.add.f32.msk $0xffff, v3  }
0x337: {  	v3 =	vld [tilespmem:s24+$0x8200]  }
0x338: {  	v4 =	vld [tilespmem:s24+$0x10200];
	_ =	sdelay $0x3  }
0x339: {  	v5 =	vshll.u32 v3, $0x10;
	v3 =	vand.u32 $0xFFFF0000, v3  }
0x33a: {  	v6 =	vshll.u32 v4, $0x10;
	v4 =	vand.u32 $0xFFFF0000, v4  }
0x33b: {  	v5 =	vadd.f32 v6, v5;
	v3 =	vadd.f32 v4, v3;
	_ =	sdelay $0x1  }
0x33c: {  	[tilespmem:s20+$0xE30] =	vst.add.f32.msk $0xffff, v5  }
0x33d: {  	s24 =	sor.u32 $0x4C40, s22;
	[tilespmem:s20+$0x1E30] =	vst.add.f32.msk $0xffff, v3  }
0x33e: {  	v3 =	vld [tilespmem:s24+$0x8200]  }
0x33f: {  	v4 =	vld [tilespmem:s24+$0x10200];
	_ =	sdelay $0x3  }
0x340: {  	v5 =	vshll.u32 v3, $0x10;
	v3 =	vand.u32 $0xFFFF0000, v3  }
0x341: {  	v6 =	vshll.u32 v4, $0x10;
	v4 =	vand.u32 $0xFFFF0000, v4  }
0x342: {  	v5 =	vadd.f32 v6, v5;
	v3 =	vadd.f32 v4, v3;
	_ =	sdelay $0x1  }
0x343: {  	[tilespmem:s20+$0xE40] =	vst.add.f32.msk $0xffff, v5  }
0x344: {  	s24 =	sor.u32 $0x4C50, s22;
	[tilespmem:s20+$0x1E40] =	vst.add.f32.msk $0xffff, v3  }
0x345: {  	v3 =	vld [tilespmem:s24+$0x8200]  }
0x346: {  	v4 =	vld [tilespmem:s24+$0x10200];
	_ =	sdelay $0x3  }
0x347: {  	v5 =	vshll.u32 v3, $0x10;
	v3 =	vand.u32 $0xFFFF0000, v3  }
0x348: {  	v6 =	vshll.u32 v4, $0x10;
	v4 =	vand.u32 $0xFFFF0000, v4  }
0x349: {  	v5 =	vadd.f32 v6, v5;
	v3 =	vadd.f32 v4, v3;
	_ =	sdelay $0x1  }
0x34a: {  	[tilespmem:s20+$0xE50] =	vst.add.f32.msk $0xffff, v5  }
0x34b: {  	s24 =	sor.u32 $0x4C60, s22;
	[tilespmem:s20+$0x1E50] =	vst.add.f32.msk $0xffff, v3  }
0x34c: {  	v3 =	vld [tilespmem:s24+$0x8200]  }
0x34d: {  	v4 =	vld [tilespmem:s24+$0x10200];
	_ =	sdelay $0x3  }
0x34e: {  	v5 =	vshll.u32 v3, $0x10;
	v3 =	vand.u32 $0xFFFF0000, v3  }
0x34f: {  	v6 =	vshll.u32 v4, $0x10;
	v4 =	vand.u32 $0xFFFF0000, v4  }
0x350: {  	v5 =	vadd.f32 v6, v5;
	v3 =	vadd.f32 v4, v3;
	_ =	sdelay $0x1  }
0x351: {  	[tilespmem:s20+$0xE60] =	vst.add.f32.msk $0xffff, v5  }
0x352: {  	s22 =	sor.u32 $0x4C70, s22;
	[tilespmem:s20+$0x1E60] =	vst.add.f32.msk $0xffff, v3  }
0x353: {  	v3 =	vld [tilespmem:s22+$0x8200]  }
0x354: {  	v4 =	vld [tilespmem:s22+$0x10200];
	_ =	sdelay $0x3  }
0x355: {  	v5 =	vshll.u32 v3, $0x10;
	v3 =	vand.u32 $0xFFFF0000, v3  }
0x356: {  	v6 =	vshll.u32 v4, $0x10;
	v4 =	vand.u32 $0xFFFF0000, v4  }
0x357: {  	v5 =	vadd.f32 v6, v5;
	v3 =	vadd.f32 v4, v3  }
0x358: {  	s22 =	sshll.u32 s25, $0x9  }
0x359: {  	s26 =	sand.u32 $0x380, s21;
	s24 =	sand.u32 $0xFFFFF000, s22;
	[tilespmem:s20+$0xE70] =	vst.add.f32.msk $0xffff, v5  }
0x35a: {  	s22 =	sadd.s32 s24, s21;
	s24 =	sor.u32 s26, s24;
	[tilespmem:s20+$0x1E70] =	vst.add.f32.msk $0xffff, v3  }
0x35b: {  	v3 =	vld [tilespmem:s24+$0xC200]  }
0x35c: {  	v4 =	vld [tilespmem:s24+$0x14200];
	_ =	sdelay $0x3  }
0x35d: {  	v5 =	vshll.u32 v3, $0x10;
	v3 =	vand.u32 $0xFFFF0000, v3  }
0x35e: {  	s20 =	sshll.u32 s25, $0xA;
	v6 =	vshll.u32 v4, $0x10;
	v4 =	vand.u32 $0xFFFF0000, v4  }
0x35f: {  	s20 =	sand.u32 $0x3FFFE000, s20;
	v5 =	vadd.f32 v6, v5;
	v3 =	vadd.f32 v4, v3  }
0x360: {  	s20 =	sor.u32 s26, s20  }
0x361: {  	[tilespmem:s20+$0x200] =	vst.add.f32.msk $0xffff, v5  }
0x362: {  	[tilespmem:s20+$0x1200] =	vst.add.f32.msk $0xffff, v3  }
0x363: {  	v3 =	vld [tilespmem:s24+$0xC210]  }
0x364: {  	v4 =	vld [tilespmem:s24+$0x14210];
	_ =	sdelay $0x3  }
0x365: {  	v5 =	vshll.u32 v3, $0x10;
	v3 =	vand.u32 $0xFFFF0000, v3  }
0x366: {  	v6 =	vshll.u32 v4, $0x10;
	v4 =	vand.u32 $0xFFFF0000, v4  }
0x367: {  	v5 =	vadd.f32 v6, v5;
	v3 =	vadd.f32 v4, v3;
	_ =	sdelay $0x1  }
0x368: {  	[tilespmem:s20+$0x210] =	vst.add.f32.msk $0xffff, v5  }
0x369: {  	[tilespmem:s20+$0x1210] =	vst.add.f32.msk $0xffff, v3  }
0x36a: {  	v3 =	vld [tilespmem:s24+$0xC220]  }
0x36b: {  	v4 =	vld [tilespmem:s24+$0x14220];
	_ =	sdelay $0x3  }
0x36c: {  	v5 =	vshll.u32 v3, $0x10;
	v3 =	vand.u32 $0xFFFF0000, v3  }
0x36d: {  	v6 =	vshll.u32 v4, $0x10;
	v4 =	vand.u32 $0xFFFF0000, v4  }
0x36e: {  	v5 =	vadd.f32 v6, v5;
	v3 =	vadd.f32 v4, v3;
	_ =	sdelay $0x1  }
0x36f: {  	[tilespmem:s20+$0x220] =	vst.add.f32.msk $0xffff, v5  }
0x370: {  	[tilespmem:s20+$0x1220] =	vst.add.f32.msk $0xffff, v3  }
0x371: {  	v3 =	vld [tilespmem:s24+$0xC230]  }
0x372: {  	v4 =	vld [tilespmem:s24+$0x14230];
	_ =	sdelay $0x3  }
0x373: {  	v5 =	vshll.u32 v3, $0x10;
	v3 =	vand.u32 $0xFFFF0000, v3  }
0x374: {  	v6 =	vshll.u32 v4, $0x10;
	v4 =	vand.u32 $0xFFFF0000, v4  }
0x375: {  	v5 =	vadd.f32 v6, v5;
	v3 =	vadd.f32 v4, v3;
	_ =	sdelay $0x1  }
0x376: {  	[tilespmem:s20+$0x230] =	vst.add.f32.msk $0xffff, v5  }
0x377: {  	[tilespmem:s20+$0x1230] =	vst.add.f32.msk $0xffff, v3  }
0x378: {  	v3 =	vld [tilespmem:s24+$0xC240]  }
0x379: {  	v4 =	vld [tilespmem:s24+$0x14240];
	_ =	sdelay $0x3  }
0x37a: {  	v5 =	vshll.u32 v3, $0x10;
	v3 =	vand.u32 $0xFFFF0000, v3  }
0x37b: {  	v6 =	vshll.u32 v4, $0x10;
	v4 =	vand.u32 $0xFFFF0000, v4  }
0x37c: {  	v5 =	vadd.f32 v6, v5;
	v3 =	vadd.f32 v4, v3;
	_ =	sdelay $0x1  }
0x37d: {  	[tilespmem:s20+$0x240] =	vst.add.f32.msk $0xffff, v5  }
0x37e: {  	[tilespmem:s20+$0x1240] =	vst.add.f32.msk $0xffff, v3  }
0x37f: {  	v3 =	vld [tilespmem:s24+$0xC250]  }
0x380: {  	v4 =	vld [tilespmem:s24+$0x14250];
	_ =	sdelay $0x3  }
0x381: {  	v5 =	vshll.u32 v3, $0x10;
	v3 =	vand.u32 $0xFFFF0000, v3  }
0x382: {  	v6 =	vshll.u32 v4, $0x10;
	v4 =	vand.u32 $0xFFFF0000, v4  }
0x383: {  	v5 =	vadd.f32 v6, v5;
	v3 =	vadd.f32 v4, v3;
	_ =	sdelay $0x1  }
0x384: {  	[tilespmem:s20+$0x250] =	vst.add.f32.msk $0xffff, v5  }
0x385: {  	[tilespmem:s20+$0x1250] =	vst.add.f32.msk $0xffff, v3  }
0x386: {  	v3 =	vld [tilespmem:s24+$0xC260]  }
0x387: {  	v4 =	vld [tilespmem:s24+$0x14260];
	_ =	sdelay $0x3  }
0x388: {  	v5 =	vshll.u32 v3, $0x10;
	v3 =	vand.u32 $0xFFFF0000, v3  }
0x389: {  	v6 =	vshll.u32 v4, $0x10;
	v4 =	vand.u32 $0xFFFF0000, v4  }
0x38a: {  	v5 =	vadd.f32 v6, v5;
	v3 =	vadd.f32 v4, v3;
	_ =	sdelay $0x1  }
0x38b: {  	[tilespmem:s20+$0x260] =	vst.add.f32.msk $0xffff, v5  }
0x38c: {  	[tilespmem:s20+$0x1260] =	vst.add.f32.msk $0xffff, v3  }
0x38d: {  	v3 =	vld [tilespmem:s24+$0xC270]  }
0x38e: {  	v4 =	vld [tilespmem:s24+$0x14270];
	_ =	sdelay $0x3  }
0x38f: {  	v5 =	vshll.u32 v3, $0x10;
	v3 =	vand.u32 $0xFFFF0000, v3  }
0x390: {  	v6 =	vshll.u32 v4, $0x10;
	v4 =	vand.u32 $0xFFFF0000, v4  }
0x391: {  	v5 =	vadd.f32 v6, v5;
	v3 =	vadd.f32 v4, v3;
	_ =	sdelay $0x1  }
0x392: {  	[tilespmem:s20+$0x270] =	vst.add.f32.msk $0xffff, v5  }
0x393: {  	[tilespmem:s20+$0x1270] =	vst.add.f32.msk $0xffff, v3  }
0x394: {  	v3 =	vld [tilespmem:s24+$0xC600]  }
0x395: {  	v4 =	vld [tilespmem:s24+$0x14600];
	_ =	sdelay $0x3  }
0x396: {  	v5 =	vshll.u32 v3, $0x10;
	v3 =	vand.u32 $0xFFFF0000, v3  }
0x397: {  	v6 =	vshll.u32 v4, $0x10;
	v4 =	vand.u32 $0xFFFF0000, v4  }
0x398: {  	v5 =	vadd.f32 v6, v5;
	v3 =	vadd.f32 v4, v3;
	_ =	sdelay $0x1  }
0x399: {  	[tilespmem:s20+$0x600] =	vst.add.f32.msk $0xffff, v5  }
0x39a: {  	[tilespmem:s20+$0x1600] =	vst.add.f32.msk $0xffff, v3  }
0x39b: {  	v3 =	vld [tilespmem:s24+$0xC610]  }
0x39c: {  	v4 =	vld [tilespmem:s24+$0x14610];
	_ =	sdelay $0x3  }
0x39d: {  	v5 =	vshll.u32 v3, $0x10;
	v3 =	vand.u32 $0xFFFF0000, v3  }
0x39e: {  	v6 =	vshll.u32 v4, $0x10;
	v4 =	vand.u32 $0xFFFF0000, v4  }
0x39f: {  	v5 =	vadd.f32 v6, v5;
	v3 =	vadd.f32 v4, v3;
	_ =	sdelay $0x1  }
0x3a0: {  	[tilespmem:s20+$0x610] =	vst.add.f32.msk $0xffff, v5  }
0x3a1: {  	[tilespmem:s20+$0x1610] =	vst.add.f32.msk $0xffff, v3  }
0x3a2: {  	v3 =	vld [tilespmem:s24+$0xC620]  }
0x3a3: {  	v4 =	vld [tilespmem:s24+$0x14620];
	_ =	sdelay $0x3  }
0x3a4: {  	v5 =	vshll.u32 v3, $0x10;
	v3 =	vand.u32 $0xFFFF0000, v3  }
0x3a5: {  	v6 =	vshll.u32 v4, $0x10;
	v4 =	vand.u32 $0xFFFF0000, v4  }
0x3a6: {  	v5 =	vadd.f32 v6, v5;
	v3 =	vadd.f32 v4, v3;
	_ =	sdelay $0x1  }
0x3a7: {  	[tilespmem:s20+$0x620] =	vst.add.f32.msk $0xffff, v5  }
0x3a8: {  	[tilespmem:s20+$0x1620] =	vst.add.f32.msk $0xffff, v3  }
0x3a9: {  	v3 =	vld [tilespmem:s24+$0xC630]  }
0x3aa: {  	v4 =	vld [tilespmem:s24+$0x14630];
	_ =	sdelay $0x3  }
0x3ab: {  	v5 =	vshll.u32 v3, $0x10;
	v3 =	vand.u32 $0xFFFF0000, v3  }
0x3ac: {  	v6 =	vshll.u32 v4, $0x10;
	v4 =	vand.u32 $0xFFFF0000, v4  }
0x3ad: {  	v5 =	vadd.f32 v6, v5;
	v3 =	vadd.f32 v4, v3;
	_ =	sdelay $0x1  }
0x3ae: {  	[tilespmem:s20+$0x630] =	vst.add.f32.msk $0xffff, v5  }
0x3af: {  	[tilespmem:s20+$0x1630] =	vst.add.f32.msk $0xffff, v3  }
0x3b0: {  	v3 =	vld [tilespmem:s24+$0xC640]  }
0x3b1: {  	v4 =	vld [tilespmem:s24+$0x14640];
	_ =	sdelay $0x3  }
0x3b2: {  	v5 =	vshll.u32 v3, $0x10;
	v3 =	vand.u32 $0xFFFF0000, v3  }
0x3b3: {  	v6 =	vshll.u32 v4, $0x10;
	v4 =	vand.u32 $0xFFFF0000, v4  }
0x3b4: {  	v5 =	vadd.f32 v6, v5;
	v3 =	vadd.f32 v4, v3;
	_ =	sdelay $0x1  }
0x3b5: {  	[tilespmem:s20+$0x640] =	vst.add.f32.msk $0xffff, v5  }
0x3b6: {  	[tilespmem:s20+$0x1640] =	vst.add.f32.msk $0xffff, v3  }
0x3b7: {  	v3 =	vld [tilespmem:s24+$0xC650]  }
0x3b8: {  	v4 =	vld [tilespmem:s24+$0x14650];
	_ =	sdelay $0x3  }
0x3b9: {  	v5 =	vshll.u32 v3, $0x10;
	v3 =	vand.u32 $0xFFFF0000, v3  }
0x3ba: {  	v6 =	vshll.u32 v4, $0x10;
	v4 =	vand.u32 $0xFFFF0000, v4  }
0x3bb: {  	v5 =	vadd.f32 v6, v5;
	v3 =	vadd.f32 v4, v3;
	_ =	sdelay $0x1  }
0x3bc: {  	[tilespmem:s20+$0x650] =	vst.add.f32.msk $0xffff, v5  }
0x3bd: {  	[tilespmem:s20+$0x1650] =	vst.add.f32.msk $0xffff, v3  }
0x3be: {  	v3 =	vld [tilespmem:s24+$0xC660]  }
0x3bf: {  	v4 =	vld [tilespmem:s24+$0x14660];
	_ =	sdelay $0x3  }
0x3c0: {  	v5 =	vshll.u32 v3, $0x10;
	v3 =	vand.u32 $0xFFFF0000, v3  }
0x3c1: {  	v6 =	vshll.u32 v4, $0x10;
	v4 =	vand.u32 $0xFFFF0000, v4  }
0x3c2: {  	v5 =	vadd.f32 v6, v5;
	v3 =	vadd.f32 v4, v3;
	_ =	sdelay $0x1  }
0x3c3: {  	[tilespmem:s20+$0x660] =	vst.add.f32.msk $0xffff, v5  }
0x3c4: {  	[tilespmem:s20+$0x1660] =	vst.add.f32.msk $0xffff, v3  }
0x3c5: {  	v3 =	vld [tilespmem:s24+$0xC670]  }
0x3c6: {  	v4 =	vld [tilespmem:s24+$0x14670];
	_ =	sdelay $0x3  }
0x3c7: {  	v5 =	vshll.u32 v3, $0x10;
	v3 =	vand.u32 $0xFFFF0000, v3  }
0x3c8: {  	v6 =	vshll.u32 v4, $0x10;
	v4 =	vand.u32 $0xFFFF0000, v4  }
0x3c9: {  	v5 =	vadd.f32 v6, v5;
	v3 =	vadd.f32 v4, v3;
	_ =	sdelay $0x1  }
0x3ca: {  	[tilespmem:s20+$0x670] =	vst.add.f32.msk $0xffff, v5  }
0x3cb: {  	[tilespmem:s20+$0x1670] =	vst.add.f32.msk $0xffff, v3  }
0x3cc: {  	v3 =	vld [tilespmem:s24+$0xCA00]  }
0x3cd: {  	v4 =	vld [tilespmem:s24+$0x14A00];
	_ =	sdelay $0x3  }
0x3ce: {  	v5 =	vshll.u32 v3, $0x10;
	v3 =	vand.u32 $0xFFFF0000, v3  }
0x3cf: {  	v6 =	vshll.u32 v4, $0x10;
	v4 =	vand.u32 $0xFFFF0000, v4  }
0x3d0: {  	v5 =	vadd.f32 v6, v5;
	v3 =	vadd.f32 v4, v3;
	_ =	sdelay $0x1  }
0x3d1: {  	[tilespmem:s20+$0xA00] =	vst.add.f32.msk $0xffff, v5  }
0x3d2: {  	[tilespmem:s20+$0x1A00] =	vst.add.f32.msk $0xffff, v3  }
0x3d3: {  	v3 =	vld [tilespmem:s24+$0xCA10]  }
0x3d4: {  	v4 =	vld [tilespmem:s24+$0x14A10];
	_ =	sdelay $0x3  }
0x3d5: {  	v5 =	vshll.u32 v3, $0x10;
	v3 =	vand.u32 $0xFFFF0000, v3  }
0x3d6: {  	v6 =	vshll.u32 v4, $0x10;
	v4 =	vand.u32 $0xFFFF0000, v4  }
0x3d7: {  	v5 =	vadd.f32 v6, v5;
	v3 =	vadd.f32 v4, v3;
	_ =	sdelay $0x1  }
0x3d8: {  	[tilespmem:s20+$0xA10] =	vst.add.f32.msk $0xffff, v5  }
0x3d9: {  	[tilespmem:s20+$0x1A10] =	vst.add.f32.msk $0xffff, v3  }
0x3da: {  	v3 =	vld [tilespmem:s24+$0xCA20]  }
0x3db: {  	v4 =	vld [tilespmem:s24+$0x14A20];
	_ =	sdelay $0x3  }
0x3dc: {  	v5 =	vshll.u32 v3, $0x10;
	v3 =	vand.u32 $0xFFFF0000, v3  }
0x3dd: {  	v6 =	vshll.u32 v4, $0x10;
	v4 =	vand.u32 $0xFFFF0000, v4  }
0x3de: {  	v5 =	vadd.f32 v6, v5;
	v3 =	vadd.f32 v4, v3;
	_ =	sdelay $0x1  }
0x3df: {  	[tilespmem:s20+$0xA20] =	vst.add.f32.msk $0xffff, v5  }
0x3e0: {  	[tilespmem:s20+$0x1A20] =	vst.add.f32.msk $0xffff, v3  }
0x3e1: {  	v3 =	vld [tilespmem:s24+$0xCA30]  }
0x3e2: {  	v4 =	vld [tilespmem:s24+$0x14A30];
	_ =	sdelay $0x3  }
0x3e3: {  	v5 =	vshll.u32 v3, $0x10;
	v3 =	vand.u32 $0xFFFF0000, v3  }
0x3e4: {  	v6 =	vshll.u32 v4, $0x10;
	v4 =	vand.u32 $0xFFFF0000, v4  }
0x3e5: {  	v5 =	vadd.f32 v6, v5;
	v3 =	vadd.f32 v4, v3;
	_ =	sdelay $0x1  }
0x3e6: {  	[tilespmem:s20+$0xA30] =	vst.add.f32.msk $0xffff, v5  }
0x3e7: {  	[tilespmem:s20+$0x1A30] =	vst.add.f32.msk $0xffff, v3  }
0x3e8: {  	v3 =	vld [tilespmem:s24+$0xCA40]  }
0x3e9: {  	v4 =	vld [tilespmem:s24+$0x14A40];
	_ =	sdelay $0x3  }
0x3ea: {  	v5 =	vshll.u32 v3, $0x10;
	v3 =	vand.u32 $0xFFFF0000, v3  }
0x3eb: {  	v6 =	vshll.u32 v4, $0x10;
	v4 =	vand.u32 $0xFFFF0000, v4  }
0x3ec: {  	v5 =	vadd.f32 v6, v5;
	v3 =	vadd.f32 v4, v3;
	_ =	sdelay $0x1  }
0x3ed: {  	[tilespmem:s20+$0xA40] =	vst.add.f32.msk $0xffff, v5  }
0x3ee: {  	[tilespmem:s20+$0x1A40] =	vst.add.f32.msk $0xffff, v3  }
0x3ef: {  	v3 =	vld [tilespmem:s24+$0xCA50]  }
0x3f0: {  	v4 =	vld [tilespmem:s24+$0x14A50];
	_ =	sdelay $0x3  }
0x3f1: {  	v5 =	vshll.u32 v3, $0x10;
	v3 =	vand.u32 $0xFFFF0000, v3  }
0x3f2: {  	v6 =	vshll.u32 v4, $0x10;
	v4 =	vand.u32 $0xFFFF0000, v4  }
0x3f3: {  	v5 =	vadd.f32 v6, v5;
	v3 =	vadd.f32 v4, v3;
	_ =	sdelay $0x1  }
0x3f4: {  	[tilespmem:s20+$0xA50] =	vst.add.f32.msk $0xffff, v5  }
0x3f5: {  	[tilespmem:s20+$0x1A50] =	vst.add.f32.msk $0xffff, v3  }
0x3f6: {  	v3 =	vld [tilespmem:s24+$0xCA60]  }
0x3f7: {  	v4 =	vld [tilespmem:s24+$0x14A60];
	_ =	sdelay $0x3  }
0x3f8: {  	v5 =	vshll.u32 v3, $0x10;
	v3 =	vand.u32 $0xFFFF0000, v3  }
0x3f9: {  	v6 =	vshll.u32 v4, $0x10;
	v4 =	vand.u32 $0xFFFF0000, v4  }
0x3fa: {  	v5 =	vadd.f32 v6, v5;
	v3 =	vadd.f32 v4, v3;
	_ =	sdelay $0x1  }
0x3fb: {  	[tilespmem:s20+$0xA60] =	vst.add.f32.msk $0xffff, v5  }
0x3fc: {  	[tilespmem:s20+$0x1A60] =	vst.add.f32.msk $0xffff, v3  }
0x3fd: {  	v3 =	vld [tilespmem:s24+$0xCA70]  }
0x3fe: {  	v4 =	vld [tilespmem:s24+$0x14A70];
	_ =	sdelay $0x3  }
0x3ff: {  	v5 =	vshll.u32 v3, $0x10;
	v3 =	vand.u32 $0xFFFF0000, v3  }
0x400: {  	v6 =	vshll.u32 v4, $0x10;
	v4 =	vand.u32 $0xFFFF0000, v4  }
0x401: {  	v5 =	vadd.f32 v6, v5;
	v3 =	vadd.f32 v4, v3;
	_ =	sdelay $0x1  }
0x402: {  	[tilespmem:s20+$0xA70] =	vst.add.f32.msk $0xffff, v5  }
0x403: {  	s24 =	sor.u32 $0x4C00, s22;
	[tilespmem:s20+$0x1A70] =	vst.add.f32.msk $0xffff, v3  }
0x404: {  	v3 =	vld [tilespmem:s24+$0x8200]  }
0x405: {  	v4 =	vld [tilespmem:s24+$0x10200];
	_ =	sdelay $0x3  }
0x406: {  	v5 =	vshll.u32 v3, $0x10;
	v3 =	vand.u32 $0xFFFF0000, v3  }
0x407: {  	v6 =	vshll.u32 v4, $0x10;
	v4 =	vand.u32 $0xFFFF0000, v4  }
0x408: {  	v5 =	vadd.f32 v6, v5;
	v3 =	vadd.f32 v4, v3;
	_ =	sdelay $0x1  }
0x409: {  	[tilespmem:s20+$0xE00] =	vst.add.f32.msk $0xffff, v5  }
0x40a: {  	s24 =	sor.u32 $0x4C10, s22;
	[tilespmem:s20+$0x1E00] =	vst.add.f32.msk $0xffff, v3  }
0x40b: {  	v3 =	vld [tilespmem:s24+$0x8200]  }
0x40c: {  	v4 =	vld [tilespmem:s24+$0x10200];
	_ =	sdelay $0x3  }
0x40d: {  	v5 =	vshll.u32 v3, $0x10;
	v3 =	vand.u32 $0xFFFF0000, v3  }
0x40e: {  	v6 =	vshll.u32 v4, $0x10;
	v4 =	vand.u32 $0xFFFF0000, v4  }
.Ltmp1:
0x40f: {  	v5 =	vadd.f32 v6, v5;
	v3 =	vadd.f32 v4, v3;
	(pc) =	sbr.rel @p0 .LBB2_4-.Ltmp1, $4  }
0x410: {  	_ = 	snop  }
0x411: {  	[tilespmem:s20+$0xE10] =	vst.add.f32.msk $0xffff, v5  }
0x412: {  	s24 =	sor.u32 $0x4C20, s22;
	[tilespmem:s20+$0x1E10] =	vst.add.f32.msk $0xffff, v3  }
0x413: {  	v3 =	vld [tilespmem:s24+$0x8200]  }
0x414: {  	v4 =	vld [tilespmem:s24+$0x10200];
	_ =	sdelay $0x4  }
0x415: {  	v5 =	vshll.u32 v3, $0x10;
	v6 =	vshll.u32 v4, $0x10  }
0x416: {  	v3 =	vand.u32 $0xFFFF0000, v3;
	v4 =	vand.u32 $0xFFFF0000, v4;
	v5 =	vadd.f32 v6, v5  }
0x417: {  	v3 =	vadd.f32 v4, v3  }
0x418: {  	[tilespmem:s20+$0xE20] =	vst.add.f32.msk $0xffff, v5  }
0x419: {  	s21 =	sor.u32 $0x4C30, s22;
	[tilespmem:s20+$0x1E20] =	vst.add.f32.msk $0xffff, v3  }
0x41a: {  	v3 =	vld [tilespmem:s21+$0x8200]  }
0x41b: {  	v49 =	vld [tilespmem:s21+$0x10200];
	_ =	sdelay $0x4  }
0x41c: {  	v50 =	vshll.u32 v3, $0x10;
	v51 =	vshll.u32 v49, $0x10  }
0x41d: {  	v3 =	vand.u32 $0xFFFF0000, v3;
	v4 =	vand.u32 $0xFFFF0000, v49;
	v5 =	vadd.f32 v51, v50  }
0x41e: {  	v3 =	vadd.f32 v4, v3  }
0x41f: {  	[tilespmem:s20+$0xE30] =	vst.add.f32.msk $0xffff, v5  }
0x420: {  	s23 =	sor.u32 $0x4C40, s22;
	[tilespmem:s20+$0x1E30] =	vst.add.f32.msk $0xffff, v3  }
0x421: {  	v3 =	vld [tilespmem:s23+$0x8200]  }
0x422: {  	v52 =	vld [tilespmem:s23+$0x10200];
	_ =	sdelay $0x4  }
0x423: {  	v53 =	vshll.u32 v3, $0x10;
	v54 =	vshll.u32 v52, $0x10  }
0x424: {  	v3 =	vand.u32 $0xFFFF0000, v3;
	v4 =	vand.u32 $0xFFFF0000, v52;
	v5 =	vadd.f32 v54, v53  }
0x425: {  	v3 =	vadd.f32 v4, v3  }
0x426: {  	[tilespmem:s20+$0xE40] =	vst.add.f32.msk $0xffff, v5  }
0x427: {  	s24 =	sor.u32 $0x4C50, s22;
	[tilespmem:s20+$0x1E40] =	vst.add.f32.msk $0xffff, v3  }
0x428: {  	v3 =	vld [tilespmem:s24+$0x8200]  }
0x429: {  	v55 =	vld [tilespmem:s24+$0x10200];
	_ =	sdelay $0x4  }
0x42a: {  	v56 =	vshll.u32 v3, $0x10;
	v57 =	vshll.u32 v55, $0x10  }
0x42b: {  	v3 =	vand.u32 $0xFFFF0000, v3;
	v4 =	vand.u32 $0xFFFF0000, v55;
	v5 =	vadd.f32 v57, v56  }
0x42c: {  	v3 =	vadd.f32 v4, v3  }
0x42d: {  	[tilespmem:s20+$0xE50] =	vst.add.f32.msk $0xffff, v5  }
0x42e: {  	s25 =	sor.u32 $0x4C60, s22;
	[tilespmem:s20+$0x1E50] =	vst.add.f32.msk $0xffff, v3  }
0x42f: {  	v3 =	vld [tilespmem:s25+$0x8200]  }
0x430: {  	v58 =	vld [tilespmem:s25+$0x10200];
	_ =	sdelay $0x4  }
0x431: {  	v59 =	vshll.u32 v3, $0x10;
	v60 =	vshll.u32 v58, $0x10  }
0x432: {  	v3 =	vand.u32 $0xFFFF0000, v3;
	v4 =	vand.u32 $0xFFFF0000, v58;
	v5 =	vadd.f32 v60, v59  }
0x433: {  	v3 =	vadd.f32 v4, v3  }
0x434: {  	[tilespmem:s20+$0xE60] =	vst.add.f32.msk $0xffff, v5  }
0x435: {  	s26 =	sor.u32 $0x4C70, s22;
	[tilespmem:s20+$0x1E60] =	vst.add.f32.msk $0xffff, v3  }
0x436: {  	v3 =	vld [tilespmem:s26+$0x8200]  }
0x437: {  	v61 =	vld [tilespmem:s26+$0x10200];
	_ =	sdelay $0x4  }
0x438: {  	v62 =	vshll.u32 v3, $0x10;
	v63 =	vshll.u32 v61, $0x10  }
0x439: {  	v3 =	vand.u32 $0xFFFF0000, v3;
	v4 =	vand.u32 $0xFFFF0000, v61;
	v5 =	vadd.f32 v63, v62  }
0x43a: {  	s19 =	sadd.s32 $0x1, s19;
	v3 =	vadd.f32 v4, v3  }
0x43b: {  	p0 =	sne.s32 s19, s13;
	[tilespmem:s20+$0xE70] =	vst.add.f32.msk $0xffff, v5  }
.Ltmp2:
0x43c: {  	[tilespmem:s20+$0x1E70] =	vst.add.f32.msk $0xffff, v3;
	(pc) =	sbr.rel @p0 .LBB2_1-.Ltmp2, $4  }
0x43d: {  	[hbm4b:s12+s1] =	stream.linear.scatter [tilespmem:s2], [sflag:$0x3], $0x8000, $0x38;
	[tilespmem:$0x18200] =	vst v63  }
0x43e: {  	_ =	swait.ge [sflag:s14], $0x8000  }
0x43f: {  	[sflag:s14] =	ssyncset.done $0x0  }
0x440: {  	[sflag:s14] =	ssyncadd.s32 $0xFFFF8000  }
0x441: {  	_ =	sfence.sel $0x180000  }
0x442: {  	[bflag:$0x0] =	sbarrier.arrive $0xFFFF  }
0x443: {  	_ =	strace $0x9000004A  }
0x444: {  	s0 =	stileid.u32;
	[bflag:$0x2] =	sbarrier.arrive $0xFFFF  }
0x445: {  	p0 =	sne.s32 s0, $0x0;
	s0 =	rddreg [dreg:$0x2]  }
0x446: {  	s0 =	sadd.s32 @!p0 $0x100000, s0  }
0x447: {  	[sflag:s0] =	ssyncadd.tile.s32 @!p0 $0x1;
	_ =	shalt  }
.Lfunc_end2:
_tile_overlayer_lowered:
.L_overlay_start_2:
0x448: {  	(tag) =	ssettag $0x2  }
0x449: {  	s0 =	rddreg [dreg:$0x0];
	s2 =	stileid.u32  }
0x44a: {  	s1 =	rddreg [dreg:$0x1];
	p0 =	sne.s32 s2, $0x0  }
0x44b: {  	s3 =	rddreg [dreg:$0x2];
	[bflag:$0x3] =	sbarrier.arrive $0xFFFF;
	s2 =	simm.s32 @!p0 $0x1C03  }
0x44c: {  	[timem:s3], [sflag:s2] =	dma.local @!p0 [hbm:s0], s1  }
0x44d: {  	s0 =	simm.s32 @!p0 $0x3  }
0x44e: {  	_ =	swait.ge @!p0 [sflag:s0], s1  }
0x44f: {  	s1 =	ssub.s32 @!p0 $0x0, s1;
	[sflag:s0] =	ssyncset.done @!p0 $0x0  }
0x450: {  	[sflag:s0] =	ssyncadd.s32 @!p0 s1  }
0x451: {  	[bflag:$0x3] =	sbarrier.arrive $0xFFFF  }
0x452: {  	_ =	shalt  }

// kernel: kernel.7.cloned.1.call-start
scs
__scs_entry_jumppad:
0x0: {  	(pc) =	sbr.rel $0x88, $3  }
0x1: {  	(tag) =	ssettag $0x0;
	lr =	simm.s32 $0x1  }
0x2: {  	[smem:$0x3F99] =	sst lr;
	_ =	strace $0xD0000000  }
0x3: {  	_ = 	snop  }
0x4: {  	_ = 	snop  }
0x5: {  	_ = 	snop  }
0x6: {  	_ = 	snop  }
0x7: {  	_ = 	snop  }
__scs_overlays_trampoline_lowered:
0x8: {  	[smem:$0x3FA8] =	sst s0  }
0x9: {  	[smem:$0x3FA9] =	sst s1  }
0xa: {  	[smem:$0x3FAA] =	sst s2  }
0xb: {  	[smem:$0x3FAB] =	sst s3  }
0xc: {  	[smem:$0x3FAC] =	sst s4  }
0xd: {  	[smem:$0x3FAD] =	sst s5  }
0xe: {  	[smem:$0x3FAE] =	sst s6  }
0xf: {  	[smem:$0x3FAF] =	sst s7  }
0x10: {  	[smem:$0x3FB0] =	sst s8  }
0x11: {  	[smem:$0x3FB1] =	sst s9;
	s0 =	simm.s32 @!p0 $0x0  }
0x12: {  	s1 =	sld [smem:$0x3F97];
	s0 =	simm.s32 @p0 $0x1  }
0x13: {  	[smem:$0x3FB2] =	sst s0;
	s0 =	simm.s32 @!p1 $0x0  }
0x14: {  	s2 =	sld [smem:$0x3F96];
	s0 =	simm.s32 @p1 $0x1  }
0x15: {  	[smem:$0x3FB3] =	sst s0;
	s0 =	simm.s32 @!p2 $0x0  }
0x16: {  	s3 =	sld [smem:$0x3FDB];
	s0 =	simm.s32 @p2 $0x1  }
0x17: {  	s4 =	simm.s32 $0x1BF5;
	[smem:$0x3FB5] =	sst s0  }
0x18: {  	s0 =	sld [smem:$0x3F98];
	_ =	swait.ge [sflag:s4], $0x0  }
0x19: {  	s7 =	sld [smem:$0x3F99]  }
0x1a: {  	s8 =	sadd.s32 $0xFFFFE003, lr  }
0x1b: {  	s9 =	sadd.s32 $0xFFFFFEF7, lr;
	s5 =	simm.s32 $0xFFFFFFFF;
	p2 =	slt.u32 s8, $0xFFFFF086  }
0x1c: {  	p1 =	slt.u32 s9, $0xF7A;
	s5 =	simm.s32 @!p2 $0x0  }
0x1d: {  	s5 =	simm.s32 @p1 $0x1;
	p0 =	seq.s32 s7, s2  }
0x1e: {  	s7 =	smul.u32 @!p0 $0xF7A, s2;
	p2 =	seq.s32 @!p0 s5, $0x0  }
0x1f: {  	s9 =	smul.u32 $0xF7A, s1;
	s8 =	simm.s32 @!p0 $0x1BF5;
	p2 =	por !p2, p0  }
0x20: {  	[sflag:s8] =	ssyncset.s32 @!p0 $0xFFFFF086;
	s6 =	sadd.s32 @!p0 s3, s7;
	s7 =	simm.s32 @!p0 $0x108  }
0x21: {  	s3 =	sadd.s32 s3, s9;
	s6 =	sadd.s32 @!p0 $0x88, s6;
	s7 =	simm.s32 @p2 $0x1082  }
0x22: {  	[simem:s7], [sflag:s8] =	dma.local @!p0 [hbm:s6], $0xF7A  }
0x23: {  	s9 =	sor.u32 $0xD0000000, s2;
	s6 =	simm.s32 $0x108;
	_ =	swait.ge @!p0 [sflag:s8], $0x0  }
0x24: {  	s3 =	sadd.s32 $0x88, s3;
	s6 =	simm.s32 @!p1 $0x1082;
	[sflag:s4] =	ssyncset.s32 $0xFFFFF086  }
0x25: {  	[simem:s6], [sflag:s4] =	dma.local [hbm:s3], $0xF7A  }
0x26: {  	[smem:$0x3F99] =	sst s1;
	(tag) =	ssettag s2;
	_ =	strace s9  }
0x27: {  	s1 =	sld [smem:$0x3FA9]  }
0x28: {  	s2 =	sld [smem:$0x3FAA]  }
0x29: {  	s4 =	sld [smem:$0x3FAC]  }
0x2a: {  	p0 =	seq.s32 s5, $0x0;
	s5 =	sld [smem:$0x3FAD]  }
0x2b: {  	s6 =	sld [smem:$0x3FAE]  }
0x2c: {  	s7 =	sld [smem:$0x3FAF]  }
0x2d: {  	s3 =	simm.s32 $0x108;
	s8 =	sld [smem:$0x3FB0]  }
0x2e: {  	s3 =	simm.s32 @!p0 $0x1082;
	s9 =	sld [smem:$0x3FB1]  }
0x2f: {  	lr =	sadd.s32 s0, s3;
	s0 =	sld [smem:$0x3FA8]  }
0x30: {  	s3 =	sld [smem:$0x3FAB]  }
0x31: {  	[smem:$0x3FB4] =	sst s10  }
0x32: {  	s10 =	sld [smem:$0x3FB2];
	_ =	sdelay $0x3  }
0x33: {  	p0 =	seq.s32 s10, $0x1;
	s10 =	sld [smem:$0x3FB4];
	_ =	sdelay $0x3  }
0x34: {  	[smem:$0x3FB4] =	sst s10  }
0x35: {  	s10 =	sld [smem:$0x3FB3];
	_ =	sdelay $0x3  }
0x36: {  	p1 =	seq.s32 s10, $0x1;
	s10 =	sld [smem:$0x3FB4];
	_ =	sdelay $0x3  }
0x37: {  	[smem:$0x3FB4] =	sst s10  }
0x38: {  	s10 =	sld [smem:$0x3FB5]  }
0x39: {  	_ = 	snop;
	(pc) =	sbr.ind lr, $3  }
0x3a: {  	_ = 	snop  }
0x3b: {  	_ = 	snop  }
0x3c: {  	p2 =	seq.s32 s10, $0x1;
	s10 =	sld [smem:$0x3FB4]  }
0x3d: {  	_ =	shalt  }
0x3e: {  	_ =	shalt  }
0x3f: {  	_ =	shalt  }
0x40: {  	_ =	shalt  }
0x41: {  	_ =	shalt  }
0x42: {  	_ =	shalt  }
0x43: {  	_ =	shalt  }
0x44: {  	_ =	shalt  }
0x45: {  	_ =	shalt  }
0x46: {  	_ =	shalt  }
0x47: {  	_ =	shalt  }
0x48: {  	_ =	shalt  }
0x49: {  	_ =	shalt  }
0x4a: {  	_ =	shalt  }
0x4b: {  	_ =	shalt  }
0x4c: {  	_ =	shalt  }
0x4d: {  	_ =	shalt  }
0x4e: {  	_ =	shalt  }
0x4f: {  	_ =	shalt  }
0x50: {  	_ =	shalt  }
0x51: {  	_ =	shalt  }
0x52: {  	_ =	shalt  }
0x53: {  	_ =	shalt  }
0x54: {  	_ =	shalt  }
0x55: {  	_ =	shalt  }
0x56: {  	_ =	shalt  }
0x57: {  	_ =	shalt  }
0x58: {  	_ =	shalt  }
0x59: {  	_ =	shalt  }
0x5a: {  	_ =	shalt  }
0x5b: {  	_ =	shalt  }
0x5c: {  	_ =	shalt  }
0x5d: {  	_ =	shalt  }
0x5e: {  	_ =	shalt  }
0x5f: {  	_ =	shalt  }
0x60: {  	_ =	shalt  }
0x61: {  	_ =	shalt  }
0x62: {  	_ =	shalt  }
0x63: {  	_ =	shalt  }
0x64: {  	_ =	shalt  }
0x65: {  	_ =	shalt  }
0x66: {  	_ =	shalt  }
0x67: {  	_ =	shalt  }
0x68: {  	_ =	shalt  }
0x69: {  	_ =	shalt  }
0x6a: {  	_ =	shalt  }
0x6b: {  	_ =	shalt  }
0x6c: {  	_ =	shalt  }
0x6d: {  	_ =	shalt  }
0x6e: {  	_ =	shalt  }
0x6f: {  	_ =	shalt  }
0x70: {  	_ =	shalt  }
0x71: {  	_ =	shalt  }
0x72: {  	_ =	shalt  }
0x73: {  	_ =	shalt  }
0x74: {  	_ =	shalt  }
0x75: {  	_ =	shalt  }
0x76: {  	_ =	shalt  }
0x77: {  	_ =	shalt  }
0x78: {  	_ =	shalt  }
0x79: {  	_ =	shalt  }
0x7a: {  	_ =	shalt  }
0x7b: {  	_ =	shalt  }
0x7c: {  	_ =	shalt  }
0x7d: {  	_ =	shalt  }
0x7e: {  	_ =	shalt  }
0x7f: {  	_ =	shalt  }
0x80: {  	_ =	shalt  }
0x81: {  	_ =	shalt  }
0x82: {  	_ =	shalt  }
0x83: {  	_ =	shalt  }
0x84: {  	_ =	shalt  }
0x85: {  	_ =	shalt  }
0x86: {  	_ =	shalt  }
0x87: {  	_ =	shalt  }
.Lfunc_end0:
.L_simem_size_0:
called_computation_lowered:
.L_overlay_start_0:
0x88: {  	s2 =	sld [smem:$0x3FD9]  }
0x89: {  	s3 =	sld [smem:$0x3FFE];
	_ =	sdelay $0x1  }
0x8a: {  	s1 =	srdreg.scid  }
0x8b: {  	s0 =	sand.u32 $0x1, s1  }
0x8c: {  	s14 =	sshll.u32 s0, $0xA;
	s2 =	sadd.s32 s3, s2  }
0x8d: {  	s2 =	sadd.s32 s2, s14  }
0x8e: {  	[smem:$0x3FC0] =	sst s2  }
0x8f: {  	_ = 	snop  }
0x90: {  	s2 =	sld [smem:$0x3FD0];
	_ =	sdelay $0x2  }
0x91: {  	s15 =	simm.s32 $0xA;
	s4 =	simm.s32 $0x10  }
0x92: {  	[smem:s4], [sflag:s15] =	dma.local [hbm:s2], $0x1  }
0x93: {  	_ =	swait.eq [sflag:s15], $0x1  }
0x94: {  	s16 =	sld [smem:$0x10];
	[sflag:s15] =	ssyncset.done $0x0  }
0x95: {  	s17 =	sld [smem:$0x11];
	[sflag:s15] =	ssyncadd.s32 $0xFFFFFFFF  }
0x96: {  	s18 =	sld [smem:$0x12];
	(tm) =	ssettm $0x1  }
0x97: {  	s5 =	sld [smem:$0x3FFB];
	_ =	sdelay $0x3  }
0x98: {  	_ =	strace s5  }
0x99: {  	s5 =	sld [smem:$0x3FFC];
	_ =	sdelay $0x3  }
0x9a: {  	_ =	strace s5  }
0x9b: {  	s5 =	sld [smem:$0x3FFD];
	_ =	sdelay $0x3  }
0x9c: {  	_ =	strace s5  }
0x9d: {  	_ =	strace $0x8FFFFFFF  }
0x9e: {  	s19 =	sld [smem:$0x3FDB];
	_ =	sdelay $0x1  }
0x9f: {  	s6 =	simm.s32 $_scs_section_size  }
0xa0: {  	s7 =	simm.s32 $_size__tile_overlayer_lowered;
	s8 =	simm.s32 $_tile_overlayer_lowered  }
0xa1: {  	s22 =	simm.s32 $0x1BFF;
	s21 =	sshll.u32 s8, $0x1;
	s5 =	sadd.s32 s6, s19  }
0xa2: {  	s9 =	simm.s32 $0x0;
	s20 =	sshll.u32 s7, $0x1;
	s7 =	sadd.s32 s21, s5  }
0xa3: {  	[timem:s9], [sflag:s22] =	dma.local [hbm:s7], s20  }
0xa4: {  	_ =	swait.ge [sflag:s22], s20  }
0xa5: {  	s6 =	ssub.s32 $0x0, s20;
	[sflag:s22] =	ssyncset.done $0x0  }
0xa6: {  	[sflag:s22] =	ssyncadd.s32 s6;
	_ =	sdelay $0x1  }
0xa7: {  	s23 =	simm.s32 $0x1B8B  }
0xa8: {  	_ =	swait.ge [sflag:s23], $0x1  }
0xa9: {  	[sflag:s23] =	ssyncset.done $0x0  }
0xaa: {  	s25 =	simm.s32 $0x1B8E;
	s24 =	sld [smem:$0x3FFE];
	[sflag:s23] =	ssyncadd.s32 $0xFFFFFFFF  }
0xab: {  	s26 =	simm.s32 $execute0_lowered;
	[smem:$0x3FD2] =	sst s25  }
0xac: {  	s7 =	sshll.u32 s26, $0x1;
	_ =	strace $0x80000046;
	[dreg:$0x1] =	wrdreg $0xFFFFFFFF  }
0xad: {  	s28 =	simm.s32 $_size_execute0_lowered;
	s5 =	sadd.s32 s5, s7;
	[dreg:$0x0] =	wrdreg $0x0  }
0xae: {  	s7 =	sshll.u32 s28, $0x1;
	[dreg:$0x2] =	wrdreg s5  }
0xaf: {  	[dreg:$0x3] =	wrdreg s7  }
0xb0: {  	[dreg:$0x4] =	wrdreg $0xC0  }
0xb1: {  	_ =	task [dreg:s9], $0x5FFFF  }
0xb2: {  	[dreg:$0x1] =	wrdreg $0xFFFFFFFF  }
0xb3: {  	[dreg:$0x0] =	wrdreg $0x60  }
0xb4: {  	[dreg:$0x2] =	wrdreg s16  }
0xb5: {  	[dreg:$0x3] =	wrdreg s18  }
0xb6: {  	[dreg:$0x4] =	wrdreg s17  }
0xb7: {  	[dreg:$0x5] =	wrdreg s24  }
0xb8: {  	[dreg:$0x6] =	wrdreg $0x9  }
0xb9: {  	_ =	task.clear_ibuf [dreg:s9], $0x7FFFF;
	_ =	strace $0x90000046  }
0xba: {  	s29 =	simm.s32 $0x9;
	_ =	strace $0x80000048  }
0xbb: {  	_ =	swait.ge [sflag:s29], $0x1  }
0xbc: {  	[sflag:s29] =	ssyncadd.s32 $0xFFFFFFFF  }
0xbd: {  	_ =	strace $0x90000048  }
0xbe: {  	_ =	sfence  }
0xbf: {  	s30 =	sld [smem:$0x0];
	_ =	sdelay $0x2  }
0xc0: {  	s31 =	sshll.u32 s1, $0xD;
	s1 =	sshrl.u32 s1, $0x2  }
0xc1: {  	s3 =	sand.u32 $0x4000, s31;
	s1 =	sadd.s32 s1, s30  }
0xc2: {  	s0 =	sor.u32 s3, s0;
	s1 =	sshll.u32 s1, $0x11  }
0xc3: {  	s0 =	sor.u32 s1, s0  }
0xc4: {  	s0 =	sadd.s32 $0x8F2B, s0  }
0xc5: {  	[sflag:s0] =	ssyncadd.remote.s32 $0x1  }
0xc6: {  	_ =	sfence.sel $0xFFFF  }
0xc7: {  	[dreg:$0x0] =	wrdreg $0xFFFFFFFF;
	(pc) =	sbr.abs _section_cstart, $3  }
0xc8: {  	[dreg:$0x1] =	wrdreg $0xFFFFFFFF  }
0xc9: {  	_ =	task.clear_ibuf [dreg:s9], $0x2FFFF;
	_ =	strace $0x9FFFFFFF  }
0xca: {  	(tm) =	ssettm $0x7FFFFFFF  }
0xcb: {  	_ =	shalt  }
tec
execute0_lowered:
.L_overlay_start_1:
0x0: {  	(tag) =	ssettag $0x1  }
0x1: {  	s0 =	rddreg [dreg:$0x0]  }
0x2: {  	s5 =	rddreg [dreg:$0x1]  }
0x3: {  	s6 =	rddreg [dreg:$0x2]  }
0x4: {  	s8 =	rddreg [dreg:$0x3]  }
0x5: {  	s3 =	srdreg.scid;
	s1 =	stileid.u32;
	s2 =	simm.s32 $0x0  }
0x6: {  	s13 =	simm.s32 $0x8100;
	s14 =	simm.s32 $0xA100;
	s15 =	simm.s32 $0x900  }
0x7: {  	s16 =	simm.s32 $0x1100;
	s17 =	simm.s32 $0x1900;
	s18 =	simm.s32 $0x2100  }
0x8: {  	s19 =	simm.s32 $0x2900;
	s20 =	simm.s32 $0x3100;
	s21 =	simm.s32 $0x3900  }
0x9: {  	s22 =	simm.s32 $0x4100;
	s28 =	simm.s32 $0x6900;
	s29 =	simm.s32 $0x7100  }
0xa: {  	s30 =	simm.s32 $0x7900;
	s31 =	simm.s32 $0x40;
	s7 =	sand.u32 $0x1, s3  }
0xb: {  	s23 =	sshll.u32 s1, $0x1;
	[smem:$0x7FF] =	sst s2;
	s4 =	sadd.s32 $0x10800, s8  }
0xc: {  	s9 =	sor.u32 s7, s23;
	_ =	strace $0x80000047;
	s7 =	ssub.s32 $0x2, s7  }
0xd: {  	s23 =	simm.s32 $0x4900;
	s3 =	sshll.u32 s9, $0xA;
	s11 =	sshll.u32 s9, $0x4  }
0xe: {  	s12 =	sshrl.u32 s7, $0x1;
	s26 =	sshll.u32 s9, $0xC;
	s10 =	sadd.s32 s3, s8  }
0xf: {  	s3 =	sadd.s32 $0x28800, s8;
	s5 =	sadd.s32 s5, s11;
	s24 =	sadd.s32 s6, s11  }
0x10: {  	s25 =	ssub.s32 s7, s12;
	s8 =	sadd.s32 $0x28900, s8;
	[dreg:$0x5] =	wrdreg s5  }
0x11: {  	s11 =	simm.s32 $0x80;
	s12 =	simm.s32 $0x100;
	[dreg:$0x6] =	wrdreg s24  }
0x12: {  	v2 =	vlaneseq.u32;
	s5 =	sadd.s32 s0, s26;
	s6 =	sadd.s32 $0x800, s10;
	s7 =	sadd.s32 $0x8800, s10  }
0x13: {  	vm0 =	vmmov $0xffff;
	v1 =	vshrl.u32 v2, $0x3;
	s9 =	smax.u32 s25, $0x1;
	s10 =	simm.s32 $0x2;
	s24 =	simm.s32 $0x5100  }
0x14: {  	v0 =	vand.u32 $0x7, v2;
	v2 =	vor.u32 $0x8, v2;
	v1 =	vmul.u32 $0x8, v1;
	s25 =	simm.s32 $0x5900;
	s26 =	simm.s32 $0x6100;
	s0 =	simm.s32 $0x1  }
.LBB2_1:
0x15: {  	s1 =	rddreg [dreg:$0x5]  }
0x16: {  	[tilespmem:s2], [sflag:$0x2] =	stream.linear.gather [hbm4b:s1+s2], $0x80, $0x38;
	[tilespmem:$0xC100] =	vst v63  }
0x17: {  	_ =	swait.ge [sflag:s10], $0x80  }
0x18: {  	[sflag:s10] =	ssyncset.done $0x0  }
0x19: {  	s1 =	rddreg [dreg:$0x6];
	[sflag:s10] =	ssyncadd.s32 $0xFFFFFF80  }
0x1a: {  	[tilespmem:s11], [sflag:$0x2] =	stream.linear.gather [hbm4b:s1+s2], $0x80, $0x38;
	[tilespmem:$0xC100] =	vst v63  }
0x1b: {  	_ =	swait.ge [sflag:s10], $0x80  }
0x1c: {  	[sflag:s10] =	ssyncset.done $0x0  }
0x1d: {  	[sflag:s10] =	ssyncadd.s32 $0xFFFFFF80  }
0x1e: {  	[tilespmem:s12], [sflag:$0x2] =	stream.linear.gather [hbm4b:s5+s2], $0x8000, $0x38;
	[tilespmem:$0xC100] =	vst v63  }
0x1f: {  	_ =	swait.ge [sflag:s10], $0x8000  }
0x20: {  	[sflag:s10] =	ssyncset.done $0x0  }
0x21: {  	[sflag:s10] =	ssyncadd.s32 $0xFFFF8000  }
0x22: {  	[tilespmem:s13], [sflag:$0x2] =	stream.linear.gather [hbm4b:s6+s2], $0x2000, $0x38;
	[tilespmem:$0xC100] =	vst v63  }
0x23: {  	_ =	swait.ge [sflag:s10], $0x2000  }
0x24: {  	[sflag:s10] =	ssyncset.done $0x0  }
0x25: {  	[sflag:s10] =	ssyncadd.s32 $0xFFFFE000  }
0x26: {  	[tilespmem:s14], [sflag:$0x2] =	stream.linear.gather [hbm4b:s7+s2], $0x2000, $0x38;
	[tilespmem:$0xC100] =	vst v63  }
0x27: {  	_ =	swait.ge [sflag:s10], $0x2000  }
0x28: {  	[sflag:s10] =	ssyncset.done $0x0  }
0x29: {  	[sflag:s10] =	ssyncadd.s32 $0xFFFFE000  }
0x2a: {  	v3 =	vld [tilespmem:$0x0];
	_ =	sdelay $0x4  }
0x2b: {  	v4 =	vshll.u32 v3, $0x2  }
0x2c: {  	v3 =	vand.u32 $0x7, v3;
	v4 =	vand.u32 $0xFFFFFFE0, v4  }
0x2d: {  	v3 =	vor.u32 v3, v4  }
0x2e: {  	v4 =	vperm.xlane v3, v0;
	_ =	sdelay $0x1  }
0x2f: {  	v4 =	vadd.s32 v1, v4;
	_ =	sdelay $0x1  }
0x30: {  	v3 =	vperm.xlane v3, v2;
	_ =	sdelay $0x1  }
0x31: {  	v3 =	vadd.s32 v1, v3  }
0x32: {  	[hbm4b:s3+s2] =	stream.indirect_vreg.scatter [tilespmem:s12], [sflag:$0x1], $0x80, v4, vm0, $0xb8;
	[tilespmem:$0xC100] =	vst v63  }
0x33: {  	_ = 	snop  }
0x34: {  	[hbm4b:s8+s2] =	stream.indirect_vreg.scatter [tilespmem:s15], [sflag:$0x1], $0x80, v4, vm0, $0xb8;
	[tilespmem:$0xC100] =	vst v63  }
0x35: {  	_ = 	snop  }
0x36: {  	[hbm4b:s3+s2] =	stream.indirect_vreg.scatter [tilespmem:s16], [sflag:$0x1], $0x80, v3, vm0, $0xb8;
	[tilespmem:$0xC100] =	vst v63  }
0x37: {  	_ = 	snop  }
0x38: {  	[hbm4b:s8+s2] =	stream.indirect_vreg.scatter [tilespmem:s17], [sflag:$0x1], $0x80, v3, vm0, $0xb8;
	[tilespmem:$0xC100] =	vst v63  }
0x39: {  	v3 =	vld [tilespmem:$0x10];
	_ =	sdelay $0x4  }
0x3a: {  	v57 =	vshll.u32 v3, $0x2  }
0x3b: {  	v3 =	vand.u32 $0x7, v3;
	v4 =	vand.u32 $0xFFFFFFE0, v57  }
0x3c: {  	v3 =	vor.u32 v3, v4  }
0x3d: {  	v4 =	vperm.xlane v3, v0;
	_ =	sdelay $0x1  }
0x3e: {  	v4 =	vadd.s32 v1, v4;
	_ =	sdelay $0x1  }
0x3f: {  	v3 =	vperm.xlane v3, v2;
	_ =	sdelay $0x1  }
0x40: {  	v3 =	vadd.s32 v1, v3  }
0x41: {  	[hbm4b:s3+s2] =	stream.indirect_vreg.scatter [tilespmem:s18], [sflag:$0x1], $0x80, v4, vm0, $0xb8;
	[tilespmem:$0xC100] =	vst v63  }
0x42: {  	_ = 	snop  }
0x43: {  	[hbm4b:s8+s2] =	stream.indirect_vreg.scatter [tilespmem:s19], [sflag:$0x1], $0x80, v4, vm0, $0xb8;
	[tilespmem:$0xC100] =	vst v63  }
0x44: {  	_ = 	snop  }
0x45: {  	[hbm4b:s3+s2] =	stream.indirect_vreg.scatter [tilespmem:s20], [sflag:$0x1], $0x80, v3, vm0, $0xb8;
	[tilespmem:$0xC100] =	vst v63  }
0x46: {  	_ = 	snop  }
0x47: {  	[hbm4b:s8+s2] =	stream.indirect_vreg.scatter [tilespmem:s21], [sflag:$0x1], $0x80, v3, vm0, $0xb8;
	[tilespmem:$0xC100] =	vst v63  }
0x48: {  	v3 =	vld [tilespmem:$0x20];
	_ =	sdelay $0x4  }
0x49: {  	v58 =	vshll.u32 v3, $0x2  }
0x4a: {  	v3 =	vand.u32 $0x7, v3;
	v4 =	vand.u32 $0xFFFFFFE0, v58  }
0x4b: {  	v3 =	vor.u32 v3, v4  }
0x4c: {  	v4 =	vperm.xlane v3, v0;
	_ =	sdelay $0x1  }
0x4d: {  	v4 =	vadd.s32 v1, v4;
	_ =	sdelay $0x1  }
0x4e: {  	v3 =	vperm.xlane v3, v2;
	_ =	sdelay $0x1  }
0x4f: {  	v3 =	vadd.s32 v1, v3  }
0x50: {  	[hbm4b:s3+s2] =	stream.indirect_vreg.scatter [tilespmem:s22], [sflag:$0x1], $0x80, v4, vm0, $0xb8;
	[tilespmem:$0xC100] =	vst v63  }
0x51: {  	_ = 	snop  }
0x52: {  	[hbm4b:s8+s2] =	stream.indirect_vreg.scatter [tilespmem:s23], [sflag:$0x1], $0x80, v4, vm0, $0xb8;
	[tilespmem:$0xC100] =	vst v63  }
0x53: {  	_ = 	snop  }
0x54: {  	[hbm4b:s3+s2] =	stream.indirect_vreg.scatter [tilespmem:s24], [sflag:$0x1], $0x80, v3, vm0, $0xb8;
	[tilespmem:$0xC100] =	vst v63  }
0x55: {  	_ = 	snop  }
0x56: {  	[hbm4b:s8+s2] =	stream.indirect_vreg.scatter [tilespmem:s25], [sflag:$0x1], $0x80, v3, vm0, $0xb8;
	[tilespmem:$0xC100] =	vst v63  }
0x57: {  	v3 =	vld [tilespmem:$0x30];
	_ =	sdelay $0x4  }
0x58: {  	v59 =	vshll.u32 v3, $0x2  }
0x59: {  	v3 =	vand.u32 $0x7, v3;
	v4 =	vand.u32 $0xFFFFFFE0, v59  }
0x5a: {  	v3 =	vor.u32 v3, v4  }
0x5b: {  	v4 =	vperm.xlane v3, v0;
	_ =	sdelay $0x1  }
0x5c: {  	v4 =	vadd.s32 v1, v4;
	_ =	sdelay $0x1  }
0x5d: {  	v3 =	vperm.xlane v3, v2;
	_ =	sdelay $0x1  }
0x5e: {  	v3 =	vadd.s32 v1, v3  }
0x5f: {  	[hbm4b:s3+s2] =	stream.indirect_vreg.scatter [tilespmem:s26], [sflag:$0x1], $0x80, v4, vm0, $0xb8;
	[tilespmem:$0xC100] =	vst v63  }
0x60: {  	_ = 	snop  }
0x61: {  	[hbm4b:s8+s2] =	stream.indirect_vreg.scatter [tilespmem:s28], [sflag:$0x1], $0x80, v4, vm0, $0xb8;
	[tilespmem:$0xC100] =	vst v63  }
0x62: {  	_ = 	snop  }
0x63: {  	[hbm4b:s3+s2] =	stream.indirect_vreg.scatter [tilespmem:s29], [sflag:$0x1], $0x80, v3, vm0, $0xb8;
	[tilespmem:$0xC100] =	vst v63  }
0x64: {  	_ = 	snop  }
0x65: {  	[hbm4b:s8+s2] =	stream.indirect_vreg.scatter [tilespmem:s30], [sflag:$0x1], $0x80, v3, vm0, $0xb8;
	[tilespmem:$0xC100] =	vst v63  }
0x66: {  	v3 =	vld [tilespmem:$0x80];
	_ =	sdelay $0x4  }
0x67: {  	v60 =	vshll.u32 v3, $0x2  }
0x68: {  	v3 =	vand.u32 $0x7, v3;
	v4 =	vand.u32 $0xFFFFFFE0, v60  }
0x69: {  	v3 =	vor.u32 v3, v4  }
0x6a: {  	v4 =	vperm.xlane v3, v0;
	_ =	sdelay $0x1  }
0x6b: {  	v4 =	vadd.s32 v1, v4;
	_ =	sdelay $0x1  }
0x6c: {  	v3 =	vperm.xlane v3, v2;
	_ =	sdelay $0x1  }
0x6d: {  	v3 =	vadd.s32 v1, v3  }
0x6e: {  	[hbm4b:s3+s2] =	stream.indirect_vreg.scatter [tilespmem:s12], [sflag:$0x1], $0x80, v4, vm0, $0xb8;
	[tilespmem:$0xC100] =	vst v63  }
0x6f: {  	_ = 	snop  }
0x70: {  	[hbm4b:s8+s2] =	stream.indirect_vreg.scatter [tilespmem:s15], [sflag:$0x1], $0x80, v4, vm0, $0xb8;
	[tilespmem:$0xC100] =	vst v63  }
0x71: {  	_ = 	snop  }
0x72: {  	[hbm4b:s3+s2] =	stream.indirect_vreg.scatter [tilespmem:s16], [sflag:$0x1], $0x80, v3, vm0, $0xb8;
	[tilespmem:$0xC100] =	vst v63  }
0x73: {  	_ = 	snop  }
0x74: {  	[hbm4b:s8+s2] =	stream.indirect_vreg.scatter [tilespmem:s17], [sflag:$0x1], $0x80, v3, vm0, $0xb8;
	[tilespmem:$0xC100] =	vst v63  }
0x75: {  	v3 =	vld [tilespmem:$0x90];
	_ =	sdelay $0x4  }
0x76: {  	v61 =	vshll.u32 v3, $0x2  }
0x77: {  	v3 =	vand.u32 $0x7, v3;
	v4 =	vand.u32 $0xFFFFFFE0, v61  }
0x78: {  	v3 =	vor.u32 v3, v4  }
0x79: {  	v4 =	vperm.xlane v3, v0;
	_ =	sdelay $0x1  }
0x7a: {  	v4 =	vadd.s32 v1, v4;
	_ =	sdelay $0x1  }
0x7b: {  	v3 =	vperm.xlane v3, v2;
	_ =	sdelay $0x1  }
0x7c: {  	v3 =	vadd.s32 v1, v3  }
0x7d: {  	[hbm4b:s3+s2] =	stream.indirect_vreg.scatter [tilespmem:s18], [sflag:$0x1], $0x80, v4, vm0, $0xb8;
	[tilespmem:$0xC100] =	vst v63  }
0x7e: {  	_ = 	snop  }
0x7f: {  	[hbm4b:s8+s2] =	stream.indirect_vreg.scatter [tilespmem:s19], [sflag:$0x1], $0x80, v4, vm0, $0xb8;
	[tilespmem:$0xC100] =	vst v63  }
0x80: {  	_ = 	snop  }
0x81: {  	[hbm4b:s3+s2] =	stream.indirect_vreg.scatter [tilespmem:s20], [sflag:$0x1], $0x80, v3, vm0, $0xb8;
	[tilespmem:$0xC100] =	vst v63  }
0x82: {  	_ = 	snop  }
0x83: {  	[hbm4b:s8+s2] =	stream.indirect_vreg.scatter [tilespmem:s21], [sflag:$0x1], $0x80, v3, vm0, $0xb8;
	[tilespmem:$0xC100] =	vst v63  }
0x84: {  	v3 =	vld [tilespmem:$0xA0];
	_ =	sdelay $0x4  }
0x85: {  	v62 =	vshll.u32 v3, $0x2  }
0x86: {  	v3 =	vand.u32 $0x7, v3;
	v4 =	vand.u32 $0xFFFFFFE0, v62  }
0x87: {  	v3 =	vor.u32 v3, v4  }
0x88: {  	v4 =	vperm.xlane v3, v0;
	_ =	sdelay $0x1  }
0x89: {  	v4 =	vadd.s32 v1, v4;
	_ =	sdelay $0x1  }
0x8a: {  	v3 =	vperm.xlane v3, v2;
	_ =	sdelay $0x1  }
0x8b: {  	v3 =	vadd.s32 v1, v3  }
0x8c: {  	[hbm4b:s3+s2] =	stream.indirect_vreg.scatter [tilespmem:s22], [sflag:$0x1], $0x80, v4, vm0, $0xb8;
	[tilespmem:$0xC100] =	vst v63  }
0x8d: {  	_ = 	snop  }
0x8e: {  	[hbm4b:s8+s2] =	stream.indirect_vreg.scatter [tilespmem:s23], [sflag:$0x1], $0x80, v4, vm0, $0xb8;
	[tilespmem:$0xC100] =	vst v63  }
0x8f: {  	_ = 	snop  }
0x90: {  	[hbm4b:s3+s2] =	stream.indirect_vreg.scatter [tilespmem:s24], [sflag:$0x1], $0x80, v3, vm0, $0xb8;
	[tilespmem:$0xC100] =	vst v63  }
0x91: {  	_ = 	snop  }
0x92: {  	[hbm4b:s8+s2] =	stream.indirect_vreg.scatter [tilespmem:s25], [sflag:$0x1], $0x80, v3, vm0, $0xb8;
	[tilespmem:$0xC100] =	vst v63  }
0x93: {  	v3 =	vld [tilespmem:$0xB0];
	_ =	sdelay $0x4  }
0x94: {  	v63 =	vshll.u32 v3, $0x2  }
0x95: {  	v3 =	vand.u32 $0x7, v3;
	v4 =	vand.u32 $0xFFFFFFE0, v63  }
0x96: {  	v3 =	vor.u32 v3, v4  }
0x97: {  	v4 =	vperm.xlane v3, v0;
	_ =	sdelay $0x1  }
0x98: {  	v4 =	vadd.s32 v1, v4;
	_ =	sdelay $0x1  }
0x99: {  	v3 =	vperm.xlane v3, v2;
	_ =	sdelay $0x1  }
0x9a: {  	v3 =	vadd.s32 v1, v3  }
0x9b: {  	[hbm4b:s3+s2] =	stream.indirect_vreg.scatter [tilespmem:s26], [sflag:$0x1], $0x80, v4, vm0, $0xb8;
	[tilespmem:$0xC100] =	vst v63  }
0x9c: {  	_ = 	snop  }
0x9d: {  	[hbm4b:s8+s2] =	stream.indirect_vreg.scatter [tilespmem:s28], [sflag:$0x1], $0x80, v4, vm0, $0xb8;
	[tilespmem:$0xC100] =	vst v63  }
0x9e: {  	_ = 	snop  }
0x9f: {  	[hbm4b:s3+s2] =	stream.indirect_vreg.scatter [tilespmem:s29], [sflag:$0x1], $0x80, v3, vm0, $0xb8;
	[tilespmem:$0xC100] =	vst v63  }
0xa0: {  	_ = 	snop  }
0xa1: {  	[hbm4b:s8+s2] =	stream.indirect_vreg.scatter [tilespmem:s30], [sflag:$0x1], $0x80, v3, vm0, $0xb8;
	[tilespmem:$0xC100] =	vst v63  }
0xa2: {  	_ = 	snop  }
0xa3: {  	[hbm4b:s4+s31] =	stream.indirect.scatter [tilespmem:s13], [sflag:$0x1], $0x80, s2, s31, $0xb8;
	[tilespmem:$0xC100] =	vst v63  }
0xa4: {  	_ = 	snop  }
0xa5: {  	[hbm4b:s4+s31] =	stream.indirect.scatter [tilespmem:s14], [sflag:$0x1], $0x80, s11, s31, $0xb8;
	[tilespmem:$0xC100] =	vst v63  }
0xa6: {  	_ =	swait.ge [sflag:s0], $0x8000  }
0xa7: {  	[sflag:s0] =	ssyncset.done $0x0  }
0xa8: {  	[sflag:s0] =	ssyncadd.s32 $0xFFFF8000  }
0xa9: {  	_ =	swait.ge [sflag:s0], $0x8000  }
0xaa: {  	[sflag:s0] =	ssyncset.done $0x0  }
0xab: {  	[sflag:s0] =	ssyncadd.s32 $0xFFFF8000  }
0xac: {  	p0 =	sne.s32 s9, $0x1;
	_ =	swait.ge [sflag:s0], $0x2000  }
.Ltmp0:
0xad: {  	[sflag:s0] =	ssyncset.done $0x0;
	(pc) =	sbr.rel @p0 .LBB2_1-.Ltmp0, $4  }
0xae: {  	[sflag:s0] =	ssyncadd.s32 $0xFFFFE000  }
0xaf: {  	_ =	swait.ge [sflag:s0], $0x2000  }
0xb0: {  	[sflag:s0] =	ssyncset.done $0x0  }
0xb1: {  	s9 =	sadd.s32 $0xFFFFFFFF, s9;
	[sflag:s0] =	ssyncadd.s32 $0xFFFFE000  }
0xb2: {  	_ =	sfence.sel $0x180000  }
0xb3: {  	[bflag:$0x0] =	sbarrier.arrive $0xFFFF  }
0xb4: {  	_ =	strace $0x90000047  }
0xb5: {  	s0 =	stileid.u32;
	[bflag:$0x2] =	sbarrier.arrive $0xFFFF  }
0xb6: {  	p0 =	sne.s32 s0, $0x0;
	s0 =	rddreg [dreg:$0x4]  }
0xb7: {  	s0 =	sadd.s32 @!p0 $0x100000, s0  }
0xb8: {  	[sflag:s0] =	ssyncadd.tile.s32 @!p0 $0x1;
	_ =	shalt  }
.Lfunc_end2:
_tile_overlayer_lowered:
.L_overlay_start_2:
0xb9: {  	(tag) =	ssettag $0x2  }
0xba: {  	s0 =	rddreg [dreg:$0x0];
	s2 =	stileid.u32  }
0xbb: {  	s1 =	rddreg [dreg:$0x1];
	p0 =	sne.s32 s2, $0x0  }
0xbc: {  	s3 =	rddreg [dreg:$0x2];
	[bflag:$0x3] =	sbarrier.arrive $0xFFFF;
	s2 =	simm.s32 @!p0 $0x1C02  }
0xbd: {  	[timem:s3], [sflag:s2] =	dma.local @!p0 [hbm:s0], s1  }
0xbe: {  	s0 =	simm.s32 @!p0 $0x2  }
0xbf: {  	_ =	swait.ge @!p0 [sflag:s0], s1  }
0xc0: {  	s1 =	ssub.s32 @!p0 $0x0, s1;
	[sflag:s0] =	ssyncset.done @!p0 $0x0  }
0xc1: {  	[sflag:s0] =	ssyncadd.s32 @!p0 s1  }
0xc2: {  	[bflag:$0x3] =	sbarrier.arrive $0xFFFF  }
0xc3: {  	_ =	shalt  }

</sc_bundles>
